<compile_context>
chip_gen: v7x
topology: tpu7x:2x2x1
jax: 0.10.2.dev20260603
libtpu: 0.0.44.dev20260713+nightly
codegen_flags: <defaults>
</compile_context>

<pallas_src>
import functools

import jax
import jax.numpy as jnp
from jax import lax
from jax.experimental import pallas as pl
from jax.experimental.pallas import tpu as pltpu
from jax.experimental.pallas import tpu_sc as plsc

N = 1000000
DIM = 32
B = 16384
NC = 2
NS = 16
NW = NC * NS
BPW = B // NW

WL = 1024
NWIN_FULL = N // WL
TAIL0 = NWIN_FULL * WL
TAILA = 512
TAILB = N - TAIL0 - TAILA
WPT = -(-(NWIN_FULL) // NW)
MYCAP = 1024
HITCAP = 256
NSLOT = 16
LAG = 12

_SENTINEL = 0x7FFFFFF0
_LN2 = 0.6931471805599453


def _log_sigmoid(x):
    e = jnp.exp(-x)
    y = 1.0 / (1.0 + e) + 1e-20
    i = lax.bitcast_convert_type(y, jnp.int32)
    ix = i + jnp.int32(0x3F800000 - 0x3F3504F3)
    k = lax.shift_right_arithmetic(ix, jnp.int32(23)) - jnp.int32(127)
    mb = lax.bitwise_and(ix, jnp.int32(0x007FFFFF)) + jnp.int32(0x3F3504F3)
    m = lax.bitcast_convert_type(mb, jnp.float32)
    f = m - 1.0
    s = f / (2.0 + f)
    z = s * s
    w = z * z
    t1 = w * (0.40000972152 + w * 0.24279078841)
    t2 = z * (0.66666662693 + w * 0.28498786688)
    r = t2 + t1
    hfsq = 0.5 * f * f
    kf = k.astype(jnp.float32)
    return kf * _LN2 + (f - (hfsq - s * (hfsq + r)))


def _mesh():
    return plsc.VectorSubcoreMesh(core_axis_name="c", subcore_axis_name="s")


@functools.lru_cache(maxsize=1)
def _build_phase1():
    @functools.partial(
        pl.kernel,
        mesh=_mesh(),
        compiler_params=pltpu.CompilerParams(needs_layout_passes=False),
        out_type=(
            jax.ShapeDtypeStruct((B * DIM,), jnp.float32),
            jax.ShapeDtypeStruct((B * DIM,), jnp.float32),
        ),
        scratch_types=[
            pltpu.VMEM((B,), jnp.int32),
            pltpu.VMEM((B,), jnp.int32),
            pltpu.VMEM((MYCAP,), jnp.int32),
            pltpu.VMEM((MYCAP,), jnp.int32),
            pltpu.VMEM((MYCAP,), jnp.int32),
            pltpu.VMEM((MYCAP,), jnp.int32),
            pltpu.VMEM((HITCAP,), jnp.int32),
            pltpu.VMEM((HITCAP,), jnp.int32),
            pltpu.VMEM((2, 4, 8, WL), jnp.float32),
            pltpu.VMEM((4, 8, TAILA), jnp.float32),
            pltpu.VMEM((DIM, TAILB), jnp.float32),
            pltpu.VMEM((NSLOT, DIM), jnp.float32),
            pltpu.SemaphoreType.DMA,
            pltpu.SemaphoreType.DMA,
        ],
    )
    def phase1(idx1_hbm, idx2_hbm, t1_hbm, t2_hbm, tb1_hbm, tb2_hbm,
               e1_hbm, e2_hbm,
               idx1_v, idx2_v, myk0, myk1, myi0, myi1, hitk, hitc,
               slab, tslab_a, tslab_b, rowstage, sem_s, sem_w):
        wid = lax.axis_index("s") * NC + lax.axis_index("c")
        lane = lax.iota(jnp.int32, 16)
        b0 = lax.shift_right_logical(lane, jnp.int32(3))
        s0 = lax.bitwise_and(lane, jnp.int32(7))
        b1 = b0 + 2

        pltpu.sync_copy(idx1_hbm, idx1_v)
        pltpu.sync_copy(idx2_hbm, idx2_v)

        sent = jnp.full((16,), _SENTINEL, jnp.int32)
        def fill_body(g, carry):
            myi0[pl.ds(g * 16, 16)] = sent
            myi1[pl.ds(g * 16, 16)] = sent
            return carry
        lax.fori_loop(0, MYCAP // 16, fill_body, 0)

        def extract_body(g2, curs):
            cur0, cur1 = curs
            for u in range(2):
                g = g2 * 2 + u
                kv = lane + g * 16
                iv1 = idx1_v[pl.ds(g * 16, 16)]
                w1 = lax.shift_right_logical(iv1, jnp.int32(10))
                m1 = lax.bitwise_and(w1, jnp.int32(NW - 1)) == wid
                plsc.store_compressed(myk0.at[pl.ds(cur0, 16)], kv, mask=m1)
                plsc.store_compressed(myi0.at[pl.ds(cur0, 16)], iv1, mask=m1)
                cur0 = cur0 + plsc.all_reduce_population_count(m1)[0]
                iv2 = idx2_v[pl.ds(g * 16, 16)]
                w2 = lax.shift_right_logical(iv2, jnp.int32(10))
                m2 = lax.bitwise_and(w2, jnp.int32(NW - 1)) == wid
                plsc.store_compressed(myk1.at[pl.ds(cur1, 16)], kv, mask=m2)
                plsc.store_compressed(myi1.at[pl.ds(cur1, 16)], iv2, mask=m2)
                cur1 = cur1 + plsc.all_reduce_population_count(m2)[0]
            return cur0, cur1

        nmine = list(lax.fori_loop(
            0, B // 32, extract_body, (jnp.int32(0), jnp.int32(0))))

        def find_hits(t, w, w0):
            mk = myk0 if t == 0 else myk1
            mi = myi0 if t == 0 else myi1
            ng2 = lax.shift_right_logical(nmine[t] + 31, jnp.int32(5))

            def scan_body(g2, cur):
                for u in range(2):
                    g = g2 * 2 + u
                    iv = mi[pl.ds(g * 16, 16)]
                    m = lax.shift_right_logical(iv, jnp.int32(10)) == w
                    kv = mk[pl.ds(g * 16, 16)]
                    plsc.store_compressed(hitk.at[pl.ds(cur, 16)], kv, mask=m)
                    plsc.store_compressed(
                        hitc.at[pl.ds(cur, 16)], iv - w0, mask=m)
                    cur = cur + plsc.all_reduce_population_count(m)[0]
                return cur
            return lax.fori_loop(0, ng2, scan_body, jnp.int32(0))

        def write_hits(nh, eout, gather_row):
            def hit_body(h, carry):
                kvec = plsc.load_gather(hitk, [jnp.full((16,), h, jnp.int32)])
                cvec = plsc.load_gather(hitc, [jnp.full((16,), h, jnp.int32)])
                k = kvec[0]
                v0, v1 = gather_row(cvec)
                slot = lax.rem(h, jnp.int32(NSLOT))
                rowstage[slot, pl.ds(0, 16)] = v0
                rowstage[slot, pl.ds(16, 16)] = v1
                pltpu.async_copy(rowstage.at[slot],
                                 eout.at[pl.ds(k * DIM, DIM)], sem_w)

                @pl.when(h >= LAG)
                def _():
                    pltpu.make_async_copy(
                        eout.at[pl.ds(0, DIM)], rowstage.at[0], sem_w).wait()

                return carry

            lax.fori_loop(0, nh, hit_body, 0)

            def drain_body(r, carry):
                pltpu.make_async_copy(
                    eout.at[pl.ds(0, DIM)], rowstage.at[0], sem_w).wait()
                return carry

            lax.fori_loop(0, jnp.minimum(nh, jnp.int32(LAG)), drain_body, 0)

        for t in range(2):
            tbl = t1_hbm if t == 0 else t2_hbm
            eout = e1_hbm if t == 0 else e2_hbm

            @pl.when(wid < NWIN_FULL)
            def _(tbl=tbl):
                for b in range(4):
                    pltpu.async_copy(
                        tbl.at[b, :, pl.ds(wid * WL, WL)], slab.at[0, b],
                        sem_s)

            def win_body(n, carry, t=t, tbl=tbl, eout=eout):
                w = wid + n * NW
                buf = lax.rem(n, jnp.int32(2))
                nbuf = lax.rem(n + 1, jnp.int32(2))
                wn = w + NW

                @pl.when(wn < NWIN_FULL)
                def _():
                    for b in range(4):
                        pltpu.async_copy(
                            tbl.at[b, :, pl.ds(wn * WL, WL)],
                            slab.at[nbuf, b], sem_s)

                @pl.when(w < NWIN_FULL)
                def _():
                    w0 = w * WL
                    nh = find_hits(t, w, w0)
                    for b in range(4):
                        pltpu.make_async_copy(
                            tbl.at[b, :, pl.ds(0, WL)], slab.at[0, b],
                            sem_s).wait()
                    bufv = jnp.full((16,), buf, jnp.int32)

                    def gather_row(cvec):
                        return (plsc.load_gather(slab, [bufv, b0, s0, cvec]),
                                plsc.load_gather(slab, [bufv, b1, s0, cvec]))

                    write_hits(nh, eout, gather_row)

                return carry

            lax.fori_loop(0, WPT, win_body, 0)

        for t in range(2):
            tbl = t1_hbm if t == 0 else t2_hbm
            tbt = tb1_hbm if t == 0 else tb2_hbm
            eout = e1_hbm if t == 0 else e2_hbm
            idxv = idx1_v if t == 0 else idx2_v
            for b in range(4):
                pltpu.async_copy(
                    tbl.at[b, :, pl.ds(TAIL0, TAILA)], tslab_a.at[b], sem_s)
            pltpu.sync_copy(tbt, tslab_b)

            def tail_scan(g, cur, idxv=idxv):
                iv = idxv[pl.ds(g * 16, 16)]
                m = iv >= TAIL0
                kv = lane + g * 16
                plsc.store_compressed(hitk.at[pl.ds(cur, 16)], kv, mask=m)
                plsc.store_compressed(hitc.at[pl.ds(cur, 16)], iv - TAIL0, mask=m)
                cnt = plsc.all_reduce_population_count(m)
                return cur + cnt[0]

            nh = lax.fori_loop(0, B // 16, tail_scan, jnp.int32(0))
            for b in range(4):
                pltpu.make_async_copy(
                    tbl.at[b, :, pl.ds(0, TAILA)], tslab_a.at[b], sem_s).wait()

            def gather_row_tail(cvec):
                col = cvec[0]

                def in_a():
                    return (plsc.load_gather(tslab_a, [b0, s0, cvec]),
                            plsc.load_gather(tslab_a, [b1, s0, cvec]))

                def in_b():
                    cb = cvec - TAILA
                    lane16 = b0 * 8 + s0
                    return (plsc.load_gather(tslab_b, [lane16, cb]),
                            plsc.load_gather(tslab_b, [lane16 + 16, cb]))

                return lax.cond(col < TAILA, in_a, in_b)

            write_hits(nh, eout, gather_row_tail)

    return phase1


@functools.lru_cache(maxsize=1)
def _build_phase2():
    @functools.partial(
        pl.kernel,
        mesh=_mesh(),
        compiler_params=pltpu.CompilerParams(needs_layout_passes=False),
        out_type=jax.ShapeDtypeStruct((B,), jnp.float32),
        scratch_types=[
            pltpu.VMEM((BPW * DIM,), jnp.float32),
            pltpu.VMEM((BPW * DIM,), jnp.float32),
            pltpu.VMEM((BPW,), jnp.float32),
        ],
    )
    def phase2(e1_hbm, e2_hbm, out_hbm, e1_v, e2_v, out_v):
        wid = lax.axis_index("s") * NC + lax.axis_index("c")
        base = wid * BPW
        pltpu.sync_copy(e1_hbm.at[pl.ds(base * DIM, BPW * DIM)], e1_v)
        pltpu.sync_copy(e2_hbm.at[pl.ds(base * DIM, BPW * DIM)], e2_v)
        lane = lax.iota(jnp.int32, 16)
        lane32 = lane * DIM

        def group_body(g, carry):
            off0 = g * (16 * DIM)
            acc = jnp.zeros((16,), jnp.float32)
            for c in range(DIM):
                cc = lax.bitwise_and(lane + c, jnp.int32(DIM - 1))
                offs = lane32 + off0 + cc
                acc = acc + plsc.load_gather(e1_v, [offs]) * \
                    plsc.load_gather(e2_v, [offs])
            out_v[pl.ds(g * 16, 16)] = _log_sigmoid(acc)
            return carry

        lax.fori_loop(0, BPW // 16, group_body, 0)
        pltpu.sync_copy(out_v, out_hbm.at[pl.ds(base, BPW)])

    return phase2


def kernel(idx1, idx2, emb1, emb2, embs1, embs2):
    del emb1, emb2
    i1 = idx1.astype(jnp.int32)
    i2 = idx2.astype(jnp.int32)
    t1 = embs1.T.reshape(4, 8, N)
    t2 = embs2.T.reshape(4, 8, N)
    tb1 = embs1[TAIL0 + TAILA:].T
    tb2 = embs2[TAIL0 + TAILA:].T
    e1all, e2all = _build_phase1()(i1, i2, t1, t2, tb1, tb2)
    return _build_phase2()(e1all, e2all)

# --- scband reference (transcript-rebuilt; emitter-appended) ---
"""Pipeline reference for scband-dot-63015760167128 (READ-ONLY COPY).

The authoritative reference and input builder live on the scoring server;
editing this copy changes nothing except your own understanding.
"""

import jax, jax.numpy as jnp
import numpy as np

N = 1000000
DIM = 32
B = 16384

def setup_inputs(seed: int = 0) -> dict:
    key = jax.random.key(seed)
    k1, k2, k3, k4, k5, k6 = jax.random.split(key, 6)
    idx1 = jax.random.randint(k1, (B,), 0, N, dtype=jnp.int64) if jax.config.jax_enable_x64 else jax.random.randint(k1, (B,), 0, N, dtype=jnp.int32)
    idx2 = jax.random.randint(k2, (B,), 0, N, dtype=jnp.int32)
    emb1 = jax.random.normal(k3, (B, DIM), dtype=jnp.float32)
    emb2 = jax.random.normal(k4, (B, DIM), dtype=jnp.float32)
    # Embedding tables (learned params), init like torch nn.Embedding: N(0,1)
    embs1 = jax.random.normal(k5, (N, DIM), dtype=jnp.float32)
    embs2 = jax.random.normal(k6, (N, DIM), dtype=jnp.float32)
    return {"idx1": idx1, "idx2": idx2, "emb1": emb1, "emb2": emb2, "embs1": embs1, "embs2": embs2}

def reference(idx1, idx2, emb1, emb2, embs1, embs2):
    # Note: incoming emb1/emb2 are overwritten by embedding lookups, matching the torch module.
    e1 = jnp.take(embs1, idx1, axis=0)
    e2 = jnp.take(embs2, idx2, axis=0)
    dot = jnp.sum(e1 * e2, axis=-1)
    return jnp.log(jax.nn.sigmoid(dot) + 1e-20)

if __name__ == "__main__":
    import jax
    _d = setup_inputs()
    print(jax.jit(kernel)(*tuple(_d.values())))

</pallas_src>

<mosaic_0001>
#map = affine_map<(d0, d1) -> (0)>
#map1 = affine_map<(d0, d1) -> (0, 0, 0)>
#map2 = affine_map<(d0, d1) -> (0, 0)>
module attributes {stable_mosaic.version = 14 : i64} {
  func.func @phase1(%arg0: i32, %arg1: i32, %arg2: memref<16384xi32, #tpu.memory_space<hbm>>, %arg3: memref<16384xi32, #tpu.memory_space<hbm>>, %arg4: memref<4x8x1000000xf32, #tpu.memory_space<hbm>>, %arg5: memref<4x8x1000000xf32, #tpu.memory_space<hbm>>, %arg6: memref<32x64xf32, #tpu.memory_space<hbm>>, %arg7: memref<32x64xf32, #tpu.memory_space<hbm>>, %arg8: memref<524288xf32, #tpu.memory_space<hbm>>, %arg9: memref<524288xf32, #tpu.memory_space<hbm>>, %arg10: memref<16384xi32, #tpu.memory_space<vmem>>, %arg11: memref<16384xi32, #tpu.memory_space<vmem>>, %arg12: memref<1024xi32, #tpu.memory_space<vmem>>, %arg13: memref<1024xi32, #tpu.memory_space<vmem>>, %arg14: memref<1024xi32, #tpu.memory_space<vmem>>, %arg15: memref<1024xi32, #tpu.memory_space<vmem>>, %arg16: memref<256xi32, #tpu.memory_space<vmem>>, %arg17: memref<256xi32, #tpu.memory_space<vmem>>, %arg18: memref<2x4x8x1024xf32, #tpu.memory_space<vmem>>, %arg19: memref<4x8x512xf32, #tpu.memory_space<vmem>>, %arg20: memref<32x64xf32, #tpu.memory_space<vmem>>, %arg21: memref<16x32xf32, #tpu.memory_space<vmem>>, %arg22: memref<!tpu.dma_semaphore, #tpu.memory_space<semaphore_mem>>, %arg23: memref<!tpu.dma_semaphore, #tpu.memory_space<semaphore_mem>>) attributes {dimension_semantics = [#tpu.dimension_semantics<core_parallel>, #tpu.dimension_semantics<subcore_parallel>], iteration_bounds = array<i64: 2, 16>, scalar_prefetch = 0 : i64, scratch_operands = 14 : i64, tpu.core_type = #tpu.core_type<sc_vector_subcore>, window_params = [{transform_indices = #map}, {transform_indices = #map}, {transform_indices = #map1}, {transform_indices = #map1}, {transform_indices = #map2}, {transform_indices = #map2}, {transform_indices = #map}, {transform_indices = #map}]} {
    %mul3A = arith.constant 2 : i32
    %mul3A_0 = arith.muli %arg1, %mul3A : i32
    %add3A = arith.addi %mul3A_0, %arg0 : i32
    %iota3A = tpu.iota {dimensions = array<i32: 0>} : vector<16xi32>
    %shift_right_logical3A = arith.constant 3 : i32
    %shift_right_logical3A_1 = vector.broadcast %shift_right_logical3A : i32 to vector<16xi32>
    %shift_right_logical3A_2 = arith.shrui %iota3A, %shift_right_logical3A_1 : vector<16xi32>
    %and3A = arith.constant 7 : i32
    %and3A_3 = vector.broadcast %and3A : i32 to vector<16xi32>
    %and3A_4 = arith.andi %iota3A, %and3A_3 : vector<16xi32>
    %add3A_5 = arith.constant 2 : i32
    %add3A_6 = vector.broadcast %add3A_5 : i32 to vector<16xi32>
    %add3A_7 = arith.addi %shift_right_logical3A_2, %add3A_6 : vector<16xi32>
    "tpu.region"() ({
      %run_scoped3A = tpu.sem_alloc : memref<!tpu.dma_semaphore, #tpu.memory_space<semaphore_mem>>
      tpu.enqueue_dma source(%arg2 : memref<16384xi32, #tpu.memory_space<hbm>>) target(%arg10 : memref<16384xi32, #tpu.memory_space<vmem>>) target_semaphore(%run_scoped3A : memref<!tpu.dma_semaphore, #tpu.memory_space<semaphore_mem>>)
      tpu.wait_dma2 semaphore(%run_scoped3A : memref<!tpu.dma_semaphore, #tpu.memory_space<semaphore_mem>>) src(%arg2 : memref<16384xi32, #tpu.memory_space<hbm>>) dst(%arg10 : memref<16384xi32, #tpu.memory_space<vmem>>)
      tpu.yield
    }) : () -> ()
    "tpu.region"() ({
      %run_scoped3A = tpu.sem_alloc : memref<!tpu.dma_semaphore, #tpu.memory_space<semaphore_mem>>
      tpu.enqueue_dma source(%arg3 : memref<16384xi32, #tpu.memory_space<hbm>>) target(%arg11 : memref<16384xi32, #tpu.memory_space<vmem>>) target_semaphore(%run_scoped3A : memref<!tpu.dma_semaphore, #tpu.memory_space<semaphore_mem>>)
      tpu.wait_dma2 semaphore(%run_scoped3A : memref<!tpu.dma_semaphore, #tpu.memory_space<semaphore_mem>>) src(%arg3 : memref<16384xi32, #tpu.memory_space<hbm>>) dst(%arg11 : memref<16384xi32, #tpu.memory_space<vmem>>)
      tpu.yield
    }) : () -> ()
    %broadcast_in_dim3A = arith.constant 2147483632 : i32
    %broadcast_in_dim3A_8 = vector.broadcast %broadcast_in_dim3A : i32 to vector<16xi32>
    %scan3A = arith.constant 0 : i32
    %scan3A_9 = arith.constant 0 : i32
    %scan3A_10 = arith.constant 64 : i32
    %scan3A_11 = arith.addi %scan3A_9, %scan3A_10 : i32
    %scan3A_12 = arith.constant 1 : i32
    scf.for %scan3A_383 = %scan3A_9 to %scan3A_11 step %scan3A_12  : i32 {
      %mul3A_384 = arith.constant 16 : i32
      %mul3A_385 = arith.muli %scan3A_383, %mul3A_384 : i32
      %swap3A = arith.index_cast %mul3A_385 : i32 to index
      %swap3A_386 = tpu.vector_load %arg14[%swap3A] {strides = array<i32>} : memref<1024xi32, #tpu.memory_space<vmem>>, vector<16xi32>,
      tpu.vector_store %arg14[%swap3A], %broadcast_in_dim3A_8 {strides = array<i32>} : memref<1024xi32, #tpu.memory_space<vmem>>, vector<16xi32>,
      %mul3A_387 = arith.constant 16 : i32
      %mul3A_388 = arith.muli %scan3A_383, %mul3A_387 : i32
      %swap3A_389 = arith.index_cast %mul3A_388 : i32 to index
      %swap3A_390 = tpu.vector_load %arg15[%swap3A_389] {strides = array<i32>} : memref<1024xi32, #tpu.memory_space<vmem>>, vector<16xi32>,
      tpu.vector_store %arg15[%swap3A_389], %broadcast_in_dim3A_8 {strides = array<i32>} : memref<1024xi32, #tpu.memory_space<vmem>>, vector<16xi32>,
    }
    %scan3A_13 = arith.constant 64 : i32
    %scan3A_14 = arith.constant 0 : i32
    %scan3A_15 = arith.constant 0 : i32
    %scan3A_16 = arith.constant 0 : i32
    %scan3A_17 = arith.constant 512 : i32
    %scan3A_18 = arith.addi %scan3A_16, %scan3A_17 : i32
    %scan3A_19 = arith.constant 1 : i32
    %scan3A_20:2 = scf.for %scan3A_383 = %scan3A_16 to %scan3A_18 step %scan3A_19 iter_args(%scan3A_384 = %scan3A_14, %scan3A_385 = %scan3A_15) -> (i32, i32)  : i32 {
      %mul3A_386 = arith.constant 2 : i32
      %mul3A_387 = arith.muli %scan3A_383, %mul3A_386 : i32
      %add3A_388 = arith.constant 0 : i32
      %add3A_389 = arith.addi %mul3A_387, %add3A_388 : i32
      %mul3A_390 = arith.constant 16 : i32
      %mul3A_391 = arith.muli %add3A_389, %mul3A_390 : i32
      %add3A_392 = vector.broadcast %mul3A_391 : i32 to vector<16xi32>
      %add3A_393 = arith.addi %iota3A, %add3A_392 : vector<16xi32>
      %mul3A_394 = arith.constant 16 : i32
      %mul3A_395 = arith.muli %add3A_389, %mul3A_394 : i32
      %get3A = arith.index_cast %mul3A_395 : i32 to index
      %get3A_396 = tpu.vector_load %arg10[%get3A] {strides = array<i32>} : memref<16384xi32, #tpu.memory_space<vmem>>, vector<16xi32>,
      %shift_right_logical3A_397 = arith.constant 10 : i32
      %shift_right_logical3A_398 = vector.broadcast %shift_right_logical3A_397 : i32 to vector<16xi32>
      %shift_right_logical3A_399 = arith.shrui %get3A_396, %shift_right_logical3A_398 : vector<16xi32>
      %and3A_400 = arith.constant 31 : i32
      %and3A_401 = vector.broadcast %and3A_400 : i32 to vector<16xi32>
      %and3A_402 = arith.andi %shift_right_logical3A_399, %and3A_401 : vector<16xi32>
      %eq3A = vector.broadcast %add3A : i32 to vector<16xi32>
      %eq3A_403 = arith.cmpi eq, %and3A_402, %eq3A : vector<16xi32>
      %swap3A = arith.index_cast %scan3A_384 : i32 to index
      %swap3A_404 = tpu.vector_load %arg12[%swap3A] masked %eq3A_403 {strides = array<i32>} : memref<1024xi32, #tpu.memory_space<vmem>>, vector<16xi32>, vector<16xi1>
      tpu.vector_store %arg12[%swap3A], %add3A_393 masked %eq3A_403 {strides = array<i32>} : memref<1024xi32, #tpu.memory_space<vmem>>, vector<16xi32>, vector<16xi1>
      %swap3A_405 = arith.index_cast %scan3A_384 : i32 to index
      %swap3A_406 = tpu.vector_load %arg14[%swap3A_405] masked %eq3A_403 {strides = array<i32>} : memref<1024xi32, #tpu.memory_space<vmem>>, vector<16xi32>, vector<16xi1>
      tpu.vector_store %arg14[%swap3A_405], %get3A_396 masked %eq3A_403 {strides = array<i32>} : memref<1024xi32, #tpu.memory_space<vmem>>, vector<16xi32>, vector<16xi1>
      %all_reduce_population_count3A = tpu.all_reduce %eq3A_403 {dim = 0 : i64, kind = #tpu.reduction_kind<sum>} : vector<16xi1> -> vector<16xi32>
      %slice3A = vector.extract_strided_slice %all_reduce_population_count3A {offsets = [0], sizes = [1], strides = [1]} : vector<16xi32> to vector<1xi32>
      %squeeze3A = vector.extract %slice3A[0] : i32 from vector<1xi32>
      %add3A_407 = arith.addi %scan3A_384, %squeeze3A : i32
      %mul3A_408 = arith.constant 16 : i32
      %mul3A_409 = arith.muli %add3A_389, %mul3A_408 : i32
      %get3A_410 = arith.index_cast %mul3A_409 : i32 to index
      %get3A_411 = tpu.vector_load %arg11[%get3A_410] {strides = array<i32>} : memref<16384xi32, #tpu.memory_space<vmem>>, vector<16xi32>,
      %shift_right_logical3A_412 = arith.constant 10 : i32
      %shift_right_logical3A_413 = vector.broadcast %shift_right_logical3A_412 : i32 to vector<16xi32>
      %shift_right_logical3A_414 = arith.shrui %get3A_411, %shift_right_logical3A_413 : vector<16xi32>
      %and3A_415 = arith.constant 31 : i32
      %and3A_416 = vector.broadcast %and3A_415 : i32 to vector<16xi32>
      %and3A_417 = arith.andi %shift_right_logical3A_414, %and3A_416 : vector<16xi32>
      %eq3A_418 = vector.broadcast %add3A : i32 to vector<16xi32>
      %eq3A_419 = arith.cmpi eq, %and3A_417, %eq3A_418 : vector<16xi32>
      %swap3A_420 = arith.index_cast %scan3A_385 : i32 to index
      %swap3A_421 = tpu.vector_load %arg13[%swap3A_420] masked %eq3A_419 {strides = array<i32>} : memref<1024xi32, #tpu.memory_space<vmem>>, vector<16xi32>, vector<16xi1>
      tpu.vector_store %arg13[%swap3A_420], %add3A_393 masked %eq3A_419 {strides = array<i32>} : memref<1024xi32, #tpu.memory_space<vmem>>, vector<16xi32>, vector<16xi1>
      %swap3A_422 = arith.index_cast %scan3A_385 : i32 to index
      %swap3A_423 = tpu.vector_load %arg15[%swap3A_422] masked %eq3A_419 {strides = array<i32>} : memref<1024xi32, #tpu.memory_space<vmem>>, vector<16xi32>, vector<16xi1>
      tpu.vector_store %arg15[%swap3A_422], %get3A_411 masked %eq3A_419 {strides = array<i32>} : memref<1024xi32, #tpu.memory_space<vmem>>, vector<16xi32>, vector<16xi1>
      %all_reduce_population_count3A_424 = tpu.all_reduce %eq3A_419 {dim = 0 : i64, kind = #tpu.reduction_kind<sum>} : vector<16xi1> -> vector<16xi32>
      %slice3A_425 = vector.extract_strided_slice %all_reduce_population_count3A_424 {offsets = [0], sizes = [1], strides = [1]} : vector<16xi32> to vector<1xi32>
      %squeeze3A_426 = vector.extract %slice3A_425[0] : i32 from vector<1xi32>
      %add3A_427 = arith.addi %scan3A_385, %squeeze3A_426 : i32
      %mul3A_428 = arith.constant 2 : i32
      %mul3A_429 = arith.muli %scan3A_383, %mul3A_428 : i32
      %add3A_430 = arith.constant 1 : i32
      %add3A_431 = arith.addi %mul3A_429, %add3A_430 : i32
      %mul3A_432 = arith.constant 16 : i32
      %mul3A_433 = arith.muli %add3A_431, %mul3A_432 : i32
      %add3A_434 = vector.broadcast %mul3A_433 : i32 to vector<16xi32>
      %add3A_435 = arith.addi %iota3A, %add3A_434 : vector<16xi32>
      %mul3A_436 = arith.constant 16 : i32
      %mul3A_437 = arith.muli %add3A_431, %mul3A_436 : i32
      %get3A_438 = arith.index_cast %mul3A_437 : i32 to index
      %get3A_439 = tpu.vector_load %arg10[%get3A_438] {strides = array<i32>} : memref<16384xi32, #tpu.memory_space<vmem>>, vector<16xi32>,
      %shift_right_logical3A_440 = arith.constant 10 : i32
      %shift_right_logical3A_441 = vector.broadcast %shift_right_logical3A_440 : i32 to vector<16xi32>
      %shift_right_logical3A_442 = arith.shrui %get3A_439, %shift_right_logical3A_441 : vector<16xi32>
      %and3A_443 = arith.constant 31 : i32
      %and3A_444 = vector.broadcast %and3A_443 : i32 to vector<16xi32>
      %and3A_445 = arith.andi %shift_right_logical3A_442, %and3A_444 : vector<16xi32>
      %eq3A_446 = vector.broadcast %add3A : i32 to vector<16xi32>
      %eq3A_447 = arith.cmpi eq, %and3A_445, %eq3A_446 : vector<16xi32>
      %swap3A_448 = arith.index_cast %add3A_407 : i32 to index
      %swap3A_449 = tpu.vector_load %arg12[%swap3A_448] masked %eq3A_447 {strides = array<i32>} : memref<1024xi32, #tpu.memory_space<vmem>>, vector<16xi32>, vector<16xi1>
      tpu.vector_store %arg12[%swap3A_448], %add3A_435 masked %eq3A_447 {strides = array<i32>} : memref<1024xi32, #tpu.memory_space<vmem>>, vector<16xi32>, vector<16xi1>
      %swap3A_450 = arith.index_cast %add3A_407 : i32 to index
      %swap3A_451 = tpu.vector_load %arg14[%swap3A_450] masked %eq3A_447 {strides = array<i32>} : memref<1024xi32, #tpu.memory_space<vmem>>, vector<16xi32>, vector<16xi1>
      tpu.vector_store %arg14[%swap3A_450], %get3A_439 masked %eq3A_447 {strides = array<i32>} : memref<1024xi32, #tpu.memory_space<vmem>>, vector<16xi32>, vector<16xi1>
      %all_reduce_population_count3A_452 = tpu.all_reduce %eq3A_447 {dim = 0 : i64, kind = #tpu.reduction_kind<sum>} : vector<16xi1> -> vector<16xi32>
      %slice3A_453 = vector.extract_strided_slice %all_reduce_population_count3A_452 {offsets = [0], sizes = [1], strides = [1]} : vector<16xi32> to vector<1xi32>
      %squeeze3A_454 = vector.extract %slice3A_453[0] : i32 from vector<1xi32>
      %add3A_455 = arith.addi %add3A_407, %squeeze3A_454 : i32
      %mul3A_456 = arith.constant 16 : i32
      %mul3A_457 = arith.muli %add3A_431, %mul3A_456 : i32
      %get3A_458 = arith.index_cast %mul3A_457 : i32 to index
      %get3A_459 = tpu.vector_load %arg11[%get3A_458] {strides = array<i32>} : memref<16384xi32, #tpu.memory_space<vmem>>, vector<16xi32>,
      %shift_right_logical3A_460 = arith.constant 10 : i32
      %shift_right_logical3A_461 = vector.broadcast %shift_right_logical3A_460 : i32 to vector<16xi32>
      %shift_right_logical3A_462 = arith.shrui %get3A_459, %shift_right_logical3A_461 : vector<16xi32>
      %and3A_463 = arith.constant 31 : i32
      %and3A_464 = vector.broadcast %and3A_463 : i32 to vector<16xi32>
      %and3A_465 = arith.andi %shift_right_logical3A_462, %and3A_464 : vector<16xi32>
      %eq3A_466 = vector.broadcast %add3A : i32 to vector<16xi32>
      %eq3A_467 = arith.cmpi eq, %and3A_465, %eq3A_466 : vector<16xi32>
      %swap3A_468 = arith.index_cast %add3A_427 : i32 to index
      %swap3A_469 = tpu.vector_load %arg13[%swap3A_468] masked %eq3A_467 {strides = array<i32>} : memref<1024xi32, #tpu.memory_space<vmem>>, vector<16xi32>, vector<16xi1>
      tpu.vector_store %arg13[%swap3A_468], %add3A_435 masked %eq3A_467 {strides = array<i32>} : memref<1024xi32, #tpu.memory_space<vmem>>, vector<16xi32>, vector<16xi1>
      %swap3A_470 = arith.index_cast %add3A_427 : i32 to index
      %swap3A_471 = tpu.vector_load %arg15[%swap3A_470] masked %eq3A_467 {strides = array<i32>} : memref<1024xi32, #tpu.memory_space<vmem>>, vector<16xi32>, vector<16xi1>
      tpu.vector_store %arg15[%swap3A_470], %get3A_459 masked %eq3A_467 {strides = array<i32>} : memref<1024xi32, #tpu.memory_space<vmem>>, vector<16xi32>, vector<16xi1>
      %all_reduce_population_count3A_472 = tpu.all_reduce %eq3A_467 {dim = 0 : i64, kind = #tpu.reduction_kind<sum>} : vector<16xi1> -> vector<16xi32>
      %slice3A_473 = vector.extract_strided_slice %all_reduce_population_count3A_472 {offsets = [0], sizes = [1], strides = [1]} : vector<16xi32> to vector<1xi32>
      %squeeze3A_474 = vector.extract %slice3A_473[0] : i32 from vector<1xi32>
      %add3A_475 = arith.addi %add3A_427, %squeeze3A_474 : i32
      scf.yield %add3A_455, %add3A_475 : i32, i32
    }
    %scan3A_21 = arith.constant 512 : i32
    %lt3A = arith.constant 976 : i32
    %lt3A_22 = arith.cmpi slt, %add3A, %lt3A : i32
    %convert_element_type3A = arith.extui %lt3A_22 : i1 to i32
    %cond3A = arith.constant 0 : i32
    %cond3A_23 = arith.cmpi ne, %convert_element_type3A, %cond3A : i32
    scf.if %cond3A_23 {
      %mul3A_383 = arith.constant 1024 : i32
      %mul3A_384 = arith.muli %add3A, %mul3A_383 : i32
      %dma_start3A_385 = arith.constant 0 : i32
      %dma_start3A_386 = arith.constant 0 : i32
      %dma_start3A_387 = arith.constant 0 : i32
      %dma_start3A_388 = arith.constant 0 : i32
      %dma_start3A_389 = arith.constant 0 : i32
      %dma_start3A_390 = tpu.memref_slice %arg18[%dma_start3A_386, %dma_start3A_387, %dma_start3A_388, %dma_start3A_389] : memref<2x4x8x1024xf32, #tpu.memory_space<vmem>> -> memref<1x1x8x1024xf32, #tpu.memory_space<vmem>>
      %dma_start3A_391 = tpu.memref_squeeze %dma_start3A_390 : memref<1x1x8x1024xf32, #tpu.memory_space<vmem>> -> memref<8x1024xf32, #tpu.memory_space<vmem>>
      %dma_start3A_392 = arith.constant 0 : i32
      %dma_start3A_393 = tpu.memref_slice %arg4[%dma_start3A_385, %dma_start3A_392, %mul3A_384] : memref<4x8x1000000xf32, #tpu.memory_space<hbm>> -> memref<1x8x1024xf32, #tpu.memory_space<hbm>>
      %dma_start3A_394 = tpu.memref_squeeze %dma_start3A_393 : memref<1x8x1024xf32, #tpu.memory_space<hbm>> -> memref<8x1024xf32, #tpu.memory_space<hbm>>
      %dma_start3A_395 = arith.constant 0 : i32
      %dma_start3A_396 = arith.constant 0 : i32
      %dma_start3A_397 = tpu.memref_slice %arg18[%dma_start3A_386, %dma_start3A_387, %dma_start3A_395, %dma_start3A_396] : memref<2x4x8x1024xf32, #tpu.memory_space<vmem>> -> memref<1x1x8x1024xf32, #tpu.memory_space<vmem>>
      %dma_start3A_398 = tpu.memref_squeeze %dma_start3A_397 : memref<1x1x8x1024xf32, #tpu.memory_space<vmem>> -> memref<8x1024xf32, #tpu.memory_space<vmem>>
      %dma_start3A_399 = arith.constant 0 : i32
      %dma_start3A_400 = tpu.memref_slice %arg4[%dma_start3A_385, %dma_start3A_399, %mul3A_384] : memref<4x8x1000000xf32, #tpu.memory_space<hbm>> -> memref<1x8x1024xf32, #tpu.memory_space<hbm>>
      %dma_start3A_401 = tpu.memref_squeeze %dma_start3A_400 : memref<1x8x1024xf32, #tpu.memory_space<hbm>> -> memref<8x1024xf32, #tpu.memory_space<hbm>>
      tpu.enqueue_dma source(%dma_start3A_401 : memref<8x1024xf32, #tpu.memory_space<hbm>>) target(%dma_start3A_398 : memref<8x1024xf32, #tpu.memory_space<vmem>>) target_semaphore(%arg22 : memref<!tpu.dma_semaphore, #tpu.memory_space<semaphore_mem>>)
      %mul3A_402 = arith.constant 1024 : i32
      %mul3A_403 = arith.muli %add3A, %mul3A_402 : i32
      %dma_start3A_404 = arith.constant 1 : i32
      %dma_start3A_405 = arith.constant 0 : i32
      %dma_start3A_406 = arith.constant 1 : i32
      %dma_start3A_407 = arith.constant 0 : i32
      %dma_start3A_408 = arith.constant 0 : i32
      %dma_start3A_409 = tpu.memref_slice %arg18[%dma_start3A_405, %dma_start3A_406, %dma_start3A_407, %dma_start3A_408] : memref<2x4x8x1024xf32, #tpu.memory_space<vmem>> -> memref<1x1x8x1024xf32, #tpu.memory_space<vmem>>
      %dma_start3A_410 = tpu.memref_squeeze %dma_start3A_409 : memref<1x1x8x1024xf32, #tpu.memory_space<vmem>> -> memref<8x1024xf32, #tpu.memory_space<vmem>>
      %dma_start3A_411 = arith.constant 0 : i32
      %dma_start3A_412 = tpu.memref_slice %arg4[%dma_start3A_404, %dma_start3A_411, %mul3A_403] : memref<4x8x1000000xf32, #tpu.memory_space<hbm>> -> memref<1x8x1024xf32, #tpu.memory_space<hbm>>
      %dma_start3A_413 = tpu.memref_squeeze %dma_start3A_412 : memref<1x8x1024xf32, #tpu.memory_space<hbm>> -> memref<8x1024xf32, #tpu.memory_space<hbm>>
      %dma_start3A_414 = arith.constant 0 : i32
      %dma_start3A_415 = arith.constant 0 : i32
      %dma_start3A_416 = tpu.memref_slice %arg18[%dma_start3A_405, %dma_start3A_406, %dma_start3A_414, %dma_start3A_415] : memref<2x4x8x1024xf32, #tpu.memory_space<vmem>> -> memref<1x1x8x1024xf32, #tpu.memory_space<vmem>>
      %dma_start3A_417 = tpu.memref_squeeze %dma_start3A_416 : memref<1x1x8x1024xf32, #tpu.memory_space<vmem>> -> memref<8x1024xf32, #tpu.memory_space<vmem>>
      %dma_start3A_418 = arith.constant 0 : i32
      %dma_start3A_419 = tpu.memref_slice %arg4[%dma_start3A_404, %dma_start3A_418, %mul3A_403] : memref<4x8x1000000xf32, #tpu.memory_space<hbm>> -> memref<1x8x1024xf32, #tpu.memory_space<hbm>>
      %dma_start3A_420 = tpu.memref_squeeze %dma_start3A_419 : memref<1x8x1024xf32, #tpu.memory_space<hbm>> -> memref<8x1024xf32, #tpu.memory_space<hbm>>
      tpu.enqueue_dma source(%dma_start3A_420 : memref<8x1024xf32, #tpu.memory_space<hbm>>) target(%dma_start3A_417 : memref<8x1024xf32, #tpu.memory_space<vmem>>) target_semaphore(%arg22 : memref<!tpu.dma_semaphore, #tpu.memory_space<semaphore_mem>>)
      %mul3A_421 = arith.constant 1024 : i32
      %mul3A_422 = arith.muli %add3A, %mul3A_421 : i32
      %dma_start3A_423 = arith.constant 2 : i32
      %dma_start3A_424 = arith.constant 0 : i32
      %dma_start3A_425 = arith.constant 2 : i32
      %dma_start3A_426 = arith.constant 0 : i32
      %dma_start3A_427 = arith.constant 0 : i32
      %dma_start3A_428 = tpu.memref_slice %arg18[%dma_start3A_424, %dma_start3A_425, %dma_start3A_426, %dma_start3A_427] : memref<2x4x8x1024xf32, #tpu.memory_space<vmem>> -> memref<1x1x8x1024xf32, #tpu.memory_space<vmem>>
      %dma_start3A_429 = tpu.memref_squeeze %dma_start3A_428 : memref<1x1x8x1024xf32, #tpu.memory_space<vmem>> -> memref<8x1024xf32, #tpu.memory_space<vmem>>
      %dma_start3A_430 = arith.constant 0 : i32
      %dma_start3A_431 = tpu.memref_slice %arg4[%dma_start3A_423, %dma_start3A_430, %mul3A_422] : memref<4x8x1000000xf32, #tpu.memory_space<hbm>> -> memref<1x8x1024xf32, #tpu.memory_space<hbm>>
      %dma_start3A_432 = tpu.memref_squeeze %dma_start3A_431 : memref<1x8x1024xf32, #tpu.memory_space<hbm>> -> memref<8x1024xf32, #tpu.memory_space<hbm>>
      %dma_start3A_433 = arith.constant 0 : i32
      %dma_start3A_434 = arith.constant 0 : i32
      %dma_start3A_435 = tpu.memref_slice %arg18[%dma_start3A_424, %dma_start3A_425, %dma_start3A_433, %dma_start3A_434] : memref<2x4x8x1024xf32, #tpu.memory_space<vmem>> -> memref<1x1x8x1024xf32, #tpu.memory_space<vmem>>
      %dma_start3A_436 = tpu.memref_squeeze %dma_start3A_435 : memref<1x1x8x1024xf32, #tpu.memory_space<vmem>> -> memref<8x1024xf32, #tpu.memory_space<vmem>>
      %dma_start3A_437 = arith.constant 0 : i32
      %dma_start3A_438 = tpu.memref_slice %arg4[%dma_start3A_423, %dma_start3A_437, %mul3A_422] : memref<4x8x1000000xf32, #tpu.memory_space<hbm>> -> memref<1x8x1024xf32, #tpu.memory_space<hbm>>
      %dma_start3A_439 = tpu.memref_squeeze %dma_start3A_438 : memref<1x8x1024xf32, #tpu.memory_space<hbm>> -> memref<8x1024xf32, #tpu.memory_space<hbm>>
      tpu.enqueue_dma source(%dma_start3A_439 : memref<8x1024xf32, #tpu.memory_space<hbm>>) target(%dma_start3A_436 : memref<8x1024xf32, #tpu.memory_space<vmem>>) target_semaphore(%arg22 : memref<!tpu.dma_semaphore, #tpu.memory_space<semaphore_mem>>)
      %mul3A_440 = arith.constant 1024 : i32
      %mul3A_441 = arith.muli %add3A, %mul3A_440 : i32
      %dma_start3A_442 = arith.constant 3 : i32
      %dma_start3A_443 = arith.constant 0 : i32
      %dma_start3A_444 = arith.constant 3 : i32
      %dma_start3A_445 = arith.constant 0 : i32
      %dma_start3A_446 = arith.constant 0 : i32
      %dma_start3A_447 = tpu.memref_slice %arg18[%dma_start3A_443, %dma_start3A_444, %dma_start3A_445, %dma_start3A_446] : memref<2x4x8x1024xf32, #tpu.memory_space<vmem>> -> memref<1x1x8x1024xf32, #tpu.memory_space<vmem>>
      %dma_start3A_448 = tpu.memref_squeeze %dma_start3A_447 : memref<1x1x8x1024xf32, #tpu.memory_space<vmem>> -> memref<8x1024xf32, #tpu.memory_space<vmem>>
      %dma_start3A_449 = arith.constant 0 : i32
      %dma_start3A_450 = tpu.memref_slice %arg4[%dma_start3A_442, %dma_start3A_449, %mul3A_441] : memref<4x8x1000000xf32, #tpu.memory_space<hbm>> -> memref<1x8x1024xf32, #tpu.memory_space<hbm>>
      %dma_start3A_451 = tpu.memref_squeeze %dma_start3A_450 : memref<1x8x1024xf32, #tpu.memory_space<hbm>> -> memref<8x1024xf32, #tpu.memory_space<hbm>>
      %dma_start3A_452 = arith.constant 0 : i32
      %dma_start3A_453 = arith.constant 0 : i32
      %dma_start3A_454 = tpu.memref_slice %arg18[%dma_start3A_443, %dma_start3A_444, %dma_start3A_452, %dma_start3A_453] : memref<2x4x8x1024xf32, #tpu.memory_space<vmem>> -> memref<1x1x8x1024xf32, #tpu.memory_space<vmem>>
      %dma_start3A_455 = tpu.memref_squeeze %dma_start3A_454 : memref<1x1x8x1024xf32, #tpu.memory_space<vmem>> -> memref<8x1024xf32, #tpu.memory_space<vmem>>
      %dma_start3A_456 = arith.constant 0 : i32
      %dma_start3A_457 = tpu.memref_slice %arg4[%dma_start3A_442, %dma_start3A_456, %mul3A_441] : memref<4x8x1000000xf32, #tpu.memory_space<hbm>> -> memref<1x8x1024xf32, #tpu.memory_space<hbm>>
      %dma_start3A_458 = tpu.memref_squeeze %dma_start3A_457 : memref<1x8x1024xf32, #tpu.memory_space<hbm>> -> memref<8x1024xf32, #tpu.memory_space<hbm>>
      tpu.enqueue_dma source(%dma_start3A_458 : memref<8x1024xf32, #tpu.memory_space<hbm>>) target(%dma_start3A_455 : memref<8x1024xf32, #tpu.memory_space<vmem>>) target_semaphore(%arg22 : memref<!tpu.dma_semaphore, #tpu.memory_space<semaphore_mem>>)
    } else {
    }
    %scan3A_24 = arith.constant 0 : i32
    %scan3A_25 = arith.constant 0 : i32
    %scan3A_26 = arith.constant 31 : i32
    %scan3A_27 = arith.addi %scan3A_25, %scan3A_26 : i32
    %scan3A_28 = arith.constant 1 : i32
    scf.for %scan3A_383 = %scan3A_25 to %scan3A_27 step %scan3A_28  : i32 {
      %mul3A_384 = arith.constant 32 : i32
      %mul3A_385 = arith.muli %scan3A_383, %mul3A_384 : i32
      %add3A_386 = arith.addi %add3A, %mul3A_385 : i32
      %rem3A = arith.constant 2 : i32
      %rem3A_387 = arith.remsi %scan3A_383, %rem3A : i32
      %add3A_388 = arith.constant 1 : i32
      %add3A_389 = arith.addi %scan3A_383, %add3A_388 : i32
      %rem3A_390 = arith.constant 2 : i32
      %rem3A_391 = arith.remsi %add3A_389, %rem3A_390 : i32
      %add3A_392 = arith.constant 32 : i32
      %add3A_393 = arith.addi %add3A_386, %add3A_392 : i32
      %lt3A_394 = arith.constant 976 : i32
      %lt3A_395 = arith.cmpi slt, %add3A_393, %lt3A_394 : i32
      %convert_element_type3A_396 = arith.extui %lt3A_395 : i1 to i32
      %cond3A_397 = arith.constant 0 : i32
      %cond3A_398 = arith.cmpi ne, %convert_element_type3A_396, %cond3A_397 : i32
      scf.if %cond3A_398 {
        %mul3A_404 = arith.constant 1024 : i32
        %mul3A_405 = arith.muli %add3A_393, %mul3A_404 : i32
        %dma_start3A_406 = arith.constant 0 : i32
        %dma_start3A_407 = arith.constant 0 : i32
        %dma_start3A_408 = arith.constant 0 : i32
        %dma_start3A_409 = arith.constant 0 : i32
        %dma_start3A_410 = tpu.memref_slice %arg18[%rem3A_391, %dma_start3A_407, %dma_start3A_408, %dma_start3A_409] : memref<2x4x8x1024xf32, #tpu.memory_space<vmem>> -> memref<1x1x8x1024xf32, #tpu.memory_space<vmem>>
        %dma_start3A_411 = tpu.memref_squeeze %dma_start3A_410 : memref<1x1x8x1024xf32, #tpu.memory_space<vmem>> -> memref<8x1024xf32, #tpu.memory_space<vmem>>
        %dma_start3A_412 = arith.constant 0 : i32
        %dma_start3A_413 = tpu.memref_slice %arg4[%dma_start3A_406, %dma_start3A_412, %mul3A_405] : memref<4x8x1000000xf32, #tpu.memory_space<hbm>> -> memref<1x8x1024xf32, #tpu.memory_space<hbm>>
        %dma_start3A_414 = tpu.memref_squeeze %dma_start3A_413 : memref<1x8x1024xf32, #tpu.memory_space<hbm>> -> memref<8x1024xf32, #tpu.memory_space<hbm>>
        %dma_start3A_415 = arith.constant 0 : i32
        %dma_start3A_416 = arith.constant 0 : i32
        %dma_start3A_417 = tpu.memref_slice %arg18[%rem3A_391, %dma_start3A_407, %dma_start3A_415, %dma_start3A_416] : memref<2x4x8x1024xf32, #tpu.memory_space<vmem>> -> memref<1x1x8x1024xf32, #tpu.memory_space<vmem>>
        %dma_start3A_418 = tpu.memref_squeeze %dma_start3A_417 : memref<1x1x8x1024xf32, #tpu.memory_space<vmem>> -> memref<8x1024xf32, #tpu.memory_space<vmem>>
        %dma_start3A_419 = arith.constant 0 : i32
        %dma_start3A_420 = tpu.memref_slice %arg4[%dma_start3A_406, %dma_start3A_419, %mul3A_405] : memref<4x8x1000000xf32, #tpu.memory_space<hbm>> -> memref<1x8x1024xf32, #tpu.memory_space<hbm>>
        %dma_start3A_421 = tpu.memref_squeeze %dma_start3A_420 : memref<1x8x1024xf32, #tpu.memory_space<hbm>> -> memref<8x1024xf32, #tpu.memory_space<hbm>>
        tpu.enqueue_dma source(%dma_start3A_421 : memref<8x1024xf32, #tpu.memory_space<hbm>>) target(%dma_start3A_418 : memref<8x1024xf32, #tpu.memory_space<vmem>>) target_semaphore(%arg22 : memref<!tpu.dma_semaphore, #tpu.memory_space<semaphore_mem>>)
        %mul3A_422 = arith.constant 1024 : i32
        %mul3A_423 = arith.muli %add3A_393, %mul3A_422 : i32
        %dma_start3A_424 = arith.constant 1 : i32
        %dma_start3A_425 = arith.constant 1 : i32
        %dma_start3A_426 = arith.constant 0 : i32
        %dma_start3A_427 = arith.constant 0 : i32
        %dma_start3A_428 = tpu.memref_slice %arg18[%rem3A_391, %dma_start3A_425, %dma_start3A_426, %dma_start3A_427] : memref<2x4x8x1024xf32, #tpu.memory_space<vmem>> -> memref<1x1x8x1024xf32, #tpu.memory_space<vmem>>
        %dma_start3A_429 = tpu.memref_squeeze %dma_start3A_428 : memref<1x1x8x1024xf32, #tpu.memory_space<vmem>> -> memref<8x1024xf32, #tpu.memory_space<vmem>>
        %dma_start3A_430 = arith.constant 0 : i32
        %dma_start3A_431 = tpu.memref_slice %arg4[%dma_start3A_424, %dma_start3A_430, %mul3A_423] : memref<4x8x1000000xf32, #tpu.memory_space<hbm>> -> memref<1x8x1024xf32, #tpu.memory_space<hbm>>
        %dma_start3A_432 = tpu.memref_squeeze %dma_start3A_431 : memref<1x8x1024xf32, #tpu.memory_space<hbm>> -> memref<8x1024xf32, #tpu.memory_space<hbm>>
        %dma_start3A_433 = arith.constant 0 : i32
        %dma_start3A_434 = arith.constant 0 : i32
        %dma_start3A_435 = tpu.memref_slice %arg18[%rem3A_391, %dma_start3A_425, %dma_start3A_433, %dma_start3A_434] : memref<2x4x8x1024xf32, #tpu.memory_space<vmem>> -> memref<1x1x8x1024xf32, #tpu.memory_space<vmem>>
        %dma_start3A_436 = tpu.memref_squeeze %dma_start3A_435 : memref<1x1x8x1024xf32, #tpu.memory_space<vmem>> -> memref<8x1024xf32, #tpu.memory_space<vmem>>
        %dma_start3A_437 = arith.constant 0 : i32
        %dma_start3A_438 = tpu.memref_slice %arg4[%dma_start3A_424, %dma_start3A_437, %mul3A_423] : memref<4x8x1000000xf32, #tpu.memory_space<hbm>> -> memref<1x8x1024xf32, #tpu.memory_space<hbm>>
        %dma_start3A_439 = tpu.memref_squeeze %dma_start3A_438 : memref<1x8x1024xf32, #tpu.memory_space<hbm>> -> memref<8x1024xf32, #tpu.memory_space<hbm>>
        tpu.enqueue_dma source(%dma_start3A_439 : memref<8x1024xf32, #tpu.memory_space<hbm>>) target(%dma_start3A_436 : memref<8x1024xf32, #tpu.memory_space<vmem>>) target_semaphore(%arg22 : memref<!tpu.dma_semaphore, #tpu.memory_space<semaphore_mem>>)
        %mul3A_440 = arith.constant 1024 : i32
        %mul3A_441 = arith.muli %add3A_393, %mul3A_440 : i32
        %dma_start3A_442 = arith.constant 2 : i32
        %dma_start3A_443 = arith.constant 2 : i32
        %dma_start3A_444 = arith.constant 0 : i32
        %dma_start3A_445 = arith.constant 0 : i32
        %dma_start3A_446 = tpu.memref_slice %arg18[%rem3A_391, %dma_start3A_443, %dma_start3A_444, %dma_start3A_445] : memref<2x4x8x1024xf32, #tpu.memory_space<vmem>> -> memref<1x1x8x1024xf32, #tpu.memory_space<vmem>>
        %dma_start3A_447 = tpu.memref_squeeze %dma_start3A_446 : memref<1x1x8x1024xf32, #tpu.memory_space<vmem>> -> memref<8x1024xf32, #tpu.memory_space<vmem>>
        %dma_start3A_448 = arith.constant 0 : i32
        %dma_start3A_449 = tpu.memref_slice %arg4[%dma_start3A_442, %dma_start3A_448, %mul3A_441] : memref<4x8x1000000xf32, #tpu.memory_space<hbm>> -> memref<1x8x1024xf32, #tpu.memory_space<hbm>>
        %dma_start3A_450 = tpu.memref_squeeze %dma_start3A_449 : memref<1x8x1024xf32, #tpu.memory_space<hbm>> -> memref<8x1024xf32, #tpu.memory_space<hbm>>
        %dma_start3A_451 = arith.constant 0 : i32
        %dma_start3A_452 = arith.constant 0 : i32
        %dma_start3A_453 = tpu.memref_slice %arg18[%rem3A_391, %dma_start3A_443, %dma_start3A_451, %dma_start3A_452] : memref<2x4x8x1024xf32, #tpu.memory_space<vmem>> -> memref<1x1x8x1024xf32, #tpu.memory_space<vmem>>
        %dma_start3A_454 = tpu.memref_squeeze %dma_start3A_453 : memref<1x1x8x1024xf32, #tpu.memory_space<vmem>> -> memref<8x1024xf32, #tpu.memory_space<vmem>>
        %dma_start3A_455 = arith.constant 0 : i32
        %dma_start3A_456 = tpu.memref_slice %arg4[%dma_start3A_442, %dma_start3A_455, %mul3A_441] : memref<4x8x1000000xf32, #tpu.memory_space<hbm>> -> memref<1x8x1024xf32, #tpu.memory_space<hbm>>
        %dma_start3A_457 = tpu.memref_squeeze %dma_start3A_456 : memref<1x8x1024xf32, #tpu.memory_space<hbm>> -> memref<8x1024xf32, #tpu.memory_space<hbm>>
        tpu.enqueue_dma source(%dma_start3A_457 : memref<8x1024xf32, #tpu.memory_space<hbm>>) target(%dma_start3A_454 : memref<8x1024xf32, #tpu.memory_space<vmem>>) target_semaphore(%arg22 : memref<!tpu.dma_semaphore, #tpu.memory_space<semaphore_mem>>)
        %mul3A_458 = arith.constant 1024 : i32
        %mul3A_459 = arith.muli %add3A_393, %mul3A_458 : i32
        %dma_start3A_460 = arith.constant 3 : i32
        %dma_start3A_461 = arith.constant 3 : i32
        %dma_start3A_462 = arith.constant 0 : i32
        %dma_start3A_463 = arith.constant 0 : i32
        %dma_start3A_464 = tpu.memref_slice %arg18[%rem3A_391, %dma_start3A_461, %dma_start3A_462, %dma_start3A_463] : memref<2x4x8x1024xf32, #tpu.memory_space<vmem>> -> memref<1x1x8x1024xf32, #tpu.memory_space<vmem>>
        %dma_start3A_465 = tpu.memref_squeeze %dma_start3A_464 : memref<1x1x8x1024xf32, #tpu.memory_space<vmem>> -> memref<8x1024xf32, #tpu.memory_space<vmem>>
        %dma_start3A_466 = arith.constant 0 : i32
        %dma_start3A_467 = tpu.memref_slice %arg4[%dma_start3A_460, %dma_start3A_466, %mul3A_459] : memref<4x8x1000000xf32, #tpu.memory_space<hbm>> -> memref<1x8x1024xf32, #tpu.memory_space<hbm>>
        %dma_start3A_468 = tpu.memref_squeeze %dma_start3A_467 : memref<1x8x1024xf32, #tpu.memory_space<hbm>> -> memref<8x1024xf32, #tpu.memory_space<hbm>>
        %dma_start3A_469 = arith.constant 0 : i32
        %dma_start3A_470 = arith.constant 0 : i32
        %dma_start3A_471 = tpu.memref_slice %arg18[%rem3A_391, %dma_start3A_461, %dma_start3A_469, %dma_start3A_470] : memref<2x4x8x1024xf32, #tpu.memory_space<vmem>> -> memref<1x1x8x1024xf32, #tpu.memory_space<vmem>>
        %dma_start3A_472 = tpu.memref_squeeze %dma_start3A_471 : memref<1x1x8x1024xf32, #tpu.memory_space<vmem>> -> memref<8x1024xf32, #tpu.memory_space<vmem>>
        %dma_start3A_473 = arith.constant 0 : i32
        %dma_start3A_474 = tpu.memref_slice %arg4[%dma_start3A_460, %dma_start3A_473, %mul3A_459] : memref<4x8x1000000xf32, #tpu.memory_space<hbm>> -> memref<1x8x1024xf32, #tpu.memory_space<hbm>>
        %dma_start3A_475 = tpu.memref_squeeze %dma_start3A_474 : memref<1x8x1024xf32, #tpu.memory_space<hbm>> -> memref<8x1024xf32, #tpu.memory_space<hbm>>
        tpu.enqueue_dma source(%dma_start3A_475 : memref<8x1024xf32, #tpu.memory_space<hbm>>) target(%dma_start3A_472 : memref<8x1024xf32, #tpu.memory_space<vmem>>) target_semaphore(%arg22 : memref<!tpu.dma_semaphore, #tpu.memory_space<semaphore_mem>>)
      } else {
      }
      %lt3A_399 = arith.constant 976 : i32
      %lt3A_400 = arith.cmpi slt, %add3A_386, %lt3A_399 : i32
      %convert_element_type3A_401 = arith.extui %lt3A_400 : i1 to i32
      %cond3A_402 = arith.constant 0 : i32
      %cond3A_403 = arith.cmpi ne, %convert_element_type3A_401, %cond3A_402 : i32
      scf.if %cond3A_403 {
        %mul3A_404 = arith.constant 1024 : i32
        %mul3A_405 = arith.muli %add3A_386, %mul3A_404 : i32
        %add3A_406 = arith.constant 31 : i32
        %add3A_407 = arith.addi %scan3A_20#0, %add3A_406 : i32
        %shift_right_logical3A_408 = arith.constant 5 : i32
        %shift_right_logical3A_409 = arith.shrui %add3A_407, %shift_right_logical3A_408 : i32
        %while3A_410 = arith.constant 0 : i32
        %while3A_411 = arith.constant 0 : i32
        %while3A_412 = arith.subi %shift_right_logical3A_409, %while3A_410 : i32
        %while3A_413 = arith.addi %while3A_410, %while3A_412 : i32
        %while3A_414 = arith.constant 1 : i32
        %while3A_415 = arith.divsi %while3A_412, %while3A_414 : i32
        %while3A_416 = arith.muli %while3A_415, %while3A_414 : i32
        %while3A_417 = arith.addi %while3A_410, %while3A_416 : i32
        %while3A_418 = arith.constant 1 : i32
        %while3A_419 = scf.for %while3A_521 = %while3A_410 to %while3A_417 step %while3A_418 iter_args(%while3A_522 = %while3A_411) -> (i32)  : i32 {
          %mul3A_523 = arith.constant 2 : i32
          %mul3A_524 = arith.muli %while3A_521, %mul3A_523 : i32
          %add3A_525 = arith.constant 0 : i32
          %add3A_526 = arith.addi %mul3A_524, %add3A_525 : i32
          %mul3A_527 = arith.constant 16 : i32
          %mul3A_528 = arith.muli %add3A_526, %mul3A_527 : i32
          %get3A = arith.index_cast %mul3A_528 : i32 to index
          %get3A_529 = tpu.vector_load %arg14[%get3A] {strides = array<i32>} : memref<1024xi32, #tpu.memory_space<vmem>>, vector<16xi32>,
          %shift_right_logical3A_530 = arith.constant 10 : i32
          %shift_right_logical3A_531 = vector.broadcast %shift_right_logical3A_530 : i32 to vector<16xi32>
          %shift_right_logical3A_532 = arith.shrui %get3A_529, %shift_right_logical3A_531 : vector<16xi32>
          %eq3A = vector.broadcast %add3A_386 : i32 to vector<16xi32>
          %eq3A_533 = arith.cmpi eq, %shift_right_logical3A_532, %eq3A : vector<16xi32>
          %mul3A_534 = arith.constant 16 : i32
          %mul3A_535 = arith.muli %add3A_526, %mul3A_534 : i32
          %get3A_536 = arith.index_cast %mul3A_535 : i32 to index
          %get3A_537 = tpu.vector_load %arg12[%get3A_536] {strides = array<i32>} : memref<1024xi32, #tpu.memory_space<vmem>>, vector<16xi32>,
          %swap3A = arith.index_cast %while3A_522 : i32 to index
          %swap3A_538 = tpu.vector_load %arg16[%swap3A] masked %eq3A_533 {strides = array<i32>} : memref<256xi32, #tpu.memory_space<vmem>>, vector<16xi32>, vector<16xi1>
          tpu.vector_store %arg16[%swap3A], %get3A_537 masked %eq3A_533 {strides = array<i32>} : memref<256xi32, #tpu.memory_space<vmem>>, vector<16xi32>, vector<16xi1>
          %sub3A = vector.broadcast %mul3A_405 : i32 to vector<16xi32>
          %sub3A_539 = arith.subi %get3A_529, %sub3A : vector<16xi32>
          %swap3A_540 = arith.index_cast %while3A_522 : i32 to index
          %swap3A_541 = tpu.vector_load %arg17[%swap3A_540] masked %eq3A_533 {strides = array<i32>} : memref<256xi32, #tpu.memory_space<vmem>>, vector<16xi32>, vector<16xi1>
          tpu.vector_store %arg17[%swap3A_540], %sub3A_539 masked %eq3A_533 {strides = array<i32>} : memref<256xi32, #tpu.memory_space<vmem>>, vector<16xi32>, vector<16xi1>
          %all_reduce_population_count3A = tpu.all_reduce %eq3A_533 {dim = 0 : i64, kind = #tpu.reduction_kind<sum>} : vector<16xi1> -> vector<16xi32>
          %slice3A = vector.extract_strided_slice %all_reduce_population_count3A {offsets = [0], sizes = [1], strides = [1]} : vector<16xi32> to vector<1xi32>
          %squeeze3A = vector.extract %slice3A[0] : i32 from vector<1xi32>
          %add3A_542 = arith.addi %while3A_522, %squeeze3A : i32
          %mul3A_543 = arith.constant 2 : i32
          %mul3A_544 = arith.muli %while3A_521, %mul3A_543 : i32
          %add3A_545 = arith.constant 1 : i32
          %add3A_546 = arith.addi %mul3A_544, %add3A_545 : i32
          %mul3A_547 = arith.constant 16 : i32
          %mul3A_548 = arith.muli %add3A_546, %mul3A_547 : i32
          %get3A_549 = arith.index_cast %mul3A_548 : i32 to index
          %get3A_550 = tpu.vector_load %arg14[%get3A_549] {strides = array<i32>} : memref<1024xi32, #tpu.memory_space<vmem>>, vector<16xi32>,
          %shift_right_logical3A_551 = arith.constant 10 : i32
          %shift_right_logical3A_552 = vector.broadcast %shift_right_logical3A_551 : i32 to vector<16xi32>
          %shift_right_logical3A_553 = arith.shrui %get3A_550, %shift_right_logical3A_552 : vector<16xi32>
          %eq3A_554 = vector.broadcast %add3A_386 : i32 to vector<16xi32>
          %eq3A_555 = arith.cmpi eq, %shift_right_logical3A_553, %eq3A_554 : vector<16xi32>
          %mul3A_556 = arith.constant 16 : i32
          %mul3A_557 = arith.muli %add3A_546, %mul3A_556 : i32
          %get3A_558 = arith.index_cast %mul3A_557 : i32 to index
          %get3A_559 = tpu.vector_load %arg12[%get3A_558] {strides = array<i32>} : memref<1024xi32, #tpu.memory_space<vmem>>, vector<16xi32>,
          %swap3A_560 = arith.index_cast %add3A_542 : i32 to index
          %swap3A_561 = tpu.vector_load %arg16[%swap3A_560] masked %eq3A_555 {strides = array<i32>} : memref<256xi32, #tpu.memory_space<vmem>>, vector<16xi32>, vector<16xi1>
          tpu.vector_store %arg16[%swap3A_560], %get3A_559 masked %eq3A_555 {strides = array<i32>} : memref<256xi32, #tpu.memory_space<vmem>>, vector<16xi32>, vector<16xi1>
          %sub3A_562 = vector.broadcast %mul3A_405 : i32 to vector<16xi32>
          %sub3A_563 = arith.subi %get3A_550, %sub3A_562 : vector<16xi32>
          %swap3A_564 = arith.index_cast %add3A_542 : i32 to index
          %swap3A_565 = tpu.vector_load %arg17[%swap3A_564] masked %eq3A_555 {strides = array<i32>} : memref<256xi32, #tpu.memory_space<vmem>>, vector<16xi32>, vector<16xi1>
          tpu.vector_store %arg17[%swap3A_564], %sub3A_563 masked %eq3A_555 {strides = array<i32>} : memref<256xi32, #tpu.memory_space<vmem>>, vector<16xi32>, vector<16xi1>
          %all_reduce_population_count3A_566 = tpu.all_reduce %eq3A_555 {dim = 0 : i64, kind = #tpu.reduction_kind<sum>} : vector<16xi1> -> vector<16xi32>
          %slice3A_567 = vector.extract_strided_slice %all_reduce_population_count3A_566 {offsets = [0], sizes = [1], strides = [1]} : vector<16xi32> to vector<1xi32>
          %squeeze3A_568 = vector.extract %slice3A_567[0] : i32 from vector<1xi32>
          %add3A_569 = arith.addi %add3A_542, %squeeze3A_568 : i32
          scf.yield %add3A_569 : i32
        }
        %while3A_420 = arith.constant 1 : i32
        %while3A_421 = scf.for %while3A_521 = %while3A_417 to %while3A_413 step %while3A_420 iter_args(%while3A_522 = %while3A_419) -> (i32)  : i32 {
          %mul3A_523 = arith.constant 2 : i32
          %mul3A_524 = arith.muli %while3A_521, %mul3A_523 : i32
          %add3A_525 = arith.constant 0 : i32
          %add3A_526 = arith.addi %mul3A_524, %add3A_525 : i32
          %mul3A_527 = arith.constant 16 : i32
          %mul3A_528 = arith.muli %add3A_526, %mul3A_527 : i32
          %get3A = arith.index_cast %mul3A_528 : i32 to index
          %get3A_529 = tpu.vector_load %arg14[%get3A] {strides = array<i32>} : memref<1024xi32, #tpu.memory_space<vmem>>, vector<16xi32>,
          %shift_right_logical3A_530 = arith.constant 10 : i32
          %shift_right_logical3A_531 = vector.broadcast %shift_right_logical3A_530 : i32 to vector<16xi32>
          %shift_right_logical3A_532 = arith.shrui %get3A_529, %shift_right_logical3A_531 : vector<16xi32>
          %eq3A = vector.broadcast %add3A_386 : i32 to vector<16xi32>
          %eq3A_533 = arith.cmpi eq, %shift_right_logical3A_532, %eq3A : vector<16xi32>
          %mul3A_534 = arith.constant 16 : i32
          %mul3A_535 = arith.muli %add3A_526, %mul3A_534 : i32
          %get3A_536 = arith.index_cast %mul3A_535 : i32 to index
          %get3A_537 = tpu.vector_load %arg12[%get3A_536] {strides = array<i32>} : memref<1024xi32, #tpu.memory_space<vmem>>, vector<16xi32>,
          %swap3A = arith.index_cast %while3A_522 : i32 to index
          %swap3A_538 = tpu.vector_load %arg16[%swap3A] masked %eq3A_533 {strides = array<i32>} : memref<256xi32, #tpu.memory_space<vmem>>, vector<16xi32>, vector<16xi1>
          tpu.vector_store %arg16[%swap3A], %get3A_537 masked %eq3A_533 {strides = array<i32>} : memref<256xi32, #tpu.memory_space<vmem>>, vector<16xi32>, vector<16xi1>
          %sub3A = vector.broadcast %mul3A_405 : i32 to vector<16xi32>
          %sub3A_539 = arith.subi %get3A_529, %sub3A : vector<16xi32>
          %swap3A_540 = arith.index_cast %while3A_522 : i32 to index
          %swap3A_541 = tpu.vector_load %arg17[%swap3A_540] masked %eq3A_533 {strides = array<i32>} : memref<256xi32, #tpu.memory_space<vmem>>, vector<16xi32>, vector<16xi1>
          tpu.vector_store %arg17[%swap3A_540], %sub3A_539 masked %eq3A_533 {strides = array<i32>} : memref<256xi32, #tpu.memory_space<vmem>>, vector<16xi32>, vector<16xi1>
          %all_reduce_population_count3A = tpu.all_reduce %eq3A_533 {dim = 0 : i64, kind = #tpu.reduction_kind<sum>} : vector<16xi1> -> vector<16xi32>
          %slice3A = vector.extract_strided_slice %all_reduce_population_count3A {offsets = [0], sizes = [1], strides = [1]} : vector<16xi32> to vector<1xi32>
          %squeeze3A = vector.extract %slice3A[0] : i32 from vector<1xi32>
          %add3A_542 = arith.addi %while3A_522, %squeeze3A : i32
          %mul3A_543 = arith.constant 2 : i32
          %mul3A_544 = arith.muli %while3A_521, %mul3A_543 : i32
          %add3A_545 = arith.constant 1 : i32
          %add3A_546 = arith.addi %mul3A_544, %add3A_545 : i32
          %mul3A_547 = arith.constant 16 : i32
          %mul3A_548 = arith.muli %add3A_546, %mul3A_547 : i32
          %get3A_549 = arith.index_cast %mul3A_548 : i32 to index
          %get3A_550 = tpu.vector_load %arg14[%get3A_549] {strides = array<i32>} : memref<1024xi32, #tpu.memory_space<vmem>>, vector<16xi32>,
          %shift_right_logical3A_551 = arith.constant 10 : i32
          %shift_right_logical3A_552 = vector.broadcast %shift_right_logical3A_551 : i32 to vector<16xi32>
          %shift_right_logical3A_553 = arith.shrui %get3A_550, %shift_right_logical3A_552 : vector<16xi32>
          %eq3A_554 = vector.broadcast %add3A_386 : i32 to vector<16xi32>
          %eq3A_555 = arith.cmpi eq, %shift_right_logical3A_553, %eq3A_554 : vector<16xi32>
          %mul3A_556 = arith.constant 16 : i32
          %mul3A_557 = arith.muli %add3A_546, %mul3A_556 : i32
          %get3A_558 = arith.index_cast %mul3A_557 : i32 to index
          %get3A_559 = tpu.vector_load %arg12[%get3A_558] {strides = array<i32>} : memref<1024xi32, #tpu.memory_space<vmem>>, vector<16xi32>,
          %swap3A_560 = arith.index_cast %add3A_542 : i32 to index
          %swap3A_561 = tpu.vector_load %arg16[%swap3A_560] masked %eq3A_555 {strides = array<i32>} : memref<256xi32, #tpu.memory_space<vmem>>, vector<16xi32>, vector<16xi1>
          tpu.vector_store %arg16[%swap3A_560], %get3A_559 masked %eq3A_555 {strides = array<i32>} : memref<256xi32, #tpu.memory_space<vmem>>, vector<16xi32>, vector<16xi1>
          %sub3A_562 = vector.broadcast %mul3A_405 : i32 to vector<16xi32>
          %sub3A_563 = arith.subi %get3A_550, %sub3A_562 : vector<16xi32>
          %swap3A_564 = arith.index_cast %add3A_542 : i32 to index
          %swap3A_565 = tpu.vector_load %arg17[%swap3A_564] masked %eq3A_555 {strides = array<i32>} : memref<256xi32, #tpu.memory_space<vmem>>, vector<16xi32>, vector<16xi1>
          tpu.vector_store %arg17[%swap3A_564], %sub3A_563 masked %eq3A_555 {strides = array<i32>} : memref<256xi32, #tpu.memory_space<vmem>>, vector<16xi32>, vector<16xi1>
          %all_reduce_population_count3A_566 = tpu.all_reduce %eq3A_555 {dim = 0 : i64, kind = #tpu.reduction_kind<sum>} : vector<16xi1> -> vector<16xi32>
          %slice3A_567 = vector.extract_strided_slice %all_reduce_population_count3A_566 {offsets = [0], sizes = [1], strides = [1]} : vector<16xi32> to vector<1xi32>
          %squeeze3A_568 = vector.extract %slice3A_567[0] : i32 from vector<1xi32>
          %add3A_569 = arith.addi %add3A_542, %squeeze3A_568 : i32
          scf.yield %add3A_569 : i32
        }
        %dma_wait3A_422 = arith.constant 0 : i32
        %dma_wait3A_423 = arith.constant 0 : i32
        %dma_wait3A_424 = arith.constant 0 : i32
        %dma_wait3A_425 = arith.constant 0 : i32
        %dma_wait3A_426 = arith.constant 0 : i32
        %dma_wait3A_427 = tpu.memref_slice %arg18[%dma_wait3A_423, %dma_wait3A_424, %dma_wait3A_425, %dma_wait3A_426] : memref<2x4x8x1024xf32, #tpu.memory_space<vmem>> -> memref<1x1x8x1024xf32, #tpu.memory_space<vmem>>
        %dma_wait3A_428 = tpu.memref_squeeze %dma_wait3A_427 : memref<1x1x8x1024xf32, #tpu.memory_space<vmem>> -> memref<8x1024xf32, #tpu.memory_space<vmem>>
        %dma_wait3A_429 = arith.constant 0 : i32
        %dma_wait3A_430 = arith.constant 0 : i32
        %dma_wait3A_431 = tpu.memref_slice %arg4[%dma_wait3A_422, %dma_wait3A_429, %dma_wait3A_430] : memref<4x8x1000000xf32, #tpu.memory_space<hbm>> -> memref<1x8x1024xf32, #tpu.memory_space<hbm>>
        %dma_wait3A_432 = tpu.memref_squeeze %dma_wait3A_431 : memref<1x8x1024xf32, #tpu.memory_space<hbm>> -> memref<8x1024xf32, #tpu.memory_space<hbm>>
        %dma_wait3A_433 = arith.constant 0 : i32
        %dma_wait3A_434 = arith.constant 0 : i32
        %dma_wait3A_435 = tpu.memref_slice %arg18[%dma_wait3A_423, %dma_wait3A_424, %dma_wait3A_433, %dma_wait3A_434] : memref<2x4x8x1024xf32, #tpu.memory_space<vmem>> -> memref<1x1x8x1024xf32, #tpu.memory_space<vmem>>
        %dma_wait3A_436 = tpu.memref_squeeze %dma_wait3A_435 : memref<1x1x8x1024xf32, #tpu.memory_space<vmem>> -> memref<8x1024xf32, #tpu.memory_space<vmem>>
        %dma_wait3A_437 = arith.constant 0 : i32
        %dma_wait3A_438 = arith.constant 0 : i32
        %dma_wait3A_439 = tpu.memref_slice %arg4[%dma_wait3A_422, %dma_wait3A_437, %dma_wait3A_438] : memref<4x8x1000000xf32, #tpu.memory_space<hbm>> -> memref<1x8x1024xf32, #tpu.memory_space<hbm>>
        %dma_wait3A_440 = tpu.memref_squeeze %dma_wait3A_439 : memref<1x8x1024xf32, #tpu.memory_space<hbm>> -> memref<8x1024xf32, #tpu.memory_space<hbm>>
        tpu.wait_dma2 semaphore(%arg22 : memref<!tpu.dma_semaphore, #tpu.memory_space<semaphore_mem>>) src(%dma_wait3A_440 : memref<8x1024xf32, #tpu.memory_space<hbm>>) dst(%dma_wait3A_436 : memref<8x1024xf32, #tpu.memory_space<vmem>>)
        %dma_wait3A_441 = arith.constant 1 : i32
        %dma_wait3A_442 = arith.constant 0 : i32
        %dma_wait3A_443 = arith.constant 1 : i32
        %dma_wait3A_444 = arith.constant 0 : i32
        %dma_wait3A_445 = arith.constant 0 : i32
        %dma_wait3A_446 = tpu.memref_slice %arg18[%dma_wait3A_442, %dma_wait3A_443, %dma_wait3A_444, %dma_wait3A_445] : memref<2x4x8x1024xf32, #tpu.memory_space<vmem>> -> memref<1x1x8x1024xf32, #tpu.memory_space<vmem>>
        %dma_wait3A_447 = tpu.memref_squeeze %dma_wait3A_446 : memref<1x1x8x1024xf32, #tpu.memory_space<vmem>> -> memref<8x1024xf32, #tpu.memory_space<vmem>>
        %dma_wait3A_448 = arith.constant 0 : i32
        %dma_wait3A_449 = arith.constant 0 : i32
        %dma_wait3A_450 = tpu.memref_slice %arg4[%dma_wait3A_441, %dma_wait3A_448, %dma_wait3A_449] : memref<4x8x1000000xf32, #tpu.memory_space<hbm>> -> memref<1x8x1024xf32, #tpu.memory_space<hbm>>
        %dma_wait3A_451 = tpu.memref_squeeze %dma_wait3A_450 : memref<1x8x1024xf32, #tpu.memory_space<hbm>> -> memref<8x1024xf32, #tpu.memory_space<hbm>>
        %dma_wait3A_452 = arith.constant 0 : i32
        %dma_wait3A_453 = arith.constant 0 : i32
        %dma_wait3A_454 = tpu.memref_slice %arg18[%dma_wait3A_442, %dma_wait3A_443, %dma_wait3A_452, %dma_wait3A_453] : memref<2x4x8x1024xf32, #tpu.memory_space<vmem>> -> memref<1x1x8x1024xf32, #tpu.memory_space<vmem>>
        %dma_wait3A_455 = tpu.memref_squeeze %dma_wait3A_454 : memref<1x1x8x1024xf32, #tpu.memory_space<vmem>> -> memref<8x1024xf32, #tpu.memory_space<vmem>>
        %dma_wait3A_456 = arith.constant 0 : i32
        %dma_wait3A_457 = arith.constant 0 : i32
        %dma_wait3A_458 = tpu.memref_slice %arg4[%dma_wait3A_441, %dma_wait3A_456, %dma_wait3A_457] : memref<4x8x1000000xf32, #tpu.memory_space<hbm>> -> memref<1x8x1024xf32, #tpu.memory_space<hbm>>
        %dma_wait3A_459 = tpu.memref_squeeze %dma_wait3A_458 : memref<1x8x1024xf32, #tpu.memory_space<hbm>> -> memref<8x1024xf32, #tpu.memory_space<hbm>>
        tpu.wait_dma2 semaphore(%arg22 : memref<!tpu.dma_semaphore, #tpu.memory_space<semaphore_mem>>) src(%dma_wait3A_459 : memref<8x1024xf32, #tpu.memory_space<hbm>>) dst(%dma_wait3A_455 : memref<8x1024xf32, #tpu.memory_space<vmem>>)
        %dma_wait3A_460 = arith.constant 2 : i32
        %dma_wait3A_461 = arith.constant 0 : i32
        %dma_wait3A_462 = arith.constant 2 : i32
        %dma_wait3A_463 = arith.constant 0 : i32
        %dma_wait3A_464 = arith.constant 0 : i32
        %dma_wait3A_465 = tpu.memref_slice %arg18[%dma_wait3A_461, %dma_wait3A_462, %dma_wait3A_463, %dma_wait3A_464] : memref<2x4x8x1024xf32, #tpu.memory_space<vmem>> -> memref<1x1x8x1024xf32, #tpu.memory_space<vmem>>
        %dma_wait3A_466 = tpu.memref_squeeze %dma_wait3A_465 : memref<1x1x8x1024xf32, #tpu.memory_space<vmem>> -> memref<8x1024xf32, #tpu.memory_space<vmem>>
        %dma_wait3A_467 = arith.constant 0 : i32
        %dma_wait3A_468 = arith.constant 0 : i32
        %dma_wait3A_469 = tpu.memref_slice %arg4[%dma_wait3A_460, %dma_wait3A_467, %dma_wait3A_468] : memref<4x8x1000000xf32, #tpu.memory_space<hbm>> -> memref<1x8x1024xf32, #tpu.memory_space<hbm>>
        %dma_wait3A_470 = tpu.memref_squeeze %dma_wait3A_469 : memref<1x8x1024xf32, #tpu.memory_space<hbm>> -> memref<8x1024xf32, #tpu.memory_space<hbm>>
        %dma_wait3A_471 = arith.constant 0 : i32
        %dma_wait3A_472 = arith.constant 0 : i32
        %dma_wait3A_473 = tpu.memref_slice %arg18[%dma_wait3A_461, %dma_wait3A_462, %dma_wait3A_471, %dma_wait3A_472] : memref<2x4x8x1024xf32, #tpu.memory_space<vmem>> -> memref<1x1x8x1024xf32, #tpu.memory_space<vmem>>
        %dma_wait3A_474 = tpu.memref_squeeze %dma_wait3A_473 : memref<1x1x8x1024xf32, #tpu.memory_space<vmem>> -> memref<8x1024xf32, #tpu.memory_space<vmem>>
        %dma_wait3A_475 = arith.constant 0 : i32
        %dma_wait3A_476 = arith.constant 0 : i32
        %dma_wait3A_477 = tpu.memref_slice %arg4[%dma_wait3A_460, %dma_wait3A_475, %dma_wait3A_476] : memref<4x8x1000000xf32, #tpu.memory_space<hbm>> -> memref<1x8x1024xf32, #tpu.memory_space<hbm>>
        %dma_wait3A_478 = tpu.memref_squeeze %dma_wait3A_477 : memref<1x8x1024xf32, #tpu.memory_space<hbm>> -> memref<8x1024xf32, #tpu.memory_space<hbm>>
        tpu.wait_dma2 semaphore(%arg22 : memref<!tpu.dma_semaphore, #tpu.memory_space<semaphore_mem>>) src(%dma_wait3A_478 : memref<8x1024xf32, #tpu.memory_space<hbm>>) dst(%dma_wait3A_474 : memref<8x1024xf32, #tpu.memory_space<vmem>>)
        %dma_wait3A_479 = arith.constant 3 : i32
        %dma_wait3A_480 = arith.constant 0 : i32
        %dma_wait3A_481 = arith.constant 3 : i32
        %dma_wait3A_482 = arith.constant 0 : i32
        %dma_wait3A_483 = arith.constant 0 : i32
        %dma_wait3A_484 = tpu.memref_slice %arg18[%dma_wait3A_480, %dma_wait3A_481, %dma_wait3A_482, %dma_wait3A_483] : memref<2x4x8x1024xf32, #tpu.memory_space<vmem>> -> memref<1x1x8x1024xf32, #tpu.memory_space<vmem>>
        %dma_wait3A_485 = tpu.memref_squeeze %dma_wait3A_484 : memref<1x1x8x1024xf32, #tpu.memory_space<vmem>> -> memref<8x1024xf32, #tpu.memory_space<vmem>>
        %dma_wait3A_486 = arith.constant 0 : i32
        %dma_wait3A_487 = arith.constant 0 : i32
        %dma_wait3A_488 = tpu.memref_slice %arg4[%dma_wait3A_479, %dma_wait3A_486, %dma_wait3A_487] : memref<4x8x1000000xf32, #tpu.memory_space<hbm>> -> memref<1x8x1024xf32, #tpu.memory_space<hbm>>
        %dma_wait3A_489 = tpu.memref_squeeze %dma_wait3A_488 : memref<1x8x1024xf32, #tpu.memory_space<hbm>> -> memref<8x1024xf32, #tpu.memory_space<hbm>>
        %dma_wait3A_490 = arith.constant 0 : i32
        %dma_wait3A_491 = arith.constant 0 : i32
        %dma_wait3A_492 = tpu.memref_slice %arg18[%dma_wait3A_480, %dma_wait3A_481, %dma_wait3A_490, %dma_wait3A_491] : memref<2x4x8x1024xf32, #tpu.memory_space<vmem>> -> memref<1x1x8x1024xf32, #tpu.memory_space<vmem>>
        %dma_wait3A_493 = tpu.memref_squeeze %dma_wait3A_492 : memref<1x1x8x1024xf32, #tpu.memory_space<vmem>> -> memref<8x1024xf32, #tpu.memory_space<vmem>>
        %dma_wait3A_494 = arith.constant 0 : i32
        %dma_wait3A_495 = arith.constant 0 : i32
        %dma_wait3A_496 = tpu.memref_slice %arg4[%dma_wait3A_479, %dma_wait3A_494, %dma_wait3A_495] : memref<4x8x1000000xf32, #tpu.memory_space<hbm>> -> memref<1x8x1024xf32, #tpu.memory_space<hbm>>
        %dma_wait3A_497 = tpu.memref_squeeze %dma_wait3A_496 : memref<1x8x1024xf32, #tpu.memory_space<hbm>> -> memref<8x1024xf32, #tpu.memory_space<hbm>>
        tpu.wait_dma2 semaphore(%arg22 : memref<!tpu.dma_semaphore, #tpu.memory_space<semaphore_mem>>) src(%dma_wait3A_497 : memref<8x1024xf32, #tpu.memory_space<hbm>>) dst(%dma_wait3A_493 : memref<8x1024xf32, #tpu.memory_space<vmem>>)
        %broadcast_in_dim3A_498 = vector.broadcast %rem3A_387 : i32 to vector<16xi32>
        %while3A_499 = arith.constant 0 : i32
        %while3A_500 = arith.constant 0 : i32
        %while3A_501 = arith.subi %while3A_421, %while3A_500 : i32
        %while3A_502 = arith.addi %while3A_500, %while3A_501 : i32
        %while3A_503 = arith.constant 1 : i32
        %while3A_504 = arith.divsi %while3A_501, %while3A_503 : i32
        %while3A_505 = arith.muli %while3A_504, %while3A_503 : i32
        %while3A_506 = arith.addi %while3A_500, %while3A_505 : i32
        %while3A_507 = arith.constant 1 : i32
        scf.for %while3A_521 = %while3A_500 to %while3A_506 step %while3A_507  : i32 {
          %broadcast_in_dim3A_522 = vector.broadcast %while3A_521 : i32 to vector<16xi32>
          %gather3A = tpu.vector_load_idx %arg16[%broadcast_in_dim3A_522] : memref<256xi32, #tpu.memory_space<vmem>>[vector<16xi32>], vector<16xi32>,
          %broadcast_in_dim3A_523 = vector.broadcast %while3A_521 : i32 to vector<16xi32>
          %gather3A_524 = tpu.vector_load_idx %arg17[%broadcast_in_dim3A_523] : memref<256xi32, #tpu.memory_space<vmem>>[vector<16xi32>], vector<16xi32>,
          %slice3A = vector.extract_strided_slice %gather3A {offsets = [0], sizes = [1], strides = [1]} : vector<16xi32> to vector<1xi32>
          %squeeze3A = vector.extract %slice3A[0] : i32 from vector<1xi32>
          %gather3A_525 = tpu.vector_load_idx %arg18[%broadcast_in_dim3A_498, %shift_right_logical3A_2, %and3A_4, %gather3A_524] : memref<2x4x8x1024xf32, #tpu.memory_space<vmem>>[vector<16xi32>, vector<16xi32>, vector<16xi32>, vector<16xi32>], vector<16xf32>,
          %gather3A_526 = tpu.vector_load_idx %arg18[%broadcast_in_dim3A_498, %add3A_7, %and3A_4, %gather3A_524] : memref<2x4x8x1024xf32, #tpu.memory_space<vmem>>[vector<16xi32>, vector<16xi32>, vector<16xi32>, vector<16xi32>], vector<16xf32>,
          %rem3A_527 = arith.constant 16 : i32
          %rem3A_528 = arith.remsi %while3A_521, %rem3A_527 : i32
          %swap3A = arith.index_cast %rem3A_528 : i32 to index
          %swap3A_529 = arith.constant 0 : index
          %swap3A_530 = tpu.vector_load %arg21[%swap3A, %swap3A_529] {strides = array<i32>} : memref<16x32xf32, #tpu.memory_space<vmem>>, vector<16xf32>,
          tpu.vector_store %arg21[%swap3A, %swap3A_529], %gather3A_525 {strides = array<i32>} : memref<16x32xf32, #tpu.memory_space<vmem>>, vector<16xf32>,
          %swap3A_531 = arith.index_cast %rem3A_528 : i32 to index
          %swap3A_532 = arith.constant 16 : index
          %swap3A_533 = tpu.vector_load %arg21[%swap3A_531, %swap3A_532] {strides = array<i32>} : memref<16x32xf32, #tpu.memory_space<vmem>>, vector<16xf32>,
          tpu.vector_store %arg21[%swap3A_531, %swap3A_532], %gather3A_526 {strides = array<i32>} : memref<16x32xf32, #tpu.memory_space<vmem>>, vector<16xf32>,
          %mul3A_534 = arith.constant 32 : i32
          %mul3A_535 = arith.muli %squeeze3A, %mul3A_534 : i32
          %dma_start3A_536 = arith.constant 0 : i32
          %dma_start3A_537 = tpu.memref_slice %arg21[%rem3A_528, %dma_start3A_536] : memref<16x32xf32, #tpu.memory_space<vmem>> -> memref<1x32xf32, #tpu.memory_space<vmem>>
          %dma_start3A_538 = tpu.memref_squeeze %dma_start3A_537 : memref<1x32xf32, #tpu.memory_space<vmem>> -> memref<32xf32, #tpu.memory_space<vmem>>
          %dma_start3A_539 = tpu.memref_slice %arg8[%mul3A_535] : memref<524288xf32, #tpu.memory_space<hbm>> -> memref<32xf32, #tpu.memory_space<hbm>>
          %dma_start3A_540 = tpu.memref_slice %arg8[%mul3A_535] : memref<524288xf32, #tpu.memory_space<hbm>> -> memref<32xf32, #tpu.memory_space<hbm>>
          %dma_start3A_541 = arith.constant 0 : i32
          %dma_start3A_542 = tpu.memref_slice %arg21[%rem3A_528, %dma_start3A_541] : memref<16x32xf32, #tpu.memory_space<vmem>> -> memref<1x32xf32, #tpu.memory_space<vmem>>
          %dma_start3A_543 = tpu.memref_squeeze %dma_start3A_542 : memref<1x32xf32, #tpu.memory_space<vmem>> -> memref<32xf32, #tpu.memory_space<vmem>>
          tpu.enqueue_dma source(%dma_start3A_543 : memref<32xf32, #tpu.memory_space<vmem>>) target(%dma_start3A_540 : memref<32xf32, #tpu.memory_space<hbm>>) target_semaphore(%arg23 : memref<!tpu.dma_semaphore, #tpu.memory_space<semaphore_mem>>)
          %ge3A = arith.constant 12 : i32
          %ge3A_544 = arith.cmpi sge, %while3A_521, %ge3A : i32
          %convert_element_type3A_545 = arith.extui %ge3A_544 : i1 to i32
          %cond3A_546 = arith.constant 0 : i32
          %cond3A_547 = arith.cmpi ne, %convert_element_type3A_545, %cond3A_546 : i32
          scf.if %cond3A_547 {
            %dma_wait3A_548 = arith.constant 0 : i32
            %dma_wait3A_549 = arith.constant 0 : i32
            %dma_wait3A_550 = tpu.memref_slice %arg21[%dma_wait3A_548, %dma_wait3A_549] : memref<16x32xf32, #tpu.memory_space<vmem>> -> memref<1x32xf32, #tpu.memory_space<vmem>>
            %dma_wait3A_551 = tpu.memref_squeeze %dma_wait3A_550 : memref<1x32xf32, #tpu.memory_space<vmem>> -> memref<32xf32, #tpu.memory_space<vmem>>
            %dma_wait3A_552 = arith.constant 0 : i32
            %dma_wait3A_553 = tpu.memref_slice %arg8[%dma_wait3A_552] : memref<524288xf32, #tpu.memory_space<hbm>> -> memref<32xf32, #tpu.memory_space<hbm>>
            %dma_wait3A_554 = arith.constant 0 : i32
            %dma_wait3A_555 = tpu.memref_slice %arg21[%dma_wait3A_548, %dma_wait3A_554] : memref<16x32xf32, #tpu.memory_space<vmem>> -> memref<1x32xf32, #tpu.memory_space<vmem>>
            %dma_wait3A_556 = tpu.memref_squeeze %dma_wait3A_555 : memref<1x32xf32, #tpu.memory_space<vmem>> -> memref<32xf32, #tpu.memory_space<vmem>>
            %dma_wait3A_557 = arith.constant 0 : i32
            %dma_wait3A_558 = tpu.memref_slice %arg8[%dma_wait3A_557] : memref<524288xf32, #tpu.memory_space<hbm>> -> memref<32xf32, #tpu.memory_space<hbm>>
            tpu.wait_dma2 semaphore(%arg23 : memref<!tpu.dma_semaphore, #tpu.memory_space<semaphore_mem>>) src(%dma_wait3A_558 : memref<32xf32, #tpu.memory_space<hbm>>) dst(%dma_wait3A_556 : memref<32xf32, #tpu.memory_space<vmem>>)
          } else {
          }
        }
        %while3A_508 = arith.constant 1 : i32
        scf.for %while3A_521 = %while3A_506 to %while3A_502 step %while3A_508  : i32 {
          %broadcast_in_dim3A_522 = vector.broadcast %while3A_521 : i32 to vector<16xi32>
          %gather3A = tpu.vector_load_idx %arg16[%broadcast_in_dim3A_522] : memref<256xi32, #tpu.memory_space<vmem>>[vector<16xi32>], vector<16xi32>,
          %broadcast_in_dim3A_523 = vector.broadcast %while3A_521 : i32 to vector<16xi32>
          %gather3A_524 = tpu.vector_load_idx %arg17[%broadcast_in_dim3A_523] : memref<256xi32, #tpu.memory_space<vmem>>[vector<16xi32>], vector<16xi32>,
          %slice3A = vector.extract_strided_slice %gather3A {offsets = [0], sizes = [1], strides = [1]} : vector<16xi32> to vector<1xi32>
          %squeeze3A = vector.extract %slice3A[0] : i32 from vector<1xi32>
          %gather3A_525 = tpu.vector_load_idx %arg18[%broadcast_in_dim3A_498, %shift_right_logical3A_2, %and3A_4, %gather3A_524] : memref<2x4x8x1024xf32, #tpu.memory_space<vmem>>[vector<16xi32>, vector<16xi32>, vector<16xi32>, vector<16xi32>], vector<16xf32>,
          %gather3A_526 = tpu.vector_load_idx %arg18[%broadcast_in_dim3A_498, %add3A_7, %and3A_4, %gather3A_524] : memref<2x4x8x1024xf32, #tpu.memory_space<vmem>>[vector<16xi32>, vector<16xi32>, vector<16xi32>, vector<16xi32>], vector<16xf32>,
          %rem3A_527 = arith.constant 16 : i32
          %rem3A_528 = arith.remsi %while3A_521, %rem3A_527 : i32
          %swap3A = arith.index_cast %rem3A_528 : i32 to index
          %swap3A_529 = arith.constant 0 : index
          %swap3A_530 = tpu.vector_load %arg21[%swap3A, %swap3A_529] {strides = array<i32>} : memref<16x32xf32, #tpu.memory_space<vmem>>, vector<16xf32>,
          tpu.vector_store %arg21[%swap3A, %swap3A_529], %gather3A_525 {strides = array<i32>} : memref<16x32xf32, #tpu.memory_space<vmem>>, vector<16xf32>,
          %swap3A_531 = arith.index_cast %rem3A_528 : i32 to index
          %swap3A_532 = arith.constant 16 : index
          %swap3A_533 = tpu.vector_load %arg21[%swap3A_531, %swap3A_532] {strides = array<i32>} : memref<16x32xf32, #tpu.memory_space<vmem>>, vector<16xf32>,
          tpu.vector_store %arg21[%swap3A_531, %swap3A_532], %gather3A_526 {strides = array<i32>} : memref<16x32xf32, #tpu.memory_space<vmem>>, vector<16xf32>,
          %mul3A_534 = arith.constant 32 : i32
          %mul3A_535 = arith.muli %squeeze3A, %mul3A_534 : i32
          %dma_start3A_536 = arith.constant 0 : i32
          %dma_start3A_537 = tpu.memref_slice %arg21[%rem3A_528, %dma_start3A_536] : memref<16x32xf32, #tpu.memory_space<vmem>> -> memref<1x32xf32, #tpu.memory_space<vmem>>
          %dma_start3A_538 = tpu.memref_squeeze %dma_start3A_537 : memref<1x32xf32, #tpu.memory_space<vmem>> -> memref<32xf32, #tpu.memory_space<vmem>>
          %dma_start3A_539 = tpu.memref_slice %arg8[%mul3A_535] : memref<524288xf32, #tpu.memory_space<hbm>> -> memref<32xf32, #tpu.memory_space<hbm>>
          %dma_start3A_540 = tpu.memref_slice %arg8[%mul3A_535] : memref<524288xf32, #tpu.memory_space<hbm>> -> memref<32xf32, #tpu.memory_space<hbm>>
          %dma_start3A_541 = arith.constant 0 : i32
          %dma_start3A_542 = tpu.memref_slice %arg21[%rem3A_528, %dma_start3A_541] : memref<16x32xf32, #tpu.memory_space<vmem>> -> memref<1x32xf32, #tpu.memory_space<vmem>>
          %dma_start3A_543 = tpu.memref_squeeze %dma_start3A_542 : memref<1x32xf32, #tpu.memory_space<vmem>> -> memref<32xf32, #tpu.memory_space<vmem>>
          tpu.enqueue_dma source(%dma_start3A_543 : memref<32xf32, #tpu.memory_space<vmem>>) target(%dma_start3A_540 : memref<32xf32, #tpu.memory_space<hbm>>) target_semaphore(%arg23 : memref<!tpu.dma_semaphore, #tpu.memory_space<semaphore_mem>>)
          %ge3A = arith.constant 12 : i32
          %ge3A_544 = arith.cmpi sge, %while3A_521, %ge3A : i32
          %convert_element_type3A_545 = arith.extui %ge3A_544 : i1 to i32
          %cond3A_546 = arith.constant 0 : i32
          %cond3A_547 = arith.cmpi ne, %convert_element_type3A_545, %cond3A_546 : i32
          scf.if %cond3A_547 {
            %dma_wait3A_548 = arith.constant 0 : i32
            %dma_wait3A_549 = arith.constant 0 : i32
            %dma_wait3A_550 = tpu.memref_slice %arg21[%dma_wait3A_548, %dma_wait3A_549] : memref<16x32xf32, #tpu.memory_space<vmem>> -> memref<1x32xf32, #tpu.memory_space<vmem>>
            %dma_wait3A_551 = tpu.memref_squeeze %dma_wait3A_550 : memref<1x32xf32, #tpu.memory_space<vmem>> -> memref<32xf32, #tpu.memory_space<vmem>>
            %dma_wait3A_552 = arith.constant 0 : i32
            %dma_wait3A_553 = tpu.memref_slice %arg8[%dma_wait3A_552] : memref<524288xf32, #tpu.memory_space<hbm>> -> memref<32xf32, #tpu.memory_space<hbm>>
            %dma_wait3A_554 = arith.constant 0 : i32
            %dma_wait3A_555 = tpu.memref_slice %arg21[%dma_wait3A_548, %dma_wait3A_554] : memref<16x32xf32, #tpu.memory_space<vmem>> -> memref<1x32xf32, #tpu.memory_space<vmem>>
            %dma_wait3A_556 = tpu.memref_squeeze %dma_wait3A_555 : memref<1x32xf32, #tpu.memory_space<vmem>> -> memref<32xf32, #tpu.memory_space<vmem>>
            %dma_wait3A_557 = arith.constant 0 : i32
            %dma_wait3A_558 = tpu.memref_slice %arg8[%dma_wait3A_557] : memref<524288xf32, #tpu.memory_space<hbm>> -> memref<32xf32, #tpu.memory_space<hbm>>
            tpu.wait_dma2 semaphore(%arg23 : memref<!tpu.dma_semaphore, #tpu.memory_space<semaphore_mem>>) src(%dma_wait3A_558 : memref<32xf32, #tpu.memory_space<hbm>>) dst(%dma_wait3A_556 : memref<32xf32, #tpu.memory_space<vmem>>)
          } else {
          }
        }
        %min3A_509 = arith.constant 12 : i32
        %min3A_510 = arith.minsi %while3A_421, %min3A_509 : i32
        %while3A_511 = arith.constant 0 : i32
        %while3A_512 = arith.constant 0 : i32
        %while3A_513 = arith.subi %min3A_510, %while3A_512 : i32
        %while3A_514 = arith.addi %while3A_512, %while3A_513 : i32
        %while3A_515 = arith.constant 1 : i32
        %while3A_516 = arith.divsi %while3A_513, %while3A_515 : i32
        %while3A_517 = arith.muli %while3A_516, %while3A_515 : i32
        %while3A_518 = arith.addi %while3A_512, %while3A_517 : i32
        %while3A_519 = arith.constant 1 : i32
        scf.for %while3A_521 = %while3A_512 to %while3A_518 step %while3A_519  : i32 {
          %dma_wait3A_522 = arith.constant 0 : i32
          %dma_wait3A_523 = arith.constant 0 : i32
          %dma_wait3A_524 = tpu.memref_slice %arg21[%dma_wait3A_522, %dma_wait3A_523] : memref<16x32xf32, #tpu.memory_space<vmem>> -> memref<1x32xf32, #tpu.memory_space<vmem>>
          %dma_wait3A_525 = tpu.memref_squeeze %dma_wait3A_524 : memref<1x32xf32, #tpu.memory_space<vmem>> -> memref<32xf32, #tpu.memory_space<vmem>>
          %dma_wait3A_526 = arith.constant 0 : i32
          %dma_wait3A_527 = tpu.memref_slice %arg8[%dma_wait3A_526] : memref<524288xf32, #tpu.memory_space<hbm>> -> memref<32xf32, #tpu.memory_space<hbm>>
          %dma_wait3A_528 = arith.constant 0 : i32
          %dma_wait3A_529 = tpu.memref_slice %arg21[%dma_wait3A_522, %dma_wait3A_528] : memref<16x32xf32, #tpu.memory_space<vmem>> -> memref<1x32xf32, #tpu.memory_space<vmem>>
          %dma_wait3A_530 = tpu.memref_squeeze %dma_wait3A_529 : memref<1x32xf32, #tpu.memory_space<vmem>> -> memref<32xf32, #tpu.memory_space<vmem>>
          %dma_wait3A_531 = arith.constant 0 : i32
          %dma_wait3A_532 = tpu.memref_slice %arg8[%dma_wait3A_531] : memref<524288xf32, #tpu.memory_space<hbm>> -> memref<32xf32, #tpu.memory_space<hbm>>
          tpu.wait_dma2 semaphore(%arg23 : memref<!tpu.dma_semaphore, #tpu.memory_space<semaphore_mem>>) src(%dma_wait3A_532 : memref<32xf32, #tpu.memory_space<hbm>>) dst(%dma_wait3A_530 : memref<32xf32, #tpu.memory_space<vmem>>)
        }
        %while3A_520 = arith.constant 1 : i32
        scf.for %while3A_521 = %while3A_518 to %while3A_514 step %while3A_520  : i32 {
          %dma_wait3A_522 = arith.constant 0 : i32
          %dma_wait3A_523 = arith.constant 0 : i32
          %dma_wait3A_524 = tpu.memref_slice %arg21[%dma_wait3A_522, %dma_wait3A_523] : memref<16x32xf32, #tpu.memory_space<vmem>> -> memref<1x32xf32, #tpu.memory_space<vmem>>
          %dma_wait3A_525 = tpu.memref_squeeze %dma_wait3A_524 : memref<1x32xf32, #tpu.memory_space<vmem>> -> memref<32xf32, #tpu.memory_space<vmem>>
          %dma_wait3A_526 = arith.constant 0 : i32
          %dma_wait3A_527 = tpu.memref_slice %arg8[%dma_wait3A_526] : memref<524288xf32, #tpu.memory_space<hbm>> -> memref<32xf32, #tpu.memory_space<hbm>>
          %dma_wait3A_528 = arith.constant 0 : i32
          %dma_wait3A_529 = tpu.memref_slice %arg21[%dma_wait3A_522, %dma_wait3A_528] : memref<16x32xf32, #tpu.memory_space<vmem>> -> memref<1x32xf32, #tpu.memory_space<vmem>>
          %dma_wait3A_530 = tpu.memref_squeeze %dma_wait3A_529 : memref<1x32xf32, #tpu.memory_space<vmem>> -> memref<32xf32, #tpu.memory_space<vmem>>
          %dma_wait3A_531 = arith.constant 0 : i32
          %dma_wait3A_532 = tpu.memref_slice %arg8[%dma_wait3A_531] : memref<524288xf32, #tpu.memory_space<hbm>> -> memref<32xf32, #tpu.memory_space<hbm>>
          tpu.wait_dma2 semaphore(%arg23 : memref<!tpu.dma_semaphore, #tpu.memory_space<semaphore_mem>>) src(%dma_wait3A_532 : memref<32xf32, #tpu.memory_space<hbm>>) dst(%dma_wait3A_530 : memref<32xf32, #tpu.memory_space<vmem>>)
        }
      } else {
      }
    }
    %scan3A_29 = arith.constant 31 : i32
    %lt3A_30 = arith.constant 976 : i32
    %lt3A_31 = arith.cmpi slt, %add3A, %lt3A_30 : i32
    %convert_element_type3A_32 = arith.extui %lt3A_31 : i1 to i32
    %cond3A_33 = arith.constant 0 : i32
    %cond3A_34 = arith.cmpi ne, %convert_element_type3A_32, %cond3A_33 : i32
    scf.if %cond3A_34 {
      %mul3A_383 = arith.constant 1024 : i32
      %mul3A_384 = arith.muli %add3A, %mul3A_383 : i32
      %dma_start3A_385 = arith.constant 0 : i32
      %dma_start3A_386 = arith.constant 0 : i32
      %dma_start3A_387 = arith.constant 0 : i32
      %dma_start3A_388 = arith.constant 0 : i32
      %dma_start3A_389 = arith.constant 0 : i32
      %dma_start3A_390 = tpu.memref_slice %arg18[%dma_start3A_386, %dma_start3A_387, %dma_start3A_388, %dma_start3A_389] : memref<2x4x8x1024xf32, #tpu.memory_space<vmem>> -> memref<1x1x8x1024xf32, #tpu.memory_space<vmem>>
      %dma_start3A_391 = tpu.memref_squeeze %dma_start3A_390 : memref<1x1x8x1024xf32, #tpu.memory_space<vmem>> -> memref<8x1024xf32, #tpu.memory_space<vmem>>
      %dma_start3A_392 = arith.constant 0 : i32
      %dma_start3A_393 = tpu.memref_slice %arg5[%dma_start3A_385, %dma_start3A_392, %mul3A_384] : memref<4x8x1000000xf32, #tpu.memory_space<hbm>> -> memref<1x8x1024xf32, #tpu.memory_space<hbm>>
      %dma_start3A_394 = tpu.memref_squeeze %dma_start3A_393 : memref<1x8x1024xf32, #tpu.memory_space<hbm>> -> memref<8x1024xf32, #tpu.memory_space<hbm>>
      %dma_start3A_395 = arith.constant 0 : i32
      %dma_start3A_396 = arith.constant 0 : i32
      %dma_start3A_397 = tpu.memref_slice %arg18[%dma_start3A_386, %dma_start3A_387, %dma_start3A_395, %dma_start3A_396] : memref<2x4x8x1024xf32, #tpu.memory_space<vmem>> -> memref<1x1x8x1024xf32, #tpu.memory_space<vmem>>
      %dma_start3A_398 = tpu.memref_squeeze %dma_start3A_397 : memref<1x1x8x1024xf32, #tpu.memory_space<vmem>> -> memref<8x1024xf32, #tpu.memory_space<vmem>>
      %dma_start3A_399 = arith.constant 0 : i32
      %dma_start3A_400 = tpu.memref_slice %arg5[%dma_start3A_385, %dma_start3A_399, %mul3A_384] : memref<4x8x1000000xf32, #tpu.memory_space<hbm>> -> memref<1x8x1024xf32, #tpu.memory_space<hbm>>
      %dma_start3A_401 = tpu.memref_squeeze %dma_start3A_400 : memref<1x8x1024xf32, #tpu.memory_space<hbm>> -> memref<8x1024xf32, #tpu.memory_space<hbm>>
      tpu.enqueue_dma source(%dma_start3A_401 : memref<8x1024xf32, #tpu.memory_space<hbm>>) target(%dma_start3A_398 : memref<8x1024xf32, #tpu.memory_space<vmem>>) target_semaphore(%arg22 : memref<!tpu.dma_semaphore, #tpu.memory_space<semaphore_mem>>)
      %mul3A_402 = arith.constant 1024 : i32
      %mul3A_403 = arith.muli %add3A, %mul3A_402 : i32
      %dma_start3A_404 = arith.constant 1 : i32
      %dma_start3A_405 = arith.constant 0 : i32
      %dma_start3A_406 = arith.constant 1 : i32
      %dma_start3A_407 = arith.constant 0 : i32
      %dma_start3A_408 = arith.constant 0 : i32
      %dma_start3A_409 = tpu.memref_slice %arg18[%dma_start3A_405, %dma_start3A_406, %dma_start3A_407, %dma_start3A_408] : memref<2x4x8x1024xf32, #tpu.memory_space<vmem>> -> memref<1x1x8x1024xf32, #tpu.memory_space<vmem>>
      %dma_start3A_410 = tpu.memref_squeeze %dma_start3A_409 : memref<1x1x8x1024xf32, #tpu.memory_space<vmem>> -> memref<8x1024xf32, #tpu.memory_space<vmem>>
      %dma_start3A_411 = arith.constant 0 : i32
      %dma_start3A_412 = tpu.memref_slice %arg5[%dma_start3A_404, %dma_start3A_411, %mul3A_403] : memref<4x8x1000000xf32, #tpu.memory_space<hbm>> -> memref<1x8x1024xf32, #tpu.memory_space<hbm>>
      %dma_start3A_413 = tpu.memref_squeeze %dma_start3A_412 : memref<1x8x1024xf32, #tpu.memory_space<hbm>> -> memref<8x1024xf32, #tpu.memory_space<hbm>>
      %dma_start3A_414 = arith.constant 0 : i32
      %dma_start3A_415 = arith.constant 0 : i32
      %dma_start3A_416 = tpu.memref_slice %arg18[%dma_start3A_405, %dma_start3A_406, %dma_start3A_414, %dma_start3A_415] : memref<2x4x8x1024xf32, #tpu.memory_space<vmem>> -> memref<1x1x8x1024xf32, #tpu.memory_space<vmem>>
      %dma_start3A_417 = tpu.memref_squeeze %dma_start3A_416 : memref<1x1x8x1024xf32, #tpu.memory_space<vmem>> -> memref<8x1024xf32, #tpu.memory_space<vmem>>
      %dma_start3A_418 = arith.constant 0 : i32
      %dma_start3A_419 = tpu.memref_slice %arg5[%dma_start3A_404, %dma_start3A_418, %mul3A_403] : memref<4x8x1000000xf32, #tpu.memory_space<hbm>> -> memref<1x8x1024xf32, #tpu.memory_space<hbm>>
      %dma_start3A_420 = tpu.memref_squeeze %dma_start3A_419 : memref<1x8x1024xf32, #tpu.memory_space<hbm>> -> memref<8x1024xf32, #tpu.memory_space<hbm>>
      tpu.enqueue_dma source(%dma_start3A_420 : memref<8x1024xf32, #tpu.memory_space<hbm>>) target(%dma_start3A_417 : memref<8x1024xf32, #tpu.memory_space<vmem>>) target_semaphore(%arg22 : memref<!tpu.dma_semaphore, #tpu.memory_space<semaphore_mem>>)
      %mul3A_421 = arith.constant 1024 : i32
      %mul3A_422 = arith.muli %add3A, %mul3A_421 : i32
      %dma_start3A_423 = arith.constant 2 : i32
      %dma_start3A_424 = arith.constant 0 : i32
      %dma_start3A_425 = arith.constant 2 : i32
      %dma_start3A_426 = arith.constant 0 : i32
      %dma_start3A_427 = arith.constant 0 : i32
      %dma_start3A_428 = tpu.memref_slice %arg18[%dma_start3A_424, %dma_start3A_425, %dma_start3A_426, %dma_start3A_427] : memref<2x4x8x1024xf32, #tpu.memory_space<vmem>> -> memref<1x1x8x1024xf32, #tpu.memory_space<vmem>>
      %dma_start3A_429 = tpu.memref_squeeze %dma_start3A_428 : memref<1x1x8x1024xf32, #tpu.memory_space<vmem>> -> memref<8x1024xf32, #tpu.memory_space<vmem>>
      %dma_start3A_430 = arith.constant 0 : i32
      %dma_start3A_431 = tpu.memref_slice %arg5[%dma_start3A_423, %dma_start3A_430, %mul3A_422] : memref<4x8x1000000xf32, #tpu.memory_space<hbm>> -> memref<1x8x1024xf32, #tpu.memory_space<hbm>>
      %dma_start3A_432 = tpu.memref_squeeze %dma_start3A_431 : memref<1x8x1024xf32, #tpu.memory_space<hbm>> -> memref<8x1024xf32, #tpu.memory_space<hbm>>
      %dma_start3A_433 = arith.constant 0 : i32
      %dma_start3A_434 = arith.constant 0 : i32
      %dma_start3A_435 = tpu.memref_slice %arg18[%dma_start3A_424, %dma_start3A_425, %dma_start3A_433, %dma_start3A_434] : memref<2x4x8x1024xf32, #tpu.memory_space<vmem>> -> memref<1x1x8x1024xf32, #tpu.memory_space<vmem>>
      %dma_start3A_436 = tpu.memref_squeeze %dma_start3A_435 : memref<1x1x8x1024xf32, #tpu.memory_space<vmem>> -> memref<8x1024xf32, #tpu.memory_space<vmem>>
      %dma_start3A_437 = arith.constant 0 : i32
      %dma_start3A_438 = tpu.memref_slice %arg5[%dma_start3A_423, %dma_start3A_437, %mul3A_422] : memref<4x8x1000000xf32, #tpu.memory_space<hbm>> -> memref<1x8x1024xf32, #tpu.memory_space<hbm>>
      %dma_start3A_439 = tpu.memref_squeeze %dma_start3A_438 : memref<1x8x1024xf32, #tpu.memory_space<hbm>> -> memref<8x1024xf32, #tpu.memory_space<hbm>>
      tpu.enqueue_dma source(%dma_start3A_439 : memref<8x1024xf32, #tpu.memory_space<hbm>>) target(%dma_start3A_436 : memref<8x1024xf32, #tpu.memory_space<vmem>>) target_semaphore(%arg22 : memref<!tpu.dma_semaphore, #tpu.memory_space<semaphore_mem>>)
      %mul3A_440 = arith.constant 1024 : i32
      %mul3A_441 = arith.muli %add3A, %mul3A_440 : i32
      %dma_start3A_442 = arith.constant 3 : i32
      %dma_start3A_443 = arith.constant 0 : i32
      %dma_start3A_444 = arith.constant 3 : i32
      %dma_start3A_445 = arith.constant 0 : i32
      %dma_start3A_446 = arith.constant 0 : i32
      %dma_start3A_447 = tpu.memref_slice %arg18[%dma_start3A_443, %dma_start3A_444, %dma_start3A_445, %dma_start3A_446] : memref<2x4x8x1024xf32, #tpu.memory_space<vmem>> -> memref<1x1x8x1024xf32, #tpu.memory_space<vmem>>
      %dma_start3A_448 = tpu.memref_squeeze %dma_start3A_447 : memref<1x1x8x1024xf32, #tpu.memory_space<vmem>> -> memref<8x1024xf32, #tpu.memory_space<vmem>>
      %dma_start3A_449 = arith.constant 0 : i32
      %dma_start3A_450 = tpu.memref_slice %arg5[%dma_start3A_442, %dma_start3A_449, %mul3A_441] : memref<4x8x1000000xf32, #tpu.memory_space<hbm>> -> memref<1x8x1024xf32, #tpu.memory_space<hbm>>
      %dma_start3A_451 = tpu.memref_squeeze %dma_start3A_450 : memref<1x8x1024xf32, #tpu.memory_space<hbm>> -> memref<8x1024xf32, #tpu.memory_space<hbm>>
      %dma_start3A_452 = arith.constant 0 : i32
      %dma_start3A_453 = arith.constant 0 : i32
      %dma_start3A_454 = tpu.memref_slice %arg18[%dma_start3A_443, %dma_start3A_444, %dma_start3A_452, %dma_start3A_453] : memref<2x4x8x1024xf32, #tpu.memory_space<vmem>> -> memref<1x1x8x1024xf32, #tpu.memory_space<vmem>>
      %dma_start3A_455 = tpu.memref_squeeze %dma_start3A_454 : memref<1x1x8x1024xf32, #tpu.memory_space<vmem>> -> memref<8x1024xf32, #tpu.memory_space<vmem>>
      %dma_start3A_456 = arith.constant 0 : i32
      %dma_start3A_457 = tpu.memref_slice %arg5[%dma_start3A_442, %dma_start3A_456, %mul3A_441] : memref<4x8x1000000xf32, #tpu.memory_space<hbm>> -> memref<1x8x1024xf32, #tpu.memory_space<hbm>>
      %dma_start3A_458 = tpu.memref_squeeze %dma_start3A_457 : memref<1x8x1024xf32, #tpu.memory_space<hbm>> -> memref<8x1024xf32, #tpu.memory_space<hbm>>
      tpu.enqueue_dma source(%dma_start3A_458 : memref<8x1024xf32, #tpu.memory_space<hbm>>) target(%dma_start3A_455 : memref<8x1024xf32, #tpu.memory_space<vmem>>) target_semaphore(%arg22 : memref<!tpu.dma_semaphore, #tpu.memory_space<semaphore_mem>>)
    } else {
    }
    %scan3A_35 = arith.constant 0 : i32
    %scan3A_36 = arith.constant 0 : i32
    %scan3A_37 = arith.constant 31 : i32
    %scan3A_38 = arith.addi %scan3A_36, %scan3A_37 : i32
    %scan3A_39 = arith.constant 1 : i32
    scf.for %scan3A_383 = %scan3A_36 to %scan3A_38 step %scan3A_39  : i32 {
      %mul3A_384 = arith.constant 32 : i32
      %mul3A_385 = arith.muli %scan3A_383, %mul3A_384 : i32
      %add3A_386 = arith.addi %add3A, %mul3A_385 : i32
      %rem3A = arith.constant 2 : i32
      %rem3A_387 = arith.remsi %scan3A_383, %rem3A : i32
      %add3A_388 = arith.constant 1 : i32
      %add3A_389 = arith.addi %scan3A_383, %add3A_388 : i32
      %rem3A_390 = arith.constant 2 : i32
      %rem3A_391 = arith.remsi %add3A_389, %rem3A_390 : i32
      %add3A_392 = arith.constant 32 : i32
      %add3A_393 = arith.addi %add3A_386, %add3A_392 : i32
      %lt3A_394 = arith.constant 976 : i32
      %lt3A_395 = arith.cmpi slt, %add3A_393, %lt3A_394 : i32
      %convert_element_type3A_396 = arith.extui %lt3A_395 : i1 to i32
      %cond3A_397 = arith.constant 0 : i32
      %cond3A_398 = arith.cmpi ne, %convert_element_type3A_396, %cond3A_397 : i32
      scf.if %cond3A_398 {
        %mul3A_404 = arith.constant 1024 : i32
        %mul3A_405 = arith.muli %add3A_393, %mul3A_404 : i32
        %dma_start3A_406 = arith.constant 0 : i32
        %dma_start3A_407 = arith.constant 0 : i32
        %dma_start3A_408 = arith.constant 0 : i32
        %dma_start3A_409 = arith.constant 0 : i32
        %dma_start3A_410 = tpu.memref_slice %arg18[%rem3A_391, %dma_start3A_407, %dma_start3A_408, %dma_start3A_409] : memref<2x4x8x1024xf32, #tpu.memory_space<vmem>> -> memref<1x1x8x1024xf32, #tpu.memory_space<vmem>>
        %dma_start3A_411 = tpu.memref_squeeze %dma_start3A_410 : memref<1x1x8x1024xf32, #tpu.memory_space<vmem>> -> memref<8x1024xf32, #tpu.memory_space<vmem>>
        %dma_start3A_412 = arith.constant 0 : i32
        %dma_start3A_413 = tpu.memref_slice %arg5[%dma_start3A_406, %dma_start3A_412, %mul3A_405] : memref<4x8x1000000xf32, #tpu.memory_space<hbm>> -> memref<1x8x1024xf32, #tpu.memory_space<hbm>>
        %dma_start3A_414 = tpu.memref_squeeze %dma_start3A_413 : memref<1x8x1024xf32, #tpu.memory_space<hbm>> -> memref<8x1024xf32, #tpu.memory_space<hbm>>
        %dma_start3A_415 = arith.constant 0 : i32
        %dma_start3A_416 = arith.constant 0 : i32
        %dma_start3A_417 = tpu.memref_slice %arg18[%rem3A_391, %dma_start3A_407, %dma_start3A_415, %dma_start3A_416] : memref<2x4x8x1024xf32, #tpu.memory_space<vmem>> -> memref<1x1x8x1024xf32, #tpu.memory_space<vmem>>
        %dma_start3A_418 = tpu.memref_squeeze %dma_start3A_417 : memref<1x1x8x1024xf32, #tpu.memory_space<vmem>> -> memref<8x1024xf32, #tpu.memory_space<vmem>>
        %dma_start3A_419 = arith.constant 0 : i32
        %dma_start3A_420 = tpu.memref_slice %arg5[%dma_start3A_406, %dma_start3A_419, %mul3A_405] : memref<4x8x1000000xf32, #tpu.memory_space<hbm>> -> memref<1x8x1024xf32, #tpu.memory_space<hbm>>
        %dma_start3A_421 = tpu.memref_squeeze %dma_start3A_420 : memref<1x8x1024xf32, #tpu.memory_space<hbm>> -> memref<8x1024xf32, #tpu.memory_space<hbm>>
        tpu.enqueue_dma source(%dma_start3A_421 : memref<8x1024xf32, #tpu.memory_space<hbm>>) target(%dma_start3A_418 : memref<8x1024xf32, #tpu.memory_space<vmem>>) target_semaphore(%arg22 : memref<!tpu.dma_semaphore, #tpu.memory_space<semaphore_mem>>)
        %mul3A_422 = arith.constant 1024 : i32
        %mul3A_423 = arith.muli %add3A_393, %mul3A_422 : i32
        %dma_start3A_424 = arith.constant 1 : i32
        %dma_start3A_425 = arith.constant 1 : i32
        %dma_start3A_426 = arith.constant 0 : i32
        %dma_start3A_427 = arith.constant 0 : i32
        %dma_start3A_428 = tpu.memref_slice %arg18[%rem3A_391, %dma_start3A_425, %dma_start3A_426, %dma_start3A_427] : memref<2x4x8x1024xf32, #tpu.memory_space<vmem>> -> memref<1x1x8x1024xf32, #tpu.memory_space<vmem>>
        %dma_start3A_429 = tpu.memref_squeeze %dma_start3A_428 : memref<1x1x8x1024xf32, #tpu.memory_space<vmem>> -> memref<8x1024xf32, #tpu.memory_space<vmem>>
        %dma_start3A_430 = arith.constant 0 : i32
        %dma_start3A_431 = tpu.memref_slice %arg5[%dma_start3A_424, %dma_start3A_430, %mul3A_423] : memref<4x8x1000000xf32, #tpu.memory_space<hbm>> -> memref<1x8x1024xf32, #tpu.memory_space<hbm>>
        %dma_start3A_432 = tpu.memref_squeeze %dma_start3A_431 : memref<1x8x1024xf32, #tpu.memory_space<hbm>> -> memref<8x1024xf32, #tpu.memory_space<hbm>>
        %dma_start3A_433 = arith.constant 0 : i32
        %dma_start3A_434 = arith.constant 0 : i32
        %dma_start3A_435 = tpu.memref_slice %arg18[%rem3A_391, %dma_start3A_425, %dma_start3A_433, %dma_start3A_434] : memref<2x4x8x1024xf32, #tpu.memory_space<vmem>> -> memref<1x1x8x1024xf32, #tpu.memory_space<vmem>>
        %dma_start3A_436 = tpu.memref_squeeze %dma_start3A_435 : memref<1x1x8x1024xf32, #tpu.memory_space<vmem>> -> memref<8x1024xf32, #tpu.memory_space<vmem>>
        %dma_start3A_437 = arith.constant 0 : i32
        %dma_start3A_438 = tpu.memref_slice %arg5[%dma_start3A_424, %dma_start3A_437, %mul3A_423] : memref<4x8x1000000xf32, #tpu.memory_space<hbm>> -> memref<1x8x1024xf32, #tpu.memory_space<hbm>>
        %dma_start3A_439 = tpu.memref_squeeze %dma_start3A_438 : memref<1x8x1024xf32, #tpu.memory_space<hbm>> -> memref<8x1024xf32, #tpu.memory_space<hbm>>
        tpu.enqueue_dma source(%dma_start3A_439 : memref<8x1024xf32, #tpu.memory_space<hbm>>) target(%dma_start3A_436 : memref<8x1024xf32, #tpu.memory_space<vmem>>) target_semaphore(%arg22 : memref<!tpu.dma_semaphore, #tpu.memory_space<semaphore_mem>>)
        %mul3A_440 = arith.constant 1024 : i32
        %mul3A_441 = arith.muli %add3A_393, %mul3A_440 : i32
        %dma_start3A_442 = arith.constant 2 : i32
        %dma_start3A_443 = arith.constant 2 : i32
        %dma_start3A_444 = arith.constant 0 : i32
        %dma_start3A_445 = arith.constant 0 : i32
        %dma_start3A_446 = tpu.memref_slice %arg18[%rem3A_391, %dma_start3A_443, %dma_start3A_444, %dma_start3A_445] : memref<2x4x8x1024xf32, #tpu.memory_space<vmem>> -> memref<1x1x8x1024xf32, #tpu.memory_space<vmem>>
        %dma_start3A_447 = tpu.memref_squeeze %dma_start3A_446 : memref<1x1x8x1024xf32, #tpu.memory_space<vmem>> -> memref<8x1024xf32, #tpu.memory_space<vmem>>
        %dma_start3A_448 = arith.constant 0 : i32
        %dma_start3A_449 = tpu.memref_slice %arg5[%dma_start3A_442, %dma_start3A_448, %mul3A_441] : memref<4x8x1000000xf32, #tpu.memory_space<hbm>> -> memref<1x8x1024xf32, #tpu.memory_space<hbm>>
        %dma_start3A_450 = tpu.memref_squeeze %dma_start3A_449 : memref<1x8x1024xf32, #tpu.memory_space<hbm>> -> memref<8x1024xf32, #tpu.memory_space<hbm>>
        %dma_start3A_451 = arith.constant 0 : i32
        %dma_start3A_452 = arith.constant 0 : i32
        %dma_start3A_453 = tpu.memref_slice %arg18[%rem3A_391, %dma_start3A_443, %dma_start3A_451, %dma_start3A_452] : memref<2x4x8x1024xf32, #tpu.memory_space<vmem>> -> memref<1x1x8x1024xf32, #tpu.memory_space<vmem>>
        %dma_start3A_454 = tpu.memref_squeeze %dma_start3A_453 : memref<1x1x8x1024xf32, #tpu.memory_space<vmem>> -> memref<8x1024xf32, #tpu.memory_space<vmem>>
        %dma_start3A_455 = arith.constant 0 : i32
        %dma_start3A_456 = tpu.memref_slice %arg5[%dma_start3A_442, %dma_start3A_455, %mul3A_441] : memref<4x8x1000000xf32, #tpu.memory_space<hbm>> -> memref<1x8x1024xf32, #tpu.memory_space<hbm>>
        %dma_start3A_457 = tpu.memref_squeeze %dma_start3A_456 : memref<1x8x1024xf32, #tpu.memory_space<hbm>> -> memref<8x1024xf32, #tpu.memory_space<hbm>>
        tpu.enqueue_dma source(%dma_start3A_457 : memref<8x1024xf32, #tpu.memory_space<hbm>>) target(%dma_start3A_454 : memref<8x1024xf32, #tpu.memory_space<vmem>>) target_semaphore(%arg22 : memref<!tpu.dma_semaphore, #tpu.memory_space<semaphore_mem>>)
        %mul3A_458 = arith.constant 1024 : i32
        %mul3A_459 = arith.muli %add3A_393, %mul3A_458 : i32
        %dma_start3A_460 = arith.constant 3 : i32
        %dma_start3A_461 = arith.constant 3 : i32
        %dma_start3A_462 = arith.constant 0 : i32
        %dma_start3A_463 = arith.constant 0 : i32
        %dma_start3A_464 = tpu.memref_slice %arg18[%rem3A_391, %dma_start3A_461, %dma_start3A_462, %dma_start3A_463] : memref<2x4x8x1024xf32, #tpu.memory_space<vmem>> -> memref<1x1x8x1024xf32, #tpu.memory_space<vmem>>
        %dma_start3A_465 = tpu.memref_squeeze %dma_start3A_464 : memref<1x1x8x1024xf32, #tpu.memory_space<vmem>> -> memref<8x1024xf32, #tpu.memory_space<vmem>>
        %dma_start3A_466 = arith.constant 0 : i32
        %dma_start3A_467 = tpu.memref_slice %arg5[%dma_start3A_460, %dma_start3A_466, %mul3A_459] : memref<4x8x1000000xf32, #tpu.memory_space<hbm>> -> memref<1x8x1024xf32, #tpu.memory_space<hbm>>
        %dma_start3A_468 = tpu.memref_squeeze %dma_start3A_467 : memref<1x8x1024xf32, #tpu.memory_space<hbm>> -> memref<8x1024xf32, #tpu.memory_space<hbm>>
        %dma_start3A_469 = arith.constant 0 : i32
        %dma_start3A_470 = arith.constant 0 : i32
        %dma_start3A_471 = tpu.memref_slice %arg18[%rem3A_391, %dma_start3A_461, %dma_start3A_469, %dma_start3A_470] : memref<2x4x8x1024xf32, #tpu.memory_space<vmem>> -> memref<1x1x8x1024xf32, #tpu.memory_space<vmem>>
        %dma_start3A_472 = tpu.memref_squeeze %dma_start3A_471 : memref<1x1x8x1024xf32, #tpu.memory_space<vmem>> -> memref<8x1024xf32, #tpu.memory_space<vmem>>
        %dma_start3A_473 = arith.constant 0 : i32
        %dma_start3A_474 = tpu.memref_slice %arg5[%dma_start3A_460, %dma_start3A_473, %mul3A_459] : memref<4x8x1000000xf32, #tpu.memory_space<hbm>> -> memref<1x8x1024xf32, #tpu.memory_space<hbm>>
        %dma_start3A_475 = tpu.memref_squeeze %dma_start3A_474 : memref<1x8x1024xf32, #tpu.memory_space<hbm>> -> memref<8x1024xf32, #tpu.memory_space<hbm>>
        tpu.enqueue_dma source(%dma_start3A_475 : memref<8x1024xf32, #tpu.memory_space<hbm>>) target(%dma_start3A_472 : memref<8x1024xf32, #tpu.memory_space<vmem>>) target_semaphore(%arg22 : memref<!tpu.dma_semaphore, #tpu.memory_space<semaphore_mem>>)
      } else {
      }
      %lt3A_399 = arith.constant 976 : i32
      %lt3A_400 = arith.cmpi slt, %add3A_386, %lt3A_399 : i32
      %convert_element_type3A_401 = arith.extui %lt3A_400 : i1 to i32
      %cond3A_402 = arith.constant 0 : i32
      %cond3A_403 = arith.cmpi ne, %convert_element_type3A_401, %cond3A_402 : i32
      scf.if %cond3A_403 {
        %mul3A_404 = arith.constant 1024 : i32
        %mul3A_405 = arith.muli %add3A_386, %mul3A_404 : i32
        %add3A_406 = arith.constant 31 : i32
        %add3A_407 = arith.addi %scan3A_20#1, %add3A_406 : i32
        %shift_right_logical3A_408 = arith.constant 5 : i32
        %shift_right_logical3A_409 = arith.shrui %add3A_407, %shift_right_logical3A_408 : i32
        %while3A_410 = arith.constant 0 : i32
        %while3A_411 = arith.constant 0 : i32
        %while3A_412 = arith.subi %shift_right_logical3A_409, %while3A_410 : i32
        %while3A_413 = arith.addi %while3A_410, %while3A_412 : i32
        %while3A_414 = arith.constant 1 : i32
        %while3A_415 = arith.divsi %while3A_412, %while3A_414 : i32
        %while3A_416 = arith.muli %while3A_415, %while3A_414 : i32
        %while3A_417 = arith.addi %while3A_410, %while3A_416 : i32
        %while3A_418 = arith.constant 1 : i32
        %while3A_419 = scf.for %while3A_521 = %while3A_410 to %while3A_417 step %while3A_418 iter_args(%while3A_522 = %while3A_411) -> (i32)  : i32 {
          %mul3A_523 = arith.constant 2 : i32
          %mul3A_524 = arith.muli %while3A_521, %mul3A_523 : i32
          %add3A_525 = arith.constant 0 : i32
          %add3A_526 = arith.addi %mul3A_524, %add3A_525 : i32
          %mul3A_527 = arith.constant 16 : i32
          %mul3A_528 = arith.muli %add3A_526, %mul3A_527 : i32
          %get3A = arith.index_cast %mul3A_528 : i32 to index
          %get3A_529 = tpu.vector_load %arg15[%get3A] {strides = array<i32>} : memref<1024xi32, #tpu.memory_space<vmem>>, vector<16xi32>,
          %shift_right_logical3A_530 = arith.constant 10 : i32
          %shift_right_logical3A_531 = vector.broadcast %shift_right_logical3A_530 : i32 to vector<16xi32>
          %shift_right_logical3A_532 = arith.shrui %get3A_529, %shift_right_logical3A_531 : vector<16xi32>
          %eq3A = vector.broadcast %add3A_386 : i32 to vector<16xi32>
          %eq3A_533 = arith.cmpi eq, %shift_right_logical3A_532, %eq3A : vector<16xi32>
          %mul3A_534 = arith.constant 16 : i32
          %mul3A_535 = arith.muli %add3A_526, %mul3A_534 : i32
          %get3A_536 = arith.index_cast %mul3A_535 : i32 to index
          %get3A_537 = tpu.vector_load %arg13[%get3A_536] {strides = array<i32>} : memref<1024xi32, #tpu.memory_space<vmem>>, vector<16xi32>,
          %swap3A = arith.index_cast %while3A_522 : i32 to index
          %swap3A_538 = tpu.vector_load %arg16[%swap3A] masked %eq3A_533 {strides = array<i32>} : memref<256xi32, #tpu.memory_space<vmem>>, vector<16xi32>, vector<16xi1>
          tpu.vector_store %arg16[%swap3A], %get3A_537 masked %eq3A_533 {strides = array<i32>} : memref<256xi32, #tpu.memory_space<vmem>>, vector<16xi32>, vector<16xi1>
          %sub3A = vector.broadcast %mul3A_405 : i32 to vector<16xi32>
          %sub3A_539 = arith.subi %get3A_529, %sub3A : vector<16xi32>
          %swap3A_540 = arith.index_cast %while3A_522 : i32 to index
          %swap3A_541 = tpu.vector_load %arg17[%swap3A_540] masked %eq3A_533 {strides = array<i32>} : memref<256xi32, #tpu.memory_space<vmem>>, vector<16xi32>, vector<16xi1>
          tpu.vector_store %arg17[%swap3A_540], %sub3A_539 masked %eq3A_533 {strides = array<i32>} : memref<256xi32, #tpu.memory_space<vmem>>, vector<16xi32>, vector<16xi1>
          %all_reduce_population_count3A = tpu.all_reduce %eq3A_533 {dim = 0 : i64, kind = #tpu.reduction_kind<sum>} : vector<16xi1> -> vector<16xi32>
          %slice3A = vector.extract_strided_slice %all_reduce_population_count3A {offsets = [0], sizes = [1], strides = [1]} : vector<16xi32> to vector<1xi32>
          %squeeze3A = vector.extract %slice3A[0] : i32 from vector<1xi32>
          %add3A_542 = arith.addi %while3A_522, %squeeze3A : i32
          %mul3A_543 = arith.constant 2 : i32
          %mul3A_544 = arith.muli %while3A_521, %mul3A_543 : i32
          %add3A_545 = arith.constant 1 : i32
          %add3A_546 = arith.addi %mul3A_544, %add3A_545 : i32
          %mul3A_547 = arith.constant 16 : i32
          %mul3A_548 = arith.muli %add3A_546, %mul3A_547 : i32
          %get3A_549 = arith.index_cast %mul3A_548 : i32 to index
          %get3A_550 = tpu.vector_load %arg15[%get3A_549] {strides = array<i32>} : memref<1024xi32, #tpu.memory_space<vmem>>, vector<16xi32>,
          %shift_right_logical3A_551 = arith.constant 10 : i32
          %shift_right_logical3A_552 = vector.broadcast %shift_right_logical3A_551 : i32 to vector<16xi32>
          %shift_right_logical3A_553 = arith.shrui %get3A_550, %shift_right_logical3A_552 : vector<16xi32>
          %eq3A_554 = vector.broadcast %add3A_386 : i32 to vector<16xi32>
          %eq3A_555 = arith.cmpi eq, %shift_right_logical3A_553, %eq3A_554 : vector<16xi32>
          %mul3A_556 = arith.constant 16 : i32
          %mul3A_557 = arith.muli %add3A_546, %mul3A_556 : i32
          %get3A_558 = arith.index_cast %mul3A_557 : i32 to index
          %get3A_559 = tpu.vector_load %arg13[%get3A_558] {strides = array<i32>} : memref<1024xi32, #tpu.memory_space<vmem>>, vector<16xi32>,
          %swap3A_560 = arith.index_cast %add3A_542 : i32 to index
          %swap3A_561 = tpu.vector_load %arg16[%swap3A_560] masked %eq3A_555 {strides = array<i32>} : memref<256xi32, #tpu.memory_space<vmem>>, vector<16xi32>, vector<16xi1>
          tpu.vector_store %arg16[%swap3A_560], %get3A_559 masked %eq3A_555 {strides = array<i32>} : memref<256xi32, #tpu.memory_space<vmem>>, vector<16xi32>, vector<16xi1>
          %sub3A_562 = vector.broadcast %mul3A_405 : i32 to vector<16xi32>
          %sub3A_563 = arith.subi %get3A_550, %sub3A_562 : vector<16xi32>
          %swap3A_564 = arith.index_cast %add3A_542 : i32 to index
          %swap3A_565 = tpu.vector_load %arg17[%swap3A_564] masked %eq3A_555 {strides = array<i32>} : memref<256xi32, #tpu.memory_space<vmem>>, vector<16xi32>, vector<16xi1>
          tpu.vector_store %arg17[%swap3A_564], %sub3A_563 masked %eq3A_555 {strides = array<i32>} : memref<256xi32, #tpu.memory_space<vmem>>, vector<16xi32>, vector<16xi1>
          %all_reduce_population_count3A_566 = tpu.all_reduce %eq3A_555 {dim = 0 : i64, kind = #tpu.reduction_kind<sum>} : vector<16xi1> -> vector<16xi32>
          %slice3A_567 = vector.extract_strided_slice %all_reduce_population_count3A_566 {offsets = [0], sizes = [1], strides = [1]} : vector<16xi32> to vector<1xi32>
          %squeeze3A_568 = vector.extract %slice3A_567[0] : i32 from vector<1xi32>
          %add3A_569 = arith.addi %add3A_542, %squeeze3A_568 : i32
          scf.yield %add3A_569 : i32
        }
        %while3A_420 = arith.constant 1 : i32
        %while3A_421 = scf.for %while3A_521 = %while3A_417 to %while3A_413 step %while3A_420 iter_args(%while3A_522 = %while3A_419) -> (i32)  : i32 {
          %mul3A_523 = arith.constant 2 : i32
          %mul3A_524 = arith.muli %while3A_521, %mul3A_523 : i32
          %add3A_525 = arith.constant 0 : i32
          %add3A_526 = arith.addi %mul3A_524, %add3A_525 : i32
          %mul3A_527 = arith.constant 16 : i32
          %mul3A_528 = arith.muli %add3A_526, %mul3A_527 : i32
          %get3A = arith.index_cast %mul3A_528 : i32 to index
          %get3A_529 = tpu.vector_load %arg15[%get3A] {strides = array<i32>} : memref<1024xi32, #tpu.memory_space<vmem>>, vector<16xi32>,
          %shift_right_logical3A_530 = arith.constant 10 : i32
          %shift_right_logical3A_531 = vector.broadcast %shift_right_logical3A_530 : i32 to vector<16xi32>
          %shift_right_logical3A_532 = arith.shrui %get3A_529, %shift_right_logical3A_531 : vector<16xi32>
          %eq3A = vector.broadcast %add3A_386 : i32 to vector<16xi32>
          %eq3A_533 = arith.cmpi eq, %shift_right_logical3A_532, %eq3A : vector<16xi32>
          %mul3A_534 = arith.constant 16 : i32
          %mul3A_535 = arith.muli %add3A_526, %mul3A_534 : i32
          %get3A_536 = arith.index_cast %mul3A_535 : i32 to index
          %get3A_537 = tpu.vector_load %arg13[%get3A_536] {strides = array<i32>} : memref<1024xi32, #tpu.memory_space<vmem>>, vector<16xi32>,
          %swap3A = arith.index_cast %while3A_522 : i32 to index
          %swap3A_538 = tpu.vector_load %arg16[%swap3A] masked %eq3A_533 {strides = array<i32>} : memref<256xi32, #tpu.memory_space<vmem>>, vector<16xi32>, vector<16xi1>
          tpu.vector_store %arg16[%swap3A], %get3A_537 masked %eq3A_533 {strides = array<i32>} : memref<256xi32, #tpu.memory_space<vmem>>, vector<16xi32>, vector<16xi1>
          %sub3A = vector.broadcast %mul3A_405 : i32 to vector<16xi32>
          %sub3A_539 = arith.subi %get3A_529, %sub3A : vector<16xi32>
          %swap3A_540 = arith.index_cast %while3A_522 : i32 to index
          %swap3A_541 = tpu.vector_load %arg17[%swap3A_540] masked %eq3A_533 {strides = array<i32>} : memref<256xi32, #tpu.memory_space<vmem>>, vector<16xi32>, vector<16xi1>
          tpu.vector_store %arg17[%swap3A_540], %sub3A_539 masked %eq3A_533 {strides = array<i32>} : memref<256xi32, #tpu.memory_space<vmem>>, vector<16xi32>, vector<16xi1>
          %all_reduce_population_count3A = tpu.all_reduce %eq3A_533 {dim = 0 : i64, kind = #tpu.reduction_kind<sum>} : vector<16xi1> -> vector<16xi32>
          %slice3A = vector.extract_strided_slice %all_reduce_population_count3A {offsets = [0], sizes = [1], strides = [1]} : vector<16xi32> to vector<1xi32>
          %squeeze3A = vector.extract %slice3A[0] : i32 from vector<1xi32>
          %add3A_542 = arith.addi %while3A_522, %squeeze3A : i32
          %mul3A_543 = arith.constant 2 : i32
          %mul3A_544 = arith.muli %while3A_521, %mul3A_543 : i32
          %add3A_545 = arith.constant 1 : i32
          %add3A_546 = arith.addi %mul3A_544, %add3A_545 : i32
          %mul3A_547 = arith.constant 16 : i32
          %mul3A_548 = arith.muli %add3A_546, %mul3A_547 : i32
          %get3A_549 = arith.index_cast %mul3A_548 : i32 to index
          %get3A_550 = tpu.vector_load %arg15[%get3A_549] {strides = array<i32>} : memref<1024xi32, #tpu.memory_space<vmem>>, vector<16xi32>,
          %shift_right_logical3A_551 = arith.constant 10 : i32
          %shift_right_logical3A_552 = vector.broadcast %shift_right_logical3A_551 : i32 to vector<16xi32>
          %shift_right_logical3A_553 = arith.shrui %get3A_550, %shift_right_logical3A_552 : vector<16xi32>
          %eq3A_554 = vector.broadcast %add3A_386 : i32 to vector<16xi32>
          %eq3A_555 = arith.cmpi eq, %shift_right_logical3A_553, %eq3A_554 : vector<16xi32>
          %mul3A_556 = arith.constant 16 : i32
          %mul3A_557 = arith.muli %add3A_546, %mul3A_556 : i32
          %get3A_558 = arith.index_cast %mul3A_557 : i32 to index
          %get3A_559 = tpu.vector_load %arg13[%get3A_558] {strides = array<i32>} : memref<1024xi32, #tpu.memory_space<vmem>>, vector<16xi32>,
          %swap3A_560 = arith.index_cast %add3A_542 : i32 to index
          %swap3A_561 = tpu.vector_load %arg16[%swap3A_560] masked %eq3A_555 {strides = array<i32>} : memref<256xi32, #tpu.memory_space<vmem>>, vector<16xi32>, vector<16xi1>
          tpu.vector_store %arg16[%swap3A_560], %get3A_559 masked %eq3A_555 {strides = array<i32>} : memref<256xi32, #tpu.memory_space<vmem>>, vector<16xi32>, vector<16xi1>
          %sub3A_562 = vector.broadcast %mul3A_405 : i32 to vector<16xi32>
          %sub3A_563 = arith.subi %get3A_550, %sub3A_562 : vector<16xi32>
          %swap3A_564 = arith.index_cast %add3A_542 : i32 to index
          %swap3A_565 = tpu.vector_load %arg17[%swap3A_564] masked %eq3A_555 {strides = array<i32>} : memref<256xi32, #tpu.memory_space<vmem>>, vector<16xi32>, vector<16xi1>
          tpu.vector_store %arg17[%swap3A_564], %sub3A_563 masked %eq3A_555 {strides = array<i32>} : memref<256xi32, #tpu.memory_space<vmem>>, vector<16xi32>, vector<16xi1>
          %all_reduce_population_count3A_566 = tpu.all_reduce %eq3A_555 {dim = 0 : i64, kind = #tpu.reduction_kind<sum>} : vector<16xi1> -> vector<16xi32>
          %slice3A_567 = vector.extract_strided_slice %all_reduce_population_count3A_566 {offsets = [0], sizes = [1], strides = [1]} : vector<16xi32> to vector<1xi32>
          %squeeze3A_568 = vector.extract %slice3A_567[0] : i32 from vector<1xi32>
          %add3A_569 = arith.addi %add3A_542, %squeeze3A_568 : i32
          scf.yield %add3A_569 : i32
        }
        %dma_wait3A_422 = arith.constant 0 : i32
        %dma_wait3A_423 = arith.constant 0 : i32
        %dma_wait3A_424 = arith.constant 0 : i32
        %dma_wait3A_425 = arith.constant 0 : i32
        %dma_wait3A_426 = arith.constant 0 : i32
        %dma_wait3A_427 = tpu.memref_slice %arg18[%dma_wait3A_423, %dma_wait3A_424, %dma_wait3A_425, %dma_wait3A_426] : memref<2x4x8x1024xf32, #tpu.memory_space<vmem>> -> memref<1x1x8x1024xf32, #tpu.memory_space<vmem>>
        %dma_wait3A_428 = tpu.memref_squeeze %dma_wait3A_427 : memref<1x1x8x1024xf32, #tpu.memory_space<vmem>> -> memref<8x1024xf32, #tpu.memory_space<vmem>>
        %dma_wait3A_429 = arith.constant 0 : i32
        %dma_wait3A_430 = arith.constant 0 : i32
        %dma_wait3A_431 = tpu.memref_slice %arg5[%dma_wait3A_422, %dma_wait3A_429, %dma_wait3A_430] : memref<4x8x1000000xf32, #tpu.memory_space<hbm>> -> memref<1x8x1024xf32, #tpu.memory_space<hbm>>
        %dma_wait3A_432 = tpu.memref_squeeze %dma_wait3A_431 : memref<1x8x1024xf32, #tpu.memory_space<hbm>> -> memref<8x1024xf32, #tpu.memory_space<hbm>>
        %dma_wait3A_433 = arith.constant 0 : i32
        %dma_wait3A_434 = arith.constant 0 : i32
        %dma_wait3A_435 = tpu.memref_slice %arg18[%dma_wait3A_423, %dma_wait3A_424, %dma_wait3A_433, %dma_wait3A_434] : memref<2x4x8x1024xf32, #tpu.memory_space<vmem>> -> memref<1x1x8x1024xf32, #tpu.memory_space<vmem>>
        %dma_wait3A_436 = tpu.memref_squeeze %dma_wait3A_435 : memref<1x1x8x1024xf32, #tpu.memory_space<vmem>> -> memref<8x1024xf32, #tpu.memory_space<vmem>>
        %dma_wait3A_437 = arith.constant 0 : i32
        %dma_wait3A_438 = arith.constant 0 : i32
        %dma_wait3A_439 = tpu.memref_slice %arg5[%dma_wait3A_422, %dma_wait3A_437, %dma_wait3A_438] : memref<4x8x1000000xf32, #tpu.memory_space<hbm>> -> memref<1x8x1024xf32, #tpu.memory_space<hbm>>
        %dma_wait3A_440 = tpu.memref_squeeze %dma_wait3A_439 : memref<1x8x1024xf32, #tpu.memory_space<hbm>> -> memref<8x1024xf32, #tpu.memory_space<hbm>>
        tpu.wait_dma2 semaphore(%arg22 : memref<!tpu.dma_semaphore, #tpu.memory_space<semaphore_mem>>) src(%dma_wait3A_440 : memref<8x1024xf32, #tpu.memory_space<hbm>>) dst(%dma_wait3A_436 : memref<8x1024xf32, #tpu.memory_space<vmem>>)
        %dma_wait3A_441 = arith.constant 1 : i32
        %dma_wait3A_442 = arith.constant 0 : i32
        %dma_wait3A_443 = arith.constant 1 : i32
        %dma_wait3A_444 = arith.constant 0 : i32
        %dma_wait3A_445 = arith.constant 0 : i32
        %dma_wait3A_446 = tpu.memref_slice %arg18[%dma_wait3A_442, %dma_wait3A_443, %dma_wait3A_444, %dma_wait3A_445] : memref<2x4x8x1024xf32, #tpu.memory_space<vmem>> -> memref<1x1x8x1024xf32, #tpu.memory_space<vmem>>
        %dma_wait3A_447 = tpu.memref_squeeze %dma_wait3A_446 : memref<1x1x8x1024xf32, #tpu.memory_space<vmem>> -> memref<8x1024xf32, #tpu.memory_space<vmem>>
        %dma_wait3A_448 = arith.constant 0 : i32
        %dma_wait3A_449 = arith.constant 0 : i32
        %dma_wait3A_450 = tpu.memref_slice %arg5[%dma_wait3A_441, %dma_wait3A_448, %dma_wait3A_449] : memref<4x8x1000000xf32, #tpu.memory_space<hbm>> -> memref<1x8x1024xf32, #tpu.memory_space<hbm>>
        %dma_wait3A_451 = tpu.memref_squeeze %dma_wait3A_450 : memref<1x8x1024xf32, #tpu.memory_space<hbm>> -> memref<8x1024xf32, #tpu.memory_space<hbm>>
        %dma_wait3A_452 = arith.constant 0 : i32
        %dma_wait3A_453 = arith.constant 0 : i32
        %dma_wait3A_454 = tpu.memref_slice %arg18[%dma_wait3A_442, %dma_wait3A_443, %dma_wait3A_452, %dma_wait3A_453] : memref<2x4x8x1024xf32, #tpu.memory_space<vmem>> -> memref<1x1x8x1024xf32, #tpu.memory_space<vmem>>
        %dma_wait3A_455 = tpu.memref_squeeze %dma_wait3A_454 : memref<1x1x8x1024xf32, #tpu.memory_space<vmem>> -> memref<8x1024xf32, #tpu.memory_space<vmem>>
        %dma_wait3A_456 = arith.constant 0 : i32
        %dma_wait3A_457 = arith.constant 0 : i32
        %dma_wait3A_458 = tpu.memref_slice %arg5[%dma_wait3A_441, %dma_wait3A_456, %dma_wait3A_457] : memref<4x8x1000000xf32, #tpu.memory_space<hbm>> -> memref<1x8x1024xf32, #tpu.memory_space<hbm>>
        %dma_wait3A_459 = tpu.memref_squeeze %dma_wait3A_458 : memref<1x8x1024xf32, #tpu.memory_space<hbm>> -> memref<8x1024xf32, #tpu.memory_space<hbm>>
        tpu.wait_dma2 semaphore(%arg22 : memref<!tpu.dma_semaphore, #tpu.memory_space<semaphore_mem>>) src(%dma_wait3A_459 : memref<8x1024xf32, #tpu.memory_space<hbm>>) dst(%dma_wait3A_455 : memref<8x1024xf32, #tpu.memory_space<vmem>>)
        %dma_wait3A_460 = arith.constant 2 : i32
        %dma_wait3A_461 = arith.constant 0 : i32
        %dma_wait3A_462 = arith.constant 2 : i32
        %dma_wait3A_463 = arith.constant 0 : i32
        %dma_wait3A_464 = arith.constant 0 : i32
        %dma_wait3A_465 = tpu.memref_slice %arg18[%dma_wait3A_461, %dma_wait3A_462, %dma_wait3A_463, %dma_wait3A_464] : memref<2x4x8x1024xf32, #tpu.memory_space<vmem>> -> memref<1x1x8x1024xf32, #tpu.memory_space<vmem>>
        %dma_wait3A_466 = tpu.memref_squeeze %dma_wait3A_465 : memref<1x1x8x1024xf32, #tpu.memory_space<vmem>> -> memref<8x1024xf32, #tpu.memory_space<vmem>>
        %dma_wait3A_467 = arith.constant 0 : i32
        %dma_wait3A_468 = arith.constant 0 : i32
        %dma_wait3A_469 = tpu.memref_slice %arg5[%dma_wait3A_460, %dma_wait3A_467, %dma_wait3A_468] : memref<4x8x1000000xf32, #tpu.memory_space<hbm>> -> memref<1x8x1024xf32, #tpu.memory_space<hbm>>
        %dma_wait3A_470 = tpu.memref_squeeze %dma_wait3A_469 : memref<1x8x1024xf32, #tpu.memory_space<hbm>> -> memref<8x1024xf32, #tpu.memory_space<hbm>>
        %dma_wait3A_471 = arith.constant 0 : i32
        %dma_wait3A_472 = arith.constant 0 : i32
        %dma_wait3A_473 = tpu.memref_slice %arg18[%dma_wait3A_461, %dma_wait3A_462, %dma_wait3A_471, %dma_wait3A_472] : memref<2x4x8x1024xf32, #tpu.memory_space<vmem>> -> memref<1x1x8x1024xf32, #tpu.memory_space<vmem>>
        %dma_wait3A_474 = tpu.memref_squeeze %dma_wait3A_473 : memref<1x1x8x1024xf32, #tpu.memory_space<vmem>> -> memref<8x1024xf32, #tpu.memory_space<vmem>>
        %dma_wait3A_475 = arith.constant 0 : i32
        %dma_wait3A_476 = arith.constant 0 : i32
        %dma_wait3A_477 = tpu.memref_slice %arg5[%dma_wait3A_460, %dma_wait3A_475, %dma_wait3A_476] : memref<4x8x1000000xf32, #tpu.memory_space<hbm>> -> memref<1x8x1024xf32, #tpu.memory_space<hbm>>
        %dma_wait3A_478 = tpu.memref_squeeze %dma_wait3A_477 : memref<1x8x1024xf32, #tpu.memory_space<hbm>> -> memref<8x1024xf32, #tpu.memory_space<hbm>>
        tpu.wait_dma2 semaphore(%arg22 : memref<!tpu.dma_semaphore, #tpu.memory_space<semaphore_mem>>) src(%dma_wait3A_478 : memref<8x1024xf32, #tpu.memory_space<hbm>>) dst(%dma_wait3A_474 : memref<8x1024xf32, #tpu.memory_space<vmem>>)
        %dma_wait3A_479 = arith.constant 3 : i32
        %dma_wait3A_480 = arith.constant 0 : i32
        %dma_wait3A_481 = arith.constant 3 : i32
        %dma_wait3A_482 = arith.constant 0 : i32
        %dma_wait3A_483 = arith.constant 0 : i32
        %dma_wait3A_484 = tpu.memref_slice %arg18[%dma_wait3A_480, %dma_wait3A_481, %dma_wait3A_482, %dma_wait3A_483] : memref<2x4x8x1024xf32, #tpu.memory_space<vmem>> -> memref<1x1x8x1024xf32, #tpu.memory_space<vmem>>
        %dma_wait3A_485 = tpu.memref_squeeze %dma_wait3A_484 : memref<1x1x8x1024xf32, #tpu.memory_space<vmem>> -> memref<8x1024xf32, #tpu.memory_space<vmem>>
        %dma_wait3A_486 = arith.constant 0 : i32
        %dma_wait3A_487 = arith.constant 0 : i32
        %dma_wait3A_488 = tpu.memref_slice %arg5[%dma_wait3A_479, %dma_wait3A_486, %dma_wait3A_487] : memref<4x8x1000000xf32, #tpu.memory_space<hbm>> -> memref<1x8x1024xf32, #tpu.memory_space<hbm>>
        %dma_wait3A_489 = tpu.memref_squeeze %dma_wait3A_488 : memref<1x8x1024xf32, #tpu.memory_space<hbm>> -> memref<8x1024xf32, #tpu.memory_space<hbm>>
        %dma_wait3A_490 = arith.constant 0 : i32
        %dma_wait3A_491 = arith.constant 0 : i32
        %dma_wait3A_492 = tpu.memref_slice %arg18[%dma_wait3A_480, %dma_wait3A_481, %dma_wait3A_490, %dma_wait3A_491] : memref<2x4x8x1024xf32, #tpu.memory_space<vmem>> -> memref<1x1x8x1024xf32, #tpu.memory_space<vmem>>
        %dma_wait3A_493 = tpu.memref_squeeze %dma_wait3A_492 : memref<1x1x8x1024xf32, #tpu.memory_space<vmem>> -> memref<8x1024xf32, #tpu.memory_space<vmem>>
        %dma_wait3A_494 = arith.constant 0 : i32
        %dma_wait3A_495 = arith.constant 0 : i32
        %dma_wait3A_496 = tpu.memref_slice %arg5[%dma_wait3A_479, %dma_wait3A_494, %dma_wait3A_495] : memref<4x8x1000000xf32, #tpu.memory_space<hbm>> -> memref<1x8x1024xf32, #tpu.memory_space<hbm>>
        %dma_wait3A_497 = tpu.memref_squeeze %dma_wait3A_496 : memref<1x8x1024xf32, #tpu.memory_space<hbm>> -> memref<8x1024xf32, #tpu.memory_space<hbm>>
        tpu.wait_dma2 semaphore(%arg22 : memref<!tpu.dma_semaphore, #tpu.memory_space<semaphore_mem>>) src(%dma_wait3A_497 : memref<8x1024xf32, #tpu.memory_space<hbm>>) dst(%dma_wait3A_493 : memref<8x1024xf32, #tpu.memory_space<vmem>>)
        %broadcast_in_dim3A_498 = vector.broadcast %rem3A_387 : i32 to vector<16xi32>
        %while3A_499 = arith.constant 0 : i32
        %while3A_500 = arith.constant 0 : i32
        %while3A_501 = arith.subi %while3A_421, %while3A_500 : i32
        %while3A_502 = arith.addi %while3A_500, %while3A_501 : i32
        %while3A_503 = arith.constant 1 : i32
        %while3A_504 = arith.divsi %while3A_501, %while3A_503 : i32
        %while3A_505 = arith.muli %while3A_504, %while3A_503 : i32
        %while3A_506 = arith.addi %while3A_500, %while3A_505 : i32
        %while3A_507 = arith.constant 1 : i32
        scf.for %while3A_521 = %while3A_500 to %while3A_506 step %while3A_507  : i32 {
          %broadcast_in_dim3A_522 = vector.broadcast %while3A_521 : i32 to vector<16xi32>
          %gather3A = tpu.vector_load_idx %arg16[%broadcast_in_dim3A_522] : memref<256xi32, #tpu.memory_space<vmem>>[vector<16xi32>], vector<16xi32>,
          %broadcast_in_dim3A_523 = vector.broadcast %while3A_521 : i32 to vector<16xi32>
          %gather3A_524 = tpu.vector_load_idx %arg17[%broadcast_in_dim3A_523] : memref<256xi32, #tpu.memory_space<vmem>>[vector<16xi32>], vector<16xi32>,
          %slice3A = vector.extract_strided_slice %gather3A {offsets = [0], sizes = [1], strides = [1]} : vector<16xi32> to vector<1xi32>
          %squeeze3A = vector.extract %slice3A[0] : i32 from vector<1xi32>
          %gather3A_525 = tpu.vector_load_idx %arg18[%broadcast_in_dim3A_498, %shift_right_logical3A_2, %and3A_4, %gather3A_524] : memref<2x4x8x1024xf32, #tpu.memory_space<vmem>>[vector<16xi32>, vector<16xi32>, vector<16xi32>, vector<16xi32>], vector<16xf32>,
          %gather3A_526 = tpu.vector_load_idx %arg18[%broadcast_in_dim3A_498, %add3A_7, %and3A_4, %gather3A_524] : memref<2x4x8x1024xf32, #tpu.memory_space<vmem>>[vector<16xi32>, vector<16xi32>, vector<16xi32>, vector<16xi32>], vector<16xf32>,
          %rem3A_527 = arith.constant 16 : i32
          %rem3A_528 = arith.remsi %while3A_521, %rem3A_527 : i32
          %swap3A = arith.index_cast %rem3A_528 : i32 to index
          %swap3A_529 = arith.constant 0 : index
          %swap3A_530 = tpu.vector_load %arg21[%swap3A, %swap3A_529] {strides = array<i32>} : memref<16x32xf32, #tpu.memory_space<vmem>>, vector<16xf32>,
          tpu.vector_store %arg21[%swap3A, %swap3A_529], %gather3A_525 {strides = array<i32>} : memref<16x32xf32, #tpu.memory_space<vmem>>, vector<16xf32>,
          %swap3A_531 = arith.index_cast %rem3A_528 : i32 to index
          %swap3A_532 = arith.constant 16 : index
          %swap3A_533 = tpu.vector_load %arg21[%swap3A_531, %swap3A_532] {strides = array<i32>} : memref<16x32xf32, #tpu.memory_space<vmem>>, vector<16xf32>,
          tpu.vector_store %arg21[%swap3A_531, %swap3A_532], %gather3A_526 {strides = array<i32>} : memref<16x32xf32, #tpu.memory_space<vmem>>, vector<16xf32>,
          %mul3A_534 = arith.constant 32 : i32
          %mul3A_535 = arith.muli %squeeze3A, %mul3A_534 : i32
          %dma_start3A_536 = arith.constant 0 : i32
          %dma_start3A_537 = tpu.memref_slice %arg21[%rem3A_528, %dma_start3A_536] : memref<16x32xf32, #tpu.memory_space<vmem>> -> memref<1x32xf32, #tpu.memory_space<vmem>>
          %dma_start3A_538 = tpu.memref_squeeze %dma_start3A_537 : memref<1x32xf32, #tpu.memory_space<vmem>> -> memref<32xf32, #tpu.memory_space<vmem>>
          %dma_start3A_539 = tpu.memref_slice %arg9[%mul3A_535] : memref<524288xf32, #tpu.memory_space<hbm>> -> memref<32xf32, #tpu.memory_space<hbm>>
          %dma_start3A_540 = tpu.memref_slice %arg9[%mul3A_535] : memref<524288xf32, #tpu.memory_space<hbm>> -> memref<32xf32, #tpu.memory_space<hbm>>
          %dma_start3A_541 = arith.constant 0 : i32
          %dma_start3A_542 = tpu.memref_slice %arg21[%rem3A_528, %dma_start3A_541] : memref<16x32xf32, #tpu.memory_space<vmem>> -> memref<1x32xf32, #tpu.memory_space<vmem>>
          %dma_start3A_543 = tpu.memref_squeeze %dma_start3A_542 : memref<1x32xf32, #tpu.memory_space<vmem>> -> memref<32xf32, #tpu.memory_space<vmem>>
          tpu.enqueue_dma source(%dma_start3A_543 : memref<32xf32, #tpu.memory_space<vmem>>) target(%dma_start3A_540 : memref<32xf32, #tpu.memory_space<hbm>>) target_semaphore(%arg23 : memref<!tpu.dma_semaphore, #tpu.memory_space<semaphore_mem>>)
          %ge3A = arith.constant 12 : i32
          %ge3A_544 = arith.cmpi sge, %while3A_521, %ge3A : i32
          %convert_element_type3A_545 = arith.extui %ge3A_544 : i1 to i32
          %cond3A_546 = arith.constant 0 : i32
          %cond3A_547 = arith.cmpi ne, %convert_element_type3A_545, %cond3A_546 : i32
          scf.if %cond3A_547 {
            %dma_wait3A_548 = arith.constant 0 : i32
            %dma_wait3A_549 = arith.constant 0 : i32
            %dma_wait3A_550 = tpu.memref_slice %arg21[%dma_wait3A_548, %dma_wait3A_549] : memref<16x32xf32, #tpu.memory_space<vmem>> -> memref<1x32xf32, #tpu.memory_space<vmem>>
            %dma_wait3A_551 = tpu.memref_squeeze %dma_wait3A_550 : memref<1x32xf32, #tpu.memory_space<vmem>> -> memref<32xf32, #tpu.memory_space<vmem>>
            %dma_wait3A_552 = arith.constant 0 : i32
            %dma_wait3A_553 = tpu.memref_slice %arg9[%dma_wait3A_552] : memref<524288xf32, #tpu.memory_space<hbm>> -> memref<32xf32, #tpu.memory_space<hbm>>
            %dma_wait3A_554 = arith.constant 0 : i32
            %dma_wait3A_555 = tpu.memref_slice %arg21[%dma_wait3A_548, %dma_wait3A_554] : memref<16x32xf32, #tpu.memory_space<vmem>> -> memref<1x32xf32, #tpu.memory_space<vmem>>
            %dma_wait3A_556 = tpu.memref_squeeze %dma_wait3A_555 : memref<1x32xf32, #tpu.memory_space<vmem>> -> memref<32xf32, #tpu.memory_space<vmem>>
            %dma_wait3A_557 = arith.constant 0 : i32
            %dma_wait3A_558 = tpu.memref_slice %arg9[%dma_wait3A_557] : memref<524288xf32, #tpu.memory_space<hbm>> -> memref<32xf32, #tpu.memory_space<hbm>>
            tpu.wait_dma2 semaphore(%arg23 : memref<!tpu.dma_semaphore, #tpu.memory_space<semaphore_mem>>) src(%dma_wait3A_558 : memref<32xf32, #tpu.memory_space<hbm>>) dst(%dma_wait3A_556 : memref<32xf32, #tpu.memory_space<vmem>>)
          } else {
          }
        }
        %while3A_508 = arith.constant 1 : i32
        scf.for %while3A_521 = %while3A_506 to %while3A_502 step %while3A_508  : i32 {
          %broadcast_in_dim3A_522 = vector.broadcast %while3A_521 : i32 to vector<16xi32>
          %gather3A = tpu.vector_load_idx %arg16[%broadcast_in_dim3A_522] : memref<256xi32, #tpu.memory_space<vmem>>[vector<16xi32>], vector<16xi32>,
          %broadcast_in_dim3A_523 = vector.broadcast %while3A_521 : i32 to vector<16xi32>
          %gather3A_524 = tpu.vector_load_idx %arg17[%broadcast_in_dim3A_523] : memref<256xi32, #tpu.memory_space<vmem>>[vector<16xi32>], vector<16xi32>,
          %slice3A = vector.extract_strided_slice %gather3A {offsets = [0], sizes = [1], strides = [1]} : vector<16xi32> to vector<1xi32>
          %squeeze3A = vector.extract %slice3A[0] : i32 from vector<1xi32>
          %gather3A_525 = tpu.vector_load_idx %arg18[%broadcast_in_dim3A_498, %shift_right_logical3A_2, %and3A_4, %gather3A_524] : memref<2x4x8x1024xf32, #tpu.memory_space<vmem>>[vector<16xi32>, vector<16xi32>, vector<16xi32>, vector<16xi32>], vector<16xf32>,
          %gather3A_526 = tpu.vector_load_idx %arg18[%broadcast_in_dim3A_498, %add3A_7, %and3A_4, %gather3A_524] : memref<2x4x8x1024xf32, #tpu.memory_space<vmem>>[vector<16xi32>, vector<16xi32>, vector<16xi32>, vector<16xi32>], vector<16xf32>,
          %rem3A_527 = arith.constant 16 : i32
          %rem3A_528 = arith.remsi %while3A_521, %rem3A_527 : i32
          %swap3A = arith.index_cast %rem3A_528 : i32 to index
          %swap3A_529 = arith.constant 0 : index
          %swap3A_530 = tpu.vector_load %arg21[%swap3A, %swap3A_529] {strides = array<i32>} : memref<16x32xf32, #tpu.memory_space<vmem>>, vector<16xf32>,
          tpu.vector_store %arg21[%swap3A, %swap3A_529], %gather3A_525 {strides = array<i32>} : memref<16x32xf32, #tpu.memory_space<vmem>>, vector<16xf32>,
          %swap3A_531 = arith.index_cast %rem3A_528 : i32 to index
          %swap3A_532 = arith.constant 16 : index
          %swap3A_533 = tpu.vector_load %arg21[%swap3A_531, %swap3A_532] {strides = array<i32>} : memref<16x32xf32, #tpu.memory_space<vmem>>, vector<16xf32>,
          tpu.vector_store %arg21[%swap3A_531, %swap3A_532], %gather3A_526 {strides = array<i32>} : memref<16x32xf32, #tpu.memory_space<vmem>>, vector<16xf32>,
          %mul3A_534 = arith.constant 32 : i32
          %mul3A_535 = arith.muli %squeeze3A, %mul3A_534 : i32
          %dma_start3A_536 = arith.constant 0 : i32
          %dma_start3A_537 = tpu.memref_slice %arg21[%rem3A_528, %dma_start3A_536] : memref<16x32xf32, #tpu.memory_space<vmem>> -> memref<1x32xf32, #tpu.memory_space<vmem>>
          %dma_start3A_538 = tpu.memref_squeeze %dma_start3A_537 : memref<1x32xf32, #tpu.memory_space<vmem>> -> memref<32xf32, #tpu.memory_space<vmem>>
          %dma_start3A_539 = tpu.memref_slice %arg9[%mul3A_535] : memref<524288xf32, #tpu.memory_space<hbm>> -> memref<32xf32, #tpu.memory_space<hbm>>
          %dma_start3A_540 = tpu.memref_slice %arg9[%mul3A_535] : memref<524288xf32, #tpu.memory_space<hbm>> -> memref<32xf32, #tpu.memory_space<hbm>>
          %dma_start3A_541 = arith.constant 0 : i32
          %dma_start3A_542 = tpu.memref_slice %arg21[%rem3A_528, %dma_start3A_541] : memref<16x32xf32, #tpu.memory_space<vmem>> -> memref<1x32xf32, #tpu.memory_space<vmem>>
          %dma_start3A_543 = tpu.memref_squeeze %dma_start3A_542 : memref<1x32xf32, #tpu.memory_space<vmem>> -> memref<32xf32, #tpu.memory_space<vmem>>
          tpu.enqueue_dma source(%dma_start3A_543 : memref<32xf32, #tpu.memory_space<vmem>>) target(%dma_start3A_540 : memref<32xf32, #tpu.memory_space<hbm>>) target_semaphore(%arg23 : memref<!tpu.dma_semaphore, #tpu.memory_space<semaphore_mem>>)
          %ge3A = arith.constant 12 : i32
          %ge3A_544 = arith.cmpi sge, %while3A_521, %ge3A : i32
          %convert_element_type3A_545 = arith.extui %ge3A_544 : i1 to i32
          %cond3A_546 = arith.constant 0 : i32
          %cond3A_547 = arith.cmpi ne, %convert_element_type3A_545, %cond3A_546 : i32
          scf.if %cond3A_547 {
            %dma_wait3A_548 = arith.constant 0 : i32
            %dma_wait3A_549 = arith.constant 0 : i32
            %dma_wait3A_550 = tpu.memref_slice %arg21[%dma_wait3A_548, %dma_wait3A_549] : memref<16x32xf32, #tpu.memory_space<vmem>> -> memref<1x32xf32, #tpu.memory_space<vmem>>
            %dma_wait3A_551 = tpu.memref_squeeze %dma_wait3A_550 : memref<1x32xf32, #tpu.memory_space<vmem>> -> memref<32xf32, #tpu.memory_space<vmem>>
            %dma_wait3A_552 = arith.constant 0 : i32
            %dma_wait3A_553 = tpu.memref_slice %arg9[%dma_wait3A_552] : memref<524288xf32, #tpu.memory_space<hbm>> -> memref<32xf32, #tpu.memory_space<hbm>>
            %dma_wait3A_554 = arith.constant 0 : i32
            %dma_wait3A_555 = tpu.memref_slice %arg21[%dma_wait3A_548, %dma_wait3A_554] : memref<16x32xf32, #tpu.memory_space<vmem>> -> memref<1x32xf32, #tpu.memory_space<vmem>>
            %dma_wait3A_556 = tpu.memref_squeeze %dma_wait3A_555 : memref<1x32xf32, #tpu.memory_space<vmem>> -> memref<32xf32, #tpu.memory_space<vmem>>
            %dma_wait3A_557 = arith.constant 0 : i32
            %dma_wait3A_558 = tpu.memref_slice %arg9[%dma_wait3A_557] : memref<524288xf32, #tpu.memory_space<hbm>> -> memref<32xf32, #tpu.memory_space<hbm>>
            tpu.wait_dma2 semaphore(%arg23 : memref<!tpu.dma_semaphore, #tpu.memory_space<semaphore_mem>>) src(%dma_wait3A_558 : memref<32xf32, #tpu.memory_space<hbm>>) dst(%dma_wait3A_556 : memref<32xf32, #tpu.memory_space<vmem>>)
          } else {
          }
        }
        %min3A_509 = arith.constant 12 : i32
        %min3A_510 = arith.minsi %while3A_421, %min3A_509 : i32
        %while3A_511 = arith.constant 0 : i32
        %while3A_512 = arith.constant 0 : i32
        %while3A_513 = arith.subi %min3A_510, %while3A_512 : i32
        %while3A_514 = arith.addi %while3A_512, %while3A_513 : i32
        %while3A_515 = arith.constant 1 : i32
        %while3A_516 = arith.divsi %while3A_513, %while3A_515 : i32
        %while3A_517 = arith.muli %while3A_516, %while3A_515 : i32
        %while3A_518 = arith.addi %while3A_512, %while3A_517 : i32
        %while3A_519 = arith.constant 1 : i32
        scf.for %while3A_521 = %while3A_512 to %while3A_518 step %while3A_519  : i32 {
          %dma_wait3A_522 = arith.constant 0 : i32
          %dma_wait3A_523 = arith.constant 0 : i32
          %dma_wait3A_524 = tpu.memref_slice %arg21[%dma_wait3A_522, %dma_wait3A_523] : memref<16x32xf32, #tpu.memory_space<vmem>> -> memref<1x32xf32, #tpu.memory_space<vmem>>
          %dma_wait3A_525 = tpu.memref_squeeze %dma_wait3A_524 : memref<1x32xf32, #tpu.memory_space<vmem>> -> memref<32xf32, #tpu.memory_space<vmem>>
          %dma_wait3A_526 = arith.constant 0 : i32
          %dma_wait3A_527 = tpu.memref_slice %arg9[%dma_wait3A_526] : memref<524288xf32, #tpu.memory_space<hbm>> -> memref<32xf32, #tpu.memory_space<hbm>>
          %dma_wait3A_528 = arith.constant 0 : i32
          %dma_wait3A_529 = tpu.memref_slice %arg21[%dma_wait3A_522, %dma_wait3A_528] : memref<16x32xf32, #tpu.memory_space<vmem>> -> memref<1x32xf32, #tpu.memory_space<vmem>>
          %dma_wait3A_530 = tpu.memref_squeeze %dma_wait3A_529 : memref<1x32xf32, #tpu.memory_space<vmem>> -> memref<32xf32, #tpu.memory_space<vmem>>
          %dma_wait3A_531 = arith.constant 0 : i32
          %dma_wait3A_532 = tpu.memref_slice %arg9[%dma_wait3A_531] : memref<524288xf32, #tpu.memory_space<hbm>> -> memref<32xf32, #tpu.memory_space<hbm>>
          tpu.wait_dma2 semaphore(%arg23 : memref<!tpu.dma_semaphore, #tpu.memory_space<semaphore_mem>>) src(%dma_wait3A_532 : memref<32xf32, #tpu.memory_space<hbm>>) dst(%dma_wait3A_530 : memref<32xf32, #tpu.memory_space<vmem>>)
        }
        %while3A_520 = arith.constant 1 : i32
        scf.for %while3A_521 = %while3A_518 to %while3A_514 step %while3A_520  : i32 {
          %dma_wait3A_522 = arith.constant 0 : i32
          %dma_wait3A_523 = arith.constant 0 : i32
          %dma_wait3A_524 = tpu.memref_slice %arg21[%dma_wait3A_522, %dma_wait3A_523] : memref<16x32xf32, #tpu.memory_space<vmem>> -> memref<1x32xf32, #tpu.memory_space<vmem>>
          %dma_wait3A_525 = tpu.memref_squeeze %dma_wait3A_524 : memref<1x32xf32, #tpu.memory_space<vmem>> -> memref<32xf32, #tpu.memory_space<vmem>>
          %dma_wait3A_526 = arith.constant 0 : i32
          %dma_wait3A_527 = tpu.memref_slice %arg9[%dma_wait3A_526] : memref<524288xf32, #tpu.memory_space<hbm>> -> memref<32xf32, #tpu.memory_space<hbm>>
          %dma_wait3A_528 = arith.constant 0 : i32
          %dma_wait3A_529 = tpu.memref_slice %arg21[%dma_wait3A_522, %dma_wait3A_528] : memref<16x32xf32, #tpu.memory_space<vmem>> -> memref<1x32xf32, #tpu.memory_space<vmem>>
          %dma_wait3A_530 = tpu.memref_squeeze %dma_wait3A_529 : memref<1x32xf32, #tpu.memory_space<vmem>> -> memref<32xf32, #tpu.memory_space<vmem>>
          %dma_wait3A_531 = arith.constant 0 : i32
          %dma_wait3A_532 = tpu.memref_slice %arg9[%dma_wait3A_531] : memref<524288xf32, #tpu.memory_space<hbm>> -> memref<32xf32, #tpu.memory_space<hbm>>
          tpu.wait_dma2 semaphore(%arg23 : memref<!tpu.dma_semaphore, #tpu.memory_space<semaphore_mem>>) src(%dma_wait3A_532 : memref<32xf32, #tpu.memory_space<hbm>>) dst(%dma_wait3A_530 : memref<32xf32, #tpu.memory_space<vmem>>)
        }
      } else {
      }
    }
    %scan3A_40 = arith.constant 31 : i32
    %dma_start3A = arith.constant 0 : i32
    %dma_start3A_41 = arith.constant 0 : i32
    %dma_start3A_42 = arith.constant 0 : i32
    %dma_start3A_43 = arith.constant 0 : i32
    %dma_start3A_44 = tpu.memref_slice %arg19[%dma_start3A_41, %dma_start3A_42, %dma_start3A_43] : memref<4x8x512xf32, #tpu.memory_space<vmem>> -> memref<1x8x512xf32, #tpu.memory_space<vmem>>
    %dma_start3A_45 = tpu.memref_squeeze %dma_start3A_44 : memref<1x8x512xf32, #tpu.memory_space<vmem>> -> memref<8x512xf32, #tpu.memory_space<vmem>>
    %dma_start3A_46 = arith.constant 0 : i32
    %dma_start3A_47 = arith.constant 999424 : i32
    %dma_start3A_48 = tpu.memref_slice %arg4[%dma_start3A, %dma_start3A_46, %dma_start3A_47] : memref<4x8x1000000xf32, #tpu.memory_space<hbm>> -> memref<1x8x512xf32, #tpu.memory_space<hbm>>
    %dma_start3A_49 = tpu.memref_squeeze %dma_start3A_48 : memref<1x8x512xf32, #tpu.memory_space<hbm>> -> memref<8x512xf32, #tpu.memory_space<hbm>>
    %dma_start3A_50 = arith.constant 0 : i32
    %dma_start3A_51 = arith.constant 0 : i32
    %dma_start3A_52 = tpu.memref_slice %arg19[%dma_start3A_41, %dma_start3A_50, %dma_start3A_51] : memref<4x8x512xf32, #tpu.memory_space<vmem>> -> memref<1x8x512xf32, #tpu.memory_space<vmem>>
    %dma_start3A_53 = tpu.memref_squeeze %dma_start3A_52 : memref<1x8x512xf32, #tpu.memory_space<vmem>> -> memref<8x512xf32, #tpu.memory_space<vmem>>
    %dma_start3A_54 = arith.constant 0 : i32
    %dma_start3A_55 = arith.constant 999424 : i32
    %dma_start3A_56 = tpu.memref_slice %arg4[%dma_start3A, %dma_start3A_54, %dma_start3A_55] : memref<4x8x1000000xf32, #tpu.memory_space<hbm>> -> memref<1x8x512xf32, #tpu.memory_space<hbm>>
    %dma_start3A_57 = tpu.memref_squeeze %dma_start3A_56 : memref<1x8x512xf32, #tpu.memory_space<hbm>> -> memref<8x512xf32, #tpu.memory_space<hbm>>
    tpu.enqueue_dma source(%dma_start3A_57 : memref<8x512xf32, #tpu.memory_space<hbm>>) target(%dma_start3A_53 : memref<8x512xf32, #tpu.memory_space<vmem>>) target_semaphore(%arg22 : memref<!tpu.dma_semaphore, #tpu.memory_space<semaphore_mem>>)
    %dma_start3A_58 = arith.constant 1 : i32
    %dma_start3A_59 = arith.constant 1 : i32
    %dma_start3A_60 = arith.constant 0 : i32
    %dma_start3A_61 = arith.constant 0 : i32
    %dma_start3A_62 = tpu.memref_slice %arg19[%dma_start3A_59, %dma_start3A_60, %dma_start3A_61] : memref<4x8x512xf32, #tpu.memory_space<vmem>> -> memref<1x8x512xf32, #tpu.memory_space<vmem>>
    %dma_start3A_63 = tpu.memref_squeeze %dma_start3A_62 : memref<1x8x512xf32, #tpu.memory_space<vmem>> -> memref<8x512xf32, #tpu.memory_space<vmem>>
    %dma_start3A_64 = arith.constant 0 : i32
    %dma_start3A_65 = arith.constant 999424 : i32
    %dma_start3A_66 = tpu.memref_slice %arg4[%dma_start3A_58, %dma_start3A_64, %dma_start3A_65] : memref<4x8x1000000xf32, #tpu.memory_space<hbm>> -> memref<1x8x512xf32, #tpu.memory_space<hbm>>
    %dma_start3A_67 = tpu.memref_squeeze %dma_start3A_66 : memref<1x8x512xf32, #tpu.memory_space<hbm>> -> memref<8x512xf32, #tpu.memory_space<hbm>>
    %dma_start3A_68 = arith.constant 0 : i32
    %dma_start3A_69 = arith.constant 0 : i32
    %dma_start3A_70 = tpu.memref_slice %arg19[%dma_start3A_59, %dma_start3A_68, %dma_start3A_69] : memref<4x8x512xf32, #tpu.memory_space<vmem>> -> memref<1x8x512xf32, #tpu.memory_space<vmem>>
    %dma_start3A_71 = tpu.memref_squeeze %dma_start3A_70 : memref<1x8x512xf32, #tpu.memory_space<vmem>> -> memref<8x512xf32, #tpu.memory_space<vmem>>
    %dma_start3A_72 = arith.constant 0 : i32
    %dma_start3A_73 = arith.constant 999424 : i32
    %dma_start3A_74 = tpu.memref_slice %arg4[%dma_start3A_58, %dma_start3A_72, %dma_start3A_73] : memref<4x8x1000000xf32, #tpu.memory_space<hbm>> -> memref<1x8x512xf32, #tpu.memory_space<hbm>>
    %dma_start3A_75 = tpu.memref_squeeze %dma_start3A_74 : memref<1x8x512xf32, #tpu.memory_space<hbm>> -> memref<8x512xf32, #tpu.memory_space<hbm>>
    tpu.enqueue_dma source(%dma_start3A_75 : memref<8x512xf32, #tpu.memory_space<hbm>>) target(%dma_start3A_71 : memref<8x512xf32, #tpu.memory_space<vmem>>) target_semaphore(%arg22 : memref<!tpu.dma_semaphore, #tpu.memory_space<semaphore_mem>>)
    %dma_start3A_76 = arith.constant 2 : i32
    %dma_start3A_77 = arith.constant 2 : i32
    %dma_start3A_78 = arith.constant 0 : i32
    %dma_start3A_79 = arith.constant 0 : i32
    %dma_start3A_80 = tpu.memref_slice %arg19[%dma_start3A_77, %dma_start3A_78, %dma_start3A_79] : memref<4x8x512xf32, #tpu.memory_space<vmem>> -> memref<1x8x512xf32, #tpu.memory_space<vmem>>
    %dma_start3A_81 = tpu.memref_squeeze %dma_start3A_80 : memref<1x8x512xf32, #tpu.memory_space<vmem>> -> memref<8x512xf32, #tpu.memory_space<vmem>>
    %dma_start3A_82 = arith.constant 0 : i32
    %dma_start3A_83 = arith.constant 999424 : i32
    %dma_start3A_84 = tpu.memref_slice %arg4[%dma_start3A_76, %dma_start3A_82, %dma_start3A_83] : memref<4x8x1000000xf32, #tpu.memory_space<hbm>> -> memref<1x8x512xf32, #tpu.memory_space<hbm>>
    %dma_start3A_85 = tpu.memref_squeeze %dma_start3A_84 : memref<1x8x512xf32, #tpu.memory_space<hbm>> -> memref<8x512xf32, #tpu.memory_space<hbm>>
    %dma_start3A_86 = arith.constant 0 : i32
    %dma_start3A_87 = arith.constant 0 : i32
    %dma_start3A_88 = tpu.memref_slice %arg19[%dma_start3A_77, %dma_start3A_86, %dma_start3A_87] : memref<4x8x512xf32, #tpu.memory_space<vmem>> -> memref<1x8x512xf32, #tpu.memory_space<vmem>>
    %dma_start3A_89 = tpu.memref_squeeze %dma_start3A_88 : memref<1x8x512xf32, #tpu.memory_space<vmem>> -> memref<8x512xf32, #tpu.memory_space<vmem>>
    %dma_start3A_90 = arith.constant 0 : i32
    %dma_start3A_91 = arith.constant 999424 : i32
    %dma_start3A_92 = tpu.memref_slice %arg4[%dma_start3A_76, %dma_start3A_90, %dma_start3A_91] : memref<4x8x1000000xf32, #tpu.memory_space<hbm>> -> memref<1x8x512xf32, #tpu.memory_space<hbm>>
    %dma_start3A_93 = tpu.memref_squeeze %dma_start3A_92 : memref<1x8x512xf32, #tpu.memory_space<hbm>> -> memref<8x512xf32, #tpu.memory_space<hbm>>
    tpu.enqueue_dma source(%dma_start3A_93 : memref<8x512xf32, #tpu.memory_space<hbm>>) target(%dma_start3A_89 : memref<8x512xf32, #tpu.memory_space<vmem>>) target_semaphore(%arg22 : memref<!tpu.dma_semaphore, #tpu.memory_space<semaphore_mem>>)
    %dma_start3A_94 = arith.constant 3 : i32
    %dma_start3A_95 = arith.constant 3 : i32
    %dma_start3A_96 = arith.constant 0 : i32
    %dma_start3A_97 = arith.constant 0 : i32
    %dma_start3A_98 = tpu.memref_slice %arg19[%dma_start3A_95, %dma_start3A_96, %dma_start3A_97] : memref<4x8x512xf32, #tpu.memory_space<vmem>> -> memref<1x8x512xf32, #tpu.memory_space<vmem>>
    %dma_start3A_99 = tpu.memref_squeeze %dma_start3A_98 : memref<1x8x512xf32, #tpu.memory_space<vmem>> -> memref<8x512xf32, #tpu.memory_space<vmem>>
    %dma_start3A_100 = arith.constant 0 : i32
    %dma_start3A_101 = arith.constant 999424 : i32
    %dma_start3A_102 = tpu.memref_slice %arg4[%dma_start3A_94, %dma_start3A_100, %dma_start3A_101] : memref<4x8x1000000xf32, #tpu.memory_space<hbm>> -> memref<1x8x512xf32, #tpu.memory_space<hbm>>
    %dma_start3A_103 = tpu.memref_squeeze %dma_start3A_102 : memref<1x8x512xf32, #tpu.memory_space<hbm>> -> memref<8x512xf32, #tpu.memory_space<hbm>>
    %dma_start3A_104 = arith.constant 0 : i32
    %dma_start3A_105 = arith.constant 0 : i32
    %dma_start3A_106 = tpu.memref_slice %arg19[%dma_start3A_95, %dma_start3A_104, %dma_start3A_105] : memref<4x8x512xf32, #tpu.memory_space<vmem>> -> memref<1x8x512xf32, #tpu.memory_space<vmem>>
    %dma_start3A_107 = tpu.memref_squeeze %dma_start3A_106 : memref<1x8x512xf32, #tpu.memory_space<vmem>> -> memref<8x512xf32, #tpu.memory_space<vmem>>
    %dma_start3A_108 = arith.constant 0 : i32
    %dma_start3A_109 = arith.constant 999424 : i32
    %dma_start3A_110 = tpu.memref_slice %arg4[%dma_start3A_94, %dma_start3A_108, %dma_start3A_109] : memref<4x8x1000000xf32, #tpu.memory_space<hbm>> -> memref<1x8x512xf32, #tpu.memory_space<hbm>>
    %dma_start3A_111 = tpu.memref_squeeze %dma_start3A_110 : memref<1x8x512xf32, #tpu.memory_space<hbm>> -> memref<8x512xf32, #tpu.memory_space<hbm>>
    tpu.enqueue_dma source(%dma_start3A_111 : memref<8x512xf32, #tpu.memory_space<hbm>>) target(%dma_start3A_107 : memref<8x512xf32, #tpu.memory_space<vmem>>) target_semaphore(%arg22 : memref<!tpu.dma_semaphore, #tpu.memory_space<semaphore_mem>>)
    "tpu.region"() ({
      %run_scoped3A = tpu.sem_alloc : memref<!tpu.dma_semaphore, #tpu.memory_space<semaphore_mem>>
      tpu.enqueue_dma source(%arg6 : memref<32x64xf32, #tpu.memory_space<hbm>>) target(%arg20 : memref<32x64xf32, #tpu.memory_space<vmem>>) target_semaphore(%run_scoped3A : memref<!tpu.dma_semaphore, #tpu.memory_space<semaphore_mem>>)
      tpu.wait_dma2 semaphore(%run_scoped3A : memref<!tpu.dma_semaphore, #tpu.memory_space<semaphore_mem>>) src(%arg6 : memref<32x64xf32, #tpu.memory_space<hbm>>) dst(%arg20 : memref<32x64xf32, #tpu.memory_space<vmem>>)
      tpu.yield
    }) : () -> ()
    %scan3A_112 = arith.constant 0 : i32
    %scan3A_113 = arith.constant 0 : i32
    %scan3A_114 = arith.constant 1024 : i32
    %scan3A_115 = arith.addi %scan3A_113, %scan3A_114 : i32
    %scan3A_116 = arith.constant 1 : i32
    %scan3A_117 = scf.for %scan3A_383 = %scan3A_113 to %scan3A_115 step %scan3A_116 iter_args(%scan3A_384 = %scan3A_112) -> (i32)  : i32 {
      %mul3A_385 = arith.constant 16 : i32
      %mul3A_386 = arith.muli %scan3A_383, %mul3A_385 : i32
      %get3A = arith.index_cast %mul3A_386 : i32 to index
      %get3A_387 = tpu.vector_load %arg10[%get3A] {strides = array<i32>} : memref<16384xi32, #tpu.memory_space<vmem>>, vector<16xi32>,
      %ge3A = arith.constant 999424 : i32
      %ge3A_388 = vector.broadcast %ge3A : i32 to vector<16xi32>
      %ge3A_389 = arith.cmpi sge, %get3A_387, %ge3A_388 : vector<16xi32>
      %mul3A_390 = arith.constant 16 : i32
      %mul3A_391 = arith.muli %scan3A_383, %mul3A_390 : i32
      %add3A_392 = vector.broadcast %mul3A_391 : i32 to vector<16xi32>
      %add3A_393 = arith.addi %iota3A, %add3A_392 : vector<16xi32>
      %swap3A = arith.index_cast %scan3A_384 : i32 to index
      %swap3A_394 = tpu.vector_load %arg16[%swap3A] masked %ge3A_389 {strides = array<i32>} : memref<256xi32, #tpu.memory_space<vmem>>, vector<16xi32>, vector<16xi1>
      tpu.vector_store %arg16[%swap3A], %add3A_393 masked %ge3A_389 {strides = array<i32>} : memref<256xi32, #tpu.memory_space<vmem>>, vector<16xi32>, vector<16xi1>
      %sub3A = arith.constant 999424 : i32
      %sub3A_395 = vector.broadcast %sub3A : i32 to vector<16xi32>
      %sub3A_396 = arith.subi %get3A_387, %sub3A_395 : vector<16xi32>
      %swap3A_397 = arith.index_cast %scan3A_384 : i32 to index
      %swap3A_398 = tpu.vector_load %arg17[%swap3A_397] masked %ge3A_389 {strides = array<i32>} : memref<256xi32, #tpu.memory_space<vmem>>, vector<16xi32>, vector<16xi1>
      tpu.vector_store %arg17[%swap3A_397], %sub3A_396 masked %ge3A_389 {strides = array<i32>} : memref<256xi32, #tpu.memory_space<vmem>>, vector<16xi32>, vector<16xi1>
      %all_reduce_population_count3A = tpu.all_reduce %ge3A_389 {dim = 0 : i64, kind = #tpu.reduction_kind<sum>} : vector<16xi1> -> vector<16xi32>
      %slice3A = vector.extract_strided_slice %all_reduce_population_count3A {offsets = [0], sizes = [1], strides = [1]} : vector<16xi32> to vector<1xi32>
      %squeeze3A = vector.extract %slice3A[0] : i32 from vector<1xi32>
      %add3A_399 = arith.addi %scan3A_384, %squeeze3A : i32
      scf.yield %add3A_399 : i32
    }
    %scan3A_118 = arith.constant 1024 : i32
    %dma_wait3A = arith.constant 0 : i32
    %dma_wait3A_119 = arith.constant 0 : i32
    %dma_wait3A_120 = arith.constant 0 : i32
    %dma_wait3A_121 = arith.constant 0 : i32
    %dma_wait3A_122 = tpu.memref_slice %arg19[%dma_wait3A_119, %dma_wait3A_120, %dma_wait3A_121] : memref<4x8x512xf32, #tpu.memory_space<vmem>> -> memref<1x8x512xf32, #tpu.memory_space<vmem>>
    %dma_wait3A_123 = tpu.memref_squeeze %dma_wait3A_122 : memref<1x8x512xf32, #tpu.memory_space<vmem>> -> memref<8x512xf32, #tpu.memory_space<vmem>>
    %dma_wait3A_124 = arith.constant 0 : i32
    %dma_wait3A_125 = arith.constant 0 : i32
    %dma_wait3A_126 = tpu.memref_slice %arg4[%dma_wait3A, %dma_wait3A_124, %dma_wait3A_125] : memref<4x8x1000000xf32, #tpu.memory_space<hbm>> -> memref<1x8x512xf32, #tpu.memory_space<hbm>>
    %dma_wait3A_127 = tpu.memref_squeeze %dma_wait3A_126 : memref<1x8x512xf32, #tpu.memory_space<hbm>> -> memref<8x512xf32, #tpu.memory_space<hbm>>
    %dma_wait3A_128 = arith.constant 0 : i32
    %dma_wait3A_129 = arith.constant 0 : i32
    %dma_wait3A_130 = tpu.memref_slice %arg19[%dma_wait3A_119, %dma_wait3A_128, %dma_wait3A_129] : memref<4x8x512xf32, #tpu.memory_space<vmem>> -> memref<1x8x512xf32, #tpu.memory_space<vmem>>
    %dma_wait3A_131 = tpu.memref_squeeze %dma_wait3A_130 : memref<1x8x512xf32, #tpu.memory_space<vmem>> -> memref<8x512xf32, #tpu.memory_space<vmem>>
    %dma_wait3A_132 = arith.constant 0 : i32
    %dma_wait3A_133 = arith.constant 0 : i32
    %dma_wait3A_134 = tpu.memref_slice %arg4[%dma_wait3A, %dma_wait3A_132, %dma_wait3A_133] : memref<4x8x1000000xf32, #tpu.memory_space<hbm>> -> memref<1x8x512xf32, #tpu.memory_space<hbm>>
    %dma_wait3A_135 = tpu.memref_squeeze %dma_wait3A_134 : memref<1x8x512xf32, #tpu.memory_space<hbm>> -> memref<8x512xf32, #tpu.memory_space<hbm>>
    tpu.wait_dma2 semaphore(%arg22 : memref<!tpu.dma_semaphore, #tpu.memory_space<semaphore_mem>>) src(%dma_wait3A_135 : memref<8x512xf32, #tpu.memory_space<hbm>>) dst(%dma_wait3A_131 : memref<8x512xf32, #tpu.memory_space<vmem>>)
    %dma_wait3A_136 = arith.constant 1 : i32
    %dma_wait3A_137 = arith.constant 1 : i32
    %dma_wait3A_138 = arith.constant 0 : i32
    %dma_wait3A_139 = arith.constant 0 : i32
    %dma_wait3A_140 = tpu.memref_slice %arg19[%dma_wait3A_137, %dma_wait3A_138, %dma_wait3A_139] : memref<4x8x512xf32, #tpu.memory_space<vmem>> -> memref<1x8x512xf32, #tpu.memory_space<vmem>>
    %dma_wait3A_141 = tpu.memref_squeeze %dma_wait3A_140 : memref<1x8x512xf32, #tpu.memory_space<vmem>> -> memref<8x512xf32, #tpu.memory_space<vmem>>
    %dma_wait3A_142 = arith.constant 0 : i32
    %dma_wait3A_143 = arith.constant 0 : i32
    %dma_wait3A_144 = tpu.memref_slice %arg4[%dma_wait3A_136, %dma_wait3A_142, %dma_wait3A_143] : memref<4x8x1000000xf32, #tpu.memory_space<hbm>> -> memref<1x8x512xf32, #tpu.memory_space<hbm>>
    %dma_wait3A_145 = tpu.memref_squeeze %dma_wait3A_144 : memref<1x8x512xf32, #tpu.memory_space<hbm>> -> memref<8x512xf32, #tpu.memory_space<hbm>>
    %dma_wait3A_146 = arith.constant 0 : i32
    %dma_wait3A_147 = arith.constant 0 : i32
    %dma_wait3A_148 = tpu.memref_slice %arg19[%dma_wait3A_137, %dma_wait3A_146, %dma_wait3A_147] : memref<4x8x512xf32, #tpu.memory_space<vmem>> -> memref<1x8x512xf32, #tpu.memory_space<vmem>>
    %dma_wait3A_149 = tpu.memref_squeeze %dma_wait3A_148 : memref<1x8x512xf32, #tpu.memory_space<vmem>> -> memref<8x512xf32, #tpu.memory_space<vmem>>
    %dma_wait3A_150 = arith.constant 0 : i32
    %dma_wait3A_151 = arith.constant 0 : i32
    %dma_wait3A_152 = tpu.memref_slice %arg4[%dma_wait3A_136, %dma_wait3A_150, %dma_wait3A_151] : memref<4x8x1000000xf32, #tpu.memory_space<hbm>> -> memref<1x8x512xf32, #tpu.memory_space<hbm>>
    %dma_wait3A_153 = tpu.memref_squeeze %dma_wait3A_152 : memref<1x8x512xf32, #tpu.memory_space<hbm>> -> memref<8x512xf32, #tpu.memory_space<hbm>>
    tpu.wait_dma2 semaphore(%arg22 : memref<!tpu.dma_semaphore, #tpu.memory_space<semaphore_mem>>) src(%dma_wait3A_153 : memref<8x512xf32, #tpu.memory_space<hbm>>) dst(%dma_wait3A_149 : memref<8x512xf32, #tpu.memory_space<vmem>>)
    %dma_wait3A_154 = arith.constant 2 : i32
    %dma_wait3A_155 = arith.constant 2 : i32
    %dma_wait3A_156 = arith.constant 0 : i32
    %dma_wait3A_157 = arith.constant 0 : i32
    %dma_wait3A_158 = tpu.memref_slice %arg19[%dma_wait3A_155, %dma_wait3A_156, %dma_wait3A_157] : memref<4x8x512xf32, #tpu.memory_space<vmem>> -> memref<1x8x512xf32, #tpu.memory_space<vmem>>
    %dma_wait3A_159 = tpu.memref_squeeze %dma_wait3A_158 : memref<1x8x512xf32, #tpu.memory_space<vmem>> -> memref<8x512xf32, #tpu.memory_space<vmem>>
    %dma_wait3A_160 = arith.constant 0 : i32
    %dma_wait3A_161 = arith.constant 0 : i32
    %dma_wait3A_162 = tpu.memref_slice %arg4[%dma_wait3A_154, %dma_wait3A_160, %dma_wait3A_161] : memref<4x8x1000000xf32, #tpu.memory_space<hbm>> -> memref<1x8x512xf32, #tpu.memory_space<hbm>>
    %dma_wait3A_163 = tpu.memref_squeeze %dma_wait3A_162 : memref<1x8x512xf32, #tpu.memory_space<hbm>> -> memref<8x512xf32, #tpu.memory_space<hbm>>
    %dma_wait3A_164 = arith.constant 0 : i32
    %dma_wait3A_165 = arith.constant 0 : i32
    %dma_wait3A_166 = tpu.memref_slice %arg19[%dma_wait3A_155, %dma_wait3A_164, %dma_wait3A_165] : memref<4x8x512xf32, #tpu.memory_space<vmem>> -> memref<1x8x512xf32, #tpu.memory_space<vmem>>
    %dma_wait3A_167 = tpu.memref_squeeze %dma_wait3A_166 : memref<1x8x512xf32, #tpu.memory_space<vmem>> -> memref<8x512xf32, #tpu.memory_space<vmem>>
    %dma_wait3A_168 = arith.constant 0 : i32
    %dma_wait3A_169 = arith.constant 0 : i32
    %dma_wait3A_170 = tpu.memref_slice %arg4[%dma_wait3A_154, %dma_wait3A_168, %dma_wait3A_169] : memref<4x8x1000000xf32, #tpu.memory_space<hbm>> -> memref<1x8x512xf32, #tpu.memory_space<hbm>>
    %dma_wait3A_171 = tpu.memref_squeeze %dma_wait3A_170 : memref<1x8x512xf32, #tpu.memory_space<hbm>> -> memref<8x512xf32, #tpu.memory_space<hbm>>
    tpu.wait_dma2 semaphore(%arg22 : memref<!tpu.dma_semaphore, #tpu.memory_space<semaphore_mem>>) src(%dma_wait3A_171 : memref<8x512xf32, #tpu.memory_space<hbm>>) dst(%dma_wait3A_167 : memref<8x512xf32, #tpu.memory_space<vmem>>)
    %dma_wait3A_172 = arith.constant 3 : i32
    %dma_wait3A_173 = arith.constant 3 : i32
    %dma_wait3A_174 = arith.constant 0 : i32
    %dma_wait3A_175 = arith.constant 0 : i32
    %dma_wait3A_176 = tpu.memref_slice %arg19[%dma_wait3A_173, %dma_wait3A_174, %dma_wait3A_175] : memref<4x8x512xf32, #tpu.memory_space<vmem>> -> memref<1x8x512xf32, #tpu.memory_space<vmem>>
    %dma_wait3A_177 = tpu.memref_squeeze %dma_wait3A_176 : memref<1x8x512xf32, #tpu.memory_space<vmem>> -> memref<8x512xf32, #tpu.memory_space<vmem>>
    %dma_wait3A_178 = arith.constant 0 : i32
    %dma_wait3A_179 = arith.constant 0 : i32
    %dma_wait3A_180 = tpu.memref_slice %arg4[%dma_wait3A_172, %dma_wait3A_178, %dma_wait3A_179] : memref<4x8x1000000xf32, #tpu.memory_space<hbm>> -> memref<1x8x512xf32, #tpu.memory_space<hbm>>
    %dma_wait3A_181 = tpu.memref_squeeze %dma_wait3A_180 : memref<1x8x512xf32, #tpu.memory_space<hbm>> -> memref<8x512xf32, #tpu.memory_space<hbm>>
    %dma_wait3A_182 = arith.constant 0 : i32
    %dma_wait3A_183 = arith.constant 0 : i32
    %dma_wait3A_184 = tpu.memref_slice %arg19[%dma_wait3A_173, %dma_wait3A_182, %dma_wait3A_183] : memref<4x8x512xf32, #tpu.memory_space<vmem>> -> memref<1x8x512xf32, #tpu.memory_space<vmem>>
    %dma_wait3A_185 = tpu.memref_squeeze %dma_wait3A_184 : memref<1x8x512xf32, #tpu.memory_space<vmem>> -> memref<8x512xf32, #tpu.memory_space<vmem>>
    %dma_wait3A_186 = arith.constant 0 : i32
    %dma_wait3A_187 = arith.constant 0 : i32
    %dma_wait3A_188 = tpu.memref_slice %arg4[%dma_wait3A_172, %dma_wait3A_186, %dma_wait3A_187] : memref<4x8x1000000xf32, #tpu.memory_space<hbm>> -> memref<1x8x512xf32, #tpu.memory_space<hbm>>
    %dma_wait3A_189 = tpu.memref_squeeze %dma_wait3A_188 : memref<1x8x512xf32, #tpu.memory_space<hbm>> -> memref<8x512xf32, #tpu.memory_space<hbm>>
    tpu.wait_dma2 semaphore(%arg22 : memref<!tpu.dma_semaphore, #tpu.memory_space<semaphore_mem>>) src(%dma_wait3A_189 : memref<8x512xf32, #tpu.memory_space<hbm>>) dst(%dma_wait3A_185 : memref<8x512xf32, #tpu.memory_space<vmem>>)
    %while3A = arith.constant 0 : i32
    %while3A_190 = arith.constant 0 : i32
    %while3A_191 = arith.subi %scan3A_117, %while3A_190 : i32
    %while3A_192 = arith.addi %while3A_190, %while3A_191 : i32
    %while3A_193 = arith.constant 1 : i32
    %while3A_194 = arith.divsi %while3A_191, %while3A_193 : i32
    %while3A_195 = arith.muli %while3A_194, %while3A_193 : i32
    %while3A_196 = arith.addi %while3A_190, %while3A_195 : i32
    %while3A_197 = arith.constant 1 : i32
    scf.for %while3A_383 = %while3A_190 to %while3A_196 step %while3A_197  : i32 {
      %broadcast_in_dim3A_384 = vector.broadcast %while3A_383 : i32 to vector<16xi32>
      %gather3A = tpu.vector_load_idx %arg16[%broadcast_in_dim3A_384] : memref<256xi32, #tpu.memory_space<vmem>>[vector<16xi32>], vector<16xi32>,
      %broadcast_in_dim3A_385 = vector.broadcast %while3A_383 : i32 to vector<16xi32>
      %gather3A_386 = tpu.vector_load_idx %arg17[%broadcast_in_dim3A_385] : memref<256xi32, #tpu.memory_space<vmem>>[vector<16xi32>], vector<16xi32>,
      %slice3A = vector.extract_strided_slice %gather3A {offsets = [0], sizes = [1], strides = [1]} : vector<16xi32> to vector<1xi32>
      %squeeze3A = vector.extract %slice3A[0] : i32 from vector<1xi32>
      %slice3A_387 = vector.extract_strided_slice %gather3A_386 {offsets = [0], sizes = [1], strides = [1]} : vector<16xi32> to vector<1xi32>
      %squeeze3A_388 = vector.extract %slice3A_387[0] : i32 from vector<1xi32>
      %lt3A_389 = arith.constant 512 : i32
      %lt3A_390 = arith.cmpi slt, %squeeze3A_388, %lt3A_389 : i32
      %convert_element_type3A_391 = arith.extui %lt3A_390 : i1 to i32
      %cond3A_392 = arith.constant 0 : i32
      %cond3A_393 = arith.cmpi ne, %convert_element_type3A_391, %cond3A_392 : i32
      %cond3A_394:2 = scf.if %cond3A_393 -> (vector<16xf32>, vector<16xf32>) {
        %gather3A_415 = tpu.vector_load_idx %arg19[%shift_right_logical3A_2, %and3A_4, %gather3A_386] : memref<4x8x512xf32, #tpu.memory_space<vmem>>[vector<16xi32>, vector<16xi32>, vector<16xi32>], vector<16xf32>,
        %gather3A_416 = tpu.vector_load_idx %arg19[%add3A_7, %and3A_4, %gather3A_386] : memref<4x8x512xf32, #tpu.memory_space<vmem>>[vector<16xi32>, vector<16xi32>, vector<16xi32>], vector<16xf32>,
        scf.yield %gather3A_415, %gather3A_416 : vector<16xf32>, vector<16xf32>
      } else {
        %sub3A = arith.constant 512 : i32
        %sub3A_415 = vector.broadcast %sub3A : i32 to vector<16xi32>
        %sub3A_416 = arith.subi %gather3A_386, %sub3A_415 : vector<16xi32>
        %mul3A_417 = arith.constant 8 : i32
        %mul3A_418 = vector.broadcast %mul3A_417 : i32 to vector<16xi32>
        %mul3A_419 = arith.muli %shift_right_logical3A_2, %mul3A_418 : vector<16xi32>
        %add3A_420 = arith.addi %mul3A_419, %and3A_4 : vector<16xi32>
        %gather3A_421 = tpu.vector_load_idx %arg20[%add3A_420, %sub3A_416] : memref<32x64xf32, #tpu.memory_space<vmem>>[vector<16xi32>, vector<16xi32>], vector<16xf32>,
        %add3A_422 = arith.constant 16 : i32
        %add3A_423 = vector.broadcast %add3A_422 : i32 to vector<16xi32>
        %add3A_424 = arith.addi %add3A_420, %add3A_423 : vector<16xi32>
        %gather3A_425 = tpu.vector_load_idx %arg20[%add3A_424, %sub3A_416] : memref<32x64xf32, #tpu.memory_space<vmem>>[vector<16xi32>, vector<16xi32>], vector<16xf32>,
        scf.yield %gather3A_421, %gather3A_425 : vector<16xf32>, vector<16xf32>
      }
      %rem3A = arith.constant 16 : i32
      %rem3A_395 = arith.remsi %while3A_383, %rem3A : i32
      %swap3A = arith.index_cast %rem3A_395 : i32 to index
      %swap3A_396 = arith.constant 0 : index
      %swap3A_397 = tpu.vector_load %arg21[%swap3A, %swap3A_396] {strides = array<i32>} : memref<16x32xf32, #tpu.memory_space<vmem>>, vector<16xf32>,
      tpu.vector_store %arg21[%swap3A, %swap3A_396], %cond3A_394#0 {strides = array<i32>} : memref<16x32xf32, #tpu.memory_space<vmem>>, vector<16xf32>,
      %swap3A_398 = arith.index_cast %rem3A_395 : i32 to index
      %swap3A_399 = arith.constant 16 : index
      %swap3A_400 = tpu.vector_load %arg21[%swap3A_398, %swap3A_399] {strides = array<i32>} : memref<16x32xf32, #tpu.memory_space<vmem>>, vector<16xf32>,
      tpu.vector_store %arg21[%swap3A_398, %swap3A_399], %cond3A_394#1 {strides = array<i32>} : memref<16x32xf32, #tpu.memory_space<vmem>>, vector<16xf32>,
      %mul3A_401 = arith.constant 32 : i32
      %mul3A_402 = arith.muli %squeeze3A, %mul3A_401 : i32
      %dma_start3A_403 = arith.constant 0 : i32
      %dma_start3A_404 = tpu.memref_slice %arg21[%rem3A_395, %dma_start3A_403] : memref<16x32xf32, #tpu.memory_space<vmem>> -> memref<1x32xf32, #tpu.memory_space<vmem>>
      %dma_start3A_405 = tpu.memref_squeeze %dma_start3A_404 : memref<1x32xf32, #tpu.memory_space<vmem>> -> memref<32xf32, #tpu.memory_space<vmem>>
      %dma_start3A_406 = tpu.memref_slice %arg8[%mul3A_402] : memref<524288xf32, #tpu.memory_space<hbm>> -> memref<32xf32, #tpu.memory_space<hbm>>
      %dma_start3A_407 = tpu.memref_slice %arg8[%mul3A_402] : memref<524288xf32, #tpu.memory_space<hbm>> -> memref<32xf32, #tpu.memory_space<hbm>>
      %dma_start3A_408 = arith.constant 0 : i32
      %dma_start3A_409 = tpu.memref_slice %arg21[%rem3A_395, %dma_start3A_408] : memref<16x32xf32, #tpu.memory_space<vmem>> -> memref<1x32xf32, #tpu.memory_space<vmem>>
      %dma_start3A_410 = tpu.memref_squeeze %dma_start3A_409 : memref<1x32xf32, #tpu.memory_space<vmem>> -> memref<32xf32, #tpu.memory_space<vmem>>
      tpu.enqueue_dma source(%dma_start3A_410 : memref<32xf32, #tpu.memory_space<vmem>>) target(%dma_start3A_407 : memref<32xf32, #tpu.memory_space<hbm>>) target_semaphore(%arg23 : memref<!tpu.dma_semaphore, #tpu.memory_space<semaphore_mem>>)
      %ge3A = arith.constant 12 : i32
      %ge3A_411 = arith.cmpi sge, %while3A_383, %ge3A : i32
      %convert_element_type3A_412 = arith.extui %ge3A_411 : i1 to i32
      %cond3A_413 = arith.constant 0 : i32
      %cond3A_414 = arith.cmpi ne, %convert_element_type3A_412, %cond3A_413 : i32
      scf.if %cond3A_414 {
        %dma_wait3A_415 = arith.constant 0 : i32
        %dma_wait3A_416 = arith.constant 0 : i32
        %dma_wait3A_417 = tpu.memref_slice %arg21[%dma_wait3A_415, %dma_wait3A_416] : memref<16x32xf32, #tpu.memory_space<vmem>> -> memref<1x32xf32, #tpu.memory_space<vmem>>
        %dma_wait3A_418 = tpu.memref_squeeze %dma_wait3A_417 : memref<1x32xf32, #tpu.memory_space<vmem>> -> memref<32xf32, #tpu.memory_space<vmem>>
        %dma_wait3A_419 = arith.constant 0 : i32
        %dma_wait3A_420 = tpu.memref_slice %arg8[%dma_wait3A_419] : memref<524288xf32, #tpu.memory_space<hbm>> -> memref<32xf32, #tpu.memory_space<hbm>>
        %dma_wait3A_421 = arith.constant 0 : i32
        %dma_wait3A_422 = tpu.memref_slice %arg21[%dma_wait3A_415, %dma_wait3A_421] : memref<16x32xf32, #tpu.memory_space<vmem>> -> memref<1x32xf32, #tpu.memory_space<vmem>>
        %dma_wait3A_423 = tpu.memref_squeeze %dma_wait3A_422 : memref<1x32xf32, #tpu.memory_space<vmem>> -> memref<32xf32, #tpu.memory_space<vmem>>
        %dma_wait3A_424 = arith.constant 0 : i32
        %dma_wait3A_425 = tpu.memref_slice %arg8[%dma_wait3A_424] : memref<524288xf32, #tpu.memory_space<hbm>> -> memref<32xf32, #tpu.memory_space<hbm>>
        tpu.wait_dma2 semaphore(%arg23 : memref<!tpu.dma_semaphore, #tpu.memory_space<semaphore_mem>>) src(%dma_wait3A_425 : memref<32xf32, #tpu.memory_space<hbm>>) dst(%dma_wait3A_423 : memref<32xf32, #tpu.memory_space<vmem>>)
      } else {
      }
    }
    %while3A_198 = arith.constant 1 : i32
    scf.for %while3A_383 = %while3A_196 to %while3A_192 step %while3A_198  : i32 {
      %broadcast_in_dim3A_384 = vector.broadcast %while3A_383 : i32 to vector<16xi32>
      %gather3A = tpu.vector_load_idx %arg16[%broadcast_in_dim3A_384] : memref<256xi32, #tpu.memory_space<vmem>>[vector<16xi32>], vector<16xi32>,
      %broadcast_in_dim3A_385 = vector.broadcast %while3A_383 : i32 to vector<16xi32>
      %gather3A_386 = tpu.vector_load_idx %arg17[%broadcast_in_dim3A_385] : memref<256xi32, #tpu.memory_space<vmem>>[vector<16xi32>], vector<16xi32>,
      %slice3A = vector.extract_strided_slice %gather3A {offsets = [0], sizes = [1], strides = [1]} : vector<16xi32> to vector<1xi32>
      %squeeze3A = vector.extract %slice3A[0] : i32 from vector<1xi32>
      %slice3A_387 = vector.extract_strided_slice %gather3A_386 {offsets = [0], sizes = [1], strides = [1]} : vector<16xi32> to vector<1xi32>
      %squeeze3A_388 = vector.extract %slice3A_387[0] : i32 from vector<1xi32>
      %lt3A_389 = arith.constant 512 : i32
      %lt3A_390 = arith.cmpi slt, %squeeze3A_388, %lt3A_389 : i32
      %convert_element_type3A_391 = arith.extui %lt3A_390 : i1 to i32
      %cond3A_392 = arith.constant 0 : i32
      %cond3A_393 = arith.cmpi ne, %convert_element_type3A_391, %cond3A_392 : i32
      %cond3A_394:2 = scf.if %cond3A_393 -> (vector<16xf32>, vector<16xf32>) {
        %gather3A_415 = tpu.vector_load_idx %arg19[%shift_right_logical3A_2, %and3A_4, %gather3A_386] : memref<4x8x512xf32, #tpu.memory_space<vmem>>[vector<16xi32>, vector<16xi32>, vector<16xi32>], vector<16xf32>,
        %gather3A_416 = tpu.vector_load_idx %arg19[%add3A_7, %and3A_4, %gather3A_386] : memref<4x8x512xf32, #tpu.memory_space<vmem>>[vector<16xi32>, vector<16xi32>, vector<16xi32>], vector<16xf32>,
        scf.yield %gather3A_415, %gather3A_416 : vector<16xf32>, vector<16xf32>
      } else {
        %sub3A = arith.constant 512 : i32
        %sub3A_415 = vector.broadcast %sub3A : i32 to vector<16xi32>
        %sub3A_416 = arith.subi %gather3A_386, %sub3A_415 : vector<16xi32>
        %mul3A_417 = arith.constant 8 : i32
        %mul3A_418 = vector.broadcast %mul3A_417 : i32 to vector<16xi32>
        %mul3A_419 = arith.muli %shift_right_logical3A_2, %mul3A_418 : vector<16xi32>
        %add3A_420 = arith.addi %mul3A_419, %and3A_4 : vector<16xi32>
        %gather3A_421 = tpu.vector_load_idx %arg20[%add3A_420, %sub3A_416] : memref<32x64xf32, #tpu.memory_space<vmem>>[vector<16xi32>, vector<16xi32>], vector<16xf32>,
        %add3A_422 = arith.constant 16 : i32
        %add3A_423 = vector.broadcast %add3A_422 : i32 to vector<16xi32>
        %add3A_424 = arith.addi %add3A_420, %add3A_423 : vector<16xi32>
        %gather3A_425 = tpu.vector_load_idx %arg20[%add3A_424, %sub3A_416] : memref<32x64xf32, #tpu.memory_space<vmem>>[vector<16xi32>, vector<16xi32>], vector<16xf32>,
        scf.yield %gather3A_421, %gather3A_425 : vector<16xf32>, vector<16xf32>
      }
      %rem3A = arith.constant 16 : i32
      %rem3A_395 = arith.remsi %while3A_383, %rem3A : i32
      %swap3A = arith.index_cast %rem3A_395 : i32 to index
      %swap3A_396 = arith.constant 0 : index
      %swap3A_397 = tpu.vector_load %arg21[%swap3A, %swap3A_396] {strides = array<i32>} : memref<16x32xf32, #tpu.memory_space<vmem>>, vector<16xf32>,
      tpu.vector_store %arg21[%swap3A, %swap3A_396], %cond3A_394#0 {strides = array<i32>} : memref<16x32xf32, #tpu.memory_space<vmem>>, vector<16xf32>,
      %swap3A_398 = arith.index_cast %rem3A_395 : i32 to index
      %swap3A_399 = arith.constant 16 : index
      %swap3A_400 = tpu.vector_load %arg21[%swap3A_398, %swap3A_399] {strides = array<i32>} : memref<16x32xf32, #tpu.memory_space<vmem>>, vector<16xf32>,
      tpu.vector_store %arg21[%swap3A_398, %swap3A_399], %cond3A_394#1 {strides = array<i32>} : memref<16x32xf32, #tpu.memory_space<vmem>>, vector<16xf32>,
      %mul3A_401 = arith.constant 32 : i32
      %mul3A_402 = arith.muli %squeeze3A, %mul3A_401 : i32
      %dma_start3A_403 = arith.constant 0 : i32
      %dma_start3A_404 = tpu.memref_slice %arg21[%rem3A_395, %dma_start3A_403] : memref<16x32xf32, #tpu.memory_space<vmem>> -> memref<1x32xf32, #tpu.memory_space<vmem>>
      %dma_start3A_405 = tpu.memref_squeeze %dma_start3A_404 : memref<1x32xf32, #tpu.memory_space<vmem>> -> memref<32xf32, #tpu.memory_space<vmem>>
      %dma_start3A_406 = tpu.memref_slice %arg8[%mul3A_402] : memref<524288xf32, #tpu.memory_space<hbm>> -> memref<32xf32, #tpu.memory_space<hbm>>
      %dma_start3A_407 = tpu.memref_slice %arg8[%mul3A_402] : memref<524288xf32, #tpu.memory_space<hbm>> -> memref<32xf32, #tpu.memory_space<hbm>>
      %dma_start3A_408 = arith.constant 0 : i32
      %dma_start3A_409 = tpu.memref_slice %arg21[%rem3A_395, %dma_start3A_408] : memref<16x32xf32, #tpu.memory_space<vmem>> -> memref<1x32xf32, #tpu.memory_space<vmem>>
      %dma_start3A_410 = tpu.memref_squeeze %dma_start3A_409 : memref<1x32xf32, #tpu.memory_space<vmem>> -> memref<32xf32, #tpu.memory_space<vmem>>
      tpu.enqueue_dma source(%dma_start3A_410 : memref<32xf32, #tpu.memory_space<vmem>>) target(%dma_start3A_407 : memref<32xf32, #tpu.memory_space<hbm>>) target_semaphore(%arg23 : memref<!tpu.dma_semaphore, #tpu.memory_space<semaphore_mem>>)
      %ge3A = arith.constant 12 : i32
      %ge3A_411 = arith.cmpi sge, %while3A_383, %ge3A : i32
      %convert_element_type3A_412 = arith.extui %ge3A_411 : i1 to i32
      %cond3A_413 = arith.constant 0 : i32
      %cond3A_414 = arith.cmpi ne, %convert_element_type3A_412, %cond3A_413 : i32
      scf.if %cond3A_414 {
        %dma_wait3A_415 = arith.constant 0 : i32
        %dma_wait3A_416 = arith.constant 0 : i32
        %dma_wait3A_417 = tpu.memref_slice %arg21[%dma_wait3A_415, %dma_wait3A_416] : memref<16x32xf32, #tpu.memory_space<vmem>> -> memref<1x32xf32, #tpu.memory_space<vmem>>
        %dma_wait3A_418 = tpu.memref_squeeze %dma_wait3A_417 : memref<1x32xf32, #tpu.memory_space<vmem>> -> memref<32xf32, #tpu.memory_space<vmem>>
        %dma_wait3A_419 = arith.constant 0 : i32
        %dma_wait3A_420 = tpu.memref_slice %arg8[%dma_wait3A_419] : memref<524288xf32, #tpu.memory_space<hbm>> -> memref<32xf32, #tpu.memory_space<hbm>>
        %dma_wait3A_421 = arith.constant 0 : i32
        %dma_wait3A_422 = tpu.memref_slice %arg21[%dma_wait3A_415, %dma_wait3A_421] : memref<16x32xf32, #tpu.memory_space<vmem>> -> memref<1x32xf32, #tpu.memory_space<vmem>>
        %dma_wait3A_423 = tpu.memref_squeeze %dma_wait3A_422 : memref<1x32xf32, #tpu.memory_space<vmem>> -> memref<32xf32, #tpu.memory_space<vmem>>
        %dma_wait3A_424 = arith.constant 0 : i32
        %dma_wait3A_425 = tpu.memref_slice %arg8[%dma_wait3A_424] : memref<524288xf32, #tpu.memory_space<hbm>> -> memref<32xf32, #tpu.memory_space<hbm>>
        tpu.wait_dma2 semaphore(%arg23 : memref<!tpu.dma_semaphore, #tpu.memory_space<semaphore_mem>>) src(%dma_wait3A_425 : memref<32xf32, #tpu.memory_space<hbm>>) dst(%dma_wait3A_423 : memref<32xf32, #tpu.memory_space<vmem>>)
      } else {
      }
    }
    %min3A = arith.constant 12 : i32
    %min3A_199 = arith.minsi %scan3A_117, %min3A : i32
    %while3A_200 = arith.constant 0 : i32
    %while3A_201 = arith.constant 0 : i32
    %while3A_202 = arith.subi %min3A_199, %while3A_201 : i32
    %while3A_203 = arith.addi %while3A_201, %while3A_202 : i32
    %while3A_204 = arith.constant 1 : i32
    %while3A_205 = arith.divsi %while3A_202, %while3A_204 : i32
    %while3A_206 = arith.muli %while3A_205, %while3A_204 : i32
    %while3A_207 = arith.addi %while3A_201, %while3A_206 : i32
    %while3A_208 = arith.constant 1 : i32
    scf.for %while3A_383 = %while3A_201 to %while3A_207 step %while3A_208  : i32 {
      %dma_wait3A_384 = arith.constant 0 : i32
      %dma_wait3A_385 = arith.constant 0 : i32
      %dma_wait3A_386 = tpu.memref_slice %arg21[%dma_wait3A_384, %dma_wait3A_385] : memref<16x32xf32, #tpu.memory_space<vmem>> -> memref<1x32xf32, #tpu.memory_space<vmem>>
      %dma_wait3A_387 = tpu.memref_squeeze %dma_wait3A_386 : memref<1x32xf32, #tpu.memory_space<vmem>> -> memref<32xf32, #tpu.memory_space<vmem>>
      %dma_wait3A_388 = arith.constant 0 : i32
      %dma_wait3A_389 = tpu.memref_slice %arg8[%dma_wait3A_388] : memref<524288xf32, #tpu.memory_space<hbm>> -> memref<32xf32, #tpu.memory_space<hbm>>
      %dma_wait3A_390 = arith.constant 0 : i32
      %dma_wait3A_391 = tpu.memref_slice %arg21[%dma_wait3A_384, %dma_wait3A_390] : memref<16x32xf32, #tpu.memory_space<vmem>> -> memref<1x32xf32, #tpu.memory_space<vmem>>
      %dma_wait3A_392 = tpu.memref_squeeze %dma_wait3A_391 : memref<1x32xf32, #tpu.memory_space<vmem>> -> memref<32xf32, #tpu.memory_space<vmem>>
      %dma_wait3A_393 = arith.constant 0 : i32
      %dma_wait3A_394 = tpu.memref_slice %arg8[%dma_wait3A_393] : memref<524288xf32, #tpu.memory_space<hbm>> -> memref<32xf32, #tpu.memory_space<hbm>>
      tpu.wait_dma2 semaphore(%arg23 : memref<!tpu.dma_semaphore, #tpu.memory_space<semaphore_mem>>) src(%dma_wait3A_394 : memref<32xf32, #tpu.memory_space<hbm>>) dst(%dma_wait3A_392 : memref<32xf32, #tpu.memory_space<vmem>>)
    }
    %while3A_209 = arith.constant 1 : i32
    scf.for %while3A_383 = %while3A_207 to %while3A_203 step %while3A_209  : i32 {
      %dma_wait3A_384 = arith.constant 0 : i32
      %dma_wait3A_385 = arith.constant 0 : i32
      %dma_wait3A_386 = tpu.memref_slice %arg21[%dma_wait3A_384, %dma_wait3A_385] : memref<16x32xf32, #tpu.memory_space<vmem>> -> memref<1x32xf32, #tpu.memory_space<vmem>>
      %dma_wait3A_387 = tpu.memref_squeeze %dma_wait3A_386 : memref<1x32xf32, #tpu.memory_space<vmem>> -> memref<32xf32, #tpu.memory_space<vmem>>
      %dma_wait3A_388 = arith.constant 0 : i32
      %dma_wait3A_389 = tpu.memref_slice %arg8[%dma_wait3A_388] : memref<524288xf32, #tpu.memory_space<hbm>> -> memref<32xf32, #tpu.memory_space<hbm>>
      %dma_wait3A_390 = arith.constant 0 : i32
      %dma_wait3A_391 = tpu.memref_slice %arg21[%dma_wait3A_384, %dma_wait3A_390] : memref<16x32xf32, #tpu.memory_space<vmem>> -> memref<1x32xf32, #tpu.memory_space<vmem>>
      %dma_wait3A_392 = tpu.memref_squeeze %dma_wait3A_391 : memref<1x32xf32, #tpu.memory_space<vmem>> -> memref<32xf32, #tpu.memory_space<vmem>>
      %dma_wait3A_393 = arith.constant 0 : i32
      %dma_wait3A_394 = tpu.memref_slice %arg8[%dma_wait3A_393] : memref<524288xf32, #tpu.memory_space<hbm>> -> memref<32xf32, #tpu.memory_space<hbm>>
      tpu.wait_dma2 semaphore(%arg23 : memref<!tpu.dma_semaphore, #tpu.memory_space<semaphore_mem>>) src(%dma_wait3A_394 : memref<32xf32, #tpu.memory_space<hbm>>) dst(%dma_wait3A_392 : memref<32xf32, #tpu.memory_space<vmem>>)
    }
    %dma_start3A_210 = arith.constant 0 : i32
    %dma_start3A_211 = arith.constant 0 : i32
    %dma_start3A_212 = arith.constant 0 : i32
    %dma_start3A_213 = arith.constant 0 : i32
    %dma_start3A_214 = tpu.memref_slice %arg19[%dma_start3A_211, %dma_start3A_212, %dma_start3A_213] : memref<4x8x512xf32, #tpu.memory_space<vmem>> -> memref<1x8x512xf32, #tpu.memory_space<vmem>>
    %dma_start3A_215 = tpu.memref_squeeze %dma_start3A_214 : memref<1x8x512xf32, #tpu.memory_space<vmem>> -> memref<8x512xf32, #tpu.memory_space<vmem>>
    %dma_start3A_216 = arith.constant 0 : i32
    %dma_start3A_217 = arith.constant 999424 : i32
    %dma_start3A_218 = tpu.memref_slice %arg5[%dma_start3A_210, %dma_start3A_216, %dma_start3A_217] : memref<4x8x1000000xf32, #tpu.memory_space<hbm>> -> memref<1x8x512xf32, #tpu.memory_space<hbm>>
    %dma_start3A_219 = tpu.memref_squeeze %dma_start3A_218 : memref<1x8x512xf32, #tpu.memory_space<hbm>> -> memref<8x512xf32, #tpu.memory_space<hbm>>
    %dma_start3A_220 = arith.constant 0 : i32
    %dma_start3A_221 = arith.constant 0 : i32
    %dma_start3A_222 = tpu.memref_slice %arg19[%dma_start3A_211, %dma_start3A_220, %dma_start3A_221] : memref<4x8x512xf32, #tpu.memory_space<vmem>> -> memref<1x8x512xf32, #tpu.memory_space<vmem>>
    %dma_start3A_223 = tpu.memref_squeeze %dma_start3A_222 : memref<1x8x512xf32, #tpu.memory_space<vmem>> -> memref<8x512xf32, #tpu.memory_space<vmem>>
    %dma_start3A_224 = arith.constant 0 : i32
    %dma_start3A_225 = arith.constant 999424 : i32
    %dma_start3A_226 = tpu.memref_slice %arg5[%dma_start3A_210, %dma_start3A_224, %dma_start3A_225] : memref<4x8x1000000xf32, #tpu.memory_space<hbm>> -> memref<1x8x512xf32, #tpu.memory_space<hbm>>
    %dma_start3A_227 = tpu.memref_squeeze %dma_start3A_226 : memref<1x8x512xf32, #tpu.memory_space<hbm>> -> memref<8x512xf32, #tpu.memory_space<hbm>>
    tpu.enqueue_dma source(%dma_start3A_227 : memref<8x512xf32, #tpu.memory_space<hbm>>) target(%dma_start3A_223 : memref<8x512xf32, #tpu.memory_space<vmem>>) target_semaphore(%arg22 : memref<!tpu.dma_semaphore, #tpu.memory_space<semaphore_mem>>)
    %dma_start3A_228 = arith.constant 1 : i32
    %dma_start3A_229 = arith.constant 1 : i32
    %dma_start3A_230 = arith.constant 0 : i32
    %dma_start3A_231 = arith.constant 0 : i32
    %dma_start3A_232 = tpu.memref_slice %arg19[%dma_start3A_229, %dma_start3A_230, %dma_start3A_231] : memref<4x8x512xf32, #tpu.memory_space<vmem>> -> memref<1x8x512xf32, #tpu.memory_space<vmem>>
    %dma_start3A_233 = tpu.memref_squeeze %dma_start3A_232 : memref<1x8x512xf32, #tpu.memory_space<vmem>> -> memref<8x512xf32, #tpu.memory_space<vmem>>
    %dma_start3A_234 = arith.constant 0 : i32
    %dma_start3A_235 = arith.constant 999424 : i32
    %dma_start3A_236 = tpu.memref_slice %arg5[%dma_start3A_228, %dma_start3A_234, %dma_start3A_235] : memref<4x8x1000000xf32, #tpu.memory_space<hbm>> -> memref<1x8x512xf32, #tpu.memory_space<hbm>>
    %dma_start3A_237 = tpu.memref_squeeze %dma_start3A_236 : memref<1x8x512xf32, #tpu.memory_space<hbm>> -> memref<8x512xf32, #tpu.memory_space<hbm>>
    %dma_start3A_238 = arith.constant 0 : i32
    %dma_start3A_239 = arith.constant 0 : i32
    %dma_start3A_240 = tpu.memref_slice %arg19[%dma_start3A_229, %dma_start3A_238, %dma_start3A_239] : memref<4x8x512xf32, #tpu.memory_space<vmem>> -> memref<1x8x512xf32, #tpu.memory_space<vmem>>
    %dma_start3A_241 = tpu.memref_squeeze %dma_start3A_240 : memref<1x8x512xf32, #tpu.memory_space<vmem>> -> memref<8x512xf32, #tpu.memory_space<vmem>>
    %dma_start3A_242 = arith.constant 0 : i32
    %dma_start3A_243 = arith.constant 999424 : i32
    %dma_start3A_244 = tpu.memref_slice %arg5[%dma_start3A_228, %dma_start3A_242, %dma_start3A_243] : memref<4x8x1000000xf32, #tpu.memory_space<hbm>> -> memref<1x8x512xf32, #tpu.memory_space<hbm>>
    %dma_start3A_245 = tpu.memref_squeeze %dma_start3A_244 : memref<1x8x512xf32, #tpu.memory_space<hbm>> -> memref<8x512xf32, #tpu.memory_space<hbm>>
    tpu.enqueue_dma source(%dma_start3A_245 : memref<8x512xf32, #tpu.memory_space<hbm>>) target(%dma_start3A_241 : memref<8x512xf32, #tpu.memory_space<vmem>>) target_semaphore(%arg22 : memref<!tpu.dma_semaphore, #tpu.memory_space<semaphore_mem>>)
    %dma_start3A_246 = arith.constant 2 : i32
    %dma_start3A_247 = arith.constant 2 : i32
    %dma_start3A_248 = arith.constant 0 : i32
    %dma_start3A_249 = arith.constant 0 : i32
    %dma_start3A_250 = tpu.memref_slice %arg19[%dma_start3A_247, %dma_start3A_248, %dma_start3A_249] : memref<4x8x512xf32, #tpu.memory_space<vmem>> -> memref<1x8x512xf32, #tpu.memory_space<vmem>>
    %dma_start3A_251 = tpu.memref_squeeze %dma_start3A_250 : memref<1x8x512xf32, #tpu.memory_space<vmem>> -> memref<8x512xf32, #tpu.memory_space<vmem>>
    %dma_start3A_252 = arith.constant 0 : i32
    %dma_start3A_253 = arith.constant 999424 : i32
    %dma_start3A_254 = tpu.memref_slice %arg5[%dma_start3A_246, %dma_start3A_252, %dma_start3A_253] : memref<4x8x1000000xf32, #tpu.memory_space<hbm>> -> memref<1x8x512xf32, #tpu.memory_space<hbm>>
    %dma_start3A_255 = tpu.memref_squeeze %dma_start3A_254 : memref<1x8x512xf32, #tpu.memory_space<hbm>> -> memref<8x512xf32, #tpu.memory_space<hbm>>
    %dma_start3A_256 = arith.constant 0 : i32
    %dma_start3A_257 = arith.constant 0 : i32
    %dma_start3A_258 = tpu.memref_slice %arg19[%dma_start3A_247, %dma_start3A_256, %dma_start3A_257] : memref<4x8x512xf32, #tpu.memory_space<vmem>> -> memref<1x8x512xf32, #tpu.memory_space<vmem>>
    %dma_start3A_259 = tpu.memref_squeeze %dma_start3A_258 : memref<1x8x512xf32, #tpu.memory_space<vmem>> -> memref<8x512xf32, #tpu.memory_space<vmem>>
    %dma_start3A_260 = arith.constant 0 : i32
    %dma_start3A_261 = arith.constant 999424 : i32
    %dma_start3A_262 = tpu.memref_slice %arg5[%dma_start3A_246, %dma_start3A_260, %dma_start3A_261] : memref<4x8x1000000xf32, #tpu.memory_space<hbm>> -> memref<1x8x512xf32, #tpu.memory_space<hbm>>
    %dma_start3A_263 = tpu.memref_squeeze %dma_start3A_262 : memref<1x8x512xf32, #tpu.memory_space<hbm>> -> memref<8x512xf32, #tpu.memory_space<hbm>>
    tpu.enqueue_dma source(%dma_start3A_263 : memref<8x512xf32, #tpu.memory_space<hbm>>) target(%dma_start3A_259 : memref<8x512xf32, #tpu.memory_space<vmem>>) target_semaphore(%arg22 : memref<!tpu.dma_semaphore, #tpu.memory_space<semaphore_mem>>)
    %dma_start3A_264 = arith.constant 3 : i32
    %dma_start3A_265 = arith.constant 3 : i32
    %dma_start3A_266 = arith.constant 0 : i32
    %dma_start3A_267 = arith.constant 0 : i32
    %dma_start3A_268 = tpu.memref_slice %arg19[%dma_start3A_265, %dma_start3A_266, %dma_start3A_267] : memref<4x8x512xf32, #tpu.memory_space<vmem>> -> memref<1x8x512xf32, #tpu.memory_space<vmem>>
    %dma_start3A_269 = tpu.memref_squeeze %dma_start3A_268 : memref<1x8x512xf32, #tpu.memory_space<vmem>> -> memref<8x512xf32, #tpu.memory_space<vmem>>
    %dma_start3A_270 = arith.constant 0 : i32
    %dma_start3A_271 = arith.constant 999424 : i32
    %dma_start3A_272 = tpu.memref_slice %arg5[%dma_start3A_264, %dma_start3A_270, %dma_start3A_271] : memref<4x8x1000000xf32, #tpu.memory_space<hbm>> -> memref<1x8x512xf32, #tpu.memory_space<hbm>>
    %dma_start3A_273 = tpu.memref_squeeze %dma_start3A_272 : memref<1x8x512xf32, #tpu.memory_space<hbm>> -> memref<8x512xf32, #tpu.memory_space<hbm>>
    %dma_start3A_274 = arith.constant 0 : i32
    %dma_start3A_275 = arith.constant 0 : i32
    %dma_start3A_276 = tpu.memref_slice %arg19[%dma_start3A_265, %dma_start3A_274, %dma_start3A_275] : memref<4x8x512xf32, #tpu.memory_space<vmem>> -> memref<1x8x512xf32, #tpu.memory_space<vmem>>
    %dma_start3A_277 = tpu.memref_squeeze %dma_start3A_276 : memref<1x8x512xf32, #tpu.memory_space<vmem>> -> memref<8x512xf32, #tpu.memory_space<vmem>>
    %dma_start3A_278 = arith.constant 0 : i32
    %dma_start3A_279 = arith.constant 999424 : i32
    %dma_start3A_280 = tpu.memref_slice %arg5[%dma_start3A_264, %dma_start3A_278, %dma_start3A_279] : memref<4x8x1000000xf32, #tpu.memory_space<hbm>> -> memref<1x8x512xf32, #tpu.memory_space<hbm>>
    %dma_start3A_281 = tpu.memref_squeeze %dma_start3A_280 : memref<1x8x512xf32, #tpu.memory_space<hbm>> -> memref<8x512xf32, #tpu.memory_space<hbm>>
    tpu.enqueue_dma source(%dma_start3A_281 : memref<8x512xf32, #tpu.memory_space<hbm>>) target(%dma_start3A_277 : memref<8x512xf32, #tpu.memory_space<vmem>>) target_semaphore(%arg22 : memref<!tpu.dma_semaphore, #tpu.memory_space<semaphore_mem>>)
    "tpu.region"() ({
      %run_scoped3A = tpu.sem_alloc : memref<!tpu.dma_semaphore, #tpu.memory_space<semaphore_mem>>
      tpu.enqueue_dma source(%arg7 : memref<32x64xf32, #tpu.memory_space<hbm>>) target(%arg20 : memref<32x64xf32, #tpu.memory_space<vmem>>) target_semaphore(%run_scoped3A : memref<!tpu.dma_semaphore, #tpu.memory_space<semaphore_mem>>)
      tpu.wait_dma2 semaphore(%run_scoped3A : memref<!tpu.dma_semaphore, #tpu.memory_space<semaphore_mem>>) src(%arg7 : memref<32x64xf32, #tpu.memory_space<hbm>>) dst(%arg20 : memref<32x64xf32, #tpu.memory_space<vmem>>)
      tpu.yield
    }) : () -> ()
    %scan3A_282 = arith.constant 0 : i32
    %scan3A_283 = arith.constant 0 : i32
    %scan3A_284 = arith.constant 1024 : i32
    %scan3A_285 = arith.addi %scan3A_283, %scan3A_284 : i32
    %scan3A_286 = arith.constant 1 : i32
    %scan3A_287 = scf.for %scan3A_383 = %scan3A_283 to %scan3A_285 step %scan3A_286 iter_args(%scan3A_384 = %scan3A_282) -> (i32)  : i32 {
      %mul3A_385 = arith.constant 16 : i32
      %mul3A_386 = arith.muli %scan3A_383, %mul3A_385 : i32
      %get3A = arith.index_cast %mul3A_386 : i32 to index
      %get3A_387 = tpu.vector_load %arg11[%get3A] {strides = array<i32>} : memref<16384xi32, #tpu.memory_space<vmem>>, vector<16xi32>,
      %ge3A = arith.constant 999424 : i32
      %ge3A_388 = vector.broadcast %ge3A : i32 to vector<16xi32>
      %ge3A_389 = arith.cmpi sge, %get3A_387, %ge3A_388 : vector<16xi32>
      %mul3A_390 = arith.constant 16 : i32
      %mul3A_391 = arith.muli %scan3A_383, %mul3A_390 : i32
      %add3A_392 = vector.broadcast %mul3A_391 : i32 to vector<16xi32>
      %add3A_393 = arith.addi %iota3A, %add3A_392 : vector<16xi32>
      %swap3A = arith.index_cast %scan3A_384 : i32 to index
      %swap3A_394 = tpu.vector_load %arg16[%swap3A] masked %ge3A_389 {strides = array<i32>} : memref<256xi32, #tpu.memory_space<vmem>>, vector<16xi32>, vector<16xi1>
      tpu.vector_store %arg16[%swap3A], %add3A_393 masked %ge3A_389 {strides = array<i32>} : memref<256xi32, #tpu.memory_space<vmem>>, vector<16xi32>, vector<16xi1>
      %sub3A = arith.constant 999424 : i32
      %sub3A_395 = vector.broadcast %sub3A : i32 to vector<16xi32>
      %sub3A_396 = arith.subi %get3A_387, %sub3A_395 : vector<16xi32>
      %swap3A_397 = arith.index_cast %scan3A_384 : i32 to index
      %swap3A_398 = tpu.vector_load %arg17[%swap3A_397] masked %ge3A_389 {strides = array<i32>} : memref<256xi32, #tpu.memory_space<vmem>>, vector<16xi32>, vector<16xi1>
      tpu.vector_store %arg17[%swap3A_397], %sub3A_396 masked %ge3A_389 {strides = array<i32>} : memref<256xi32, #tpu.memory_space<vmem>>, vector<16xi32>, vector<16xi1>
      %all_reduce_population_count3A = tpu.all_reduce %ge3A_389 {dim = 0 : i64, kind = #tpu.reduction_kind<sum>} : vector<16xi1> -> vector<16xi32>
      %slice3A = vector.extract_strided_slice %all_reduce_population_count3A {offsets = [0], sizes = [1], strides = [1]} : vector<16xi32> to vector<1xi32>
      %squeeze3A = vector.extract %slice3A[0] : i32 from vector<1xi32>
      %add3A_399 = arith.addi %scan3A_384, %squeeze3A : i32
      scf.yield %add3A_399 : i32
    }
    %scan3A_288 = arith.constant 1024 : i32
    %dma_wait3A_289 = arith.constant 0 : i32
    %dma_wait3A_290 = arith.constant 0 : i32
    %dma_wait3A_291 = arith.constant 0 : i32
    %dma_wait3A_292 = arith.constant 0 : i32
    %dma_wait3A_293 = tpu.memref_slice %arg19[%dma_wait3A_290, %dma_wait3A_291, %dma_wait3A_292] : memref<4x8x512xf32, #tpu.memory_space<vmem>> -> memref<1x8x512xf32, #tpu.memory_space<vmem>>
    %dma_wait3A_294 = tpu.memref_squeeze %dma_wait3A_293 : memref<1x8x512xf32, #tpu.memory_space<vmem>> -> memref<8x512xf32, #tpu.memory_space<vmem>>
    %dma_wait3A_295 = arith.constant 0 : i32
    %dma_wait3A_296 = arith.constant 0 : i32
    %dma_wait3A_297 = tpu.memref_slice %arg5[%dma_wait3A_289, %dma_wait3A_295, %dma_wait3A_296] : memref<4x8x1000000xf32, #tpu.memory_space<hbm>> -> memref<1x8x512xf32, #tpu.memory_space<hbm>>
    %dma_wait3A_298 = tpu.memref_squeeze %dma_wait3A_297 : memref<1x8x512xf32, #tpu.memory_space<hbm>> -> memref<8x512xf32, #tpu.memory_space<hbm>>
    %dma_wait3A_299 = arith.constant 0 : i32
    %dma_wait3A_300 = arith.constant 0 : i32
    %dma_wait3A_301 = tpu.memref_slice %arg19[%dma_wait3A_290, %dma_wait3A_299, %dma_wait3A_300] : memref<4x8x512xf32, #tpu.memory_space<vmem>> -> memref<1x8x512xf32, #tpu.memory_space<vmem>>
    %dma_wait3A_302 = tpu.memref_squeeze %dma_wait3A_301 : memref<1x8x512xf32, #tpu.memory_space<vmem>> -> memref<8x512xf32, #tpu.memory_space<vmem>>
    %dma_wait3A_303 = arith.constant 0 : i32
    %dma_wait3A_304 = arith.constant 0 : i32
    %dma_wait3A_305 = tpu.memref_slice %arg5[%dma_wait3A_289, %dma_wait3A_303, %dma_wait3A_304] : memref<4x8x1000000xf32, #tpu.memory_space<hbm>> -> memref<1x8x512xf32, #tpu.memory_space<hbm>>
    %dma_wait3A_306 = tpu.memref_squeeze %dma_wait3A_305 : memref<1x8x512xf32, #tpu.memory_space<hbm>> -> memref<8x512xf32, #tpu.memory_space<hbm>>
    tpu.wait_dma2 semaphore(%arg22 : memref<!tpu.dma_semaphore, #tpu.memory_space<semaphore_mem>>) src(%dma_wait3A_306 : memref<8x512xf32, #tpu.memory_space<hbm>>) dst(%dma_wait3A_302 : memref<8x512xf32, #tpu.memory_space<vmem>>)
    %dma_wait3A_307 = arith.constant 1 : i32
    %dma_wait3A_308 = arith.constant 1 : i32
    %dma_wait3A_309 = arith.constant 0 : i32
    %dma_wait3A_310 = arith.constant 0 : i32
    %dma_wait3A_311 = tpu.memref_slice %arg19[%dma_wait3A_308, %dma_wait3A_309, %dma_wait3A_310] : memref<4x8x512xf32, #tpu.memory_space<vmem>> -> memref<1x8x512xf32, #tpu.memory_space<vmem>>
    %dma_wait3A_312 = tpu.memref_squeeze %dma_wait3A_311 : memref<1x8x512xf32, #tpu.memory_space<vmem>> -> memref<8x512xf32, #tpu.memory_space<vmem>>
    %dma_wait3A_313 = arith.constant 0 : i32
    %dma_wait3A_314 = arith.constant 0 : i32
    %dma_wait3A_315 = tpu.memref_slice %arg5[%dma_wait3A_307, %dma_wait3A_313, %dma_wait3A_314] : memref<4x8x1000000xf32, #tpu.memory_space<hbm>> -> memref<1x8x512xf32, #tpu.memory_space<hbm>>
    %dma_wait3A_316 = tpu.memref_squeeze %dma_wait3A_315 : memref<1x8x512xf32, #tpu.memory_space<hbm>> -> memref<8x512xf32, #tpu.memory_space<hbm>>
    %dma_wait3A_317 = arith.constant 0 : i32
    %dma_wait3A_318 = arith.constant 0 : i32
    %dma_wait3A_319 = tpu.memref_slice %arg19[%dma_wait3A_308, %dma_wait3A_317, %dma_wait3A_318] : memref<4x8x512xf32, #tpu.memory_space<vmem>> -> memref<1x8x512xf32, #tpu.memory_space<vmem>>
    %dma_wait3A_320 = tpu.memref_squeeze %dma_wait3A_319 : memref<1x8x512xf32, #tpu.memory_space<vmem>> -> memref<8x512xf32, #tpu.memory_space<vmem>>
    %dma_wait3A_321 = arith.constant 0 : i32
    %dma_wait3A_322 = arith.constant 0 : i32
    %dma_wait3A_323 = tpu.memref_slice %arg5[%dma_wait3A_307, %dma_wait3A_321, %dma_wait3A_322] : memref<4x8x1000000xf32, #tpu.memory_space<hbm>> -> memref<1x8x512xf32, #tpu.memory_space<hbm>>
    %dma_wait3A_324 = tpu.memref_squeeze %dma_wait3A_323 : memref<1x8x512xf32, #tpu.memory_space<hbm>> -> memref<8x512xf32, #tpu.memory_space<hbm>>
    tpu.wait_dma2 semaphore(%arg22 : memref<!tpu.dma_semaphore, #tpu.memory_space<semaphore_mem>>) src(%dma_wait3A_324 : memref<8x512xf32, #tpu.memory_space<hbm>>) dst(%dma_wait3A_320 : memref<8x512xf32, #tpu.memory_space<vmem>>)
    %dma_wait3A_325 = arith.constant 2 : i32
    %dma_wait3A_326 = arith.constant 2 : i32
    %dma_wait3A_327 = arith.constant 0 : i32
    %dma_wait3A_328 = arith.constant 0 : i32
    %dma_wait3A_329 = tpu.memref_slice %arg19[%dma_wait3A_326, %dma_wait3A_327, %dma_wait3A_328] : memref<4x8x512xf32, #tpu.memory_space<vmem>> -> memref<1x8x512xf32, #tpu.memory_space<vmem>>
    %dma_wait3A_330 = tpu.memref_squeeze %dma_wait3A_329 : memref<1x8x512xf32, #tpu.memory_space<vmem>> -> memref<8x512xf32, #tpu.memory_space<vmem>>
    %dma_wait3A_331 = arith.constant 0 : i32
    %dma_wait3A_332 = arith.constant 0 : i32
    %dma_wait3A_333 = tpu.memref_slice %arg5[%dma_wait3A_325, %dma_wait3A_331, %dma_wait3A_332] : memref<4x8x1000000xf32, #tpu.memory_space<hbm>> -> memref<1x8x512xf32, #tpu.memory_space<hbm>>
    %dma_wait3A_334 = tpu.memref_squeeze %dma_wait3A_333 : memref<1x8x512xf32, #tpu.memory_space<hbm>> -> memref<8x512xf32, #tpu.memory_space<hbm>>
    %dma_wait3A_335 = arith.constant 0 : i32
    %dma_wait3A_336 = arith.constant 0 : i32
    %dma_wait3A_337 = tpu.memref_slice %arg19[%dma_wait3A_326, %dma_wait3A_335, %dma_wait3A_336] : memref<4x8x512xf32, #tpu.memory_space<vmem>> -> memref<1x8x512xf32, #tpu.memory_space<vmem>>
    %dma_wait3A_338 = tpu.memref_squeeze %dma_wait3A_337 : memref<1x8x512xf32, #tpu.memory_space<vmem>> -> memref<8x512xf32, #tpu.memory_space<vmem>>
    %dma_wait3A_339 = arith.constant 0 : i32
    %dma_wait3A_340 = arith.constant 0 : i32
    %dma_wait3A_341 = tpu.memref_slice %arg5[%dma_wait3A_325, %dma_wait3A_339, %dma_wait3A_340] : memref<4x8x1000000xf32, #tpu.memory_space<hbm>> -> memref<1x8x512xf32, #tpu.memory_space<hbm>>
    %dma_wait3A_342 = tpu.memref_squeeze %dma_wait3A_341 : memref<1x8x512xf32, #tpu.memory_space<hbm>> -> memref<8x512xf32, #tpu.memory_space<hbm>>
    tpu.wait_dma2 semaphore(%arg22 : memref<!tpu.dma_semaphore, #tpu.memory_space<semaphore_mem>>) src(%dma_wait3A_342 : memref<8x512xf32, #tpu.memory_space<hbm>>) dst(%dma_wait3A_338 : memref<8x512xf32, #tpu.memory_space<vmem>>)
    %dma_wait3A_343 = arith.constant 3 : i32
    %dma_wait3A_344 = arith.constant 3 : i32
    %dma_wait3A_345 = arith.constant 0 : i32
    %dma_wait3A_346 = arith.constant 0 : i32
    %dma_wait3A_347 = tpu.memref_slice %arg19[%dma_wait3A_344, %dma_wait3A_345, %dma_wait3A_346] : memref<4x8x512xf32, #tpu.memory_space<vmem>> -> memref<1x8x512xf32, #tpu.memory_space<vmem>>
    %dma_wait3A_348 = tpu.memref_squeeze %dma_wait3A_347 : memref<1x8x512xf32, #tpu.memory_space<vmem>> -> memref<8x512xf32, #tpu.memory_space<vmem>>
    %dma_wait3A_349 = arith.constant 0 : i32
    %dma_wait3A_350 = arith.constant 0 : i32
    %dma_wait3A_351 = tpu.memref_slice %arg5[%dma_wait3A_343, %dma_wait3A_349, %dma_wait3A_350] : memref<4x8x1000000xf32, #tpu.memory_space<hbm>> -> memref<1x8x512xf32, #tpu.memory_space<hbm>>
    %dma_wait3A_352 = tpu.memref_squeeze %dma_wait3A_351 : memref<1x8x512xf32, #tpu.memory_space<hbm>> -> memref<8x512xf32, #tpu.memory_space<hbm>>
    %dma_wait3A_353 = arith.constant 0 : i32
    %dma_wait3A_354 = arith.constant 0 : i32
    %dma_wait3A_355 = tpu.memref_slice %arg19[%dma_wait3A_344, %dma_wait3A_353, %dma_wait3A_354] : memref<4x8x512xf32, #tpu.memory_space<vmem>> -> memref<1x8x512xf32, #tpu.memory_space<vmem>>
    %dma_wait3A_356 = tpu.memref_squeeze %dma_wait3A_355 : memref<1x8x512xf32, #tpu.memory_space<vmem>> -> memref<8x512xf32, #tpu.memory_space<vmem>>
    %dma_wait3A_357 = arith.constant 0 : i32
    %dma_wait3A_358 = arith.constant 0 : i32
    %dma_wait3A_359 = tpu.memref_slice %arg5[%dma_wait3A_343, %dma_wait3A_357, %dma_wait3A_358] : memref<4x8x1000000xf32, #tpu.memory_space<hbm>> -> memref<1x8x512xf32, #tpu.memory_space<hbm>>
    %dma_wait3A_360 = tpu.memref_squeeze %dma_wait3A_359 : memref<1x8x512xf32, #tpu.memory_space<hbm>> -> memref<8x512xf32, #tpu.memory_space<hbm>>
    tpu.wait_dma2 semaphore(%arg22 : memref<!tpu.dma_semaphore, #tpu.memory_space<semaphore_mem>>) src(%dma_wait3A_360 : memref<8x512xf32, #tpu.memory_space<hbm>>) dst(%dma_wait3A_356 : memref<8x512xf32, #tpu.memory_space<vmem>>)
    %while3A_361 = arith.constant 0 : i32
    %while3A_362 = arith.constant 0 : i32
    %while3A_363 = arith.subi %scan3A_287, %while3A_362 : i32
    %while3A_364 = arith.addi %while3A_362, %while3A_363 : i32
    %while3A_365 = arith.constant 1 : i32
    %while3A_366 = arith.divsi %while3A_363, %while3A_365 : i32
    %while3A_367 = arith.muli %while3A_366, %while3A_365 : i32
    %while3A_368 = arith.addi %while3A_362, %while3A_367 : i32
    %while3A_369 = arith.constant 1 : i32
    scf.for %while3A_383 = %while3A_362 to %while3A_368 step %while3A_369  : i32 {
      %broadcast_in_dim3A_384 = vector.broadcast %while3A_383 : i32 to vector<16xi32>
      %gather3A = tpu.vector_load_idx %arg16[%broadcast_in_dim3A_384] : memref<256xi32, #tpu.memory_space<vmem>>[vector<16xi32>], vector<16xi32>,
      %broadcast_in_dim3A_385 = vector.broadcast %while3A_383 : i32 to vector<16xi32>
      %gather3A_386 = tpu.vector_load_idx %arg17[%broadcast_in_dim3A_385] : memref<256xi32, #tpu.memory_space<vmem>>[vector<16xi32>], vector<16xi32>,
      %slice3A = vector.extract_strided_slice %gather3A {offsets = [0], sizes = [1], strides = [1]} : vector<16xi32> to vector<1xi32>
      %squeeze3A = vector.extract %slice3A[0] : i32 from vector<1xi32>
      %slice3A_387 = vector.extract_strided_slice %gather3A_386 {offsets = [0], sizes = [1], strides = [1]} : vector<16xi32> to vector<1xi32>
      %squeeze3A_388 = vector.extract %slice3A_387[0] : i32 from vector<1xi32>
      %lt3A_389 = arith.constant 512 : i32
      %lt3A_390 = arith.cmpi slt, %squeeze3A_388, %lt3A_389 : i32
      %convert_element_type3A_391 = arith.extui %lt3A_390 : i1 to i32
      %cond3A_392 = arith.constant 0 : i32
      %cond3A_393 = arith.cmpi ne, %convert_element_type3A_391, %cond3A_392 : i32
      %cond3A_394:2 = scf.if %cond3A_393 -> (vector<16xf32>, vector<16xf32>) {
        %gather3A_415 = tpu.vector_load_idx %arg19[%shift_right_logical3A_2, %and3A_4, %gather3A_386] : memref<4x8x512xf32, #tpu.memory_space<vmem>>[vector<16xi32>, vector<16xi32>, vector<16xi32>], vector<16xf32>,
        %gather3A_416 = tpu.vector_load_idx %arg19[%add3A_7, %and3A_4, %gather3A_386] : memref<4x8x512xf32, #tpu.memory_space<vmem>>[vector<16xi32>, vector<16xi32>, vector<16xi32>], vector<16xf32>,
        scf.yield %gather3A_415, %gather3A_416 : vector<16xf32>, vector<16xf32>
      } else {
        %sub3A = arith.constant 512 : i32
        %sub3A_415 = vector.broadcast %sub3A : i32 to vector<16xi32>
        %sub3A_416 = arith.subi %gather3A_386, %sub3A_415 : vector<16xi32>
        %mul3A_417 = arith.constant 8 : i32
        %mul3A_418 = vector.broadcast %mul3A_417 : i32 to vector<16xi32>
        %mul3A_419 = arith.muli %shift_right_logical3A_2, %mul3A_418 : vector<16xi32>
        %add3A_420 = arith.addi %mul3A_419, %and3A_4 : vector<16xi32>
        %gather3A_421 = tpu.vector_load_idx %arg20[%add3A_420, %sub3A_416] : memref<32x64xf32, #tpu.memory_space<vmem>>[vector<16xi32>, vector<16xi32>], vector<16xf32>,
        %add3A_422 = arith.constant 16 : i32
        %add3A_423 = vector.broadcast %add3A_422 : i32 to vector<16xi32>
        %add3A_424 = arith.addi %add3A_420, %add3A_423 : vector<16xi32>
        %gather3A_425 = tpu.vector_load_idx %arg20[%add3A_424, %sub3A_416] : memref<32x64xf32, #tpu.memory_space<vmem>>[vector<16xi32>, vector<16xi32>], vector<16xf32>,
        scf.yield %gather3A_421, %gather3A_425 : vector<16xf32>, vector<16xf32>
      }
      %rem3A = arith.constant 16 : i32
      %rem3A_395 = arith.remsi %while3A_383, %rem3A : i32
      %swap3A = arith.index_cast %rem3A_395 : i32 to index
      %swap3A_396 = arith.constant 0 : index
      %swap3A_397 = tpu.vector_load %arg21[%swap3A, %swap3A_396] {strides = array<i32>} : memref<16x32xf32, #tpu.memory_space<vmem>>, vector<16xf32>,
      tpu.vector_store %arg21[%swap3A, %swap3A_396], %cond3A_394#0 {strides = array<i32>} : memref<16x32xf32, #tpu.memory_space<vmem>>, vector<16xf32>,
      %swap3A_398 = arith.index_cast %rem3A_395 : i32 to index
      %swap3A_399 = arith.constant 16 : index
      %swap3A_400 = tpu.vector_load %arg21[%swap3A_398, %swap3A_399] {strides = array<i32>} : memref<16x32xf32, #tpu.memory_space<vmem>>, vector<16xf32>,
      tpu.vector_store %arg21[%swap3A_398, %swap3A_399], %cond3A_394#1 {strides = array<i32>} : memref<16x32xf32, #tpu.memory_space<vmem>>, vector<16xf32>,
      %mul3A_401 = arith.constant 32 : i32
      %mul3A_402 = arith.muli %squeeze3A, %mul3A_401 : i32
      %dma_start3A_403 = arith.constant 0 : i32
      %dma_start3A_404 = tpu.memref_slice %arg21[%rem3A_395, %dma_start3A_403] : memref<16x32xf32, #tpu.memory_space<vmem>> -> memref<1x32xf32, #tpu.memory_space<vmem>>
      %dma_start3A_405 = tpu.memref_squeeze %dma_start3A_404 : memref<1x32xf32, #tpu.memory_space<vmem>> -> memref<32xf32, #tpu.memory_space<vmem>>
      %dma_start3A_406 = tpu.memref_slice %arg9[%mul3A_402] : memref<524288xf32, #tpu.memory_space<hbm>> -> memref<32xf32, #tpu.memory_space<hbm>>
      %dma_start3A_407 = tpu.memref_slice %arg9[%mul3A_402] : memref<524288xf32, #tpu.memory_space<hbm>> -> memref<32xf32, #tpu.memory_space<hbm>>
      %dma_start3A_408 = arith.constant 0 : i32
      %dma_start3A_409 = tpu.memref_slice %arg21[%rem3A_395, %dma_start3A_408] : memref<16x32xf32, #tpu.memory_space<vmem>> -> memref<1x32xf32, #tpu.memory_space<vmem>>
      %dma_start3A_410 = tpu.memref_squeeze %dma_start3A_409 : memref<1x32xf32, #tpu.memory_space<vmem>> -> memref<32xf32, #tpu.memory_space<vmem>>
      tpu.enqueue_dma source(%dma_start3A_410 : memref<32xf32, #tpu.memory_space<vmem>>) target(%dma_start3A_407 : memref<32xf32, #tpu.memory_space<hbm>>) target_semaphore(%arg23 : memref<!tpu.dma_semaphore, #tpu.memory_space<semaphore_mem>>)
      %ge3A = arith.constant 12 : i32
      %ge3A_411 = arith.cmpi sge, %while3A_383, %ge3A : i32
      %convert_element_type3A_412 = arith.extui %ge3A_411 : i1 to i32
      %cond3A_413 = arith.constant 0 : i32
      %cond3A_414 = arith.cmpi ne, %convert_element_type3A_412, %cond3A_413 : i32
      scf.if %cond3A_414 {
        %dma_wait3A_415 = arith.constant 0 : i32
        %dma_wait3A_416 = arith.constant 0 : i32
        %dma_wait3A_417 = tpu.memref_slice %arg21[%dma_wait3A_415, %dma_wait3A_416] : memref<16x32xf32, #tpu.memory_space<vmem>> -> memref<1x32xf32, #tpu.memory_space<vmem>>
        %dma_wait3A_418 = tpu.memref_squeeze %dma_wait3A_417 : memref<1x32xf32, #tpu.memory_space<vmem>> -> memref<32xf32, #tpu.memory_space<vmem>>
        %dma_wait3A_419 = arith.constant 0 : i32
        %dma_wait3A_420 = tpu.memref_slice %arg9[%dma_wait3A_419] : memref<524288xf32, #tpu.memory_space<hbm>> -> memref<32xf32, #tpu.memory_space<hbm>>
        %dma_wait3A_421 = arith.constant 0 : i32
        %dma_wait3A_422 = tpu.memref_slice %arg21[%dma_wait3A_415, %dma_wait3A_421] : memref<16x32xf32, #tpu.memory_space<vmem>> -> memref<1x32xf32, #tpu.memory_space<vmem>>
        %dma_wait3A_423 = tpu.memref_squeeze %dma_wait3A_422 : memref<1x32xf32, #tpu.memory_space<vmem>> -> memref<32xf32, #tpu.memory_space<vmem>>
        %dma_wait3A_424 = arith.constant 0 : i32
        %dma_wait3A_425 = tpu.memref_slice %arg9[%dma_wait3A_424] : memref<524288xf32, #tpu.memory_space<hbm>> -> memref<32xf32, #tpu.memory_space<hbm>>
        tpu.wait_dma2 semaphore(%arg23 : memref<!tpu.dma_semaphore, #tpu.memory_space<semaphore_mem>>) src(%dma_wait3A_425 : memref<32xf32, #tpu.memory_space<hbm>>) dst(%dma_wait3A_423 : memref<32xf32, #tpu.memory_space<vmem>>)
      } else {
      }
    }
    %while3A_370 = arith.constant 1 : i32
    scf.for %while3A_383 = %while3A_368 to %while3A_364 step %while3A_370  : i32 {
      %broadcast_in_dim3A_384 = vector.broadcast %while3A_383 : i32 to vector<16xi32>
      %gather3A = tpu.vector_load_idx %arg16[%broadcast_in_dim3A_384] : memref<256xi32, #tpu.memory_space<vmem>>[vector<16xi32>], vector<16xi32>,
      %broadcast_in_dim3A_385 = vector.broadcast %while3A_383 : i32 to vector<16xi32>
      %gather3A_386 = tpu.vector_load_idx %arg17[%broadcast_in_dim3A_385] : memref<256xi32, #tpu.memory_space<vmem>>[vector<16xi32>], vector<16xi32>,
      %slice3A = vector.extract_strided_slice %gather3A {offsets = [0], sizes = [1], strides = [1]} : vector<16xi32> to vector<1xi32>
      %squeeze3A = vector.extract %slice3A[0] : i32 from vector<1xi32>
      %slice3A_387 = vector.extract_strided_slice %gather3A_386 {offsets = [0], sizes = [1], strides = [1]} : vector<16xi32> to vector<1xi32>
      %squeeze3A_388 = vector.extract %slice3A_387[0] : i32 from vector<1xi32>
      %lt3A_389 = arith.constant 512 : i32
      %lt3A_390 = arith.cmpi slt, %squeeze3A_388, %lt3A_389 : i32
      %convert_element_type3A_391 = arith.extui %lt3A_390 : i1 to i32
      %cond3A_392 = arith.constant 0 : i32
      %cond3A_393 = arith.cmpi ne, %convert_element_type3A_391, %cond3A_392 : i32
      %cond3A_394:2 = scf.if %cond3A_393 -> (vector<16xf32>, vector<16xf32>) {
        %gather3A_415 = tpu.vector_load_idx %arg19[%shift_right_logical3A_2, %and3A_4, %gather3A_386] : memref<4x8x512xf32, #tpu.memory_space<vmem>>[vector<16xi32>, vector<16xi32>, vector<16xi32>], vector<16xf32>,
        %gather3A_416 = tpu.vector_load_idx %arg19[%add3A_7, %and3A_4, %gather3A_386] : memref<4x8x512xf32, #tpu.memory_space<vmem>>[vector<16xi32>, vector<16xi32>, vector<16xi32>], vector<16xf32>,
        scf.yield %gather3A_415, %gather3A_416 : vector<16xf32>, vector<16xf32>
      } else {
        %sub3A = arith.constant 512 : i32
        %sub3A_415 = vector.broadcast %sub3A : i32 to vector<16xi32>
        %sub3A_416 = arith.subi %gather3A_386, %sub3A_415 : vector<16xi32>
        %mul3A_417 = arith.constant 8 : i32
        %mul3A_418 = vector.broadcast %mul3A_417 : i32 to vector<16xi32>
        %mul3A_419 = arith.muli %shift_right_logical3A_2, %mul3A_418 : vector<16xi32>
        %add3A_420 = arith.addi %mul3A_419, %and3A_4 : vector<16xi32>
        %gather3A_421 = tpu.vector_load_idx %arg20[%add3A_420, %sub3A_416] : memref<32x64xf32, #tpu.memory_space<vmem>>[vector<16xi32>, vector<16xi32>], vector<16xf32>,
        %add3A_422 = arith.constant 16 : i32
        %add3A_423 = vector.broadcast %add3A_422 : i32 to vector<16xi32>
        %add3A_424 = arith.addi %add3A_420, %add3A_423 : vector<16xi32>
        %gather3A_425 = tpu.vector_load_idx %arg20[%add3A_424, %sub3A_416] : memref<32x64xf32, #tpu.memory_space<vmem>>[vector<16xi32>, vector<16xi32>], vector<16xf32>,
        scf.yield %gather3A_421, %gather3A_425 : vector<16xf32>, vector<16xf32>
      }
      %rem3A = arith.constant 16 : i32
      %rem3A_395 = arith.remsi %while3A_383, %rem3A : i32
      %swap3A = arith.index_cast %rem3A_395 : i32 to index
      %swap3A_396 = arith.constant 0 : index
      %swap3A_397 = tpu.vector_load %arg21[%swap3A, %swap3A_396] {strides = array<i32>} : memref<16x32xf32, #tpu.memory_space<vmem>>, vector<16xf32>,
      tpu.vector_store %arg21[%swap3A, %swap3A_396], %cond3A_394#0 {strides = array<i32>} : memref<16x32xf32, #tpu.memory_space<vmem>>, vector<16xf32>,
      %swap3A_398 = arith.index_cast %rem3A_395 : i32 to index
      %swap3A_399 = arith.constant 16 : index
      %swap3A_400 = tpu.vector_load %arg21[%swap3A_398, %swap3A_399] {strides = array<i32>} : memref<16x32xf32, #tpu.memory_space<vmem>>, vector<16xf32>,
      tpu.vector_store %arg21[%swap3A_398, %swap3A_399], %cond3A_394#1 {strides = array<i32>} : memref<16x32xf32, #tpu.memory_space<vmem>>, vector<16xf32>,
      %mul3A_401 = arith.constant 32 : i32
      %mul3A_402 = arith.muli %squeeze3A, %mul3A_401 : i32
      %dma_start3A_403 = arith.constant 0 : i32
      %dma_start3A_404 = tpu.memref_slice %arg21[%rem3A_395, %dma_start3A_403] : memref<16x32xf32, #tpu.memory_space<vmem>> -> memref<1x32xf32, #tpu.memory_space<vmem>>
      %dma_start3A_405 = tpu.memref_squeeze %dma_start3A_404 : memref<1x32xf32, #tpu.memory_space<vmem>> -> memref<32xf32, #tpu.memory_space<vmem>>
      %dma_start3A_406 = tpu.memref_slice %arg9[%mul3A_402] : memref<524288xf32, #tpu.memory_space<hbm>> -> memref<32xf32, #tpu.memory_space<hbm>>
      %dma_start3A_407 = tpu.memref_slice %arg9[%mul3A_402] : memref<524288xf32, #tpu.memory_space<hbm>> -> memref<32xf32, #tpu.memory_space<hbm>>
      %dma_start3A_408 = arith.constant 0 : i32
      %dma_start3A_409 = tpu.memref_slice %arg21[%rem3A_395, %dma_start3A_408] : memref<16x32xf32, #tpu.memory_space<vmem>> -> memref<1x32xf32, #tpu.memory_space<vmem>>
      %dma_start3A_410 = tpu.memref_squeeze %dma_start3A_409 : memref<1x32xf32, #tpu.memory_space<vmem>> -> memref<32xf32, #tpu.memory_space<vmem>>
      tpu.enqueue_dma source(%dma_start3A_410 : memref<32xf32, #tpu.memory_space<vmem>>) target(%dma_start3A_407 : memref<32xf32, #tpu.memory_space<hbm>>) target_semaphore(%arg23 : memref<!tpu.dma_semaphore, #tpu.memory_space<semaphore_mem>>)
      %ge3A = arith.constant 12 : i32
      %ge3A_411 = arith.cmpi sge, %while3A_383, %ge3A : i32
      %convert_element_type3A_412 = arith.extui %ge3A_411 : i1 to i32
      %cond3A_413 = arith.constant 0 : i32
      %cond3A_414 = arith.cmpi ne, %convert_element_type3A_412, %cond3A_413 : i32
      scf.if %cond3A_414 {
        %dma_wait3A_415 = arith.constant 0 : i32
        %dma_wait3A_416 = arith.constant 0 : i32
        %dma_wait3A_417 = tpu.memref_slice %arg21[%dma_wait3A_415, %dma_wait3A_416] : memref<16x32xf32, #tpu.memory_space<vmem>> -> memref<1x32xf32, #tpu.memory_space<vmem>>
        %dma_wait3A_418 = tpu.memref_squeeze %dma_wait3A_417 : memref<1x32xf32, #tpu.memory_space<vmem>> -> memref<32xf32, #tpu.memory_space<vmem>>
        %dma_wait3A_419 = arith.constant 0 : i32
        %dma_wait3A_420 = tpu.memref_slice %arg9[%dma_wait3A_419] : memref<524288xf32, #tpu.memory_space<hbm>> -> memref<32xf32, #tpu.memory_space<hbm>>
        %dma_wait3A_421 = arith.constant 0 : i32
        %dma_wait3A_422 = tpu.memref_slice %arg21[%dma_wait3A_415, %dma_wait3A_421] : memref<16x32xf32, #tpu.memory_space<vmem>> -> memref<1x32xf32, #tpu.memory_space<vmem>>
        %dma_wait3A_423 = tpu.memref_squeeze %dma_wait3A_422 : memref<1x32xf32, #tpu.memory_space<vmem>> -> memref<32xf32, #tpu.memory_space<vmem>>
        %dma_wait3A_424 = arith.constant 0 : i32
        %dma_wait3A_425 = tpu.memref_slice %arg9[%dma_wait3A_424] : memref<524288xf32, #tpu.memory_space<hbm>> -> memref<32xf32, #tpu.memory_space<hbm>>
        tpu.wait_dma2 semaphore(%arg23 : memref<!tpu.dma_semaphore, #tpu.memory_space<semaphore_mem>>) src(%dma_wait3A_425 : memref<32xf32, #tpu.memory_space<hbm>>) dst(%dma_wait3A_423 : memref<32xf32, #tpu.memory_space<vmem>>)
      } else {
      }
    }
    %min3A_371 = arith.constant 12 : i32
    %min3A_372 = arith.minsi %scan3A_287, %min3A_371 : i32
    %while3A_373 = arith.constant 0 : i32
    %while3A_374 = arith.constant 0 : i32
    %while3A_375 = arith.subi %min3A_372, %while3A_374 : i32
    %while3A_376 = arith.addi %while3A_374, %while3A_375 : i32
    %while3A_377 = arith.constant 1 : i32
    %while3A_378 = arith.divsi %while3A_375, %while3A_377 : i32
    %while3A_379 = arith.muli %while3A_378, %while3A_377 : i32
    %while3A_380 = arith.addi %while3A_374, %while3A_379 : i32
    %while3A_381 = arith.constant 1 : i32
    scf.for %while3A_383 = %while3A_374 to %while3A_380 step %while3A_381  : i32 {
      %dma_wait3A_384 = arith.constant 0 : i32
      %dma_wait3A_385 = arith.constant 0 : i32
      %dma_wait3A_386 = tpu.memref_slice %arg21[%dma_wait3A_384, %dma_wait3A_385] : memref<16x32xf32, #tpu.memory_space<vmem>> -> memref<1x32xf32, #tpu.memory_space<vmem>>
      %dma_wait3A_387 = tpu.memref_squeeze %dma_wait3A_386 : memref<1x32xf32, #tpu.memory_space<vmem>> -> memref<32xf32, #tpu.memory_space<vmem>>
      %dma_wait3A_388 = arith.constant 0 : i32
      %dma_wait3A_389 = tpu.memref_slice %arg9[%dma_wait3A_388] : memref<524288xf32, #tpu.memory_space<hbm>> -> memref<32xf32, #tpu.memory_space<hbm>>
      %dma_wait3A_390 = arith.constant 0 : i32
      %dma_wait3A_391 = tpu.memref_slice %arg21[%dma_wait3A_384, %dma_wait3A_390] : memref<16x32xf32, #tpu.memory_space<vmem>> -> memref<1x32xf32, #tpu.memory_space<vmem>>
      %dma_wait3A_392 = tpu.memref_squeeze %dma_wait3A_391 : memref<1x32xf32, #tpu.memory_space<vmem>> -> memref<32xf32, #tpu.memory_space<vmem>>
      %dma_wait3A_393 = arith.constant 0 : i32
      %dma_wait3A_394 = tpu.memref_slice %arg9[%dma_wait3A_393] : memref<524288xf32, #tpu.memory_space<hbm>> -> memref<32xf32, #tpu.memory_space<hbm>>
      tpu.wait_dma2 semaphore(%arg23 : memref<!tpu.dma_semaphore, #tpu.memory_space<semaphore_mem>>) src(%dma_wait3A_394 : memref<32xf32, #tpu.memory_space<hbm>>) dst(%dma_wait3A_392 : memref<32xf32, #tpu.memory_space<vmem>>)
    }
    %while3A_382 = arith.constant 1 : i32
    scf.for %while3A_383 = %while3A_380 to %while3A_376 step %while3A_382  : i32 {
      %dma_wait3A_384 = arith.constant 0 : i32
      %dma_wait3A_385 = arith.constant 0 : i32
      %dma_wait3A_386 = tpu.memref_slice %arg21[%dma_wait3A_384, %dma_wait3A_385] : memref<16x32xf32, #tpu.memory_space<vmem>> -> memref<1x32xf32, #tpu.memory_space<vmem>>
      %dma_wait3A_387 = tpu.memref_squeeze %dma_wait3A_386 : memref<1x32xf32, #tpu.memory_space<vmem>> -> memref<32xf32, #tpu.memory_space<vmem>>
      %dma_wait3A_388 = arith.constant 0 : i32
      %dma_wait3A_389 = tpu.memref_slice %arg9[%dma_wait3A_388] : memref<524288xf32, #tpu.memory_space<hbm>> -> memref<32xf32, #tpu.memory_space<hbm>>
      %dma_wait3A_390 = arith.constant 0 : i32
      %dma_wait3A_391 = tpu.memref_slice %arg21[%dma_wait3A_384, %dma_wait3A_390] : memref<16x32xf32, #tpu.memory_space<vmem>> -> memref<1x32xf32, #tpu.memory_space<vmem>>
      %dma_wait3A_392 = tpu.memref_squeeze %dma_wait3A_391 : memref<1x32xf32, #tpu.memory_space<vmem>> -> memref<32xf32, #tpu.memory_space<vmem>>
      %dma_wait3A_393 = arith.constant 0 : i32
      %dma_wait3A_394 = tpu.memref_slice %arg9[%dma_wait3A_393] : memref<524288xf32, #tpu.memory_space<hbm>> -> memref<32xf32, #tpu.memory_space<hbm>>
      tpu.wait_dma2 semaphore(%arg23 : memref<!tpu.dma_semaphore, #tpu.memory_space<semaphore_mem>>) src(%dma_wait3A_394 : memref<32xf32, #tpu.memory_space<hbm>>) dst(%dma_wait3A_392 : memref<32xf32, #tpu.memory_space<vmem>>)
    }
    return
  }
}

#map = affine_map<(d0, d1) -> (0)>
module attributes {stable_mosaic.version = 14 : i64} {
  func.func @phase2(%arg0: i32, %arg1: i32, %arg2: memref<524288xf32, #tpu.memory_space<hbm>>, %arg3: memref<524288xf32, #tpu.memory_space<hbm>>, %arg4: memref<16384xf32, #tpu.memory_space<hbm>>, %arg5: memref<16384xf32, #tpu.memory_space<vmem>>, %arg6: memref<16384xf32, #tpu.memory_space<vmem>>, %arg7: memref<512xf32, #tpu.memory_space<vmem>>) attributes {dimension_semantics = [#tpu.dimension_semantics<core_parallel>, #tpu.dimension_semantics<subcore_parallel>], iteration_bounds = array<i64: 2, 16>, scalar_prefetch = 0 : i64, scratch_operands = 3 : i64, tpu.core_type = #tpu.core_type<sc_vector_subcore>, window_params = [{transform_indices = #map}, {transform_indices = #map}, {transform_indices = #map}]} {
    %mul3A = arith.constant 2 : i32
    %mul3A_0 = arith.muli %arg1, %mul3A : i32
    %add3A = arith.addi %mul3A_0, %arg0 : i32
    %mul3A_1 = arith.constant 512 : i32
    %mul3A_2 = arith.muli %add3A, %mul3A_1 : i32
    %mul3A_3 = arith.constant 32 : i32
    %mul3A_4 = arith.muli %mul3A_2, %mul3A_3 : i32
    "tpu.region"() ({
      %run_scoped3A = tpu.sem_alloc : memref<!tpu.dma_semaphore, #tpu.memory_space<semaphore_mem>>
      %dma_start3A = tpu.memref_slice %arg2[%mul3A_4] : memref<524288xf32, #tpu.memory_space<hbm>> -> memref<16384xf32, #tpu.memory_space<hbm>>
      %dma_start3A_15 = tpu.memref_slice %arg2[%mul3A_4] : memref<524288xf32, #tpu.memory_space<hbm>> -> memref<16384xf32, #tpu.memory_space<hbm>>
      tpu.enqueue_dma source(%dma_start3A_15 : memref<16384xf32, #tpu.memory_space<hbm>>) target(%arg5 : memref<16384xf32, #tpu.memory_space<vmem>>) target_semaphore(%run_scoped3A : memref<!tpu.dma_semaphore, #tpu.memory_space<semaphore_mem>>)
      %dma_wait3A = tpu.memref_slice %arg2[%mul3A_4] : memref<524288xf32, #tpu.memory_space<hbm>> -> memref<16384xf32, #tpu.memory_space<hbm>>
      %dma_wait3A_16 = tpu.memref_slice %arg2[%mul3A_4] : memref<524288xf32, #tpu.memory_space<hbm>> -> memref<16384xf32, #tpu.memory_space<hbm>>
      tpu.wait_dma2 semaphore(%run_scoped3A : memref<!tpu.dma_semaphore, #tpu.memory_space<semaphore_mem>>) src(%dma_wait3A_16 : memref<16384xf32, #tpu.memory_space<hbm>>) dst(%arg5 : memref<16384xf32, #tpu.memory_space<vmem>>)
      tpu.yield
    }) : () -> ()
    %mul3A_5 = arith.constant 32 : i32
    %mul3A_6 = arith.muli %mul3A_2, %mul3A_5 : i32
    "tpu.region"() ({
      %run_scoped3A = tpu.sem_alloc : memref<!tpu.dma_semaphore, #tpu.memory_space<semaphore_mem>>
      %dma_start3A = tpu.memref_slice %arg3[%mul3A_6] : memref<524288xf32, #tpu.memory_space<hbm>> -> memref<16384xf32, #tpu.memory_space<hbm>>
      %dma_start3A_15 = tpu.memref_slice %arg3[%mul3A_6] : memref<524288xf32, #tpu.memory_space<hbm>> -> memref<16384xf32, #tpu.memory_space<hbm>>
      tpu.enqueue_dma source(%dma_start3A_15 : memref<16384xf32, #tpu.memory_space<hbm>>) target(%arg6 : memref<16384xf32, #tpu.memory_space<vmem>>) target_semaphore(%run_scoped3A : memref<!tpu.dma_semaphore, #tpu.memory_space<semaphore_mem>>)
      %dma_wait3A = tpu.memref_slice %arg3[%mul3A_6] : memref<524288xf32, #tpu.memory_space<hbm>> -> memref<16384xf32, #tpu.memory_space<hbm>>
      %dma_wait3A_16 = tpu.memref_slice %arg3[%mul3A_6] : memref<524288xf32, #tpu.memory_space<hbm>> -> memref<16384xf32, #tpu.memory_space<hbm>>
      tpu.wait_dma2 semaphore(%run_scoped3A : memref<!tpu.dma_semaphore, #tpu.memory_space<semaphore_mem>>) src(%dma_wait3A_16 : memref<16384xf32, #tpu.memory_space<hbm>>) dst(%arg6 : memref<16384xf32, #tpu.memory_space<vmem>>)
      tpu.yield
    }) : () -> ()
    %iota3A = tpu.iota {dimensions = array<i32: 0>} : vector<16xi32>
    %mul3A_7 = arith.constant 32 : i32
    %mul3A_8 = vector.broadcast %mul3A_7 : i32 to vector<16xi32>
    %mul3A_9 = arith.muli %iota3A, %mul3A_8 : vector<16xi32>
    %scan3A = arith.constant 0 : i32
    %scan3A_10 = arith.constant 0 : i32
    %scan3A_11 = arith.constant 32 : i32
    %scan3A_12 = arith.addi %scan3A_10, %scan3A_11 : i32
    %scan3A_13 = arith.constant 1 : i32
    scf.for %scan3A_15 = %scan3A_10 to %scan3A_12 step %scan3A_13  : i32 {
      %mul3A_16 = arith.constant 512 : i32
      %mul3A_17 = arith.muli %scan3A_15, %mul3A_16 : i32
      %broadcast_in_dim3A = arith.constant 0.000000e+00 : f32
      %broadcast_in_dim3A_18 = vector.broadcast %broadcast_in_dim3A : f32 to vector<16xf32>
      %add3A_19 = arith.constant 0 : i32
      %add3A_20 = vector.broadcast %add3A_19 : i32 to vector<16xi32>
      %add3A_21 = arith.addi %iota3A, %add3A_20 : vector<16xi32>
      %and3A = arith.constant 31 : i32
      %and3A_22 = vector.broadcast %and3A : i32 to vector<16xi32>
      %and3A_23 = arith.andi %add3A_21, %and3A_22 : vector<16xi32>
      %add3A_24 = vector.broadcast %mul3A_17 : i32 to vector<16xi32>
      %add3A_25 = arith.addi %mul3A_9, %add3A_24 : vector<16xi32>
      %add3A_26 = arith.addi %add3A_25, %and3A_23 : vector<16xi32>
      %gather3A = tpu.vector_load_idx %arg5[%add3A_26] : memref<16384xf32, #tpu.memory_space<vmem>>[vector<16xi32>], vector<16xf32>,
      %gather3A_27 = tpu.vector_load_idx %arg6[%add3A_26] : memref<16384xf32, #tpu.memory_space<vmem>>[vector<16xi32>], vector<16xf32>,
      %mul3A_28 = arith.mulf %gather3A, %gather3A_27 : vector<16xf32>
      %add3A_29 = arith.addf %broadcast_in_dim3A_18, %mul3A_28 : vector<16xf32>
      %add3A_30 = arith.constant 1 : i32
      %add3A_31 = vector.broadcast %add3A_30 : i32 to vector<16xi32>
      %add3A_32 = arith.addi %iota3A, %add3A_31 : vector<16xi32>
      %and3A_33 = arith.constant 31 : i32
      %and3A_34 = vector.broadcast %and3A_33 : i32 to vector<16xi32>
      %and3A_35 = arith.andi %add3A_32, %and3A_34 : vector<16xi32>
      %add3A_36 = vector.broadcast %mul3A_17 : i32 to vector<16xi32>
      %add3A_37 = arith.addi %mul3A_9, %add3A_36 : vector<16xi32>
      %add3A_38 = arith.addi %add3A_37, %and3A_35 : vector<16xi32>
      %gather3A_39 = tpu.vector_load_idx %arg5[%add3A_38] : memref<16384xf32, #tpu.memory_space<vmem>>[vector<16xi32>], vector<16xf32>,
      %gather3A_40 = tpu.vector_load_idx %arg6[%add3A_38] : memref<16384xf32, #tpu.memory_space<vmem>>[vector<16xi32>], vector<16xf32>,
      %mul3A_41 = arith.mulf %gather3A_39, %gather3A_40 : vector<16xf32>
      %add3A_42 = arith.addf %add3A_29, %mul3A_41 : vector<16xf32>
      %add3A_43 = arith.constant 2 : i32
      %add3A_44 = vector.broadcast %add3A_43 : i32 to vector<16xi32>
      %add3A_45 = arith.addi %iota3A, %add3A_44 : vector<16xi32>
      %and3A_46 = arith.constant 31 : i32
      %and3A_47 = vector.broadcast %and3A_46 : i32 to vector<16xi32>
      %and3A_48 = arith.andi %add3A_45, %and3A_47 : vector<16xi32>
      %add3A_49 = vector.broadcast %mul3A_17 : i32 to vector<16xi32>
      %add3A_50 = arith.addi %mul3A_9, %add3A_49 : vector<16xi32>
      %add3A_51 = arith.addi %add3A_50, %and3A_48 : vector<16xi32>
      %gather3A_52 = tpu.vector_load_idx %arg5[%add3A_51] : memref<16384xf32, #tpu.memory_space<vmem>>[vector<16xi32>], vector<16xf32>,
      %gather3A_53 = tpu.vector_load_idx %arg6[%add3A_51] : memref<16384xf32, #tpu.memory_space<vmem>>[vector<16xi32>], vector<16xf32>,
      %mul3A_54 = arith.mulf %gather3A_52, %gather3A_53 : vector<16xf32>
      %add3A_55 = arith.addf %add3A_42, %mul3A_54 : vector<16xf32>
      %add3A_56 = arith.constant 3 : i32
      %add3A_57 = vector.broadcast %add3A_56 : i32 to vector<16xi32>
      %add3A_58 = arith.addi %iota3A, %add3A_57 : vector<16xi32>
      %and3A_59 = arith.constant 31 : i32
      %and3A_60 = vector.broadcast %and3A_59 : i32 to vector<16xi32>
      %and3A_61 = arith.andi %add3A_58, %and3A_60 : vector<16xi32>
      %add3A_62 = vector.broadcast %mul3A_17 : i32 to vector<16xi32>
      %add3A_63 = arith.addi %mul3A_9, %add3A_62 : vector<16xi32>
      %add3A_64 = arith.addi %add3A_63, %and3A_61 : vector<16xi32>
      %gather3A_65 = tpu.vector_load_idx %arg5[%add3A_64] : memref<16384xf32, #tpu.memory_space<vmem>>[vector<16xi32>], vector<16xf32>,
      %gather3A_66 = tpu.vector_load_idx %arg6[%add3A_64] : memref<16384xf32, #tpu.memory_space<vmem>>[vector<16xi32>], vector<16xf32>,
      %mul3A_67 = arith.mulf %gather3A_65, %gather3A_66 : vector<16xf32>
      %add3A_68 = arith.addf %add3A_55, %mul3A_67 : vector<16xf32>
      %add3A_69 = arith.constant 4 : i32
      %add3A_70 = vector.broadcast %add3A_69 : i32 to vector<16xi32>
      %add3A_71 = arith.addi %iota3A, %add3A_70 : vector<16xi32>
      %and3A_72 = arith.constant 31 : i32
      %and3A_73 = vector.broadcast %and3A_72 : i32 to vector<16xi32>
      %and3A_74 = arith.andi %add3A_71, %and3A_73 : vector<16xi32>
      %add3A_75 = vector.broadcast %mul3A_17 : i32 to vector<16xi32>
      %add3A_76 = arith.addi %mul3A_9, %add3A_75 : vector<16xi32>
      %add3A_77 = arith.addi %add3A_76, %and3A_74 : vector<16xi32>
      %gather3A_78 = tpu.vector_load_idx %arg5[%add3A_77] : memref<16384xf32, #tpu.memory_space<vmem>>[vector<16xi32>], vector<16xf32>,
      %gather3A_79 = tpu.vector_load_idx %arg6[%add3A_77] : memref<16384xf32, #tpu.memory_space<vmem>>[vector<16xi32>], vector<16xf32>,
      %mul3A_80 = arith.mulf %gather3A_78, %gather3A_79 : vector<16xf32>
      %add3A_81 = arith.addf %add3A_68, %mul3A_80 : vector<16xf32>
      %add3A_82 = arith.constant 5 : i32
      %add3A_83 = vector.broadcast %add3A_82 : i32 to vector<16xi32>
      %add3A_84 = arith.addi %iota3A, %add3A_83 : vector<16xi32>
      %and3A_85 = arith.constant 31 : i32
      %and3A_86 = vector.broadcast %and3A_85 : i32 to vector<16xi32>
      %and3A_87 = arith.andi %add3A_84, %and3A_86 : vector<16xi32>
      %add3A_88 = vector.broadcast %mul3A_17 : i32 to vector<16xi32>
      %add3A_89 = arith.addi %mul3A_9, %add3A_88 : vector<16xi32>
      %add3A_90 = arith.addi %add3A_89, %and3A_87 : vector<16xi32>
      %gather3A_91 = tpu.vector_load_idx %arg5[%add3A_90] : memref<16384xf32, #tpu.memory_space<vmem>>[vector<16xi32>], vector<16xf32>,
      %gather3A_92 = tpu.vector_load_idx %arg6[%add3A_90] : memref<16384xf32, #tpu.memory_space<vmem>>[vector<16xi32>], vector<16xf32>,
      %mul3A_93 = arith.mulf %gather3A_91, %gather3A_92 : vector<16xf32>
      %add3A_94 = arith.addf %add3A_81, %mul3A_93 : vector<16xf32>
      %add3A_95 = arith.constant 6 : i32
      %add3A_96 = vector.broadcast %add3A_95 : i32 to vector<16xi32>
      %add3A_97 = arith.addi %iota3A, %add3A_96 : vector<16xi32>
      %and3A_98 = arith.constant 31 : i32
      %and3A_99 = vector.broadcast %and3A_98 : i32 to vector<16xi32>
      %and3A_100 = arith.andi %add3A_97, %and3A_99 : vector<16xi32>
      %add3A_101 = vector.broadcast %mul3A_17 : i32 to vector<16xi32>
      %add3A_102 = arith.addi %mul3A_9, %add3A_101 : vector<16xi32>
      %add3A_103 = arith.addi %add3A_102, %and3A_100 : vector<16xi32>
      %gather3A_104 = tpu.vector_load_idx %arg5[%add3A_103] : memref<16384xf32, #tpu.memory_space<vmem>>[vector<16xi32>], vector<16xf32>,
      %gather3A_105 = tpu.vector_load_idx %arg6[%add3A_103] : memref<16384xf32, #tpu.memory_space<vmem>>[vector<16xi32>], vector<16xf32>,
      %mul3A_106 = arith.mulf %gather3A_104, %gather3A_105 : vector<16xf32>
      %add3A_107 = arith.addf %add3A_94, %mul3A_106 : vector<16xf32>
      %add3A_108 = arith.constant 7 : i32
      %add3A_109 = vector.broadcast %add3A_108 : i32 to vector<16xi32>
      %add3A_110 = arith.addi %iota3A, %add3A_109 : vector<16xi32>
      %and3A_111 = arith.constant 31 : i32
      %and3A_112 = vector.broadcast %and3A_111 : i32 to vector<16xi32>
      %and3A_113 = arith.andi %add3A_110, %and3A_112 : vector<16xi32>
      %add3A_114 = vector.broadcast %mul3A_17 : i32 to vector<16xi32>
      %add3A_115 = arith.addi %mul3A_9, %add3A_114 : vector<16xi32>
      %add3A_116 = arith.addi %add3A_115, %and3A_113 : vector<16xi32>
      %gather3A_117 = tpu.vector_load_idx %arg5[%add3A_116] : memref<16384xf32, #tpu.memory_space<vmem>>[vector<16xi32>], vector<16xf32>,
      %gather3A_118 = tpu.vector_load_idx %arg6[%add3A_116] : memref<16384xf32, #tpu.memory_space<vmem>>[vector<16xi32>], vector<16xf32>,
      %mul3A_119 = arith.mulf %gather3A_117, %gather3A_118 : vector<16xf32>
      %add3A_120 = arith.addf %add3A_107, %mul3A_119 : vector<16xf32>
      %add3A_121 = arith.constant 8 : i32
      %add3A_122 = vector.broadcast %add3A_121 : i32 to vector<16xi32>
      %add3A_123 = arith.addi %iota3A, %add3A_122 : vector<16xi32>
      %and3A_124 = arith.constant 31 : i32
      %and3A_125 = vector.broadcast %and3A_124 : i32 to vector<16xi32>
      %and3A_126 = arith.andi %add3A_123, %and3A_125 : vector<16xi32>
      %add3A_127 = vector.broadcast %mul3A_17 : i32 to vector<16xi32>
      %add3A_128 = arith.addi %mul3A_9, %add3A_127 : vector<16xi32>
      %add3A_129 = arith.addi %add3A_128, %and3A_126 : vector<16xi32>
      %gather3A_130 = tpu.vector_load_idx %arg5[%add3A_129] : memref<16384xf32, #tpu.memory_space<vmem>>[vector<16xi32>], vector<16xf32>,
      %gather3A_131 = tpu.vector_load_idx %arg6[%add3A_129] : memref<16384xf32, #tpu.memory_space<vmem>>[vector<16xi32>], vector<16xf32>,
      %mul3A_132 = arith.mulf %gather3A_130, %gather3A_131 : vector<16xf32>
      %add3A_133 = arith.addf %add3A_120, %mul3A_132 : vector<16xf32>
      %add3A_134 = arith.constant 9 : i32
      %add3A_135 = vector.broadcast %add3A_134 : i32 to vector<16xi32>
      %add3A_136 = arith.addi %iota3A, %add3A_135 : vector<16xi32>
      %and3A_137 = arith.constant 31 : i32
      %and3A_138 = vector.broadcast %and3A_137 : i32 to vector<16xi32>
      %and3A_139 = arith.andi %add3A_136, %and3A_138 : vector<16xi32>
      %add3A_140 = vector.broadcast %mul3A_17 : i32 to vector<16xi32>
      %add3A_141 = arith.addi %mul3A_9, %add3A_140 : vector<16xi32>
      %add3A_142 = arith.addi %add3A_141, %and3A_139 : vector<16xi32>
      %gather3A_143 = tpu.vector_load_idx %arg5[%add3A_142] : memref<16384xf32, #tpu.memory_space<vmem>>[vector<16xi32>], vector<16xf32>,
      %gather3A_144 = tpu.vector_load_idx %arg6[%add3A_142] : memref<16384xf32, #tpu.memory_space<vmem>>[vector<16xi32>], vector<16xf32>,
      %mul3A_145 = arith.mulf %gather3A_143, %gather3A_144 : vector<16xf32>
      %add3A_146 = arith.addf %add3A_133, %mul3A_145 : vector<16xf32>
      %add3A_147 = arith.constant 10 : i32
      %add3A_148 = vector.broadcast %add3A_147 : i32 to vector<16xi32>
      %add3A_149 = arith.addi %iota3A, %add3A_148 : vector<16xi32>
      %and3A_150 = arith.constant 31 : i32
      %and3A_151 = vector.broadcast %and3A_150 : i32 to vector<16xi32>
      %and3A_152 = arith.andi %add3A_149, %and3A_151 : vector<16xi32>
      %add3A_153 = vector.broadcast %mul3A_17 : i32 to vector<16xi32>
      %add3A_154 = arith.addi %mul3A_9, %add3A_153 : vector<16xi32>
      %add3A_155 = arith.addi %add3A_154, %and3A_152 : vector<16xi32>
      %gather3A_156 = tpu.vector_load_idx %arg5[%add3A_155] : memref<16384xf32, #tpu.memory_space<vmem>>[vector<16xi32>], vector<16xf32>,
      %gather3A_157 = tpu.vector_load_idx %arg6[%add3A_155] : memref<16384xf32, #tpu.memory_space<vmem>>[vector<16xi32>], vector<16xf32>,
      %mul3A_158 = arith.mulf %gather3A_156, %gather3A_157 : vector<16xf32>
      %add3A_159 = arith.addf %add3A_146, %mul3A_158 : vector<16xf32>
      %add3A_160 = arith.constant 11 : i32
      %add3A_161 = vector.broadcast %add3A_160 : i32 to vector<16xi32>
      %add3A_162 = arith.addi %iota3A, %add3A_161 : vector<16xi32>
      %and3A_163 = arith.constant 31 : i32
      %and3A_164 = vector.broadcast %and3A_163 : i32 to vector<16xi32>
      %and3A_165 = arith.andi %add3A_162, %and3A_164 : vector<16xi32>
      %add3A_166 = vector.broadcast %mul3A_17 : i32 to vector<16xi32>
      %add3A_167 = arith.addi %mul3A_9, %add3A_166 : vector<16xi32>
      %add3A_168 = arith.addi %add3A_167, %and3A_165 : vector<16xi32>
      %gather3A_169 = tpu.vector_load_idx %arg5[%add3A_168] : memref<16384xf32, #tpu.memory_space<vmem>>[vector<16xi32>], vector<16xf32>,
      %gather3A_170 = tpu.vector_load_idx %arg6[%add3A_168] : memref<16384xf32, #tpu.memory_space<vmem>>[vector<16xi32>], vector<16xf32>,
      %mul3A_171 = arith.mulf %gather3A_169, %gather3A_170 : vector<16xf32>
      %add3A_172 = arith.addf %add3A_159, %mul3A_171 : vector<16xf32>
      %add3A_173 = arith.constant 12 : i32
      %add3A_174 = vector.broadcast %add3A_173 : i32 to vector<16xi32>
      %add3A_175 = arith.addi %iota3A, %add3A_174 : vector<16xi32>
      %and3A_176 = arith.constant 31 : i32
      %and3A_177 = vector.broadcast %and3A_176 : i32 to vector<16xi32>
      %and3A_178 = arith.andi %add3A_175, %and3A_177 : vector<16xi32>
      %add3A_179 = vector.broadcast %mul3A_17 : i32 to vector<16xi32>
      %add3A_180 = arith.addi %mul3A_9, %add3A_179 : vector<16xi32>
      %add3A_181 = arith.addi %add3A_180, %and3A_178 : vector<16xi32>
      %gather3A_182 = tpu.vector_load_idx %arg5[%add3A_181] : memref<16384xf32, #tpu.memory_space<vmem>>[vector<16xi32>], vector<16xf32>,
      %gather3A_183 = tpu.vector_load_idx %arg6[%add3A_181] : memref<16384xf32, #tpu.memory_space<vmem>>[vector<16xi32>], vector<16xf32>,
      %mul3A_184 = arith.mulf %gather3A_182, %gather3A_183 : vector<16xf32>
      %add3A_185 = arith.addf %add3A_172, %mul3A_184 : vector<16xf32>
      %add3A_186 = arith.constant 13 : i32
      %add3A_187 = vector.broadcast %add3A_186 : i32 to vector<16xi32>
      %add3A_188 = arith.addi %iota3A, %add3A_187 : vector<16xi32>
      %and3A_189 = arith.constant 31 : i32
      %and3A_190 = vector.broadcast %and3A_189 : i32 to vector<16xi32>
      %and3A_191 = arith.andi %add3A_188, %and3A_190 : vector<16xi32>
      %add3A_192 = vector.broadcast %mul3A_17 : i32 to vector<16xi32>
      %add3A_193 = arith.addi %mul3A_9, %add3A_192 : vector<16xi32>
      %add3A_194 = arith.addi %add3A_193, %and3A_191 : vector<16xi32>
      %gather3A_195 = tpu.vector_load_idx %arg5[%add3A_194] : memref<16384xf32, #tpu.memory_space<vmem>>[vector<16xi32>], vector<16xf32>,
      %gather3A_196 = tpu.vector_load_idx %arg6[%add3A_194] : memref<16384xf32, #tpu.memory_space<vmem>>[vector<16xi32>], vector<16xf32>,
      %mul3A_197 = arith.mulf %gather3A_195, %gather3A_196 : vector<16xf32>
      %add3A_198 = arith.addf %add3A_185, %mul3A_197 : vector<16xf32>
      %add3A_199 = arith.constant 14 : i32
      %add3A_200 = vector.broadcast %add3A_199 : i32 to vector<16xi32>
      %add3A_201 = arith.addi %iota3A, %add3A_200 : vector<16xi32>
      %and3A_202 = arith.constant 31 : i32
      %and3A_203 = vector.broadcast %and3A_202 : i32 to vector<16xi32>
      %and3A_204 = arith.andi %add3A_201, %and3A_203 : vector<16xi32>
      %add3A_205 = vector.broadcast %mul3A_17 : i32 to vector<16xi32>
      %add3A_206 = arith.addi %mul3A_9, %add3A_205 : vector<16xi32>
      %add3A_207 = arith.addi %add3A_206, %and3A_204 : vector<16xi32>
      %gather3A_208 = tpu.vector_load_idx %arg5[%add3A_207] : memref<16384xf32, #tpu.memory_space<vmem>>[vector<16xi32>], vector<16xf32>,
      %gather3A_209 = tpu.vector_load_idx %arg6[%add3A_207] : memref<16384xf32, #tpu.memory_space<vmem>>[vector<16xi32>], vector<16xf32>,
      %mul3A_210 = arith.mulf %gather3A_208, %gather3A_209 : vector<16xf32>
      %add3A_211 = arith.addf %add3A_198, %mul3A_210 : vector<16xf32>
      %add3A_212 = arith.constant 15 : i32
      %add3A_213 = vector.broadcast %add3A_212 : i32 to vector<16xi32>
      %add3A_214 = arith.addi %iota3A, %add3A_213 : vector<16xi32>
      %and3A_215 = arith.constant 31 : i32
      %and3A_216 = vector.broadcast %and3A_215 : i32 to vector<16xi32>
      %and3A_217 = arith.andi %add3A_214, %and3A_216 : vector<16xi32>
      %add3A_218 = vector.broadcast %mul3A_17 : i32 to vector<16xi32>
      %add3A_219 = arith.addi %mul3A_9, %add3A_218 : vector<16xi32>
      %add3A_220 = arith.addi %add3A_219, %and3A_217 : vector<16xi32>
      %gather3A_221 = tpu.vector_load_idx %arg5[%add3A_220] : memref<16384xf32, #tpu.memory_space<vmem>>[vector<16xi32>], vector<16xf32>,
      %gather3A_222 = tpu.vector_load_idx %arg6[%add3A_220] : memref<16384xf32, #tpu.memory_space<vmem>>[vector<16xi32>], vector<16xf32>,
      %mul3A_223 = arith.mulf %gather3A_221, %gather3A_222 : vector<16xf32>
      %add3A_224 = arith.addf %add3A_211, %mul3A_223 : vector<16xf32>
      %add3A_225 = arith.constant 16 : i32
      %add3A_226 = vector.broadcast %add3A_225 : i32 to vector<16xi32>
      %add3A_227 = arith.addi %iota3A, %add3A_226 : vector<16xi32>
      %and3A_228 = arith.constant 31 : i32
      %and3A_229 = vector.broadcast %and3A_228 : i32 to vector<16xi32>
      %and3A_230 = arith.andi %add3A_227, %and3A_229 : vector<16xi32>
      %add3A_231 = vector.broadcast %mul3A_17 : i32 to vector<16xi32>
      %add3A_232 = arith.addi %mul3A_9, %add3A_231 : vector<16xi32>
      %add3A_233 = arith.addi %add3A_232, %and3A_230 : vector<16xi32>
      %gather3A_234 = tpu.vector_load_idx %arg5[%add3A_233] : memref<16384xf32, #tpu.memory_space<vmem>>[vector<16xi32>], vector<16xf32>,
      %gather3A_235 = tpu.vector_load_idx %arg6[%add3A_233] : memref<16384xf32, #tpu.memory_space<vmem>>[vector<16xi32>], vector<16xf32>,
      %mul3A_236 = arith.mulf %gather3A_234, %gather3A_235 : vector<16xf32>
      %add3A_237 = arith.addf %add3A_224, %mul3A_236 : vector<16xf32>
      %add3A_238 = arith.constant 17 : i32
      %add3A_239 = vector.broadcast %add3A_238 : i32 to vector<16xi32>
      %add3A_240 = arith.addi %iota3A, %add3A_239 : vector<16xi32>
      %and3A_241 = arith.constant 31 : i32
      %and3A_242 = vector.broadcast %and3A_241 : i32 to vector<16xi32>
      %and3A_243 = arith.andi %add3A_240, %and3A_242 : vector<16xi32>
      %add3A_244 = vector.broadcast %mul3A_17 : i32 to vector<16xi32>
      %add3A_245 = arith.addi %mul3A_9, %add3A_244 : vector<16xi32>
      %add3A_246 = arith.addi %add3A_245, %and3A_243 : vector<16xi32>
      %gather3A_247 = tpu.vector_load_idx %arg5[%add3A_246] : memref<16384xf32, #tpu.memory_space<vmem>>[vector<16xi32>], vector<16xf32>,
      %gather3A_248 = tpu.vector_load_idx %arg6[%add3A_246] : memref<16384xf32, #tpu.memory_space<vmem>>[vector<16xi32>], vector<16xf32>,
      %mul3A_249 = arith.mulf %gather3A_247, %gather3A_248 : vector<16xf32>
      %add3A_250 = arith.addf %add3A_237, %mul3A_249 : vector<16xf32>
      %add3A_251 = arith.constant 18 : i32
      %add3A_252 = vector.broadcast %add3A_251 : i32 to vector<16xi32>
      %add3A_253 = arith.addi %iota3A, %add3A_252 : vector<16xi32>
      %and3A_254 = arith.constant 31 : i32
      %and3A_255 = vector.broadcast %and3A_254 : i32 to vector<16xi32>
      %and3A_256 = arith.andi %add3A_253, %and3A_255 : vector<16xi32>
      %add3A_257 = vector.broadcast %mul3A_17 : i32 to vector<16xi32>
      %add3A_258 = arith.addi %mul3A_9, %add3A_257 : vector<16xi32>
      %add3A_259 = arith.addi %add3A_258, %and3A_256 : vector<16xi32>
      %gather3A_260 = tpu.vector_load_idx %arg5[%add3A_259] : memref<16384xf32, #tpu.memory_space<vmem>>[vector<16xi32>], vector<16xf32>,
      %gather3A_261 = tpu.vector_load_idx %arg6[%add3A_259] : memref<16384xf32, #tpu.memory_space<vmem>>[vector<16xi32>], vector<16xf32>,
      %mul3A_262 = arith.mulf %gather3A_260, %gather3A_261 : vector<16xf32>
      %add3A_263 = arith.addf %add3A_250, %mul3A_262 : vector<16xf32>
      %add3A_264 = arith.constant 19 : i32
      %add3A_265 = vector.broadcast %add3A_264 : i32 to vector<16xi32>
      %add3A_266 = arith.addi %iota3A, %add3A_265 : vector<16xi32>
      %and3A_267 = arith.constant 31 : i32
      %and3A_268 = vector.broadcast %and3A_267 : i32 to vector<16xi32>
      %and3A_269 = arith.andi %add3A_266, %and3A_268 : vector<16xi32>
      %add3A_270 = vector.broadcast %mul3A_17 : i32 to vector<16xi32>
      %add3A_271 = arith.addi %mul3A_9, %add3A_270 : vector<16xi32>
      %add3A_272 = arith.addi %add3A_271, %and3A_269 : vector<16xi32>
      %gather3A_273 = tpu.vector_load_idx %arg5[%add3A_272] : memref<16384xf32, #tpu.memory_space<vmem>>[vector<16xi32>], vector<16xf32>,
      %gather3A_274 = tpu.vector_load_idx %arg6[%add3A_272] : memref<16384xf32, #tpu.memory_space<vmem>>[vector<16xi32>], vector<16xf32>,
      %mul3A_275 = arith.mulf %gather3A_273, %gather3A_274 : vector<16xf32>
      %add3A_276 = arith.addf %add3A_263, %mul3A_275 : vector<16xf32>
      %add3A_277 = arith.constant 20 : i32
      %add3A_278 = vector.broadcast %add3A_277 : i32 to vector<16xi32>
      %add3A_279 = arith.addi %iota3A, %add3A_278 : vector<16xi32>
      %and3A_280 = arith.constant 31 : i32
      %and3A_281 = vector.broadcast %and3A_280 : i32 to vector<16xi32>
      %and3A_282 = arith.andi %add3A_279, %and3A_281 : vector<16xi32>
      %add3A_283 = vector.broadcast %mul3A_17 : i32 to vector<16xi32>
      %add3A_284 = arith.addi %mul3A_9, %add3A_283 : vector<16xi32>
      %add3A_285 = arith.addi %add3A_284, %and3A_282 : vector<16xi32>
      %gather3A_286 = tpu.vector_load_idx %arg5[%add3A_285] : memref<16384xf32, #tpu.memory_space<vmem>>[vector<16xi32>], vector<16xf32>,
      %gather3A_287 = tpu.vector_load_idx %arg6[%add3A_285] : memref<16384xf32, #tpu.memory_space<vmem>>[vector<16xi32>], vector<16xf32>,
      %mul3A_288 = arith.mulf %gather3A_286, %gather3A_287 : vector<16xf32>
      %add3A_289 = arith.addf %add3A_276, %mul3A_288 : vector<16xf32>
      %add3A_290 = arith.constant 21 : i32
      %add3A_291 = vector.broadcast %add3A_290 : i32 to vector<16xi32>
      %add3A_292 = arith.addi %iota3A, %add3A_291 : vector<16xi32>
      %and3A_293 = arith.constant 31 : i32
      %and3A_294 = vector.broadcast %and3A_293 : i32 to vector<16xi32>
      %and3A_295 = arith.andi %add3A_292, %and3A_294 : vector<16xi32>
      %add3A_296 = vector.broadcast %mul3A_17 : i32 to vector<16xi32>
      %add3A_297 = arith.addi %mul3A_9, %add3A_296 : vector<16xi32>
      %add3A_298 = arith.addi %add3A_297, %and3A_295 : vector<16xi32>
      %gather3A_299 = tpu.vector_load_idx %arg5[%add3A_298] : memref<16384xf32, #tpu.memory_space<vmem>>[vector<16xi32>], vector<16xf32>,
      %gather3A_300 = tpu.vector_load_idx %arg6[%add3A_298] : memref<16384xf32, #tpu.memory_space<vmem>>[vector<16xi32>], vector<16xf32>,
      %mul3A_301 = arith.mulf %gather3A_299, %gather3A_300 : vector<16xf32>
      %add3A_302 = arith.addf %add3A_289, %mul3A_301 : vector<16xf32>
      %add3A_303 = arith.constant 22 : i32
      %add3A_304 = vector.broadcast %add3A_303 : i32 to vector<16xi32>
      %add3A_305 = arith.addi %iota3A, %add3A_304 : vector<16xi32>
      %and3A_306 = arith.constant 31 : i32
      %and3A_307 = vector.broadcast %and3A_306 : i32 to vector<16xi32>
      %and3A_308 = arith.andi %add3A_305, %and3A_307 : vector<16xi32>
      %add3A_309 = vector.broadcast %mul3A_17 : i32 to vector<16xi32>
      %add3A_310 = arith.addi %mul3A_9, %add3A_309 : vector<16xi32>
      %add3A_311 = arith.addi %add3A_310, %and3A_308 : vector<16xi32>
      %gather3A_312 = tpu.vector_load_idx %arg5[%add3A_311] : memref<16384xf32, #tpu.memory_space<vmem>>[vector<16xi32>], vector<16xf32>,
      %gather3A_313 = tpu.vector_load_idx %arg6[%add3A_311] : memref<16384xf32, #tpu.memory_space<vmem>>[vector<16xi32>], vector<16xf32>,
      %mul3A_314 = arith.mulf %gather3A_312, %gather3A_313 : vector<16xf32>
      %add3A_315 = arith.addf %add3A_302, %mul3A_314 : vector<16xf32>
      %add3A_316 = arith.constant 23 : i32
      %add3A_317 = vector.broadcast %add3A_316 : i32 to vector<16xi32>
      %add3A_318 = arith.addi %iota3A, %add3A_317 : vector<16xi32>
      %and3A_319 = arith.constant 31 : i32
      %and3A_320 = vector.broadcast %and3A_319 : i32 to vector<16xi32>
      %and3A_321 = arith.andi %add3A_318, %and3A_320 : vector<16xi32>
      %add3A_322 = vector.broadcast %mul3A_17 : i32 to vector<16xi32>
      %add3A_323 = arith.addi %mul3A_9, %add3A_322 : vector<16xi32>
      %add3A_324 = arith.addi %add3A_323, %and3A_321 : vector<16xi32>
      %gather3A_325 = tpu.vector_load_idx %arg5[%add3A_324] : memref<16384xf32, #tpu.memory_space<vmem>>[vector<16xi32>], vector<16xf32>,
      %gather3A_326 = tpu.vector_load_idx %arg6[%add3A_324] : memref<16384xf32, #tpu.memory_space<vmem>>[vector<16xi32>], vector<16xf32>,
      %mul3A_327 = arith.mulf %gather3A_325, %gather3A_326 : vector<16xf32>
      %add3A_328 = arith.addf %add3A_315, %mul3A_327 : vector<16xf32>
      %add3A_329 = arith.constant 24 : i32
      %add3A_330 = vector.broadcast %add3A_329 : i32 to vector<16xi32>
      %add3A_331 = arith.addi %iota3A, %add3A_330 : vector<16xi32>
      %and3A_332 = arith.constant 31 : i32
      %and3A_333 = vector.broadcast %and3A_332 : i32 to vector<16xi32>
      %and3A_334 = arith.andi %add3A_331, %and3A_333 : vector<16xi32>
      %add3A_335 = vector.broadcast %mul3A_17 : i32 to vector<16xi32>
      %add3A_336 = arith.addi %mul3A_9, %add3A_335 : vector<16xi32>
      %add3A_337 = arith.addi %add3A_336, %and3A_334 : vector<16xi32>
      %gather3A_338 = tpu.vector_load_idx %arg5[%add3A_337] : memref<16384xf32, #tpu.memory_space<vmem>>[vector<16xi32>], vector<16xf32>,
      %gather3A_339 = tpu.vector_load_idx %arg6[%add3A_337] : memref<16384xf32, #tpu.memory_space<vmem>>[vector<16xi32>], vector<16xf32>,
      %mul3A_340 = arith.mulf %gather3A_338, %gather3A_339 : vector<16xf32>
      %add3A_341 = arith.addf %add3A_328, %mul3A_340 : vector<16xf32>
      %add3A_342 = arith.constant 25 : i32
      %add3A_343 = vector.broadcast %add3A_342 : i32 to vector<16xi32>
      %add3A_344 = arith.addi %iota3A, %add3A_343 : vector<16xi32>
      %and3A_345 = arith.constant 31 : i32
      %and3A_346 = vector.broadcast %and3A_345 : i32 to vector<16xi32>
      %and3A_347 = arith.andi %add3A_344, %and3A_346 : vector<16xi32>
      %add3A_348 = vector.broadcast %mul3A_17 : i32 to vector<16xi32>
      %add3A_349 = arith.addi %mul3A_9, %add3A_348 : vector<16xi32>
      %add3A_350 = arith.addi %add3A_349, %and3A_347 : vector<16xi32>
      %gather3A_351 = tpu.vector_load_idx %arg5[%add3A_350] : memref<16384xf32, #tpu.memory_space<vmem>>[vector<16xi32>], vector<16xf32>,
      %gather3A_352 = tpu.vector_load_idx %arg6[%add3A_350] : memref<16384xf32, #tpu.memory_space<vmem>>[vector<16xi32>], vector<16xf32>,
      %mul3A_353 = arith.mulf %gather3A_351, %gather3A_352 : vector<16xf32>
      %add3A_354 = arith.addf %add3A_341, %mul3A_353 : vector<16xf32>
      %add3A_355 = arith.constant 26 : i32
      %add3A_356 = vector.broadcast %add3A_355 : i32 to vector<16xi32>
      %add3A_357 = arith.addi %iota3A, %add3A_356 : vector<16xi32>
      %and3A_358 = arith.constant 31 : i32
      %and3A_359 = vector.broadcast %and3A_358 : i32 to vector<16xi32>
      %and3A_360 = arith.andi %add3A_357, %and3A_359 : vector<16xi32>
      %add3A_361 = vector.broadcast %mul3A_17 : i32 to vector<16xi32>
      %add3A_362 = arith.addi %mul3A_9, %add3A_361 : vector<16xi32>
      %add3A_363 = arith.addi %add3A_362, %and3A_360 : vector<16xi32>
      %gather3A_364 = tpu.vector_load_idx %arg5[%add3A_363] : memref<16384xf32, #tpu.memory_space<vmem>>[vector<16xi32>], vector<16xf32>,
      %gather3A_365 = tpu.vector_load_idx %arg6[%add3A_363] : memref<16384xf32, #tpu.memory_space<vmem>>[vector<16xi32>], vector<16xf32>,
      %mul3A_366 = arith.mulf %gather3A_364, %gather3A_365 : vector<16xf32>
      %add3A_367 = arith.addf %add3A_354, %mul3A_366 : vector<16xf32>
      %add3A_368 = arith.constant 27 : i32
      %add3A_369 = vector.broadcast %add3A_368 : i32 to vector<16xi32>
      %add3A_370 = arith.addi %iota3A, %add3A_369 : vector<16xi32>
      %and3A_371 = arith.constant 31 : i32
      %and3A_372 = vector.broadcast %and3A_371 : i32 to vector<16xi32>
      %and3A_373 = arith.andi %add3A_370, %and3A_372 : vector<16xi32>
      %add3A_374 = vector.broadcast %mul3A_17 : i32 to vector<16xi32>
      %add3A_375 = arith.addi %mul3A_9, %add3A_374 : vector<16xi32>
      %add3A_376 = arith.addi %add3A_375, %and3A_373 : vector<16xi32>
      %gather3A_377 = tpu.vector_load_idx %arg5[%add3A_376] : memref<16384xf32, #tpu.memory_space<vmem>>[vector<16xi32>], vector<16xf32>,
      %gather3A_378 = tpu.vector_load_idx %arg6[%add3A_376] : memref<16384xf32, #tpu.memory_space<vmem>>[vector<16xi32>], vector<16xf32>,
      %mul3A_379 = arith.mulf %gather3A_377, %gather3A_378 : vector<16xf32>
      %add3A_380 = arith.addf %add3A_367, %mul3A_379 : vector<16xf32>
      %add3A_381 = arith.constant 28 : i32
      %add3A_382 = vector.broadcast %add3A_381 : i32 to vector<16xi32>
      %add3A_383 = arith.addi %iota3A, %add3A_382 : vector<16xi32>
      %and3A_384 = arith.constant 31 : i32
      %and3A_385 = vector.broadcast %and3A_384 : i32 to vector<16xi32>
      %and3A_386 = arith.andi %add3A_383, %and3A_385 : vector<16xi32>
      %add3A_387 = vector.broadcast %mul3A_17 : i32 to vector<16xi32>
      %add3A_388 = arith.addi %mul3A_9, %add3A_387 : vector<16xi32>
      %add3A_389 = arith.addi %add3A_388, %and3A_386 : vector<16xi32>
      %gather3A_390 = tpu.vector_load_idx %arg5[%add3A_389] : memref<16384xf32, #tpu.memory_space<vmem>>[vector<16xi32>], vector<16xf32>,
      %gather3A_391 = tpu.vector_load_idx %arg6[%add3A_389] : memref<16384xf32, #tpu.memory_space<vmem>>[vector<16xi32>], vector<16xf32>,
      %mul3A_392 = arith.mulf %gather3A_390, %gather3A_391 : vector<16xf32>
      %add3A_393 = arith.addf %add3A_380, %mul3A_392 : vector<16xf32>
      %add3A_394 = arith.constant 29 : i32
      %add3A_395 = vector.broadcast %add3A_394 : i32 to vector<16xi32>
      %add3A_396 = arith.addi %iota3A, %add3A_395 : vector<16xi32>
      %and3A_397 = arith.constant 31 : i32
      %and3A_398 = vector.broadcast %and3A_397 : i32 to vector<16xi32>
      %and3A_399 = arith.andi %add3A_396, %and3A_398 : vector<16xi32>
      %add3A_400 = vector.broadcast %mul3A_17 : i32 to vector<16xi32>
      %add3A_401 = arith.addi %mul3A_9, %add3A_400 : vector<16xi32>
      %add3A_402 = arith.addi %add3A_401, %and3A_399 : vector<16xi32>
      %gather3A_403 = tpu.vector_load_idx %arg5[%add3A_402] : memref<16384xf32, #tpu.memory_space<vmem>>[vector<16xi32>], vector<16xf32>,
      %gather3A_404 = tpu.vector_load_idx %arg6[%add3A_402] : memref<16384xf32, #tpu.memory_space<vmem>>[vector<16xi32>], vector<16xf32>,
      %mul3A_405 = arith.mulf %gather3A_403, %gather3A_404 : vector<16xf32>
      %add3A_406 = arith.addf %add3A_393, %mul3A_405 : vector<16xf32>
      %add3A_407 = arith.constant 30 : i32
      %add3A_408 = vector.broadcast %add3A_407 : i32 to vector<16xi32>
      %add3A_409 = arith.addi %iota3A, %add3A_408 : vector<16xi32>
      %and3A_410 = arith.constant 31 : i32
      %and3A_411 = vector.broadcast %and3A_410 : i32 to vector<16xi32>
      %and3A_412 = arith.andi %add3A_409, %and3A_411 : vector<16xi32>
      %add3A_413 = vector.broadcast %mul3A_17 : i32 to vector<16xi32>
      %add3A_414 = arith.addi %mul3A_9, %add3A_413 : vector<16xi32>
      %add3A_415 = arith.addi %add3A_414, %and3A_412 : vector<16xi32>
      %gather3A_416 = tpu.vector_load_idx %arg5[%add3A_415] : memref<16384xf32, #tpu.memory_space<vmem>>[vector<16xi32>], vector<16xf32>,
      %gather3A_417 = tpu.vector_load_idx %arg6[%add3A_415] : memref<16384xf32, #tpu.memory_space<vmem>>[vector<16xi32>], vector<16xf32>,
      %mul3A_418 = arith.mulf %gather3A_416, %gather3A_417 : vector<16xf32>
      %add3A_419 = arith.addf %add3A_406, %mul3A_418 : vector<16xf32>
      %add3A_420 = arith.constant 31 : i32
      %add3A_421 = vector.broadcast %add3A_420 : i32 to vector<16xi32>
      %add3A_422 = arith.addi %iota3A, %add3A_421 : vector<16xi32>
      %and3A_423 = arith.constant 31 : i32
      %and3A_424 = vector.broadcast %and3A_423 : i32 to vector<16xi32>
      %and3A_425 = arith.andi %add3A_422, %and3A_424 : vector<16xi32>
      %add3A_426 = vector.broadcast %mul3A_17 : i32 to vector<16xi32>
      %add3A_427 = arith.addi %mul3A_9, %add3A_426 : vector<16xi32>
      %add3A_428 = arith.addi %add3A_427, %and3A_425 : vector<16xi32>
      %gather3A_429 = tpu.vector_load_idx %arg5[%add3A_428] : memref<16384xf32, #tpu.memory_space<vmem>>[vector<16xi32>], vector<16xf32>,
      %gather3A_430 = tpu.vector_load_idx %arg6[%add3A_428] : memref<16384xf32, #tpu.memory_space<vmem>>[vector<16xi32>], vector<16xf32>,
      %mul3A_431 = arith.mulf %gather3A_429, %gather3A_430 : vector<16xf32>
      %add3A_432 = arith.addf %add3A_419, %mul3A_431 : vector<16xf32>
      %neg3A = arith.constant 0.000000e+00 : f32
      %neg3A_433 = vector.broadcast %neg3A : f32 to vector<16xf32>
      %neg3A_434 = arith.subf %neg3A_433, %add3A_432 : vector<16xf32>
      %exp3A = math.exp %neg3A_434 : vector<16xf32>
      %add3A_435 = arith.constant 1.000000e+00 : f32
      %add3A_436 = vector.broadcast %add3A_435 : f32 to vector<16xf32>
      %add3A_437 = arith.addf %add3A_436, %exp3A : vector<16xf32>
      %div3A = arith.constant 1.000000e+00 : f32
      %div3A_438 = vector.broadcast %div3A : f32 to vector<16xf32>
      %div3A_439 = arith.divf %div3A_438, %add3A_437 : vector<16xf32>
      %add3A_440 = arith.constant 9.99999968E-21 : f32
      %add3A_441 = vector.broadcast %add3A_440 : f32 to vector<16xf32>
      %add3A_442 = arith.addf %div3A_439, %add3A_441 : vector<16xf32>
      %bitcast_convert_type3A = tpu.bitcast %add3A_442 : vector<16xf32> -> vector<16xi32>
      %add3A_443 = arith.constant 4913933 : i32
      %add3A_444 = vector.broadcast %add3A_443 : i32 to vector<16xi32>
      %add3A_445 = arith.addi %bitcast_convert_type3A, %add3A_444 : vector<16xi32>
      %shift_right_arithmetic3A = arith.constant 23 : i32
      %shift_right_arithmetic3A_446 = vector.broadcast %shift_right_arithmetic3A : i32 to vector<16xi32>
      %shift_right_arithmetic3A_447 = arith.shrsi %add3A_445, %shift_right_arithmetic3A_446 : vector<16xi32>
      %sub3A = arith.constant 127 : i32
      %sub3A_448 = vector.broadcast %sub3A : i32 to vector<16xi32>
      %sub3A_449 = arith.subi %shift_right_arithmetic3A_447, %sub3A_448 : vector<16xi32>
      %and3A_450 = arith.constant 8388607 : i32
      %and3A_451 = vector.broadcast %and3A_450 : i32 to vector<16xi32>
      %and3A_452 = arith.andi %add3A_445, %and3A_451 : vector<16xi32>
      %add3A_453 = arith.constant 1060439283 : i32
      %add3A_454 = vector.broadcast %add3A_453 : i32 to vector<16xi32>
      %add3A_455 = arith.addi %and3A_452, %add3A_454 : vector<16xi32>
      %bitcast_convert_type3A_456 = tpu.bitcast %add3A_455 : vector<16xi32> -> vector<16xf32>
      %sub3A_457 = arith.constant 1.000000e+00 : f32
      %sub3A_458 = vector.broadcast %sub3A_457 : f32 to vector<16xf32>
      %sub3A_459 = arith.subf %bitcast_convert_type3A_456, %sub3A_458 : vector<16xf32>
      %add3A_460 = arith.constant 2.000000e+00 : f32
      %add3A_461 = vector.broadcast %add3A_460 : f32 to vector<16xf32>
      %add3A_462 = arith.addf %add3A_461, %sub3A_459 : vector<16xf32>
      %div3A_463 = arith.divf %sub3A_459, %add3A_462 : vector<16xf32>
      %mul3A_464 = arith.mulf %div3A_463, %div3A_463 : vector<16xf32>
      %mul3A_465 = arith.mulf %mul3A_464, %mul3A_464 : vector<16xf32>
      %mul3A_466 = arith.constant 0.242790788 : f32
      %mul3A_467 = vector.broadcast %mul3A_466 : f32 to vector<16xf32>
      %mul3A_468 = arith.mulf %mul3A_465, %mul3A_467 : vector<16xf32>
      %add3A_469 = arith.constant 0.400009722 : f32
      %add3A_470 = vector.broadcast %add3A_469 : f32 to vector<16xf32>
      %add3A_471 = arith.addf %add3A_470, %mul3A_468 : vector<16xf32>
      %mul3A_472 = arith.mulf %mul3A_465, %add3A_471 : vector<16xf32>
      %mul3A_473 = arith.constant 0.284987867 : f32
      %mul3A_474 = vector.broadcast %mul3A_473 : f32 to vector<16xf32>
      %mul3A_475 = arith.mulf %mul3A_465, %mul3A_474 : vector<16xf32>
      %add3A_476 = arith.constant 0.666666627 : f32
      %add3A_477 = vector.broadcast %add3A_476 : f32 to vector<16xf32>
      %add3A_478 = arith.addf %add3A_477, %mul3A_475 : vector<16xf32>
      %mul3A_479 = arith.mulf %mul3A_464, %add3A_478 : vector<16xf32>
      %add3A_480 = arith.addf %mul3A_479, %mul3A_472 : vector<16xf32>
      %mul3A_481 = arith.constant 5.000000e-01 : f32
      %mul3A_482 = vector.broadcast %mul3A_481 : f32 to vector<16xf32>
      %mul3A_483 = arith.mulf %mul3A_482, %sub3A_459 : vector<16xf32>
      %mul3A_484 = arith.mulf %mul3A_483, %sub3A_459 : vector<16xf32>
      %convert_element_type3A = arith.sitofp %sub3A_449 : vector<16xi32> to vector<16xf32>
      %mul3A_485 = arith.constant 0.693147182 : f32
      %mul3A_486 = vector.broadcast %mul3A_485 : f32 to vector<16xf32>
      %mul3A_487 = arith.mulf %convert_element_type3A, %mul3A_486 : vector<16xf32>
      %add3A_488 = arith.addf %mul3A_484, %add3A_480 : vector<16xf32>
      %mul3A_489 = arith.mulf %div3A_463, %add3A_488 : vector<16xf32>
      %sub3A_490 = arith.subf %mul3A_484, %mul3A_489 : vector<16xf32>
      %sub3A_491 = arith.subf %sub3A_459, %sub3A_490 : vector<16xf32>
      %add3A_492 = arith.addf %mul3A_487, %sub3A_491 : vector<16xf32>
      %mul3A_493 = arith.constant 16 : i32
      %mul3A_494 = arith.muli %scan3A_15, %mul3A_493 : i32
      %swap3A = arith.index_cast %mul3A_494 : i32 to index
      %swap3A_495 = tpu.vector_load %arg7[%swap3A] {strides = array<i32>} : memref<512xf32, #tpu.memory_space<vmem>>, vector<16xf32>,
      tpu.vector_store %arg7[%swap3A], %add3A_492 {strides = array<i32>} : memref<512xf32, #tpu.memory_space<vmem>>, vector<16xf32>,
    }
    %scan3A_14 = arith.constant 32 : i32
    "tpu.region"() ({
      %run_scoped3A = tpu.sem_alloc : memref<!tpu.dma_semaphore, #tpu.memory_space<semaphore_mem>>
      %dma_start3A = tpu.memref_slice %arg4[%mul3A_2] : memref<16384xf32, #tpu.memory_space<hbm>> -> memref<512xf32, #tpu.memory_space<hbm>>
      %dma_start3A_15 = tpu.memref_slice %arg4[%mul3A_2] : memref<16384xf32, #tpu.memory_space<hbm>> -> memref<512xf32, #tpu.memory_space<hbm>>
      tpu.enqueue_dma source(%arg7 : memref<512xf32, #tpu.memory_space<vmem>>) target(%dma_start3A_15 : memref<512xf32, #tpu.memory_space<hbm>>) target_semaphore(%run_scoped3A : memref<!tpu.dma_semaphore, #tpu.memory_space<semaphore_mem>>)
      %dma_wait3A = tpu.memref_slice %arg4[%mul3A_2] : memref<16384xf32, #tpu.memory_space<hbm>> -> memref<512xf32, #tpu.memory_space<hbm>>
      %dma_wait3A_16 = tpu.memref_slice %arg4[%mul3A_2] : memref<16384xf32, #tpu.memory_space<hbm>> -> memref<512xf32, #tpu.memory_space<hbm>>
      tpu.wait_dma2 semaphore(%run_scoped3A : memref<!tpu.dma_semaphore, #tpu.memory_space<semaphore_mem>>) src(%arg7 : memref<512xf32, #tpu.memory_space<vmem>>) dst(%dma_wait3A_16 : memref<512xf32, #tpu.memory_space<hbm>>)
      tpu.yield
    }) : () -> ()
    return
  }
}

</mosaic_0001>

<sc_bundles>
// kernel: kernel.4.cloned.1.call-start
scs
__scs_entry_jumppad:
0x0: {  	(pc) =	sbr.rel $0x88, $3  }
0x1: {  	(tag) =	ssettag $0x0;
	lr =	simm.s32 $0x1  }
0x2: {  	[smem:$0x3F9D] =	sst lr;
	_ =	strace $0xD0000000  }
0x3: {  	_ = 	snop  }
0x4: {  	_ = 	snop  }
0x5: {  	_ = 	snop  }
0x6: {  	_ = 	snop  }
0x7: {  	_ = 	snop  }
__scs_overlays_trampoline_lowered:
0x8: {  	[smem:$0x3FAC] =	sst s0  }
0x9: {  	[smem:$0x3FAD] =	sst s1  }
0xa: {  	[smem:$0x3FAE] =	sst s2  }
0xb: {  	[smem:$0x3FAF] =	sst s3  }
0xc: {  	[smem:$0x3FB0] =	sst s4  }
0xd: {  	[smem:$0x3FB1] =	sst s5  }
0xe: {  	[smem:$0x3FB2] =	sst s6  }
0xf: {  	[smem:$0x3FB3] =	sst s7  }
0x10: {  	[smem:$0x3FB4] =	sst s8  }
0x11: {  	[smem:$0x3FB5] =	sst s9;
	s0 =	simm.s32 @!p0 $0x0  }
0x12: {  	s1 =	sld [smem:$0x3F9B];
	s0 =	simm.s32 @p0 $0x1  }
0x13: {  	[smem:$0x3FB6] =	sst s0;
	s0 =	simm.s32 @!p1 $0x0  }
0x14: {  	s2 =	sld [smem:$0x3F9A];
	s0 =	simm.s32 @p1 $0x1  }
0x15: {  	[smem:$0x3FB7] =	sst s0;
	s0 =	simm.s32 @!p2 $0x0  }
0x16: {  	s3 =	sld [smem:$0x3FDB];
	s0 =	simm.s32 @p2 $0x1  }
0x17: {  	s4 =	simm.s32 $0x1BF5;
	[smem:$0x3FB9] =	sst s0  }
0x18: {  	s0 =	sld [smem:$0x3F9C];
	_ =	swait.ge [sflag:s4], $0x0  }
0x19: {  	s7 =	sld [smem:$0x3F9D]  }
0x1a: {  	s8 =	sadd.s32 $0xFFFFE003, lr  }
0x1b: {  	s9 =	sadd.s32 $0xFFFFFEF7, lr;
	s5 =	simm.s32 $0xFFFFFFFF;
	p2 =	slt.u32 s8, $0xFFFFF086  }
0x1c: {  	p1 =	slt.u32 s9, $0xF7A;
	s5 =	simm.s32 @!p2 $0x0  }
0x1d: {  	s5 =	simm.s32 @p1 $0x1;
	p0 =	seq.s32 s7, s2  }
0x1e: {  	s7 =	smul.u32 @!p0 $0xF7A, s2;
	p2 =	seq.s32 @!p0 s5, $0x0  }
0x1f: {  	s9 =	smul.u32 $0xF7A, s1;
	s8 =	simm.s32 @!p0 $0x1BF5;
	p2 =	por !p2, p0  }
0x20: {  	[sflag:s8] =	ssyncset.s32 @!p0 $0xFFFFF086;
	s6 =	sadd.s32 @!p0 s3, s7;
	s7 =	simm.s32 @!p0 $0x108  }
0x21: {  	s3 =	sadd.s32 s3, s9;
	s6 =	sadd.s32 @!p0 $0x88, s6;
	s7 =	simm.s32 @p2 $0x1082  }
0x22: {  	[simem:s7], [sflag:s8] =	dma.local @!p0 [hbm:s6], $0xF7A  }
0x23: {  	s9 =	sor.u32 $0xD0000000, s2;
	s6 =	simm.s32 $0x108;
	_ =	swait.ge @!p0 [sflag:s8], $0x0  }
0x24: {  	s3 =	sadd.s32 $0x88, s3;
	s6 =	simm.s32 @!p1 $0x1082;
	[sflag:s4] =	ssyncset.s32 $0xFFFFF086  }
0x25: {  	[simem:s6], [sflag:s4] =	dma.local [hbm:s3], $0xF7A  }
0x26: {  	[smem:$0x3F9D] =	sst s1;
	(tag) =	ssettag s2;
	_ =	strace s9  }
0x27: {  	s1 =	sld [smem:$0x3FAD]  }
0x28: {  	s2 =	sld [smem:$0x3FAE]  }
0x29: {  	s4 =	sld [smem:$0x3FB0]  }
0x2a: {  	p0 =	seq.s32 s5, $0x0;
	s5 =	sld [smem:$0x3FB1]  }
0x2b: {  	s6 =	sld [smem:$0x3FB2]  }
0x2c: {  	s7 =	sld [smem:$0x3FB3]  }
0x2d: {  	s3 =	simm.s32 $0x108;
	s8 =	sld [smem:$0x3FB4]  }
0x2e: {  	s3 =	simm.s32 @!p0 $0x1082;
	s9 =	sld [smem:$0x3FB5]  }
0x2f: {  	lr =	sadd.s32 s0, s3;
	s0 =	sld [smem:$0x3FAC]  }
0x30: {  	s3 =	sld [smem:$0x3FAF]  }
0x31: {  	[smem:$0x3FB8] =	sst s10  }
0x32: {  	s10 =	sld [smem:$0x3FB6];
	_ =	sdelay $0x3  }
0x33: {  	p0 =	seq.s32 s10, $0x1;
	s10 =	sld [smem:$0x3FB8];
	_ =	sdelay $0x3  }
0x34: {  	[smem:$0x3FB8] =	sst s10  }
0x35: {  	s10 =	sld [smem:$0x3FB7];
	_ =	sdelay $0x3  }
0x36: {  	p1 =	seq.s32 s10, $0x1;
	s10 =	sld [smem:$0x3FB8];
	_ =	sdelay $0x3  }
0x37: {  	[smem:$0x3FB8] =	sst s10  }
0x38: {  	s10 =	sld [smem:$0x3FB9]  }
0x39: {  	_ = 	snop;
	(pc) =	sbr.ind lr, $3  }
0x3a: {  	_ = 	snop  }
0x3b: {  	_ = 	snop  }
0x3c: {  	p2 =	seq.s32 s10, $0x1;
	s10 =	sld [smem:$0x3FB8]  }
0x3d: {  	_ =	shalt  }
0x3e: {  	_ =	shalt  }
0x3f: {  	_ =	shalt  }
0x40: {  	_ =	shalt  }
0x41: {  	_ =	shalt  }
0x42: {  	_ =	shalt  }
0x43: {  	_ =	shalt  }
0x44: {  	_ =	shalt  }
0x45: {  	_ =	shalt  }
0x46: {  	_ =	shalt  }
0x47: {  	_ =	shalt  }
0x48: {  	_ =	shalt  }
0x49: {  	_ =	shalt  }
0x4a: {  	_ =	shalt  }
0x4b: {  	_ =	shalt  }
0x4c: {  	_ =	shalt  }
0x4d: {  	_ =	shalt  }
0x4e: {  	_ =	shalt  }
0x4f: {  	_ =	shalt  }
0x50: {  	_ =	shalt  }
0x51: {  	_ =	shalt  }
0x52: {  	_ =	shalt  }
0x53: {  	_ =	shalt  }
0x54: {  	_ =	shalt  }
0x55: {  	_ =	shalt  }
0x56: {  	_ =	shalt  }
0x57: {  	_ =	shalt  }
0x58: {  	_ =	shalt  }
0x59: {  	_ =	shalt  }
0x5a: {  	_ =	shalt  }
0x5b: {  	_ =	shalt  }
0x5c: {  	_ =	shalt  }
0x5d: {  	_ =	shalt  }
0x5e: {  	_ =	shalt  }
0x5f: {  	_ =	shalt  }
0x60: {  	_ =	shalt  }
0x61: {  	_ =	shalt  }
0x62: {  	_ =	shalt  }
0x63: {  	_ =	shalt  }
0x64: {  	_ =	shalt  }
0x65: {  	_ =	shalt  }
0x66: {  	_ =	shalt  }
0x67: {  	_ =	shalt  }
0x68: {  	_ =	shalt  }
0x69: {  	_ =	shalt  }
0x6a: {  	_ =	shalt  }
0x6b: {  	_ =	shalt  }
0x6c: {  	_ =	shalt  }
0x6d: {  	_ =	shalt  }
0x6e: {  	_ =	shalt  }
0x6f: {  	_ =	shalt  }
0x70: {  	_ =	shalt  }
0x71: {  	_ =	shalt  }
0x72: {  	_ =	shalt  }
0x73: {  	_ =	shalt  }
0x74: {  	_ =	shalt  }
0x75: {  	_ =	shalt  }
0x76: {  	_ =	shalt  }
0x77: {  	_ =	shalt  }
0x78: {  	_ =	shalt  }
0x79: {  	_ =	shalt  }
0x7a: {  	_ =	shalt  }
0x7b: {  	_ =	shalt  }
0x7c: {  	_ =	shalt  }
0x7d: {  	_ =	shalt  }
0x7e: {  	_ =	shalt  }
0x7f: {  	_ =	shalt  }
0x80: {  	_ =	shalt  }
0x81: {  	_ =	shalt  }
0x82: {  	_ =	shalt  }
0x83: {  	_ =	shalt  }
0x84: {  	_ =	shalt  }
0x85: {  	_ =	shalt  }
0x86: {  	_ =	shalt  }
0x87: {  	_ =	shalt  }
.Lfunc_end0:
.L_simem_size_0:
called_computation_lowered:
.L_overlay_start_0:
0x88: {  	s2 =	sld [smem:$0x3FD9]  }
0x89: {  	s3 =	sld [smem:$0x3FFE];
	_ =	sdelay $0x1  }
0x8a: {  	s1 =	srdreg.scid  }
0x8b: {  	s0 =	sand.u32 $0x1, s1  }
0x8c: {  	s17 =	sshll.u32 s0, $0xA;
	s2 =	sadd.s32 s3, s2  }
0x8d: {  	s2 =	sadd.s32 s2, s17  }
0x8e: {  	[smem:$0x3FC4] =	sst s2  }
0x8f: {  	_ = 	snop  }
0x90: {  	s2 =	sld [smem:$0x3FC9]  }
0x91: {  	s18 =	sld [smem:$0x3FC8]  }
0x92: {  	s4 =	sld [smem:$0x3FC7]  }
0x93: {  	s5 =	sld [smem:$0x3FC6]  }
0x94: {  	s6 =	sld [smem:$0x3FD0];
	(tm) =	ssettm $0x1  }
0x95: {  	s7 =	sld [smem:$0x3FFB];
	_ =	sdelay $0x3  }
0x96: {  	_ =	strace s7  }
0x97: {  	s7 =	sld [smem:$0x3FFC];
	_ =	sdelay $0x3  }
0x98: {  	_ =	strace s7  }
0x99: {  	s7 =	sld [smem:$0x3FFD];
	_ =	sdelay $0x3  }
0x9a: {  	_ =	strace s7  }
0x9b: {  	_ =	strace $0x8FFFFFFF  }
0x9c: {  	s19 =	sld [smem:$0x3FDB];
	_ =	sdelay $0x1  }
0x9d: {  	s8 =	simm.s32 $_scs_section_size  }
0x9e: {  	s9 =	simm.s32 $_size__tile_overlayer_lowered;
	s10 =	simm.s32 $_tile_overlayer_lowered  }
0x9f: {  	s22 =	simm.s32 $0x1BFF;
	s21 =	sshll.u32 s10, $0x1;
	s7 =	sadd.s32 s8, s19  }
0xa0: {  	s11 =	simm.s32 $0x0;
	s20 =	sshll.u32 s9, $0x1;
	s9 =	sadd.s32 s21, s7  }
0xa1: {  	[timem:s11], [sflag:s22] =	dma.local [hbm:s9], s20  }
0xa2: {  	_ =	swait.ge [sflag:s22], s20  }
0xa3: {  	s8 =	ssub.s32 $0x0, s20;
	[sflag:s22] =	ssyncset.done $0x0  }
0xa4: {  	[sflag:s22] =	ssyncadd.s32 s8;
	_ =	sdelay $0x1  }
0xa5: {  	s23 =	simm.s32 $0x1B8B  }
0xa6: {  	_ =	swait.ge [sflag:s23], $0x1  }
0xa7: {  	[sflag:s23] =	ssyncset.done $0x0  }
0xa8: {  	s25 =	simm.s32 $0x1B8E;
	s24 =	sld [smem:$0x3FFE];
	[sflag:s23] =	ssyncadd.s32 $0xFFFFFFFF  }
0xa9: {  	s26 =	simm.s32 $execute0_lowered;
	[smem:$0x3FD2] =	sst s25  }
0xaa: {  	s9 =	sshll.u32 s26, $0x1;
	_ =	strace $0x80000046;
	[dreg:$0x1] =	wrdreg $0xFFFFFFFF  }
0xab: {  	s28 =	simm.s32 $_size_execute0_lowered;
	s7 =	sadd.s32 s7, s9;
	[dreg:$0x0] =	wrdreg $0x0  }
0xac: {  	s9 =	sshll.u32 s28, $0x1;
	[dreg:$0x2] =	wrdreg s7  }
0xad: {  	[dreg:$0x3] =	wrdreg s9  }
0xae: {  	[dreg:$0x4] =	wrdreg $0xC0  }
0xaf: {  	_ =	task [dreg:s11], $0x5FFFF  }
0xb0: {  	[dreg:$0x1] =	wrdreg $0xFFFFFFFF  }
0xb1: {  	[dreg:$0x0] =	wrdreg $0x60  }
0xb2: {  	[dreg:$0x2] =	wrdreg s2  }
0xb3: {  	[dreg:$0x3] =	wrdreg s18  }
0xb4: {  	[dreg:$0x4] =	wrdreg s4  }
0xb5: {  	[dreg:$0x5] =	wrdreg s5  }
0xb6: {  	[dreg:$0x6] =	wrdreg s24  }
0xb7: {  	[dreg:$0x7] =	wrdreg s6  }
0xb8: {  	[dreg:$0x8] =	wrdreg $0x9  }
0xb9: {  	_ =	task.clear_ibuf [dreg:s11], $0x9FFFF;
	_ =	strace $0x90000046  }
0xba: {  	s29 =	simm.s32 $0x9;
	_ =	strace $0x80000048  }
0xbb: {  	_ =	swait.ge [sflag:s29], $0x1  }
0xbc: {  	[sflag:s29] =	ssyncadd.s32 $0xFFFFFFFF  }
0xbd: {  	_ =	strace $0x90000048  }
0xbe: {  	_ =	sfence  }
0xbf: {  	s30 =	sld [smem:$0x0];
	_ =	sdelay $0x2  }
0xc0: {  	s31 =	sshll.u32 s1, $0xD;
	s1 =	sshrl.u32 s1, $0x2  }
0xc1: {  	s3 =	sand.u32 $0x4000, s31;
	s1 =	sadd.s32 s1, s30  }
0xc2: {  	s0 =	sor.u32 s3, s0;
	s1 =	sshll.u32 s1, $0x11  }
0xc3: {  	s0 =	sor.u32 s1, s0  }
0xc4: {  	s0 =	sadd.s32 $0x8F2B, s0  }
0xc5: {  	[sflag:s0] =	ssyncadd.remote.s32 $0x1  }
0xc6: {  	_ =	sfence.sel $0xFFFF  }
0xc7: {  	[dreg:$0x0] =	wrdreg $0xFFFFFFFF;
	(pc) =	sbr.abs _section_cstart, $3  }
0xc8: {  	[dreg:$0x1] =	wrdreg $0xFFFFFFFF  }
0xc9: {  	_ =	task.clear_ibuf [dreg:s11], $0x2FFFF;
	_ =	strace $0x9FFFFFFF  }
0xca: {  	(tm) =	ssettm $0x7FFFFFFF  }
0xcb: {  	_ =	shalt  }
tec
execute0_lowered:
.L_overlay_start_1:
0x0: {  	(tag) =	ssettag $0x1  }
0x1: {  	s3 =	rddreg [dreg:$0x2]  }
0x2: {  	s4 =	rddreg [dreg:$0x3]  }
0x3: {  	s0 =	rddreg [dreg:$0x4];
	s6 =	simm.s32 $0x0;
	s1 =	srdreg.scid  }
0x4: {  	s5 =	stileid.u32;
	s30 =	simm.s32 $0x3;
	s31 =	simm.s32 $0x9000  }
0x5: {  	[smem:$0x7FF] =	sst s6;
	s1 =	sand.u32 $0x1, s1;
	s2 =	sadd.s32 $0xE00, s0  }
0x6: {  	s21 =	sadd.s32 $0x2DC500, s3;
	_ =	strace $0x80000047;
	[dreg:$0x7] =	wrdreg s2  }
0x7: {  	v0 =	vimm.s32 $0x2380;
	vm0 =	vcmask $0x300;
	s5 =	sshll.u32 s5, $0x1;
	s22 =	sadd.s32 $0xF4000, s3;
	[dreg:$0x10] =	wrdreg s21  }
0x8: {  	vm1 =	vcmask $0x704;
	v1 =	vimm.s32 $0x6380;
	vm2 =	vcmask $0xB08;
	s23 =	sadd.s32 $0x3D0780, s3;
	s24 =	sadd.s32 $0xF4000, s4;
	[dreg:$0x11] =	wrdreg s22  }
0x9: {  	vm4 =	vcmask $0xF0C;
	v0 =	vsel vm0, $0x0, v0;
	v1 =	vsel vm0, $0x4000, v1;
	s25 =	ssub.s32 $0x2, s1;
	s10 =	sor.u32 s1, s5;
	[dreg:$0x12] =	wrdreg s23  }
0xa: {  	vm5 =	vcmask $0x1310;
	v0 =	vsel vm1, $0x80, v0;
	v1 =	vsel vm1, $0x4080, v1;
	[dreg:$0x13] =	wrdreg s24;
	s7 =	sshrl.u32 s25, $0x1;
	s1 =	sshll.u32 s10, $0xA  }
0xb: {  	vm6 =	vcmask $0x1714;
	v0 =	vsel vm2, $0x100, v0;
	v1 =	vsel vm2, $0x4100, v1;
	s12 =	sadd.s32 s3, s1;
	s13 =	sadd.s32 $0xF4280, s1;
	s14 =	sadd.s32 $0x1E8500, s1  }
0xc: {  	vm7 =	vcmask $0x1B18;
	v0 =	vsel vm4, $0x180, v0;
	v1 =	vsel vm4, $0x4180, v1;
	s17 =	sadd.s32 $0x2DC780, s1;
	s1 =	sadd.s32 s4, s1;
	[dreg:$0x8] =	wrdreg s12  }
0xd: {  	vm8 =	vcmask $0x1F1C;
	s26 =	ssub.s32 s25, s7;
	s25 =	sadd.s32 $0x1E8280, s3;
	v0 =	vsel vm5, $0x200, v0;
	v1 =	vsel vm5, $0x4200, v1;
	[dreg:$0xc] =	wrdreg s1  }
0xe: {  	vm9 =	vcmask $0x2320;
	s9 =	sadd.s32 $0x1000, s0;
	s15 =	sadd.s32 s3, s13;
	[dreg:$0x14] =	wrdreg s25;
	v0 =	vsel vm6, $0x280, v0;
	v1 =	vsel vm6, $0x4280, v1  }
0xf: {  	vm10 =	vcmask $0x2724;
	s11 =	sadd.s32 $0x11000, s0;
	s16 =	sadd.s32 s3, s14;
	[dreg:$0x9] =	wrdreg s15;
	v0 =	vsel vm7, $0x300, v0;
	v1 =	vsel vm7, $0x4300, v1  }
0x10: {  	vm11 =	vcmask $0x2B28;
	s28 =	sadd.s32 $0x2DC500, s4;
	s8 =	sadd.s32 s3, s17;
	[dreg:$0xa] =	wrdreg s16;
	v0 =	vsel vm8, $0x380, v0;
	v1 =	vsel vm8, $0x4380, v1  }
0x11: {  	vm12 =	vcmask $0x2F2C;
	s29 =	sadd.s32 $0x3D0780, s4;
	s18 =	sadd.s32 s4, s13;
	[dreg:$0xb] =	wrdreg s8;
	v2 =	vsel vm9, $0x2000, v0;
	v3 =	vsel vm9, $0x6000, v1  }
0x12: {  	vm13 =	vcmask $0x3330;
	s5 =	simm.s32 $0x1;
	s19 =	sadd.s32 s4, s14;
	[dreg:$0xd] =	wrdreg s18;
	v2 =	vsel vm10, $0x2080, v2;
	v3 =	vsel vm10, $0x6080, v3  }
.Ltmp0:
0x13: {  	vm14 =	vcmask $0x3734;
	s20 =	sadd.s32 s4, s17;
	[dreg:$0xe] =	wrdreg s19;
	v2 =	vsel vm11, $0x2100, v2;
	v3 =	vsel vm11, $0x6100, v3;
	(pc) =	sbr.rel .LBB2_1-.Ltmp0, $4  }
0x14: {  	vm15 =	vcmask $0x3B38;
	s7 =	simm.s32 $0x0;
	s0 =	smax.u32 s26, $0x1;
	[dreg:$0xf] =	wrdreg s20;
	v2 =	vsel vm12, $0x2180, v2;
	v3 =	vsel vm12, $0x6180, v3  }
0x15: {  	s26 =	sadd.s32 $0x1E8280, s4;
	s12 =	simm.s32 $0x2;
	[dreg:$0x15] =	wrdreg s0;
	v0 =	vimm.s32 $0x7FFFFFF0;
	v2 =	vsel vm13, $0x2200, v2;
	v3 =	vsel vm13, $0x6200, v3  }
0x16: {  	s17 =	simm.s32 $0x1D200;
	[dreg:$0x16] =	wrdreg s26;
	s0 =	simm.s32 $0x9200;
	v1 =	vmov s10;
	v4 =	vsel vm14, $0x2280, v2;
	v5 =	vsel vm14, $0x6280, v3  }
0x17: {  	s8 =	simm.s32 $0x9100;
	s15 =	simm.s32 $0x1B200;
	s16 =	simm.s32 $0x1C200;
	v2 =	vlaneseq.u32;
	v3 =	vsel vm15, $0x2300, v4;
	v4 =	vsel vm15, $0x6300, v5  }
.LBB2_68:
0x18: {  	[sflag:s12] =	ssyncadd.s32 $0xFFFFFFE0  }
.LBB2_69:
0x19: {  	s7 =	sadd.s32 $0x1, s7;
	s1 =	rddreg [dreg:$0x15]  }
0x1a: {  	p0 =	sne.s32 s7, s1  }
.Ltmp1:
0x1b: {  	_ = 	snop;
	(pc) =	sbr.rel @!p0 .LBB2_70-.Ltmp1, $1  }
0x1c: {  	_ =	sdelay $0x3  }
.LBB2_1:
0x1d: {  	s1 =	rddreg [dreg:$0x0]  }
0x1e: {  	[tilespmem:s6], [sflag:$0x3] =	stream.linear.gather [hbm4b:s1+s6], $0x4000, $0x38;
	[tilespmem:$0x1EA00] =	vst v63  }
0x1f: {  	_ =	swait.ge [sflag:s30], $0x4000  }
0x20: {  	[sflag:s30] =	ssyncset.done $0x0  }
0x21: {  	[sflag:s30] =	ssyncadd.s32 $0xFFFFC000  }
0x22: {  	s2 =	simm.s32 $0x4000;
	s26 =	rddreg [dreg:$0x1]  }
0x23: {  	[tilespmem:s2], [sflag:$0x3] =	stream.linear.gather [hbm4b:s26+s6], $0x4000, $0x38;
	[tilespmem:$0x1EA00] =	vst v63  }
0x24: {  	_ =	swait.ge [sflag:s30], $0x4000  }
0x25: {  	[sflag:s30] =	ssyncset.done $0x0  }
0x26: {  	s1 =	simm.s32 $0x0;
	[sflag:s30] =	ssyncadd.s32 $0xFFFFC000  }
.LBB2_2:
0x27: {  	p0 =	sne.s32 s1, $0xFC0  }
.Ltmp2:
0x28: {  	_ = 	snop;
	(pc) =	sbr.rel @p0 .LBB2_2-.Ltmp2, $4  }
0x29: {  	_ = 	snop  }
0x2a: {  	s2 =	sshra.s32 s1, $0x2  }
0x2b: {  	[tilespmem:s2+$0x8800] =	vst v0  }
0x2c: {  	s1 =	sadd.s32 $0x40, s1;
	[tilespmem:s2+$0x8C00] =	vst v0  }
0x2d: {  	s1 =	simm.s32 $0x10  }
0x2e: {  	v5 =	vld [tilespmem:s1+$0xFFFFFFF0];
	_ =	sdelay $0x4  }
0x2f: {  	v6 =	vshrl.u32 v5, $0xA  }
0x30: {  	s2 =	simm.s32 $0x0;
	v6 =	vand.u32 $0x1F, v6  }
0x31: {  	v7 =	vor.u32 s2, v2;
	vm0 =	veq.s32 v6, v1  }
0x32: {  	[tilespmem:s2+$0x8000] =	vst.msk vm0, v7  }
0x33: {  	s13 =	simm.s32 $0x4010;
	v6 =	vmpcnt.ones.xlane vm0;
	[tilespmem:s2+$0x8800] =	vst.msk vm0, v5  }
0x34: {  	v5 =	vld [tilespmem:s13+$0xFFFFFFF0]  }
0x35: {  	(v2sf) =	vpush v6, $0x0;
	_ =	sdelay $0x3  }
0x36: {  	v6 =	vshrl.u32 v5, $0xA  }
0x37: {  	v6 =	vand.u32 $0x1F, v6  }
0x38: {  	vm12 =	veq.s32 v6, v1  }
0x39: {  	[tilespmem:s2+$0x8400] =	vst.msk vm12, v7  }
0x3a: {  	v6 =	vmpcnt.ones.xlane vm12;
	[tilespmem:s2+$0x8C00] =	vst.msk vm12, v5  }
0x3b: {  	v5 =	vld [tilespmem:s1+$0x0]  }
0x3c: {  	(v2sf) =	vpush v6, $0x0;
	_ =	sdelay $0x3  }
0x3d: {  	v6 =	vshrl.u32 v5, $0xA  }
0x3e: {  	s24 =	simm.s32 $0x10;
	s23 =	spop (v2sf);
	v6 =	vand.u32 $0x1F, v6  }
0x3f: {  	v7 =	vor.u32 s24, v2;
	s14 =	sadd.s32 $0x0, s23;
	vm13 =	veq.s32 v6, v1  }
0x40: {  	[tilespmem:s14+$0x8000] =	vst.msk vm13, v7  }
0x41: {  	v6 =	vmpcnt.ones.xlane vm13;
	[tilespmem:s14+$0x8800] =	vst.msk vm13, v5  }
0x42: {  	v5 =	vld [tilespmem:s13+$0x0]  }
0x43: {  	(v2sf) =	vpush v6, $0x0;
	_ =	sdelay $0x3  }
0x44: {  	v6 =	vshrl.u32 v5, $0xA  }
0x45: {  	s25 =	spop (v2sf);
	v6 =	vand.u32 $0x1F, v6  }
0x46: {  	s13 =	sadd.s32 $0x0, s25;
	vm14 =	veq.s32 v6, v1  }
0x47: {  	[tilespmem:s13+$0x8400] =	vst.msk vm14, v7;
	v6 =	vmpcnt.ones.xlane vm14  }
0x48: {  	s1 =	simm.s32 $0x30;
	[tilespmem:s13+$0x8C00] =	vst.msk vm14, v5  }
0x49: {  	v7 =	vld [tilespmem:s1+$0xFFFFFFF0];
	(v2sf) =	vpush v6, $0x0;
	_ =	sdelay $0x4  }
0x4a: {  	v5 =	vshrl.u32 v7, $0xA  }
0x4b: {  	s18 =	simm.s32 $0x20;
	s26 =	spop (v2sf);
	v6 =	vand.u32 $0x1F, v5  }
0x4c: {  	s20 =	sadd.s32 s14, s26;
	v5 =	vor.u32 s18, v2;
	vm15 =	veq.s32 v6, v1  }
0x4d: {  	[tilespmem:s20+$0x8000] =	vst.msk vm15, v5  }
0x4e: {  	s2 =	simm.s32 $0x4030;
	[tilespmem:s20+$0x8800] =	vst.msk vm15, v7;
	v7 =	vmpcnt.ones.xlane vm15  }
0x4f: {  	v6 =	vld [tilespmem:s2+$0xFFFFFFF0]  }
0x50: {  	(v2sf) =	vpush v7, $0x0;
	_ =	sdelay $0x3  }
0x51: {  	s19 =	simm.s32 $0x40;
	v7 =	vshrl.u32 v6, $0xA;
	s14 =	spop (v2sf)  }
.LBB2_4:
0x52: {  	p0 =	sne.s32 s19, $0x3FE0  }
0x53: {  	v7 =	vand.u32 $0x1F, v7;
	s13 =	sadd.s32 s13, s14;
	s14 =	smov.u32 s19;
	s19 =	sadd.s32 $0x20, s19  }
0x54: {  	vm0 =	veq.s32 v7, v1  }
0x55: {  	[tilespmem:s13+$0x8400] =	vst.msk vm0, v5;
	v5 =	vmpcnt.ones.xlane vm0  }
0x56: {  	[tilespmem:s13+$0x8C00] =	vst.msk vm0, v6  }
0x57: {  	v6 =	vld [tilespmem:s1+$0x0];
	(v2sf) =	vpush v5, $0x0;
	_ =	sdelay $0x4  }
0x58: {  	v5 =	vshrl.u32 v6, $0xA;
	s21 =	spop (v2sf)  }
0x59: {  	s22 =	sadd.s32 $0x10, s18;
	s18 =	smov.u32 s14;
	v5 =	vand.u32 $0x1F, v5  }
0x5a: {  	v7 =	vor.u32 s22, v2;
	s14 =	sadd.s32 s20, s21;
	vm0 =	veq.s32 v5, v1  }
0x5b: {  	[tilespmem:s14+$0x8000] =	vst.msk vm0, v7;
	v5 =	vmpcnt.ones.xlane vm0  }
0x5c: {  	[tilespmem:s14+$0x8800] =	vst.msk vm0, v6  }
0x5d: {  	v6 =	vld [tilespmem:s2+$0x0];
	(v2sf) =	vpush v5, $0x0;
	_ =	sdelay $0x4  }
0x5e: {  	v5 =	vshrl.u32 v6, $0xA;
	s20 =	spop (v2sf)  }
0x5f: {  	v5 =	vand.u32 $0x1F, v5  }
0x60: {  	s13 =	sadd.s32 s13, s20;
	vm0 =	veq.s32 v5, v1  }
0x61: {  	[tilespmem:s13+$0x8400] =	vst.msk vm0, v7;
	v5 =	vmpcnt.ones.xlane vm0  }
0x62: {  	s1 =	sadd.s32 $0x20, s1;
	[tilespmem:s13+$0x8C00] =	vst.msk vm0, v6  }
0x63: {  	v6 =	vld [tilespmem:s1+$0xFFFFFFF0];
	(v2sf) =	vpush v5, $0x0;
	_ =	sdelay $0x4  }
0x64: {  	v5 =	vshrl.u32 v6, $0xA;
	s20 =	spop (v2sf)  }
0x65: {  	v7 =	vand.u32 $0x1F, v5;
	s20 =	sadd.s32 s14, s20  }
0x66: {  	v5 =	vor.u32 s18, v2;
	vm0 =	veq.s32 v7, v1  }
0x67: {  	[tilespmem:s20+$0x8000] =	vst.msk vm0, v5;
	v7 =	vmpcnt.ones.xlane vm0  }
0x68: {  	s2 =	sadd.s32 $0x20, s2;
	[tilespmem:s20+$0x8800] =	vst.msk vm0, v6  }
0x69: {  	v6 =	vld [tilespmem:s2+$0xFFFFFFF0];
	(v2sf) =	vpush v7, $0x0  }
.Ltmp3:
0x6a: {  	(pc) =	sbr.rel @p0 .LBB2_4-.Ltmp3, $2  }
0x6b: {  	_ =	sdelay $0x2  }
0x6c: {  	v7 =	vshrl.u32 v6, $0xA;
	s14 =	spop (v2sf)  }
0x6d: {  	v7 =	vand.u32 $0x1F, v7  }
0x6e: {  	s13 =	sadd.s32 s13, s14;
	vm0 =	veq.s32 v7, v1  }
0x6f: {  	[tilespmem:s13+$0x8400] =	vst.msk vm0, v5  }
0x70: {  	[tilespmem:s13+$0x8C00] =	vst.msk vm0, v6  }
0x71: {  	v5 =	vld [tilespmem:s1+$0x0];
	_ =	sdelay $0x4  }
0x72: {  	v6 =	vshrl.u32 v5, $0xA  }
0x73: {  	s25 =	sadd.s32 $0x10, s18;
	v7 =	vmpcnt.ones.xlane vm0;
	s24 =	spop (v2sf);
	v6 =	vand.u32 $0x1F, v6  }
0x74: {  	s1 =	sadd.s32 s20, s24;
	vm14 =	veq.s32 v6, v1;
	v6 =	vor.u32 s25, v2  }
0x75: {  	(v2sf) =	vpush v7, $0x0;
	[tilespmem:s1+$0x8000] =	vst.msk vm14, v6  }
0x76: {  	[tilespmem:s1+$0x8800] =	vst.msk vm14, v5  }
0x77: {  	v5 =	vld [tilespmem:s2+$0x0];
	_ =	sdelay $0x2  }
0x78: {  	v7 =	vmpcnt.ones.xlane vm14;
	_ =	sdelay $0x1  }
0x79: {  	(v2sf) =	vpush v7, $0x0;
	v7 =	vshrl.u32 v5, $0xA  }
0x7a: {  	v7 =	vand.u32 $0x1F, v7  }
0x7b: {  	vm15 =	veq.s32 v7, v1  }
0x7c: {  	v7 =	vmpcnt.ones.xlane vm15;
	_ =	sdelay $0x1  }
0x7d: {  	(v2sf) =	vpush v7, $0x0;
	_ =	sdelay $0x2  }
0x7e: {  	s26 =	spop (v2sf)  }
0x7f: {  	s2 =	sadd.s32 s13, s26  }
0x80: {  	[tilespmem:s2+$0x8400] =	vst.msk vm15, v6  }
0x81: {  	s19 =	simm.s32 $0x0;
	s14 =	rddreg [dreg:$0x8];
	[tilespmem:s2+$0x8C00] =	vst.msk vm15, v5  }
0x82: {  	[tilespmem:s0], [sflag:$0x1] =	stream.linear.gather [hbm4b:s14+s19], $0x2000, $0x38;
	[tilespmem:$0x1EA00] =	vst v63  }
0x83: {  	s18 =	rddreg [dreg:$0x9];
	s20 =	simm.s32 $0xB200  }
0x84: {  	[tilespmem:s20], [sflag:$0x1] =	stream.linear.gather [hbm4b:s18+s19], $0x2000, $0x38;
	[tilespmem:$0x1EA00] =	vst v63  }
0x85: {  	s22 =	rddreg [dreg:$0xa];
	s23 =	simm.s32 $0xD200;
	s21 =	spop (v2sf)  }
0x86: {  	[tilespmem:s23], [sflag:$0x1] =	stream.linear.gather [hbm4b:s22+s19], $0x2000, $0x38;
	[tilespmem:$0x1EA00] =	vst v63  }
.Ltmp4:
0x87: {  	s1 =	sadd.s32 s1, s21;
	(pc) =	sbr.rel .LBB2_6-.Ltmp4, $4  }
0x88: {  	s24 =	rddreg [dreg:$0xb];
	s25 =	simm.s32 $0xF200;
	s1 =	sadd.s32 $0x1F, s1  }
0x89: {  	[tilespmem:s25], [sflag:$0x1] =	stream.linear.gather [hbm4b:s24+s19], $0x2000, $0x38;
	[tilespmem:$0x1EA00] =	vst v63  }
0x8a: {  	s20 =	sshrl.u32 s1, $0x5;
	s26 =	spop (v2sf)  }
0x8b: {  	p0 =	seq.s32 s20, $0x0;
	s18 =	sadd.s32 s2, s26  }
.LBB2_24:
0x8c: {  	[sflag:s12] =	ssyncadd.s32 $0xFFFFFFE0  }
.LBB2_25:
0x8d: {  	p1 =	sne.s32 s19, $0x1F  }
.Ltmp5:
0x8e: {  	_ = 	snop;
	(pc) =	sbr.rel @!p1 .LBB2_26-.Ltmp5, $1  }
0x8f: {  	_ =	sdelay $0x3  }
.LBB2_6:
0x90: {  	s2 =	sshll.u32 s19, $0x5  }
0x91: {  	s2 =	sor.u32 s10, s2  }
0x92: {  	p1 =	sgt.u32 s2, $0x3AF  }
.Ltmp6:
0x93: {  	_ = 	snop;
	(pc) =	sbr.rel @p1 .LBB2_8-.Ltmp6, $2  }
0x94: {  	_ =	sdelay $0x2  }
0x95: {  	s1 =	smov.u32 s19;
	s19 =	sadd.s32 $0x1, s19  }
0x96: {  	s13 =	sshll.u32 s2, $0xA  }
0x97: {  	s14 =	sshll.u32 s19, $0xF;
	s13 =	sand.u32 $0x1FFFFC00, s13  }
0x98: {  	s14 =	sand.u32 $0x8000, s14;
	s13 =	sadd.s32 s3, s13  }
0x99: {  	s21 =	sadd.s32 $0x9200, s14;
	s22 =	sadd.s32 $0x8000, s13  }
0x9a: {  	[tilespmem:s21], [sflag:$0x1] =	stream.linear.gather [hbm4b:s22+s6], $0x2000, $0x38;
	[tilespmem:$0x1EA00] =	vst v63  }
0x9b: {  	s23 =	sadd.s32 $0xB200, s14;
	s24 =	sadd.s32 $0xFC280, s13  }
0x9c: {  	[tilespmem:s23], [sflag:$0x1] =	stream.linear.gather [hbm4b:s24+s6], $0x2000, $0x38;
	[tilespmem:$0x1EA00] =	vst v63  }
.Ltmp7:
0x9d: {  	_ = 	snop;
	(pc) =	sbr.rel .LBB2_9-.Ltmp7, $4  }
0x9e: {  	s25 =	sadd.s32 $0xD200, s14;
	s26 =	sadd.s32 $0x1F0500, s13  }
0x9f: {  	[tilespmem:s25], [sflag:$0x1] =	stream.linear.gather [hbm4b:s26+s6], $0x2000, $0x38;
	[tilespmem:$0x1EA00] =	vst v63  }
0xa0: {  	s14 =	sadd.s32 $0xF200, s14;
	s13 =	sadd.s32 $0x2E4780, s13  }
0xa1: {  	[tilespmem:s14], [sflag:$0x1] =	stream.linear.gather [hbm4b:s13+s6], $0x2000, $0x38;
	[tilespmem:$0x1EA00] =	vst v63  }
.LBB2_8:
0xa2: {  	p1 =	sgt.u32 s2, $0x3CF  }
.Ltmp8:
0xa3: {  	_ = 	snop;
	(pc) =	sbr.rel @p1 .LBB2_25-.Ltmp8, $1  }
0xa4: {  	_ =	sdelay $0x3  }
.LBB2_9:
.Ltmp9:
0xa5: {  	(pc) =	sbr.rel @p0 .LBB2_10-.Ltmp9, $1  }
0xa6: {  	_ =	sdelay $0x3  }
0xa7: {  	s22 =	simm.s32 $0x8810  }
0xa8: {  	p2 =	sne.s32 s20, $0x1;
	v7 =	vld [tilespmem:s22+$0xFFFFFFF0]  }
.Ltmp10:
0xa9: {  	_ = 	snop;
	(pc) =	sbr.rel @!p2 .LBB2_12-.Ltmp10, $3  }
0xaa: {  	_ =	sdelay $0x1  }
0xab: {  	s13 =	sshll.u32 s2, $0xA;
	s21 =	simm.s32 $0x8010  }
0xac: {  	v6 =	vmov s2;
	s2 =	simm.s32 $0x0;
	p1 =	por $0x0, $0x0;
	v5 =	vmov s13;
	s13 =	sadd.s32 $0xFFFFFFFF, s20;
	v8 =	vld [tilespmem:s21+$0xFFFFFFF0];
	v9 =	vshrl.u32 v7, $0xA  }
0xad: {  	_ =	sdelay $0x2  }
0xae: {  	vm0 =	veq.s32 v9, v6  }
0xaf: {  	v7 =	vsub.s32 v7, v5;
	[tilespmem:s2+$0x9000] =	vst.msk vm0, v8;
	v8 =	vmpcnt.ones.xlane vm0  }
0xb0: {  	[tilespmem:s2+$0x9100] =	vst.msk vm0, v7  }
0xb1: {  	v7 =	vld [tilespmem:s22+$0x0];
	(v2sf) =	vpush v8, $0x0;
	_ =	sdelay $0x4  }
0xb2: {  	v8 =	vshrl.u32 v7, $0xA  }
0xb3: {  	vm15 =	veq.s32 v8, v6  }
0xb4: {  	v8 =	vmpcnt.ones.xlane vm15;
	_ =	sdelay $0x1  }
0xb5: {  	(v2sf) =	vpush v8, $0x0;
	_ =	sdelay $0x2  }
0xb6: {  	v8 =	vld [tilespmem:s21+$0x0];
	_ =	sdelay $0x2  }
0xb7: {  	s14 =	spop (v2sf)  }
0xb8: {  	s14 =	sadd.s32 $0x0, s14  }
0xb9: {  	v7 =	vsub.s32 v7, v5;
	[tilespmem:s14+$0x9000] =	vst.msk vm15, v8  }
0xba: {  	s22 =	simm.s32 $0x8830;
	[tilespmem:s14+$0x9100] =	vst.msk vm15, v7  }
0xbb: {  	p2 =	sne.s32 s13, $0x1;
	v7 =	vld [tilespmem:s22+$0xFFFFFFF0]  }
.Ltmp11:
0xbc: {  	s21 =	simm.s32 $0x8030;
	(pc) =	sbr.rel @!p2 .LBB2_15-.Ltmp11, $2  }
0xbd: {  	v8 =	vld [tilespmem:s21+$0xFFFFFFF0];
	_ =	sdelay $0x2  }
0xbe: {  	s13 =	sadd.s32 $0xFFFFFFFF, s13;
	p1 =	por $0x1, $0x1;
	v9 =	vshrl.u32 v7, $0xA;
	s23 =	spop (v2sf)  }
.LBB2_14:
0xbf: {  	p2 =	sne.s32 s13, $0x1;
	s13 =	sadd.s32 $0xFFFFFFFF, s13;
	vm0 =	veq.s32 v9, v6;
	s14 =	sadd.s32 s14, s23  }
0xc0: {  	v7 =	vsub.s32 v7, v5;
	[tilespmem:s14+$0x9000] =	vst.msk vm0, v8;
	v8 =	vmpcnt.ones.xlane vm0  }
0xc1: {  	[tilespmem:s14+$0x9100] =	vst.msk vm0, v7  }
0xc2: {  	v7 =	vld [tilespmem:s22+$0x0];
	(v2sf) =	vpush v8, $0x0;
	_ =	sdelay $0x4  }
0xc3: {  	v8 =	vshrl.u32 v7, $0xA  }
0xc4: {  	vm0 =	veq.s32 v8, v6  }
0xc5: {  	v8 =	vmpcnt.ones.xlane vm0;
	_ =	sdelay $0x1  }
0xc6: {  	(v2sf) =	vpush v8, $0x0;
	_ =	sdelay $0x2  }
0xc7: {  	v8 =	vld [tilespmem:s21+$0x0];
	_ =	sdelay $0x2  }
0xc8: {  	s23 =	spop (v2sf)  }
0xc9: {  	s14 =	sadd.s32 s14, s23  }
0xca: {  	v7 =	vsub.s32 v7, v5;
	[tilespmem:s14+$0x9000] =	vst.msk vm0, v8  }
0xcb: {  	s22 =	sadd.s32 $0x20, s22;
	[tilespmem:s14+$0x9100] =	vst.msk vm0, v7  }
0xcc: {  	v7 =	vld [tilespmem:s22+$0xFFFFFFF0]  }
.Ltmp12:
0xcd: {  	s21 =	sadd.s32 $0x20, s21;
	(pc) =	sbr.rel @p2 .LBB2_14-.Ltmp12, $2  }
0xce: {  	v8 =	vld [tilespmem:s21+$0xFFFFFFF0];
	_ =	sdelay $0x2  }
0xcf: {  	v9 =	vshrl.u32 v7, $0xA;
	s23 =	spop (v2sf)  }
.LBB2_15:
0xd0: {  	s13 =	sadd.s32 @p1 s14, s23  }
0xd1: {  	vm0 =	veq.s32 v9, v6;
	s2 =	smov.u32 @p1 s13  }
0xd2: {  	v7 =	vsub.s32 v7, v5;
	[tilespmem:s2+$0x9000] =	vst.msk vm0, v8  }
0xd3: {  	[tilespmem:s2+$0x9100] =	vst.msk vm0, v7  }
0xd4: {  	v7 =	vld [tilespmem:s22+$0x0];
	_ =	sdelay $0x4  }
0xd5: {  	v62 =	vmpcnt.ones.xlane vm0;
	v63 =	vshrl.u32 v7, $0xA  }
0xd6: {  	vm15 =	veq.s32 v63, v6  }
0xd7: {  	(v2sf) =	vpush v62, $0x0;
	v6 =	vmpcnt.ones.xlane vm15;
	_ =	sdelay $0x1  }
0xd8: {  	(v2sf) =	vpush v6, $0x0;
	_ =	sdelay $0x9  }
0xd9: {  	v6 =	vld [tilespmem:s21+$0x0];
	_ =	sdelay $0x1  }
.Ltmp13:
0xda: {  	_ = 	snop;
	(pc) =	sbr.rel .LBB2_16-.Ltmp13, $4  }
0xdb: {  	s25 =	spop (v2sf)  }
0xdc: {  	s2 =	sadd.s32 s2, s25  }
0xdd: {  	v5 =	vsub.s32 v7, v5;
	[tilespmem:s2+$0x9000] =	vst.msk vm15, v6;
	s26 =	spop (v2sf)  }
0xde: {  	[tilespmem:s2+$0x9100] =	vst.msk vm15, v5;
	s2 =	sadd.s32 s2, s26  }
.LBB2_10:
0xdf: {  	s2 =	simm.s32 $0x0  }
.LBB2_16:
0xe0: {  	_ =	swait.ge [sflag:s5], $0x2000  }
0xe1: {  	[sflag:s5] =	ssyncset.done $0x0  }
0xe2: {  	[sflag:s5] =	ssyncadd.s32 $0xFFFFE000  }
0xe3: {  	_ =	swait.ge [sflag:s5], $0x2000  }
0xe4: {  	[sflag:s5] =	ssyncset.done $0x0  }
0xe5: {  	[sflag:s5] =	ssyncadd.s32 $0xFFFFE000  }
0xe6: {  	p1 =	slt.s32 s2, $0x1;
	_ =	swait.ge [sflag:s5], $0x2000  }
.Ltmp14:
0xe7: {  	[sflag:s5] =	ssyncset.done $0x0;
	(pc) =	sbr.rel @p1 .LBB2_25-.Ltmp14, $4  }
0xe8: {  	[sflag:s5] =	ssyncadd.s32 $0xFFFFE000  }
0xe9: {  	_ =	swait.ge [sflag:s5], $0x2000  }
0xea: {  	[sflag:s5] =	ssyncset.done $0x0  }
0xeb: {  	[sflag:s5] =	ssyncadd.s32 $0xFFFFE000  }
0xec: {  	p2 =	sne.s32 s2, $0x1  }
.Ltmp15:
0xed: {  	_ = 	snop;
	(pc) =	sbr.rel @!p2 .LBB2_18-.Ltmp15, $4  }
0xee: {  	_ = 	snop  }
0xef: {  	s1 =	sand.u32 $0x1, s1  }
0xf0: {  	s13 =	sshll.u32 s1, $0xF;
	s1 =	simm.s32 $0x0  }
0xf1: {  	s21 =	simm.s32 $0x1;
	p1 =	por $0x0, $0x0;
	v5 =	vor.u32 s13, v3;
	v6 =	vor.u32 s13, v4;
	v7 =	vmov s1  }
0xf2: {  	_ =	sdelay $0x3  }
0xf3: {  	v8 =	vld.idx.msk [tilespmem:v7+s31+$0x0], $0xffff;
	_ =	sdelay $0x4  }
0xf4: {  	v7 =	vld.idx.msk [tilespmem:v7+s8+$0x0], $0xffff;
	(v2sf) =	vpush v8, $0x0;
	_ =	sdelay $0x4  }
0xf5: {  	v8 =	vand.u32 $0x7F, v7;
	v7 =	vshll.u32 v7, $0x3  }
0xf6: {  	v7 =	vand.u32 $0xFFFFFC00, v7;
	v9 =	vor.u32 v8, v5  }
0xf7: {  	v8 =	vor.u32 v8, v6;
	v9 =	vadd.s32 v7, v9  }
0xf8: {  	v7 =	vadd.s32 v7, v8;
	_ =	sdelay $0x3  }
0xf9: {  	v8 =	vld.idx.msk [tilespmem:v9+s0+$0x0], $0xffff  }
0xfa: {  	v7 =	vld.idx.msk [tilespmem:v7+s0+$0x0], $0xffff;
	_ =	sdelay $0x1  }
0xfb: {  	p2 =	sne.s32 s2, $0x2;
	s13 =	spop (v2sf)  }
.Ltmp16:
0xfc: {  	s14 =	sand.u32 $0x780, s1;
	s13 =	sshll.u32 s13, $0x2;
	(pc) =	sbr.rel @!p2 .LBB2_20-.Ltmp16, $4  }
0xfd: {  	p3 =	por $0x1, $0x1;
	p1 =	por $0x1, $0x1;
	[tilespmem:s14+$0x1E200] =	vst v8;
	s13 =	sand.u32 $0x1FFFFFFC, s13  }
0xfe: {  	s22 =	sadd.s32 $0x1E200, s14;
	[tilespmem:s14+$0x1E210] =	vst v7;
	s14 =	simm.s32 @!p3 $0x2;
	s13 =	sadd.s32 s9, s13  }
0xff: {  	v7 =	vmov s21;
	[hbm4b:s13+s6] =	stream.linear.scatter [tilespmem:s22], [sflag:$0x2], $0x20, $0x38;
	[tilespmem:$0x1EA00] =	vst v63  }
0x100: {  	s13 =	simm.s32 $0x2;
	s22 =	simm.s32 $0x0;
	_ =	swait.ge @!p3 [sflag:s14], $0x20  }
.LBB2_21:
0x101: {  	[sflag:s14] =	ssyncset.done @!p3 $0x0  }
0x102: {  	s22 =	sadd.s32 $0x80, s22;
	s23 =	smov.u32 s13;
	s13 =	sadd.s32 $0x1, s13  }
0x103: {  	p2 =	sne.s32 s2, s13;
	[sflag:s14] =	ssyncadd.s32 @!p3 $0xFFFFFFE0  }
0x104: {  	v8 =	vld.idx.msk [tilespmem:v7+s31+$0x0], $0xffff;
	_ =	sdelay $0x3  }
0x105: {  	v7 =	vld.idx.msk [tilespmem:v7+s8+$0x0], $0xffff;
	_ =	sdelay $0x1  }
0x106: {  	(v2sf) =	vpush v8, $0x0;
	_ =	sdelay $0x3  }
0x107: {  	v8 =	vand.u32 $0x7F, v7;
	v7 =	vshll.u32 v7, $0x3  }
0x108: {  	v7 =	vand.u32 $0xFFFFFC00, v7;
	v9 =	vor.u32 v8, v5;
	v8 =	vor.u32 v8, v6  }
0x109: {  	v9 =	vadd.s32 v7, v9;
	v7 =	vadd.s32 v7, v8;
	_ =	sdelay $0x4  }
0x10a: {  	v8 =	vld.idx.msk [tilespmem:v9+s0+$0x0], $0xffff  }
0x10b: {  	v9 =	vld.idx.msk [tilespmem:v7+s0+$0x0], $0xffff;
	_ =	sdelay $0x2  }
0x10c: {  	s14 =	spop (v2sf)  }
.Ltmp17:
0x10d: {  	s24 =	sand.u32 $0x780, s22;
	s14 =	sshll.u32 s14, $0x2;
	(pc) =	sbr.rel @p2 .LBB2_21-.Ltmp17, $4  }
0x10e: {  	p3 =	slt.u32 s21, $0xC;
	s25 =	sadd.s32 $0x1E200, s24;
	v7 =	vmov s23;
	[tilespmem:s24+$0x1E200] =	vst v8;
	s14 =	sand.u32 $0x1FFFFFFC, s14  }
0x10f: {  	s21 =	smov.u32 s23;
	[tilespmem:s24+$0x1E210] =	vst v9;
	s24 =	sadd.s32 s9, s14;
	s14 =	simm.s32 @!p3 $0x2  }
0x110: {  	[hbm4b:s24+s6] =	stream.linear.scatter [tilespmem:s25], [sflag:$0x2], $0x20, $0x38;
	[tilespmem:$0x1EA00] =	vst v63  }
0x111: {  	_ =	swait.ge @!p3 [sflag:s14], $0x20  }
.LBB2_22:
0x112: {  	_ = 	snop  }
0x113: {  	p2 =	por p3, !p1  }
0x114: {  	[sflag:s14] =	ssyncset.done @!p2 $0x0  }
0x115: {  	[sflag:s14] =	ssyncadd.s32 @!p2 $0xFFFFFFE0  }
0x116: {  	v8 =	vld.idx.msk [tilespmem:v7+s31+$0x0], $0xffff;
	_ =	sdelay $0x4  }
0x117: {  	v7 =	vld.idx.msk [tilespmem:v7+s8+$0x0], $0xffff;
	(v2sf) =	vpush v8, $0x0;
	_ =	sdelay $0x4  }
0x118: {  	v63 =	vand.u32 $0x7F, v7;
	v7 =	vshll.u32 v7, $0x3  }
0x119: {  	v7 =	vand.u32 $0xFFFFFC00, v7;
	v5 =	vor.u32 v63, v5  }
0x11a: {  	v6 =	vor.u32 v63, v6;
	v5 =	vadd.s32 v7, v5  }
0x11b: {  	v6 =	vadd.s32 v7, v6;
	_ =	sdelay $0x3  }
0x11c: {  	v5 =	vld.idx.msk [tilespmem:v5+s0+$0x0], $0xffff  }
0x11d: {  	v6 =	vld.idx.msk [tilespmem:v6+s0+$0x0], $0xffff  }
0x11e: {  	s13 =	sadd.s32 @p1 $0x80, s22  }
0x11f: {  	s1 =	smov.u32 @p1 s13;
	s23 =	spop (v2sf)  }
0x120: {  	s1 =	sand.u32 $0x780, s1;
	s24 =	sshll.u32 s23, $0x2  }
0x121: {  	p1 =	slt.u32 s21, $0xC;
	[tilespmem:s1+$0x1E200] =	vst v5;
	s13 =	sand.u32 $0x1FFFFFFC, s24  }
0x122: {  	s25 =	sadd.s32 $0x1E200, s1;
	[tilespmem:s1+$0x1E210] =	vst v6;
	s26 =	sadd.s32 s9, s13;
	s13 =	simm.s32 @!p1 $0x2  }
0x123: {  	[hbm4b:s26+s6] =	stream.linear.scatter [tilespmem:s25], [sflag:$0x2], $0x20, $0x38;
	[tilespmem:$0x1EA00] =	vst v63  }
0x124: {  	p2 =	slt.s32 s2, $0xC;
	_ =	swait.ge @!p1 [sflag:s13], $0x20  }
0x125: {  	s2 =	simm.s32 @!p2 $0xC;
	[sflag:s13] =	ssyncset.done @!p1 $0x0  }
0x126: {  	[sflag:s13] =	ssyncadd.s32 @!p1 $0xFFFFFFE0;
	p1 =	sne.s32 s2, $0x1  }
.Ltmp18:
0x127: {  	_ = 	snop;
	(pc) =	sbr.rel @!p1 .LBB2_24-.Ltmp18, $3  }
0x128: {  	_ =	sdelay $0x1  }
0x129: {  	_ =	swait.ge [sflag:s12], $0x20  }
0x12a: {  	s1 =	sadd.s32 $0xFFFFFFFF, s2;
	[sflag:s12] =	ssyncset.done $0x0  }
.LBB2_23:
0x12b: {  	p1 =	sne.s32 s1, $0x1;
	s1 =	sadd.s32 $0xFFFFFFFF, s1;
	[sflag:s12] =	ssyncadd.s32 $0xFFFFFFE0  }
.Ltmp19:
0x12c: {  	(pc) =	sbr.rel @p1 .LBB2_23-.Ltmp19, $3  }
0x12d: {  	_ =	sdelay $0x1  }
0x12e: {  	_ =	swait.ge [sflag:s12], $0x20  }
0x12f: {  	[sflag:s12] =	ssyncset.done $0x0  }
.Ltmp20:
0x130: {  	_ = 	snop;
	(pc) =	sbr.rel .LBB2_24-.Ltmp20, $1  }
0x131: {  	_ =	sdelay $0x3  }
.LBB2_12:
.Ltmp21:
0x132: {  	(pc) =	sbr.rel .LBB2_15-.Ltmp21, $2  }
0x133: {  	_ =	sdelay $0x2  }
0x134: {  	_ = 	snop  }
.LBB2_18:
.Ltmp22:
0x135: {  	(pc) =	sbr.rel .LBB2_22-.Ltmp22, $2  }
0x136: {  	_ =	sdelay $0x2  }
0x137: {  	s22 =	simm.s32 $0x0;
	s21 =	simm.s32 $0x0  }
.LBB2_20:
.Ltmp23:
0x138: {  	(pc) =	sbr.rel .LBB2_22-.Ltmp23, $2  }
0x139: {  	_ =	sdelay $0x2  }
0x13a: {  	s22 =	simm.s32 $0x0  }
.LBB2_26:
0x13b: {  	s19 =	simm.s32 $0x0;
	s1 =	rddreg [dreg:$0xc]  }
0x13c: {  	[tilespmem:s0], [sflag:$0x1] =	stream.linear.gather [hbm4b:s1+s19], $0x2000, $0x38;
	[tilespmem:$0x1EA00] =	vst v63  }
0x13d: {  	s21 =	rddreg [dreg:$0xd];
	s2 =	simm.s32 $0xB200  }
0x13e: {  	[tilespmem:s2], [sflag:$0x1] =	stream.linear.gather [hbm4b:s21+s19], $0x2000, $0x38;
	[tilespmem:$0x1EA00] =	vst v63  }
.Ltmp24:
0x13f: {  	s26 =	sadd.s32 $0x1F, s18;
	(pc) =	sbr.rel .LBB2_27-.Ltmp24, $4  }
0x140: {  	s22 =	rddreg [dreg:$0xe];
	s23 =	simm.s32 $0xD200;
	s18 =	sshrl.u32 s26, $0x5  }
0x141: {  	[tilespmem:s23], [sflag:$0x1] =	stream.linear.gather [hbm4b:s22+s19], $0x2000, $0x38;
	[tilespmem:$0x1EA00] =	vst v63  }
0x142: {  	s24 =	rddreg [dreg:$0xf];
	s25 =	simm.s32 $0xF200;
	p0 =	seq.s32 s18, $0x0  }
0x143: {  	[tilespmem:s25], [sflag:$0x1] =	stream.linear.gather [hbm4b:s24+s19], $0x2000, $0x38;
	[tilespmem:$0x1EA00] =	vst v63  }
.LBB2_45:
0x144: {  	[sflag:s12] =	ssyncadd.s32 $0xFFFFFFE0  }
.LBB2_46:
0x145: {  	p1 =	sne.s32 s19, $0x1F  }
.Ltmp25:
0x146: {  	_ = 	snop;
	(pc) =	sbr.rel @!p1 .LBB2_47-.Ltmp25, $1  }
0x147: {  	_ =	sdelay $0x3  }
.LBB2_27:
0x148: {  	s2 =	sshll.u32 s19, $0x5  }
0x149: {  	s2 =	sor.u32 s10, s2  }
0x14a: {  	p1 =	sgt.u32 s2, $0x3AF  }
.Ltmp26:
0x14b: {  	_ = 	snop;
	(pc) =	sbr.rel @p1 .LBB2_29-.Ltmp26, $2  }
0x14c: {  	_ =	sdelay $0x2  }
0x14d: {  	s1 =	smov.u32 s19;
	s19 =	sadd.s32 $0x1, s19  }
0x14e: {  	s13 =	sshll.u32 s2, $0xA  }
0x14f: {  	s14 =	sshll.u32 s19, $0xF;
	s13 =	sand.u32 $0x1FFFFC00, s13  }
0x150: {  	s14 =	sand.u32 $0x8000, s14;
	s13 =	sadd.s32 s4, s13  }
0x151: {  	s20 =	sadd.s32 $0x9200, s14;
	s21 =	sadd.s32 $0x8000, s13  }
0x152: {  	[tilespmem:s20], [sflag:$0x1] =	stream.linear.gather [hbm4b:s21+s6], $0x2000, $0x38;
	[tilespmem:$0x1EA00] =	vst v63  }
0x153: {  	s23 =	sadd.s32 $0xB200, s14;
	s24 =	sadd.s32 $0xFC280, s13  }
0x154: {  	[tilespmem:s23], [sflag:$0x1] =	stream.linear.gather [hbm4b:s24+s6], $0x2000, $0x38;
	[tilespmem:$0x1EA00] =	vst v63  }
.Ltmp27:
0x155: {  	_ = 	snop;
	(pc) =	sbr.rel .LBB2_30-.Ltmp27, $4  }
0x156: {  	s25 =	sadd.s32 $0xD200, s14;
	s26 =	sadd.s32 $0x1F0500, s13  }
0x157: {  	[tilespmem:s25], [sflag:$0x1] =	stream.linear.gather [hbm4b:s26+s6], $0x2000, $0x38;
	[tilespmem:$0x1EA00] =	vst v63  }
0x158: {  	s14 =	sadd.s32 $0xF200, s14;
	s13 =	sadd.s32 $0x2E4780, s13  }
0x159: {  	[tilespmem:s14], [sflag:$0x1] =	stream.linear.gather [hbm4b:s13+s6], $0x2000, $0x38;
	[tilespmem:$0x1EA00] =	vst v63  }
.LBB2_29:
0x15a: {  	p1 =	sgt.u32 s2, $0x3CF  }
.Ltmp28:
0x15b: {  	_ = 	snop;
	(pc) =	sbr.rel @p1 .LBB2_46-.Ltmp28, $1  }
0x15c: {  	_ =	sdelay $0x3  }
.LBB2_30:
.Ltmp29:
0x15d: {  	(pc) =	sbr.rel @p0 .LBB2_31-.Ltmp29, $1  }
0x15e: {  	_ =	sdelay $0x3  }
0x15f: {  	s21 =	simm.s32 $0x8C10  }
0x160: {  	p2 =	sne.s32 s18, $0x1;
	v7 =	vld [tilespmem:s21+$0xFFFFFFF0]  }
.Ltmp30:
0x161: {  	_ = 	snop;
	(pc) =	sbr.rel @!p2 .LBB2_33-.Ltmp30, $3  }
0x162: {  	_ =	sdelay $0x1  }
0x163: {  	s13 =	sshll.u32 s2, $0xA;
	s20 =	simm.s32 $0x8410  }
0x164: {  	v6 =	vmov s2;
	s2 =	simm.s32 $0x0;
	p1 =	por $0x0, $0x0;
	v5 =	vmov s13;
	s13 =	sadd.s32 $0xFFFFFFFF, s18;
	v8 =	vld [tilespmem:s20+$0xFFFFFFF0];
	v9 =	vshrl.u32 v7, $0xA  }
0x165: {  	_ =	sdelay $0x2  }
0x166: {  	vm0 =	veq.s32 v9, v6  }
0x167: {  	v7 =	vsub.s32 v7, v5;
	[tilespmem:s2+$0x9000] =	vst.msk vm0, v8;
	v8 =	vmpcnt.ones.xlane vm0  }
0x168: {  	[tilespmem:s2+$0x9100] =	vst.msk vm0, v7  }
0x169: {  	v7 =	vld [tilespmem:s21+$0x0];
	(v2sf) =	vpush v8, $0x0;
	_ =	sdelay $0x4  }
0x16a: {  	v8 =	vshrl.u32 v7, $0xA  }
0x16b: {  	vm15 =	veq.s32 v8, v6  }
0x16c: {  	v8 =	vmpcnt.ones.xlane vm15;
	_ =	sdelay $0x1  }
0x16d: {  	(v2sf) =	vpush v8, $0x0;
	_ =	sdelay $0x2  }
0x16e: {  	v8 =	vld [tilespmem:s20+$0x0];
	_ =	sdelay $0x2  }
0x16f: {  	s14 =	spop (v2sf)  }
0x170: {  	s14 =	sadd.s32 $0x0, s14  }
0x171: {  	v7 =	vsub.s32 v7, v5;
	[tilespmem:s14+$0x9000] =	vst.msk vm15, v8  }
0x172: {  	s21 =	simm.s32 $0x8C30;
	[tilespmem:s14+$0x9100] =	vst.msk vm15, v7  }
0x173: {  	p2 =	sne.s32 s13, $0x1;
	v7 =	vld [tilespmem:s21+$0xFFFFFFF0]  }
.Ltmp31:
0x174: {  	s20 =	simm.s32 $0x8430;
	(pc) =	sbr.rel @!p2 .LBB2_36-.Ltmp31, $2  }
0x175: {  	v8 =	vld [tilespmem:s20+$0xFFFFFFF0];
	_ =	sdelay $0x2  }
0x176: {  	s13 =	sadd.s32 $0xFFFFFFFF, s13;
	p1 =	por $0x1, $0x1;
	v9 =	vshrl.u32 v7, $0xA;
	s22 =	spop (v2sf)  }
.LBB2_35:
0x177: {  	p2 =	sne.s32 s13, $0x1;
	s13 =	sadd.s32 $0xFFFFFFFF, s13;
	vm0 =	veq.s32 v9, v6;
	s14 =	sadd.s32 s14, s22  }
0x178: {  	v7 =	vsub.s32 v7, v5;
	[tilespmem:s14+$0x9000] =	vst.msk vm0, v8;
	v8 =	vmpcnt.ones.xlane vm0  }
0x179: {  	[tilespmem:s14+$0x9100] =	vst.msk vm0, v7  }
0x17a: {  	v7 =	vld [tilespmem:s21+$0x0];
	(v2sf) =	vpush v8, $0x0;
	_ =	sdelay $0x4  }
0x17b: {  	v8 =	vshrl.u32 v7, $0xA  }
0x17c: {  	vm0 =	veq.s32 v8, v6  }
0x17d: {  	v8 =	vmpcnt.ones.xlane vm0;
	_ =	sdelay $0x1  }
0x17e: {  	(v2sf) =	vpush v8, $0x0;
	_ =	sdelay $0x2  }
0x17f: {  	v8 =	vld [tilespmem:s20+$0x0];
	_ =	sdelay $0x2  }
0x180: {  	s22 =	spop (v2sf)  }
0x181: {  	s14 =	sadd.s32 s14, s22  }
0x182: {  	v7 =	vsub.s32 v7, v5;
	[tilespmem:s14+$0x9000] =	vst.msk vm0, v8  }
0x183: {  	s21 =	sadd.s32 $0x20, s21;
	[tilespmem:s14+$0x9100] =	vst.msk vm0, v7  }
0x184: {  	v7 =	vld [tilespmem:s21+$0xFFFFFFF0]  }
.Ltmp32:
0x185: {  	s20 =	sadd.s32 $0x20, s20;
	(pc) =	sbr.rel @p2 .LBB2_35-.Ltmp32, $2  }
0x186: {  	v8 =	vld [tilespmem:s20+$0xFFFFFFF0];
	_ =	sdelay $0x2  }
0x187: {  	v9 =	vshrl.u32 v7, $0xA;
	s22 =	spop (v2sf)  }
.LBB2_36:
0x188: {  	s13 =	sadd.s32 @p1 s14, s22  }
0x189: {  	vm0 =	veq.s32 v9, v6;
	s2 =	smov.u32 @p1 s13  }
0x18a: {  	v7 =	vsub.s32 v7, v5;
	[tilespmem:s2+$0x9000] =	vst.msk vm0, v8  }
0x18b: {  	[tilespmem:s2+$0x9100] =	vst.msk vm0, v7  }
0x18c: {  	v7 =	vld [tilespmem:s21+$0x0];
	_ =	sdelay $0x4  }
0x18d: {  	v62 =	vmpcnt.ones.xlane vm0;
	v63 =	vshrl.u32 v7, $0xA  }
0x18e: {  	vm15 =	veq.s32 v63, v6  }
0x18f: {  	(v2sf) =	vpush v62, $0x0;
	v6 =	vmpcnt.ones.xlane vm15;
	_ =	sdelay $0x1  }
0x190: {  	(v2sf) =	vpush v6, $0x0;
	_ =	sdelay $0x9  }
0x191: {  	v6 =	vld [tilespmem:s20+$0x0];
	_ =	sdelay $0x1  }
.Ltmp33:
0x192: {  	_ = 	snop;
	(pc) =	sbr.rel .LBB2_37-.Ltmp33, $4  }
0x193: {  	s25 =	spop (v2sf)  }
0x194: {  	s2 =	sadd.s32 s2, s25  }
0x195: {  	v5 =	vsub.s32 v7, v5;
	[tilespmem:s2+$0x9000] =	vst.msk vm15, v6;
	s26 =	spop (v2sf)  }
0x196: {  	[tilespmem:s2+$0x9100] =	vst.msk vm15, v5;
	s2 =	sadd.s32 s2, s26  }
.LBB2_31:
0x197: {  	s2 =	simm.s32 $0x0  }
.LBB2_37:
0x198: {  	_ =	swait.ge [sflag:s5], $0x2000  }
0x199: {  	[sflag:s5] =	ssyncset.done $0x0  }
0x19a: {  	[sflag:s5] =	ssyncadd.s32 $0xFFFFE000  }
0x19b: {  	_ =	swait.ge [sflag:s5], $0x2000  }
0x19c: {  	[sflag:s5] =	ssyncset.done $0x0  }
0x19d: {  	[sflag:s5] =	ssyncadd.s32 $0xFFFFE000  }
0x19e: {  	p1 =	slt.s32 s2, $0x1;
	_ =	swait.ge [sflag:s5], $0x2000  }
.Ltmp34:
0x19f: {  	[sflag:s5] =	ssyncset.done $0x0;
	(pc) =	sbr.rel @p1 .LBB2_46-.Ltmp34, $4  }
0x1a0: {  	[sflag:s5] =	ssyncadd.s32 $0xFFFFE000  }
0x1a1: {  	_ =	swait.ge [sflag:s5], $0x2000  }
0x1a2: {  	[sflag:s5] =	ssyncset.done $0x0  }
0x1a3: {  	[sflag:s5] =	ssyncadd.s32 $0xFFFFE000  }
0x1a4: {  	p2 =	sne.s32 s2, $0x1  }
.Ltmp35:
0x1a5: {  	_ = 	snop;
	(pc) =	sbr.rel @!p2 .LBB2_39-.Ltmp35, $4  }
0x1a6: {  	_ = 	snop  }
0x1a7: {  	s1 =	sand.u32 $0x1, s1  }
0x1a8: {  	s13 =	sshll.u32 s1, $0xF;
	s1 =	simm.s32 $0x0  }
0x1a9: {  	s20 =	simm.s32 $0x1;
	p1 =	por $0x0, $0x0;
	v5 =	vor.u32 s13, v3;
	v6 =	vor.u32 s13, v4;
	v7 =	vmov s1  }
0x1aa: {  	_ =	sdelay $0x3  }
0x1ab: {  	v8 =	vld.idx.msk [tilespmem:v7+s31+$0x0], $0xffff;
	_ =	sdelay $0x4  }
0x1ac: {  	v7 =	vld.idx.msk [tilespmem:v7+s8+$0x0], $0xffff;
	(v2sf) =	vpush v8, $0x0;
	_ =	sdelay $0x4  }
0x1ad: {  	v8 =	vand.u32 $0x7F, v7;
	v7 =	vshll.u32 v7, $0x3  }
0x1ae: {  	v7 =	vand.u32 $0xFFFFFC00, v7;
	v9 =	vor.u32 v8, v5  }
0x1af: {  	v8 =	vor.u32 v8, v6;
	v9 =	vadd.s32 v7, v9  }
0x1b0: {  	v7 =	vadd.s32 v7, v8;
	_ =	sdelay $0x3  }
0x1b1: {  	v8 =	vld.idx.msk [tilespmem:v9+s0+$0x0], $0xffff  }
0x1b2: {  	v7 =	vld.idx.msk [tilespmem:v7+s0+$0x0], $0xffff;
	_ =	sdelay $0x1  }
0x1b3: {  	p2 =	sne.s32 s2, $0x2;
	s13 =	spop (v2sf)  }
.Ltmp36:
0x1b4: {  	s14 =	sand.u32 $0x780, s1;
	s13 =	sshll.u32 s13, $0x2;
	(pc) =	sbr.rel @!p2 .LBB2_41-.Ltmp36, $4  }
0x1b5: {  	p3 =	por $0x1, $0x1;
	p1 =	por $0x1, $0x1;
	[tilespmem:s14+$0x1E200] =	vst v8;
	s13 =	sand.u32 $0x1FFFFFFC, s13  }
0x1b6: {  	s21 =	sadd.s32 $0x1E200, s14;
	[tilespmem:s14+$0x1E210] =	vst v7;
	s14 =	simm.s32 @!p3 $0x2;
	s13 =	sadd.s32 s11, s13  }
0x1b7: {  	v7 =	vmov s20;
	[hbm4b:s13+s6] =	stream.linear.scatter [tilespmem:s21], [sflag:$0x2], $0x20, $0x38;
	[tilespmem:$0x1EA00] =	vst v63  }
0x1b8: {  	s13 =	simm.s32 $0x2;
	s21 =	simm.s32 $0x0;
	_ =	swait.ge @!p3 [sflag:s14], $0x20  }
.LBB2_42:
0x1b9: {  	[sflag:s14] =	ssyncset.done @!p3 $0x0  }
0x1ba: {  	s21 =	sadd.s32 $0x80, s21;
	s22 =	smov.u32 s13;
	s13 =	sadd.s32 $0x1, s13  }
0x1bb: {  	p2 =	sne.s32 s2, s13;
	[sflag:s14] =	ssyncadd.s32 @!p3 $0xFFFFFFE0  }
0x1bc: {  	v8 =	vld.idx.msk [tilespmem:v7+s31+$0x0], $0xffff;
	_ =	sdelay $0x3  }
0x1bd: {  	v7 =	vld.idx.msk [tilespmem:v7+s8+$0x0], $0xffff;
	_ =	sdelay $0x1  }
0x1be: {  	(v2sf) =	vpush v8, $0x0;
	_ =	sdelay $0x3  }
0x1bf: {  	v8 =	vand.u32 $0x7F, v7;
	v7 =	vshll.u32 v7, $0x3  }
0x1c0: {  	v7 =	vand.u32 $0xFFFFFC00, v7;
	v9 =	vor.u32 v8, v5;
	v8 =	vor.u32 v8, v6  }
0x1c1: {  	v9 =	vadd.s32 v7, v9;
	v7 =	vadd.s32 v7, v8;
	_ =	sdelay $0x4  }
0x1c2: {  	v8 =	vld.idx.msk [tilespmem:v9+s0+$0x0], $0xffff  }
0x1c3: {  	v9 =	vld.idx.msk [tilespmem:v7+s0+$0x0], $0xffff;
	_ =	sdelay $0x2  }
0x1c4: {  	s14 =	spop (v2sf)  }
.Ltmp37:
0x1c5: {  	s23 =	sand.u32 $0x780, s21;
	s14 =	sshll.u32 s14, $0x2;
	(pc) =	sbr.rel @p2 .LBB2_42-.Ltmp37, $4  }
0x1c6: {  	p3 =	slt.u32 s20, $0xC;
	s24 =	sadd.s32 $0x1E200, s23;
	v7 =	vmov s22;
	[tilespmem:s23+$0x1E200] =	vst v8;
	s14 =	sand.u32 $0x1FFFFFFC, s14  }
0x1c7: {  	s20 =	smov.u32 s22;
	[tilespmem:s23+$0x1E210] =	vst v9;
	s23 =	sadd.s32 s11, s14;
	s14 =	simm.s32 @!p3 $0x2  }
0x1c8: {  	[hbm4b:s23+s6] =	stream.linear.scatter [tilespmem:s24], [sflag:$0x2], $0x20, $0x38;
	[tilespmem:$0x1EA00] =	vst v63  }
0x1c9: {  	_ =	swait.ge @!p3 [sflag:s14], $0x20  }
.LBB2_43:
0x1ca: {  	_ = 	snop  }
0x1cb: {  	p2 =	por p3, !p1  }
0x1cc: {  	[sflag:s14] =	ssyncset.done @!p2 $0x0  }
0x1cd: {  	[sflag:s14] =	ssyncadd.s32 @!p2 $0xFFFFFFE0  }
0x1ce: {  	v8 =	vld.idx.msk [tilespmem:v7+s31+$0x0], $0xffff;
	_ =	sdelay $0x4  }
0x1cf: {  	v7 =	vld.idx.msk [tilespmem:v7+s8+$0x0], $0xffff;
	(v2sf) =	vpush v8, $0x0;
	_ =	sdelay $0x4  }
0x1d0: {  	v63 =	vand.u32 $0x7F, v7;
	v7 =	vshll.u32 v7, $0x3  }
0x1d1: {  	v7 =	vand.u32 $0xFFFFFC00, v7;
	v5 =	vor.u32 v63, v5  }
0x1d2: {  	v6 =	vor.u32 v63, v6;
	v5 =	vadd.s32 v7, v5  }
0x1d3: {  	v6 =	vadd.s32 v7, v6;
	_ =	sdelay $0x3  }
0x1d4: {  	v5 =	vld.idx.msk [tilespmem:v5+s0+$0x0], $0xffff  }
0x1d5: {  	v6 =	vld.idx.msk [tilespmem:v6+s0+$0x0], $0xffff  }
0x1d6: {  	s13 =	sadd.s32 @p1 $0x80, s21  }
0x1d7: {  	s1 =	smov.u32 @p1 s13;
	s23 =	spop (v2sf)  }
0x1d8: {  	s1 =	sand.u32 $0x780, s1;
	s24 =	sshll.u32 s23, $0x2  }
0x1d9: {  	p1 =	slt.u32 s20, $0xC;
	[tilespmem:s1+$0x1E200] =	vst v5;
	s13 =	sand.u32 $0x1FFFFFFC, s24  }
0x1da: {  	s25 =	sadd.s32 $0x1E200, s1;
	[tilespmem:s1+$0x1E210] =	vst v6;
	s26 =	sadd.s32 s11, s13;
	s13 =	simm.s32 @!p1 $0x2  }
0x1db: {  	[hbm4b:s26+s6] =	stream.linear.scatter [tilespmem:s25], [sflag:$0x2], $0x20, $0x38;
	[tilespmem:$0x1EA00] =	vst v63  }
0x1dc: {  	p2 =	slt.s32 s2, $0xC;
	_ =	swait.ge @!p1 [sflag:s13], $0x20  }
0x1dd: {  	s2 =	simm.s32 @!p2 $0xC;
	[sflag:s13] =	ssyncset.done @!p1 $0x0  }
0x1de: {  	[sflag:s13] =	ssyncadd.s32 @!p1 $0xFFFFFFE0;
	p1 =	sne.s32 s2, $0x1  }
.Ltmp38:
0x1df: {  	_ = 	snop;
	(pc) =	sbr.rel @!p1 .LBB2_45-.Ltmp38, $3  }
0x1e0: {  	_ =	sdelay $0x1  }
0x1e1: {  	_ =	swait.ge [sflag:s12], $0x20  }
0x1e2: {  	s1 =	sadd.s32 $0xFFFFFFFF, s2;
	[sflag:s12] =	ssyncset.done $0x0  }
.LBB2_44:
0x1e3: {  	p1 =	sne.s32 s1, $0x1;
	s1 =	sadd.s32 $0xFFFFFFFF, s1;
	[sflag:s12] =	ssyncadd.s32 $0xFFFFFFE0  }
.Ltmp39:
0x1e4: {  	(pc) =	sbr.rel @p1 .LBB2_44-.Ltmp39, $3  }
0x1e5: {  	_ =	sdelay $0x1  }
0x1e6: {  	_ =	swait.ge [sflag:s12], $0x20  }
0x1e7: {  	[sflag:s12] =	ssyncset.done $0x0  }
.Ltmp40:
0x1e8: {  	_ = 	snop;
	(pc) =	sbr.rel .LBB2_45-.Ltmp40, $1  }
0x1e9: {  	_ =	sdelay $0x3  }
.LBB2_33:
.Ltmp41:
0x1ea: {  	(pc) =	sbr.rel .LBB2_36-.Ltmp41, $2  }
0x1eb: {  	_ =	sdelay $0x2  }
0x1ec: {  	_ = 	snop  }
.LBB2_39:
.Ltmp42:
0x1ed: {  	(pc) =	sbr.rel .LBB2_43-.Ltmp42, $2  }
0x1ee: {  	_ =	sdelay $0x2  }
0x1ef: {  	s21 =	simm.s32 $0x0;
	s20 =	simm.s32 $0x0  }
.LBB2_41:
.Ltmp43:
0x1f0: {  	(pc) =	sbr.rel .LBB2_43-.Ltmp43, $2  }
0x1f1: {  	_ =	sdelay $0x2  }
0x1f2: {  	s21 =	simm.s32 $0x0  }
.LBB2_47:
0x1f3: {  	s1 =	simm.s32 $0x0;
	s2 =	rddreg [dreg:$0x11];
	s13 =	simm.s32 $0x19200  }
0x1f4: {  	[tilespmem:s13], [sflag:$0x1] =	stream.linear.gather [hbm4b:s2+s1], $0x1000, $0x38;
	[tilespmem:$0x1EA00] =	vst v63  }
0x1f5: {  	s22 =	rddreg [dreg:$0x14];
	s23 =	simm.s32 $0x1A200  }
0x1f6: {  	[tilespmem:s23], [sflag:$0x1] =	stream.linear.gather [hbm4b:s22+s1], $0x1000, $0x38;
	[tilespmem:$0x1EA00] =	vst v63  }
0x1f7: {  	s24 =	rddreg [dreg:$0x10]  }
0x1f8: {  	[tilespmem:s15], [sflag:$0x1] =	stream.linear.gather [hbm4b:s24+s1], $0x1000, $0x38;
	[tilespmem:$0x1EA00] =	vst v63  }
0x1f9: {  	s25 =	rddreg [dreg:$0x12]  }
0x1fa: {  	[tilespmem:s16], [sflag:$0x1] =	stream.linear.gather [hbm4b:s25+s1], $0x1000, $0x38;
	[tilespmem:$0x1EA00] =	vst v63  }
0x1fb: {  	s26 =	rddreg [dreg:$0x7]  }
0x1fc: {  	[tilespmem:s17], [sflag:$0x3] =	stream.linear.gather [hbm4b:s26+s1], $0x1000, $0x38;
	[tilespmem:$0x1EA00] =	vst v63  }
0x1fd: {  	_ =	swait.ge [sflag:s30], $0x1000  }
0x1fe: {  	[sflag:s30] =	ssyncset.done $0x0  }
0x1ff: {  	[sflag:s30] =	ssyncadd.s32 $0xFFFFF000  }
0x200: {  	v5 =	vld [tilespmem:s1+$0x0];
	_ =	sdelay $0x4  }
0x201: {  	vm0 =	vgt.s32 v5, $0xF3FFF  }
0x202: {  	v7 =	vmpcnt.ones.xlane vm0;
	_ =	sdelay $0x1  }
0x203: {  	(v2sf) =	vpush v7, $0x0;
	_ =	sdelay $0x4  }
0x204: {  	v6 =	vor.u32 s1, v2  }
0x205: {  	v5 =	vadd.s32 $0xFFF0C000, v5;
	[tilespmem:s1+$0x9000] =	vst.msk vm0, v6  }
0x206: {  	s2 =	simm.s32 $0x10;
	[tilespmem:s1+$0x9100] =	vst.msk vm0, v5  }
0x207: {  	s14 =	simm.s32 $0x10;
	s13 =	simm.s32 $0x20;
	v5 =	vld [tilespmem:s2+$0x0]  }
.LBB2_48:
0x208: {  	p0 =	sne.s32 s13, $0x3FF0;
	_ =	sdelay $0x3  }
0x209: {  	vm0 =	vgt.s32 v5, $0xF3FFF;
	v5 =	vadd.s32 $0xFFF0C000, v5  }
0x20a: {  	v6 =	vmpcnt.ones.xlane vm0  }
0x20b: {  	s18 =	spop (v2sf)  }
0x20c: {  	v7 =	vor.u32 s2, v2;
	s2 =	smov.u32 s13;
	(v2sf) =	vpush v6, $0x0;
	s1 =	sadd.s32 s1, s18  }
0x20d: {  	[tilespmem:s1+$0x9000] =	vst.msk vm0, v7  }
0x20e: {  	[tilespmem:s1+$0x9100] =	vst.msk vm0, v5;
	_ =	sdelay $0x1  }
.Ltmp44:
0x20f: {  	(pc) =	sbr.rel @p0 .LBB2_48-.Ltmp44, $3  }
0x210: {  	_ =	sdelay $0x1  }
0x211: {  	s14 =	sadd.s32 $0x10, s14  }
0x212: {  	s13 =	sadd.s32 $0x10, s13;
	v5 =	vld [tilespmem:s14+$0x0]  }
0x213: {  	_ =	sdelay $0x3  }
0x214: {  	vm0 =	vgt.s32 v5, $0xF3FFF  }
0x215: {  	v6 =	vmpcnt.ones.xlane vm0;
	_ =	sdelay $0x1  }
0x216: {  	(v2sf) =	vpush v6, $0x0;
	_ =	sdelay $0xb  }
0x217: {  	s13 =	spop (v2sf)  }
0x218: {  	v6 =	vor.u32 s2, v2;
	s1 =	sadd.s32 s1, s13  }
0x219: {  	v5 =	vadd.s32 $0xFFF0C000, v5;
	[tilespmem:s1+$0x9000] =	vst.msk vm0, v6  }
0x21a: {  	[tilespmem:s1+$0x9100] =	vst.msk vm0, v5;
	s2 =	spop (v2sf)  }
0x21b: {  	_ =	swait.ge [sflag:s5], $0x1000  }
0x21c: {  	[sflag:s5] =	ssyncset.done $0x0  }
0x21d: {  	[sflag:s5] =	ssyncadd.s32 $0xFFFFF000  }
0x21e: {  	_ =	swait.ge [sflag:s5], $0x1000  }
0x21f: {  	[sflag:s5] =	ssyncset.done $0x0  }
0x220: {  	s18 =	sadd.s32 s1, s2;
	[sflag:s5] =	ssyncadd.s32 $0xFFFFF000  }
0x221: {  	p0 =	slt.s32 s18, $0x1;
	_ =	swait.ge [sflag:s5], $0x1000  }
.Ltmp45:
0x222: {  	[sflag:s5] =	ssyncset.done $0x0;
	(pc) =	sbr.rel @p0 .LBB2_58-.Ltmp45, $4  }
0x223: {  	[sflag:s5] =	ssyncadd.s32 $0xFFFFF000  }
0x224: {  	_ =	swait.ge [sflag:s5], $0x1000  }
0x225: {  	[sflag:s5] =	ssyncset.done $0x0  }
0x226: {  	[sflag:s5] =	ssyncadd.s32 $0xFFFFF000  }
0x227: {  	s22 =	sadd.s32 s1, s2  }
0x228: {  	p1 =	sne.s32 s22, $0x1  }
.Ltmp46:
0x229: {  	_ = 	snop;
	(pc) =	sbr.rel @!p1 .LBB2_55-.Ltmp46, $3  }
0x22a: {  	_ =	sdelay $0x1  }
0x22b: {  	s19 =	simm.s32 $0x0;
	s21 =	simm.s32 $0x1  }
0x22c: {  	p0 =	por $0x0, $0x0;
	s23 =	simm.s32 $0x0;
	s20 =	simm.s32 $0x0  }
0x22d: {  	v5 =	vmov s19;
	p1 =	sne.s32 s22, $0x2  }
.Ltmp47:
0x22e: {  	_ = 	snop;
	(pc) =	sbr.rel @!p1 .LBB2_52-.Ltmp47, $3  }
0x22f: {  	_ =	sdelay $0x1  }
0x230: {  	s23 =	simm.s32 $0x2;
	s1 =	simm.s32 $0x0  }
0x231: {  	p0 =	por $0x1, $0x1;
	s20 =	simm.s32 $0x0;
	s2 =	simm.s32 $0x0;
	v6 =	vld.idx.msk [tilespmem:v5+s8+$0x0], $0xffff  }
.LBB2_53:
0x232: {  	v7 =	vmov s21;
	s20 =	sadd.s32 $0x200, s20;
	s24 =	smov.u32 s23;
	s23 =	sadd.s32 $0x1, s23  }
0x233: {  	p1 =	sne.s32 s22, s23;
	s25 =	sshrl.u32 s20, $0x2;
	_ =	sdelay $0x2  }
0x234: {  	(v2sf) =	vpush v6, $0x0;
	_ =	sdelay $0x7  }
0x235: {  	v8 =	vld.idx.msk [tilespmem:v5+s31+$0x0], $0xffff;
	v5 =	vmov v7;
	_ =	sdelay $0x6  }
0x236: {  	(v2sf) =	vpush v8, $0x0;
	s13 =	spop (v2sf)  }
0x237: {  	p2 =	sgt.s32 s13, $0x1FF  }
0x238: {  	v7 =	vimm.s32 @!p2 $0x1380;
	vm2 =	vcmask @!p2 $0xB08;
	v8 =	vimm.s32 @!p2 $0x3380  }
0x239: {  	vm4 =	vcmask @!p2 $0x300;
	vm7 =	vcmask @!p2 $0x1310;
	vm1 =	vcmask @!p2 $0x1B18  }
0x23a: {  	v9 =	vand.u32 @!p2 $0x7F, v6;
	vm0 =	vcmask @!p2 $0x2F2C;
	v7 =	vsel @!p2 vm4, $0x0, v7  }
0x23b: {  	vm8 =	vcmask @!p2 $0x1714;
	vm3 =	vcmask @!p2 $0x1F1C;
	v8 =	vsel @!p2 vm4, $0x2000, v8  }
0x23c: {  	s13 =	simm.s32 @p2 $0x1D200;
	vm9 =	vcmask @!p2 $0xF0C;
	vm6 =	vcmask @!p2 $0x2320;
	vm4 =	vcmask @!p2 $0x704  }
0x23d: {  	vm5 =	vcmask @!p2 $0x2724;
	v7 =	vsel @!p2 vm4, $0x80, v7;
	v8 =	vsel @!p2 vm4, $0x2080, v8  }
0x23e: {  	s14 =	simm.s32 @!p2 $0x19200;
	vm4 =	vcmask @!p2 $0x2B28;
	v7 =	vsel @!p2 vm2, $0x100, v7;
	v8 =	vsel @!p2 vm2, $0x2100, v8  }
0x23f: {  	v10 =	vlaneseq.u32 @p2;
	v7 =	vsel @!p2 vm9, $0x180, v7;
	v8 =	vsel @!p2 vm9, $0x2180, v8  }
0x240: {  	vm2 =	vcmask @!p2 $0x3330;
	v7 =	vsel @!p2 vm7, $0x200, v7;
	v8 =	vsel @!p2 vm7, $0x2200, v8  }
0x241: {  	v10 =	vmul.u32 @p2 $0x80, v10;
	v7 =	vsel @!p2 vm8, $0x280, v7;
	v8 =	vsel @!p2 vm8, $0x2280, v8  }
0x242: {  	vm7 =	vcmask @!p2 $0x3734;
	v7 =	vsel @!p2 vm1, $0x300, v7;
	v8 =	vsel @!p2 vm1, $0x2300, v8  }
0x243: {  	v11 =	vadd.s32 @p2 $0xFFFFFE00, v10;
	v7 =	vsel @!p2 vm3, $0x380, v7;
	v8 =	vsel @!p2 vm3, $0x2380, v8  }
0x244: {  	v11 =	vadd.s32 @p2 v11, v6;
	v7 =	vsel @!p2 vm6, $0x1000, v7;
	v8 =	vsel @!p2 vm6, $0x3000, v8  }
0x245: {  	v10 =	vadd.s32 @p2 $0x600, v10;
	v7 =	vsel @!p2 vm5, $0x1080, v7;
	v8 =	vsel @!p2 vm5, $0x3080, v8;
	s26 =	spop (v2sf)  }
0x246: {  	v10 =	vadd.s32 @p2 v10, v6;
	v7 =	vsel @!p2 vm4, $0x1100, v7;
	v8 =	vsel @!p2 vm4, $0x3100, v8;
	s26 =	sshll.u32 s26, $0x2  }
0x247: {  	v6 =	vshll.u32 @!p2 v6, $0x3;
	v7 =	vsel @!p2 vm0, $0x1180, v7;
	v8 =	vsel @!p2 vm0, $0x3180, v8;
	s26 =	sand.u32 $0x1FFFFFFC, s26  }
0x248: {  	v6 =	vand.u32 @!p2 $0xFFFFFC00, v6;
	v7 =	vsel @!p2 vm2, $0x1200, v7;
	v8 =	vsel @!p2 vm2, $0x3200, v8;
	s26 =	sadd.s32 s9, s26  }
0x249: {  	vm0 =	vcmask @!p2 $0x3B38;
	v7 =	vsel @!p2 vm7, $0x1280, v7;
	v8 =	vsel @!p2 vm7, $0x3280, v8  }
0x24a: {  	v6 =	vor.u32 @!p2 v9, v6;
	v7 =	vsel @!p2 vm0, $0x1300, v7;
	v8 =	vsel @!p2 vm0, $0x3300, v8  }
0x24b: {  	v7 =	vadd.s32 @!p2 v7, v6;
	v6 =	vadd.s32 @!p2 v8, v6;
	_ =	sdelay $0x2  }
0x24c: {  	v8 =	vld.idx.msk @p2 [tilespmem:v11+s13+$0x0], $0xffff  }
0x24d: {  	v9 =	vld.idx.msk @p2 [tilespmem:v10+s13+$0x0], $0xffff  }
0x24e: {  	v7 =	vld.idx.msk @!p2 [tilespmem:v7+s14+$0x0], $0xffff  }
0x24f: {  	v6 =	vld.idx.msk @!p2 [tilespmem:v6+s14+$0x0], $0xffff  }
0x250: {  	s13 =	sand.u32 $0x780, s1;
	s1 =	smov.u32 s25;
	_ =	sdelay $0x1  }
0x251: {  	p3 =	slt.u32 s2, $0xC;
	s2 =	smov.u32 s21;
	s14 =	sadd.s32 $0x1E200, s13  }
0x252: {  	s21 =	smov.u32 s24;
	s25 =	simm.s32 @!p3 $0x2  }
0x253: {  	v7 =	vpsel p2, v8, v7  }
0x254: {  	v6 =	vpsel p2, v9, v6;
	[tilespmem:s13+$0x1E200] =	vst v7  }
0x255: {  	[tilespmem:s13+$0x1E210] =	vst v6  }
0x256: {  	[hbm4b:s26+s6] =	stream.linear.scatter [tilespmem:s14], [sflag:$0x2], $0x20, $0x38;
	[tilespmem:$0x1EA00] =	vst v63  }
.Ltmp48:
0x257: {  	_ = 	snop;
	(pc) =	sbr.rel @p1 .LBB2_53-.Ltmp48, $4  }
0x258: {  	_ =	swait.ge @!p3 [sflag:s25], $0x20  }
0x259: {  	[sflag:s25] =	ssyncset.done @!p3 $0x0  }
0x25a: {  	[sflag:s25] =	ssyncadd.s32 @!p3 $0xFFFFFFE0  }
0x25b: {  	v6 =	vld.idx.msk [tilespmem:v5+s8+$0x0], $0xffff  }
0x25c: {  	s23 =	smov.u32 s21  }
.LBB2_55:
0x25d: {  	_ =	sdelay $0x2  }
0x25e: {  	(v2sf) =	vpush @p0 v6, $0x0;
	_ =	sdelay $0xc  }
0x25f: {  	v5 =	vld.idx.msk @p0 [tilespmem:v5+s31+$0x0], $0xffff;
	_ =	sdelay $0x1  }
0x260: {  	s13 =	spop @p0 (v2sf)  }
0x261: {  	p2 =	sgt.s32 @p0 s13, $0x1FF  }
0x262: {  	p1 =	por p2, !p0  }
0x263: {  	(v2sf) =	vpush @p0 v5, $0x0;
	v5 =	vimm.s32 @!p1 $0x1380;
	vm1 =	vcmask @!p1 $0xB08  }
0x264: {  	v7 =	vimm.s32 @!p1 $0x3380;
	vm2 =	vcmask @!p1 $0x300;
	vm3 =	vcmask @!p1 $0x1310  }
0x265: {  	vm4 =	vcmask @!p1 $0x1B18;
	v8 =	vand.u32 @!p1 $0x7F, v6;
	vm0 =	vcmask @!p1 $0x2F2C  }
0x266: {  	vm5 =	vcmask @!p1 $0x1714;
	vm6 =	vcmask @!p1 $0x1F1C;
	vm7 =	vcmask @!p1 $0xF0C  }
0x267: {  	v5 =	vsel @!p1 vm2, $0x0, v5;
	v7 =	vsel @!p1 vm2, $0x2000, v7;
	vm2 =	vcmask @!p1 $0x704  }
0x268: {  	p2 =	por !p2, !p0;
	vm8 =	vcmask @!p1 $0x2320;
	vm9 =	vcmask @!p1 $0x2724;
	v5 =	vsel @!p1 vm2, $0x80, v5  }
0x269: {  	v9 =	vlaneseq.u32 @!p2;
	v7 =	vsel @!p1 vm2, $0x2080, v7;
	v5 =	vsel @!p1 vm1, $0x100, v5  }
0x26a: {  	v9 =	vmul.u32 @!p2 $0x80, v9;
	v7 =	vsel @!p1 vm1, $0x2100, v7;
	v5 =	vsel @!p1 vm7, $0x180, v5  }
0x26b: {  	vm2 =	vcmask @!p1 $0x2B28;
	v7 =	vsel @!p1 vm7, $0x2180, v7;
	v5 =	vsel @!p1 vm3, $0x200, v5  }
0x26c: {  	vm1 =	vcmask @!p1 $0x3330;
	v7 =	vsel @!p1 vm3, $0x2200, v7;
	v5 =	vsel @!p1 vm5, $0x280, v5  }
0x26d: {  	v10 =	vadd.s32 @!p2 $0xFFFFFE00, v9;
	v7 =	vsel @!p1 vm5, $0x2280, v7;
	v5 =	vsel @!p1 vm4, $0x300, v5  }
0x26e: {  	v9 =	vadd.s32 @!p2 $0x600, v9;
	v7 =	vsel @!p1 vm4, $0x2300, v7;
	v5 =	vsel @!p1 vm6, $0x380, v5  }
0x26f: {  	v10 =	vadd.s32 @!p2 v10, v6;
	v7 =	vsel @!p1 vm6, $0x2380, v7;
	v5 =	vsel @!p1 vm8, $0x1000, v5  }
0x270: {  	v9 =	vadd.s32 @!p2 v9, v6;
	v7 =	vsel @!p1 vm8, $0x3000, v7;
	v5 =	vsel @!p1 vm9, $0x1080, v5  }
0x271: {  	v6 =	vshll.u32 @!p1 v6, $0x3;
	v7 =	vsel @!p1 vm9, $0x3080, v7;
	v5 =	vsel @!p1 vm2, $0x1100, v5  }
0x272: {  	vm3 =	vcmask @!p1 $0x3734;
	v7 =	vsel @!p1 vm2, $0x3100, v7;
	v5 =	vsel @!p1 vm0, $0x1180, v5  }
0x273: {  	v6 =	vand.u32 @!p1 $0xFFFFFC00, v6;
	v7 =	vsel @!p1 vm0, $0x3180, v7;
	v5 =	vsel @!p1 vm1, $0x1200, v5  }
0x274: {  	vm0 =	vcmask @!p1 $0x3B38;
	v7 =	vsel @!p1 vm1, $0x3200, v7;
	v5 =	vsel @!p1 vm3, $0x1280, v5  }
0x275: {  	v6 =	vor.u32 @!p1 v8, v6;
	v7 =	vsel @!p1 vm3, $0x3280, v7;
	v5 =	vsel @!p1 vm0, $0x1300, v5  }
0x276: {  	v7 =	vsel @!p1 vm0, $0x3300, v7;
	v5 =	vadd.s32 @!p1 v5, v6  }
0x277: {  	v6 =	vadd.s32 @!p1 v7, v6  }
0x278: {  	s13 =	simm.s32 @!p2 $0x1D200  }
0x279: {  	v8 =	vld.idx.msk @!p2 [tilespmem:v9+s13+$0x0], $0xffff  }
0x27a: {  	s14 =	simm.s32 @!p1 $0x19200;
	v7 =	vld.idx.msk @!p2 [tilespmem:v10+s13+$0x0], $0xffff  }
0x27b: {  	v5 =	vld.idx.msk @!p1 [tilespmem:v5+s14+$0x0], $0xffff  }
0x27c: {  	v6 =	vld.idx.msk @!p1 [tilespmem:v6+s14+$0x0], $0xffff;
	_ =	sdelay $0x2  }
0x27d: {  	s13 =	spop @p0 (v2sf)  }
0x27e: {  	s1 =	sand.u32 @p0 $0x780, s1;
	s13 =	sshll.u32 @p0 s13, $0x2;
	p1 =	slt.u32 @p0 s2, $0xC;
	v5 =	vpsel p2, v5, v7  }
0x27f: {  	s2 =	sand.u32 @p0 $0x1FFFFFFC, s13;
	p1 =	por p1, !p0;
	v6 =	vpsel p2, v6, v8;
	[tilespmem:s1+$0x1E200] =	vst @p0 v5  }
0x280: {  	s13 =	sadd.s32 @p0 $0x1E200, s1;
	s2 =	sadd.s32 @p0 s9, s2;
	s14 =	simm.s32 @!p1 $0x2;
	v5 =	vmov s23;
	[tilespmem:s1+$0x1E210] =	vst @p0 v6  }
0x281: {  	[hbm4b:s2+s6] =	stream.linear.scatter @p0 [tilespmem:s13], [sflag:$0x2], $0x20, $0x38;
	[tilespmem:$0x1EA00] =	vst v63  }
0x282: {  	_ =	swait.ge @!p1 [sflag:s14], $0x20  }
0x283: {  	[sflag:s14] =	ssyncset.done @!p1 $0x0  }
0x284: {  	[sflag:s14] =	ssyncadd.s32 @!p1 $0xFFFFFFE0  }
0x285: {  	v6 =	vld.idx.msk [tilespmem:v5+s8+$0x0], $0xffff;
	_ =	sdelay $0x4  }
0x286: {  	(v2sf) =	vpush v6, $0x0;
	_ =	sdelay $0xb  }
0x287: {  	v5 =	vld.idx.msk [tilespmem:v5+s31+$0x0], $0xffff;
	_ =	sdelay $0x2  }
0x288: {  	s22 =	spop (v2sf)  }
0x289: {  	p1 =	sgt.s32 s22, $0x1FF  }
0x28a: {  	(v2sf) =	vpush v5, $0x0;
	v5 =	vimm.s32 @!p1 $0x1380;
	vm1 =	vcmask @!p1 $0xB08  }
0x28b: {  	v7 =	vimm.s32 @!p1 $0x3380;
	vm2 =	vcmask @!p1 $0x300;
	vm3 =	vcmask @!p1 $0x1310  }
0x28c: {  	vm4 =	vcmask @!p1 $0x1B18;
	v8 =	vand.u32 @!p1 $0x7F, v6;
	vm0 =	vcmask @!p1 $0x2F2C  }
0x28d: {  	vm5 =	vcmask @!p1 $0x1714;
	vm6 =	vcmask @!p1 $0x1F1C;
	vm7 =	vcmask @!p1 $0xF0C  }
0x28e: {  	v5 =	vsel @!p1 vm2, $0x0, v5;
	v7 =	vsel @!p1 vm2, $0x2000, v7;
	vm2 =	vcmask @!p1 $0x704  }
0x28f: {  	vm8 =	vcmask @!p1 $0x2320;
	vm9 =	vcmask @!p1 $0x2724;
	v5 =	vsel @!p1 vm2, $0x80, v5  }
0x290: {  	v9 =	vlaneseq.u32 @p1;
	v7 =	vsel @!p1 vm2, $0x2080, v7;
	v5 =	vsel @!p1 vm1, $0x100, v5  }
0x291: {  	v9 =	vmul.u32 @p1 $0x80, v9;
	v7 =	vsel @!p1 vm1, $0x2100, v7;
	v5 =	vsel @!p1 vm7, $0x180, v5  }
0x292: {  	vm2 =	vcmask @!p1 $0x2B28;
	v7 =	vsel @!p1 vm7, $0x2180, v7;
	v5 =	vsel @!p1 vm3, $0x200, v5  }
0x293: {  	vm1 =	vcmask @!p1 $0x3330;
	v7 =	vsel @!p1 vm3, $0x2200, v7;
	v5 =	vsel @!p1 vm5, $0x280, v5  }
0x294: {  	v10 =	vadd.s32 @p1 $0xFFFFFE00, v9;
	v7 =	vsel @!p1 vm5, $0x2280, v7;
	v5 =	vsel @!p1 vm4, $0x300, v5  }
0x295: {  	v9 =	vadd.s32 @p1 $0x600, v9;
	v7 =	vsel @!p1 vm4, $0x2300, v7;
	v5 =	vsel @!p1 vm6, $0x380, v5  }
0x296: {  	v10 =	vadd.s32 @p1 v10, v6;
	v7 =	vsel @!p1 vm6, $0x2380, v7;
	v5 =	vsel @!p1 vm8, $0x1000, v5  }
0x297: {  	v9 =	vadd.s32 @p1 v9, v6;
	v7 =	vsel @!p1 vm8, $0x3000, v7;
	v5 =	vsel @!p1 vm9, $0x1080, v5  }
0x298: {  	v6 =	vshll.u32 @!p1 v6, $0x3;
	v7 =	vsel @!p1 vm9, $0x3080, v7;
	v5 =	vsel @!p1 vm2, $0x1100, v5  }
0x299: {  	vm3 =	vcmask @!p1 $0x3734;
	v7 =	vsel @!p1 vm2, $0x3100, v7;
	v5 =	vsel @!p1 vm0, $0x1180, v5  }
0x29a: {  	v6 =	vand.u32 @!p1 $0xFFFFFC00, v6;
	v7 =	vsel @!p1 vm0, $0x3180, v7;
	v5 =	vsel @!p1 vm1, $0x1200, v5  }
0x29b: {  	vm0 =	vcmask @!p1 $0x3B38;
	v7 =	vsel @!p1 vm1, $0x3200, v7;
	v5 =	vsel @!p1 vm3, $0x1280, v5  }
0x29c: {  	v6 =	vor.u32 @!p1 v8, v6;
	v7 =	vsel @!p1 vm3, $0x3280, v7;
	v5 =	vsel @!p1 vm0, $0x1300, v5  }
0x29d: {  	v7 =	vsel @!p1 vm0, $0x3300, v7;
	v5 =	vadd.s32 @!p1 v5, v6  }
0x29e: {  	v6 =	vadd.s32 @!p1 v7, v6  }
0x29f: {  	s1 =	simm.s32 @p1 $0x1D200  }
0x2a0: {  	v8 =	vld.idx.msk @p1 [tilespmem:v9+s1+$0x0], $0xffff  }
0x2a1: {  	s2 =	simm.s32 @!p1 $0x19200;
	v7 =	vld.idx.msk @p1 [tilespmem:v10+s1+$0x0], $0xffff  }
0x2a2: {  	v5 =	vld.idx.msk @!p1 [tilespmem:v5+s2+$0x0], $0xffff  }
0x2a3: {  	v6 =	vld.idx.msk @!p1 [tilespmem:v6+s2+$0x0], $0xffff  }
0x2a4: {  	s1 =	sadd.s32 @p0 $0x200, s20  }
0x2a5: {  	s19 =	smov.u32 @p0 s1  }
0x2a6: {  	s24 =	spop (v2sf);
	s1 =	sshrl.u32 s19, $0x2  }
0x2a7: {  	s1 =	sand.u32 $0x780, s1;
	s2 =	sshll.u32 s24, $0x2;
	v5 =	vpsel p1, v7, v5  }
0x2a8: {  	p0 =	slt.u32 s23, $0xC;
	s2 =	sand.u32 $0x1FFFFFFC, s2;
	v6 =	vpsel p1, v8, v6;
	[tilespmem:s1+$0x1E200] =	vst v5  }
0x2a9: {  	s14 =	simm.s32 @!p0 $0x2;
	s25 =	sadd.s32 $0x1E200, s1;
	s2 =	sadd.s32 s9, s2;
	[tilespmem:s1+$0x1E210] =	vst v6  }
0x2aa: {  	[hbm4b:s2+s6] =	stream.linear.scatter [tilespmem:s25], [sflag:$0x2], $0x20, $0x38;
	[tilespmem:$0x1EA00] =	vst v63  }
0x2ab: {  	_ =	swait.ge @!p0 [sflag:s14], $0x20  }
0x2ac: {  	s26 =	smin.u32 s18, $0xC;
	[sflag:s14] =	ssyncset.done @!p0 $0x0  }
0x2ad: {  	[sflag:s14] =	ssyncadd.s32 @!p0 $0xFFFFFFE0;
	p0 =	sne.s32 s26, $0x1  }
.Ltmp49:
0x2ae: {  	_ = 	snop;
	(pc) =	sbr.rel @!p0 .LBB2_57-.Ltmp49, $3  }
0x2af: {  	_ =	sdelay $0x1  }
0x2b0: {  	_ =	swait.ge [sflag:s12], $0x20  }
0x2b1: {  	s1 =	sadd.s32 $0xFFFFFFFF, s26;
	[sflag:s12] =	ssyncset.done $0x0  }
.LBB2_56:
0x2b2: {  	p0 =	sne.s32 s1, $0x1;
	s1 =	sadd.s32 $0xFFFFFFFF, s1;
	[sflag:s12] =	ssyncadd.s32 $0xFFFFFFE0  }
.Ltmp50:
0x2b3: {  	(pc) =	sbr.rel @p0 .LBB2_56-.Ltmp50, $3  }
0x2b4: {  	_ =	sdelay $0x1  }
0x2b5: {  	_ =	swait.ge [sflag:s12], $0x20  }
0x2b6: {  	[sflag:s12] =	ssyncset.done $0x0  }
.LBB2_57:
0x2b7: {  	[sflag:s12] =	ssyncadd.s32 $0xFFFFFFE0  }
.LBB2_58:
0x2b8: {  	s1 =	simm.s32 $0x0;
	s2 =	rddreg [dreg:$0x13];
	s13 =	simm.s32 $0x19200  }
0x2b9: {  	[tilespmem:s13], [sflag:$0x1] =	stream.linear.gather [hbm4b:s2+s1], $0x1000, $0x38;
	[tilespmem:$0x1EA00] =	vst v63  }
0x2ba: {  	s23 =	rddreg [dreg:$0x16];
	s24 =	simm.s32 $0x1A200  }
0x2bb: {  	[tilespmem:s24], [sflag:$0x1] =	stream.linear.gather [hbm4b:s23+s1], $0x1000, $0x38;
	[tilespmem:$0x1EA00] =	vst v63  }
0x2bc: {  	_ = 	snop  }
0x2bd: {  	[tilespmem:s15], [sflag:$0x1] =	stream.linear.gather [hbm4b:s28+s1], $0x1000, $0x38;
	[tilespmem:$0x1EA00] =	vst v63  }
0x2be: {  	_ = 	snop  }
0x2bf: {  	[tilespmem:s16], [sflag:$0x1] =	stream.linear.gather [hbm4b:s29+s1], $0x1000, $0x38;
	[tilespmem:$0x1EA00] =	vst v63  }
0x2c0: {  	s25 =	rddreg [dreg:$0x5]  }
0x2c1: {  	[tilespmem:s17], [sflag:$0x3] =	stream.linear.gather [hbm4b:s25+s1], $0x1000, $0x38;
	[tilespmem:$0x1EA00] =	vst v63  }
0x2c2: {  	_ =	swait.ge [sflag:s30], $0x1000  }
0x2c3: {  	[sflag:s30] =	ssyncset.done $0x0  }
0x2c4: {  	s26 =	simm.s32 $0x4000;
	[sflag:s30] =	ssyncadd.s32 $0xFFFFF000  }
0x2c5: {  	v5 =	vld [tilespmem:s26+$0x0];
	_ =	sdelay $0x4  }
0x2c6: {  	vm0 =	vgt.s32 v5, $0xF3FFF  }
0x2c7: {  	v7 =	vmpcnt.ones.xlane vm0;
	_ =	sdelay $0x1  }
0x2c8: {  	(v2sf) =	vpush v7, $0x0;
	_ =	sdelay $0x4  }
0x2c9: {  	v6 =	vor.u32 s1, v2  }
0x2ca: {  	v5 =	vadd.s32 $0xFFF0C000, v5;
	[tilespmem:s1+$0x9000] =	vst.msk vm0, v6  }
0x2cb: {  	s13 =	simm.s32 $0x4010;
	[tilespmem:s1+$0x9100] =	vst.msk vm0, v5  }
0x2cc: {  	s14 =	simm.s32 $0x20;
	s2 =	simm.s32 $0x10;
	v5 =	vld [tilespmem:s13+$0x0]  }
.LBB2_59:
0x2cd: {  	p0 =	sne.s32 s14, $0x3FF0;
	_ =	sdelay $0x3  }
0x2ce: {  	vm0 =	vgt.s32 v5, $0xF3FFF;
	v5 =	vadd.s32 $0xFFF0C000, v5  }
0x2cf: {  	v6 =	vmpcnt.ones.xlane vm0  }
0x2d0: {  	s18 =	spop (v2sf)  }
0x2d1: {  	v7 =	vor.u32 s2, v2;
	s2 =	smov.u32 s14;
	(v2sf) =	vpush v6, $0x0;
	s1 =	sadd.s32 s1, s18  }
0x2d2: {  	[tilespmem:s1+$0x9000] =	vst.msk vm0, v7  }
0x2d3: {  	[tilespmem:s1+$0x9100] =	vst.msk vm0, v5;
	_ =	sdelay $0x1  }
.Ltmp51:
0x2d4: {  	(pc) =	sbr.rel @p0 .LBB2_59-.Ltmp51, $3  }
0x2d5: {  	_ =	sdelay $0x1  }
0x2d6: {  	s13 =	sadd.s32 $0x10, s13  }
0x2d7: {  	s14 =	sadd.s32 $0x10, s14;
	v5 =	vld [tilespmem:s13+$0x0]  }
0x2d8: {  	_ =	sdelay $0x3  }
0x2d9: {  	vm0 =	vgt.s32 v5, $0xF3FFF  }
0x2da: {  	v6 =	vmpcnt.ones.xlane vm0;
	_ =	sdelay $0x1  }
0x2db: {  	(v2sf) =	vpush v6, $0x0;
	_ =	sdelay $0xb  }
0x2dc: {  	s13 =	spop (v2sf)  }
0x2dd: {  	v6 =	vor.u32 s2, v2;
	s1 =	sadd.s32 s1, s13  }
0x2de: {  	v5 =	vadd.s32 $0xFFF0C000, v5;
	[tilespmem:s1+$0x9000] =	vst.msk vm0, v6  }
0x2df: {  	[tilespmem:s1+$0x9100] =	vst.msk vm0, v5;
	s2 =	spop (v2sf)  }
0x2e0: {  	_ =	swait.ge [sflag:s5], $0x1000  }
0x2e1: {  	[sflag:s5] =	ssyncset.done $0x0  }
0x2e2: {  	[sflag:s5] =	ssyncadd.s32 $0xFFFFF000  }
0x2e3: {  	_ =	swait.ge [sflag:s5], $0x1000  }
0x2e4: {  	[sflag:s5] =	ssyncset.done $0x0  }
0x2e5: {  	s18 =	sadd.s32 s1, s2;
	[sflag:s5] =	ssyncadd.s32 $0xFFFFF000  }
0x2e6: {  	p0 =	slt.s32 s18, $0x1;
	_ =	swait.ge [sflag:s5], $0x1000  }
.Ltmp52:
0x2e7: {  	[sflag:s5] =	ssyncset.done $0x0;
	(pc) =	sbr.rel @p0 .LBB2_69-.Ltmp52, $4  }
0x2e8: {  	[sflag:s5] =	ssyncadd.s32 $0xFFFFF000  }
0x2e9: {  	_ =	swait.ge [sflag:s5], $0x1000  }
0x2ea: {  	[sflag:s5] =	ssyncset.done $0x0  }
0x2eb: {  	[sflag:s5] =	ssyncadd.s32 $0xFFFFF000  }
0x2ec: {  	s22 =	sadd.s32 s1, s2  }
0x2ed: {  	p1 =	sne.s32 s22, $0x1  }
.Ltmp53:
0x2ee: {  	_ = 	snop;
	(pc) =	sbr.rel @!p1 .LBB2_66-.Ltmp53, $3  }
0x2ef: {  	_ =	sdelay $0x1  }
0x2f0: {  	s19 =	simm.s32 $0x0;
	s23 =	simm.s32 $0x1  }
0x2f1: {  	p0 =	por $0x0, $0x0;
	s21 =	simm.s32 $0x0;
	s20 =	simm.s32 $0x0  }
0x2f2: {  	v5 =	vmov s19;
	p1 =	sne.s32 s22, $0x2  }
.Ltmp54:
0x2f3: {  	_ = 	snop;
	(pc) =	sbr.rel @!p1 .LBB2_63-.Ltmp54, $3  }
0x2f4: {  	_ =	sdelay $0x1  }
0x2f5: {  	s21 =	simm.s32 $0x2;
	s1 =	simm.s32 $0x0  }
0x2f6: {  	p0 =	por $0x1, $0x1;
	s20 =	simm.s32 $0x0;
	s2 =	simm.s32 $0x0;
	v6 =	vld.idx.msk [tilespmem:v5+s8+$0x0], $0xffff  }
.LBB2_64:
0x2f7: {  	v7 =	vmov s23;
	s20 =	sadd.s32 $0x200, s20;
	s24 =	smov.u32 s21;
	s21 =	sadd.s32 $0x1, s21  }
0x2f8: {  	p1 =	sne.s32 s22, s21;
	s25 =	sshrl.u32 s20, $0x2;
	_ =	sdelay $0x2  }
0x2f9: {  	(v2sf) =	vpush v6, $0x0;
	_ =	sdelay $0x7  }
0x2fa: {  	v8 =	vld.idx.msk [tilespmem:v5+s31+$0x0], $0xffff;
	v5 =	vmov v7;
	_ =	sdelay $0x6  }
0x2fb: {  	(v2sf) =	vpush v8, $0x0;
	s13 =	spop (v2sf)  }
0x2fc: {  	p2 =	sgt.s32 s13, $0x1FF  }
0x2fd: {  	v7 =	vimm.s32 @!p2 $0x1380;
	vm2 =	vcmask @!p2 $0xB08;
	v8 =	vimm.s32 @!p2 $0x3380  }
0x2fe: {  	vm4 =	vcmask @!p2 $0x300;
	vm7 =	vcmask @!p2 $0x1310;
	vm1 =	vcmask @!p2 $0x1B18  }
0x2ff: {  	v9 =	vand.u32 @!p2 $0x7F, v6;
	vm0 =	vcmask @!p2 $0x2F2C;
	v7 =	vsel @!p2 vm4, $0x0, v7  }
0x300: {  	vm8 =	vcmask @!p2 $0x1714;
	vm3 =	vcmask @!p2 $0x1F1C;
	v8 =	vsel @!p2 vm4, $0x2000, v8  }
0x301: {  	s13 =	simm.s32 @p2 $0x1D200;
	vm9 =	vcmask @!p2 $0xF0C;
	vm6 =	vcmask @!p2 $0x2320;
	vm4 =	vcmask @!p2 $0x704  }
0x302: {  	vm5 =	vcmask @!p2 $0x2724;
	v7 =	vsel @!p2 vm4, $0x80, v7;
	v8 =	vsel @!p2 vm4, $0x2080, v8  }
0x303: {  	s14 =	simm.s32 @!p2 $0x19200;
	vm4 =	vcmask @!p2 $0x2B28;
	v7 =	vsel @!p2 vm2, $0x100, v7;
	v8 =	vsel @!p2 vm2, $0x2100, v8  }
0x304: {  	v10 =	vlaneseq.u32 @p2;
	v7 =	vsel @!p2 vm9, $0x180, v7;
	v8 =	vsel @!p2 vm9, $0x2180, v8  }
0x305: {  	vm2 =	vcmask @!p2 $0x3330;
	v7 =	vsel @!p2 vm7, $0x200, v7;
	v8 =	vsel @!p2 vm7, $0x2200, v8  }
0x306: {  	v10 =	vmul.u32 @p2 $0x80, v10;
	v7 =	vsel @!p2 vm8, $0x280, v7;
	v8 =	vsel @!p2 vm8, $0x2280, v8  }
0x307: {  	vm7 =	vcmask @!p2 $0x3734;
	v7 =	vsel @!p2 vm1, $0x300, v7;
	v8 =	vsel @!p2 vm1, $0x2300, v8  }
0x308: {  	v11 =	vadd.s32 @p2 $0xFFFFFE00, v10;
	v7 =	vsel @!p2 vm3, $0x380, v7;
	v8 =	vsel @!p2 vm3, $0x2380, v8  }
0x309: {  	v11 =	vadd.s32 @p2 v11, v6;
	v7 =	vsel @!p2 vm6, $0x1000, v7;
	v8 =	vsel @!p2 vm6, $0x3000, v8  }
0x30a: {  	v10 =	vadd.s32 @p2 $0x600, v10;
	v7 =	vsel @!p2 vm5, $0x1080, v7;
	v8 =	vsel @!p2 vm5, $0x3080, v8;
	s26 =	spop (v2sf)  }
0x30b: {  	v10 =	vadd.s32 @p2 v10, v6;
	v7 =	vsel @!p2 vm4, $0x1100, v7;
	v8 =	vsel @!p2 vm4, $0x3100, v8;
	s26 =	sshll.u32 s26, $0x2  }
0x30c: {  	v6 =	vshll.u32 @!p2 v6, $0x3;
	v7 =	vsel @!p2 vm0, $0x1180, v7;
	v8 =	vsel @!p2 vm0, $0x3180, v8;
	s26 =	sand.u32 $0x1FFFFFFC, s26  }
0x30d: {  	v6 =	vand.u32 @!p2 $0xFFFFFC00, v6;
	v7 =	vsel @!p2 vm2, $0x1200, v7;
	v8 =	vsel @!p2 vm2, $0x3200, v8;
	s26 =	sadd.s32 s11, s26  }
0x30e: {  	vm0 =	vcmask @!p2 $0x3B38;
	v7 =	vsel @!p2 vm7, $0x1280, v7;
	v8 =	vsel @!p2 vm7, $0x3280, v8  }
0x30f: {  	v6 =	vor.u32 @!p2 v9, v6;
	v7 =	vsel @!p2 vm0, $0x1300, v7;
	v8 =	vsel @!p2 vm0, $0x3300, v8  }
0x310: {  	v7 =	vadd.s32 @!p2 v7, v6;
	v6 =	vadd.s32 @!p2 v8, v6;
	_ =	sdelay $0x2  }
0x311: {  	v8 =	vld.idx.msk @p2 [tilespmem:v11+s13+$0x0], $0xffff  }
0x312: {  	v9 =	vld.idx.msk @p2 [tilespmem:v10+s13+$0x0], $0xffff  }
0x313: {  	v7 =	vld.idx.msk @!p2 [tilespmem:v7+s14+$0x0], $0xffff  }
0x314: {  	v6 =	vld.idx.msk @!p2 [tilespmem:v6+s14+$0x0], $0xffff  }
0x315: {  	s13 =	sand.u32 $0x780, s1;
	s1 =	smov.u32 s25;
	_ =	sdelay $0x1  }
0x316: {  	p3 =	slt.u32 s2, $0xC;
	s2 =	smov.u32 s23;
	s14 =	sadd.s32 $0x1E200, s13  }
0x317: {  	s23 =	smov.u32 s24;
	s25 =	simm.s32 @!p3 $0x2  }
0x318: {  	v7 =	vpsel p2, v8, v7  }
0x319: {  	v6 =	vpsel p2, v9, v6;
	[tilespmem:s13+$0x1E200] =	vst v7  }
0x31a: {  	[tilespmem:s13+$0x1E210] =	vst v6  }
0x31b: {  	[hbm4b:s26+s6] =	stream.linear.scatter [tilespmem:s14], [sflag:$0x2], $0x20, $0x38;
	[tilespmem:$0x1EA00] =	vst v63  }
.Ltmp55:
0x31c: {  	_ = 	snop;
	(pc) =	sbr.rel @p1 .LBB2_64-.Ltmp55, $4  }
0x31d: {  	_ =	swait.ge @!p3 [sflag:s25], $0x20  }
0x31e: {  	[sflag:s25] =	ssyncset.done @!p3 $0x0  }
0x31f: {  	[sflag:s25] =	ssyncadd.s32 @!p3 $0xFFFFFFE0  }
0x320: {  	v6 =	vld.idx.msk [tilespmem:v5+s8+$0x0], $0xffff  }
0x321: {  	s21 =	smov.u32 s23  }
.LBB2_66:
0x322: {  	_ =	sdelay $0x2  }
0x323: {  	(v2sf) =	vpush @p0 v6, $0x0;
	_ =	sdelay $0xc  }
0x324: {  	v5 =	vld.idx.msk @p0 [tilespmem:v5+s31+$0x0], $0xffff;
	_ =	sdelay $0x1  }
0x325: {  	s13 =	spop @p0 (v2sf)  }
0x326: {  	p2 =	sgt.s32 @p0 s13, $0x1FF  }
0x327: {  	p1 =	por p2, !p0  }
0x328: {  	(v2sf) =	vpush @p0 v5, $0x0;
	v5 =	vimm.s32 @!p1 $0x1380;
	vm1 =	vcmask @!p1 $0xB08  }
0x329: {  	v7 =	vimm.s32 @!p1 $0x3380;
	vm2 =	vcmask @!p1 $0x300;
	vm3 =	vcmask @!p1 $0x1310  }
0x32a: {  	vm4 =	vcmask @!p1 $0x1B18;
	v8 =	vand.u32 @!p1 $0x7F, v6;
	vm0 =	vcmask @!p1 $0x2F2C  }
0x32b: {  	vm5 =	vcmask @!p1 $0x1714;
	vm6 =	vcmask @!p1 $0x1F1C;
	vm7 =	vcmask @!p1 $0xF0C  }
0x32c: {  	v5 =	vsel @!p1 vm2, $0x0, v5;
	v7 =	vsel @!p1 vm2, $0x2000, v7;
	vm2 =	vcmask @!p1 $0x704  }
0x32d: {  	p2 =	por !p2, !p0;
	vm8 =	vcmask @!p1 $0x2320;
	vm9 =	vcmask @!p1 $0x2724;
	v5 =	vsel @!p1 vm2, $0x80, v5  }
0x32e: {  	v9 =	vlaneseq.u32 @!p2;
	v7 =	vsel @!p1 vm2, $0x2080, v7;
	v5 =	vsel @!p1 vm1, $0x100, v5  }
0x32f: {  	v9 =	vmul.u32 @!p2 $0x80, v9;
	v7 =	vsel @!p1 vm1, $0x2100, v7;
	v5 =	vsel @!p1 vm7, $0x180, v5  }
0x330: {  	vm2 =	vcmask @!p1 $0x2B28;
	v7 =	vsel @!p1 vm7, $0x2180, v7;
	v5 =	vsel @!p1 vm3, $0x200, v5  }
0x331: {  	vm1 =	vcmask @!p1 $0x3330;
	v7 =	vsel @!p1 vm3, $0x2200, v7;
	v5 =	vsel @!p1 vm5, $0x280, v5  }
0x332: {  	v10 =	vadd.s32 @!p2 $0xFFFFFE00, v9;
	v7 =	vsel @!p1 vm5, $0x2280, v7;
	v5 =	vsel @!p1 vm4, $0x300, v5  }
0x333: {  	v9 =	vadd.s32 @!p2 $0x600, v9;
	v7 =	vsel @!p1 vm4, $0x2300, v7;
	v5 =	vsel @!p1 vm6, $0x380, v5  }
0x334: {  	v10 =	vadd.s32 @!p2 v10, v6;
	v7 =	vsel @!p1 vm6, $0x2380, v7;
	v5 =	vsel @!p1 vm8, $0x1000, v5  }
0x335: {  	v9 =	vadd.s32 @!p2 v9, v6;
	v7 =	vsel @!p1 vm8, $0x3000, v7;
	v5 =	vsel @!p1 vm9, $0x1080, v5  }
0x336: {  	v6 =	vshll.u32 @!p1 v6, $0x3;
	v7 =	vsel @!p1 vm9, $0x3080, v7;
	v5 =	vsel @!p1 vm2, $0x1100, v5  }
0x337: {  	vm3 =	vcmask @!p1 $0x3734;
	v7 =	vsel @!p1 vm2, $0x3100, v7;
	v5 =	vsel @!p1 vm0, $0x1180, v5  }
0x338: {  	v6 =	vand.u32 @!p1 $0xFFFFFC00, v6;
	v7 =	vsel @!p1 vm0, $0x3180, v7;
	v5 =	vsel @!p1 vm1, $0x1200, v5  }
0x339: {  	vm0 =	vcmask @!p1 $0x3B38;
	v7 =	vsel @!p1 vm1, $0x3200, v7;
	v5 =	vsel @!p1 vm3, $0x1280, v5  }
0x33a: {  	v6 =	vor.u32 @!p1 v8, v6;
	v7 =	vsel @!p1 vm3, $0x3280, v7;
	v5 =	vsel @!p1 vm0, $0x1300, v5  }
0x33b: {  	v7 =	vsel @!p1 vm0, $0x3300, v7;
	v5 =	vadd.s32 @!p1 v5, v6  }
0x33c: {  	v6 =	vadd.s32 @!p1 v7, v6  }
0x33d: {  	s13 =	simm.s32 @!p2 $0x1D200  }
0x33e: {  	v8 =	vld.idx.msk @!p2 [tilespmem:v9+s13+$0x0], $0xffff  }
0x33f: {  	s14 =	simm.s32 @!p1 $0x19200;
	v7 =	vld.idx.msk @!p2 [tilespmem:v10+s13+$0x0], $0xffff  }
0x340: {  	v5 =	vld.idx.msk @!p1 [tilespmem:v5+s14+$0x0], $0xffff  }
0x341: {  	v6 =	vld.idx.msk @!p1 [tilespmem:v6+s14+$0x0], $0xffff;
	_ =	sdelay $0x2  }
0x342: {  	s13 =	spop @p0 (v2sf)  }
0x343: {  	s1 =	sand.u32 @p0 $0x780, s1;
	s13 =	sshll.u32 @p0 s13, $0x2;
	p1 =	slt.u32 @p0 s2, $0xC;
	v5 =	vpsel p2, v5, v7  }
0x344: {  	s2 =	sand.u32 @p0 $0x1FFFFFFC, s13;
	p1 =	por p1, !p0;
	v6 =	vpsel p2, v6, v8;
	[tilespmem:s1+$0x1E200] =	vst @p0 v5  }
0x345: {  	s13 =	sadd.s32 @p0 $0x1E200, s1;
	s2 =	sadd.s32 @p0 s11, s2;
	s14 =	simm.s32 @!p1 $0x2;
	v5 =	vmov s21;
	[tilespmem:s1+$0x1E210] =	vst @p0 v6  }
0x346: {  	[hbm4b:s2+s6] =	stream.linear.scatter @p0 [tilespmem:s13], [sflag:$0x2], $0x20, $0x38;
	[tilespmem:$0x1EA00] =	vst v63  }
0x347: {  	_ =	swait.ge @!p1 [sflag:s14], $0x20  }
0x348: {  	[sflag:s14] =	ssyncset.done @!p1 $0x0  }
0x349: {  	[sflag:s14] =	ssyncadd.s32 @!p1 $0xFFFFFFE0  }
0x34a: {  	v6 =	vld.idx.msk [tilespmem:v5+s8+$0x0], $0xffff;
	_ =	sdelay $0x4  }
0x34b: {  	(v2sf) =	vpush v6, $0x0;
	_ =	sdelay $0xb  }
0x34c: {  	v5 =	vld.idx.msk [tilespmem:v5+s31+$0x0], $0xffff;
	_ =	sdelay $0x2  }
0x34d: {  	s23 =	spop (v2sf)  }
0x34e: {  	p1 =	sgt.s32 s23, $0x1FF  }
0x34f: {  	(v2sf) =	vpush v5, $0x0;
	v5 =	vimm.s32 @!p1 $0x1380;
	vm1 =	vcmask @!p1 $0xB08  }
0x350: {  	v7 =	vimm.s32 @!p1 $0x3380;
	vm2 =	vcmask @!p1 $0x300;
	vm3 =	vcmask @!p1 $0x1310  }
0x351: {  	vm4 =	vcmask @!p1 $0x1B18;
	v8 =	vand.u32 @!p1 $0x7F, v6;
	vm0 =	vcmask @!p1 $0x2F2C  }
0x352: {  	vm5 =	vcmask @!p1 $0x1714;
	vm6 =	vcmask @!p1 $0x1F1C;
	vm7 =	vcmask @!p1 $0xF0C  }
0x353: {  	v5 =	vsel @!p1 vm2, $0x0, v5;
	v7 =	vsel @!p1 vm2, $0x2000, v7;
	vm2 =	vcmask @!p1 $0x704  }
0x354: {  	vm8 =	vcmask @!p1 $0x2320;
	vm9 =	vcmask @!p1 $0x2724;
	v5 =	vsel @!p1 vm2, $0x80, v5  }
0x355: {  	v9 =	vlaneseq.u32 @p1;
	v7 =	vsel @!p1 vm2, $0x2080, v7;
	v5 =	vsel @!p1 vm1, $0x100, v5  }
0x356: {  	v9 =	vmul.u32 @p1 $0x80, v9;
	v7 =	vsel @!p1 vm1, $0x2100, v7;
	v5 =	vsel @!p1 vm7, $0x180, v5  }
0x357: {  	vm2 =	vcmask @!p1 $0x2B28;
	v7 =	vsel @!p1 vm7, $0x2180, v7;
	v5 =	vsel @!p1 vm3, $0x200, v5  }
0x358: {  	vm1 =	vcmask @!p1 $0x3330;
	v7 =	vsel @!p1 vm3, $0x2200, v7;
	v5 =	vsel @!p1 vm5, $0x280, v5  }
0x359: {  	v10 =	vadd.s32 @p1 $0xFFFFFE00, v9;
	v7 =	vsel @!p1 vm5, $0x2280, v7;
	v5 =	vsel @!p1 vm4, $0x300, v5  }
0x35a: {  	v9 =	vadd.s32 @p1 $0x600, v9;
	v7 =	vsel @!p1 vm4, $0x2300, v7;
	v5 =	vsel @!p1 vm6, $0x380, v5  }
0x35b: {  	v10 =	vadd.s32 @p1 v10, v6;
	v7 =	vsel @!p1 vm6, $0x2380, v7;
	v5 =	vsel @!p1 vm8, $0x1000, v5  }
0x35c: {  	v9 =	vadd.s32 @p1 v9, v6;
	v7 =	vsel @!p1 vm8, $0x3000, v7;
	v5 =	vsel @!p1 vm9, $0x1080, v5  }
0x35d: {  	v6 =	vshll.u32 @!p1 v6, $0x3;
	v7 =	vsel @!p1 vm9, $0x3080, v7;
	v5 =	vsel @!p1 vm2, $0x1100, v5  }
0x35e: {  	vm3 =	vcmask @!p1 $0x3734;
	v7 =	vsel @!p1 vm2, $0x3100, v7;
	v5 =	vsel @!p1 vm0, $0x1180, v5  }
0x35f: {  	v6 =	vand.u32 @!p1 $0xFFFFFC00, v6;
	v7 =	vsel @!p1 vm0, $0x3180, v7;
	v5 =	vsel @!p1 vm1, $0x1200, v5  }
0x360: {  	vm0 =	vcmask @!p1 $0x3B38;
	v7 =	vsel @!p1 vm1, $0x3200, v7;
	v5 =	vsel @!p1 vm3, $0x1280, v5  }
0x361: {  	v6 =	vor.u32 @!p1 v8, v6;
	v7 =	vsel @!p1 vm3, $0x3280, v7;
	v5 =	vsel @!p1 vm0, $0x1300, v5  }
0x362: {  	v7 =	vsel @!p1 vm0, $0x3300, v7;
	v5 =	vadd.s32 @!p1 v5, v6  }
0x363: {  	v6 =	vadd.s32 @!p1 v7, v6  }
0x364: {  	s1 =	simm.s32 @p1 $0x1D200  }
0x365: {  	v8 =	vld.idx.msk @p1 [tilespmem:v9+s1+$0x0], $0xffff  }
0x366: {  	s2 =	simm.s32 @!p1 $0x19200;
	v7 =	vld.idx.msk @p1 [tilespmem:v10+s1+$0x0], $0xffff  }
0x367: {  	v5 =	vld.idx.msk @!p1 [tilespmem:v5+s2+$0x0], $0xffff  }
0x368: {  	v6 =	vld.idx.msk @!p1 [tilespmem:v6+s2+$0x0], $0xffff  }
0x369: {  	s1 =	sadd.s32 @p0 $0x200, s20  }
0x36a: {  	s19 =	smov.u32 @p0 s1  }
0x36b: {  	s24 =	spop (v2sf);
	s1 =	sshrl.u32 s19, $0x2  }
0x36c: {  	s1 =	sand.u32 $0x780, s1;
	s2 =	sshll.u32 s24, $0x2;
	v5 =	vpsel p1, v7, v5  }
0x36d: {  	p0 =	slt.u32 s21, $0xC;
	s2 =	sand.u32 $0x1FFFFFFC, s2;
	v6 =	vpsel p1, v8, v6;
	[tilespmem:s1+$0x1E200] =	vst v5  }
0x36e: {  	s14 =	simm.s32 @!p0 $0x2;
	s25 =	sadd.s32 $0x1E200, s1;
	s2 =	sadd.s32 s11, s2;
	[tilespmem:s1+$0x1E210] =	vst v6  }
0x36f: {  	[hbm4b:s2+s6] =	stream.linear.scatter [tilespmem:s25], [sflag:$0x2], $0x20, $0x38;
	[tilespmem:$0x1EA00] =	vst v63  }
0x370: {  	_ =	swait.ge @!p0 [sflag:s14], $0x20  }
0x371: {  	s26 =	smin.u32 s18, $0xC;
	[sflag:s14] =	ssyncset.done @!p0 $0x0  }
0x372: {  	[sflag:s14] =	ssyncadd.s32 @!p0 $0xFFFFFFE0;
	p0 =	sne.s32 s26, $0x1  }
.Ltmp56:
0x373: {  	_ = 	snop;
	(pc) =	sbr.rel @!p0 .LBB2_68-.Ltmp56, $3  }
0x374: {  	_ =	sdelay $0x1  }
0x375: {  	_ =	swait.ge [sflag:s12], $0x20  }
0x376: {  	s1 =	sadd.s32 $0xFFFFFFFF, s26;
	[sflag:s12] =	ssyncset.done $0x0  }
.LBB2_67:
0x377: {  	p0 =	sne.s32 s1, $0x1;
	s1 =	sadd.s32 $0xFFFFFFFF, s1;
	[sflag:s12] =	ssyncadd.s32 $0xFFFFFFE0  }
.Ltmp57:
0x378: {  	(pc) =	sbr.rel @p0 .LBB2_67-.Ltmp57, $3  }
0x379: {  	_ =	sdelay $0x1  }
0x37a: {  	_ =	swait.ge [sflag:s12], $0x20  }
0x37b: {  	[sflag:s12] =	ssyncset.done $0x0  }
.Ltmp58:
0x37c: {  	_ = 	snop;
	(pc) =	sbr.rel .LBB2_68-.Ltmp58, $1  }
0x37d: {  	_ =	sdelay $0x3  }
.LBB2_52:
.Ltmp59:
0x37e: {  	(pc) =	sbr.rel .LBB2_55-.Ltmp59, $2  }
0x37f: {  	_ =	sdelay $0x2  }
0x380: {  	s23 =	simm.s32 $0x1;
	s20 =	simm.s32 $0x0;
	s2 =	simm.s32 $0x0  }
.LBB2_63:
.Ltmp60:
0x381: {  	(pc) =	sbr.rel .LBB2_66-.Ltmp60, $2  }
0x382: {  	_ =	sdelay $0x2  }
0x383: {  	s21 =	simm.s32 $0x1;
	s20 =	simm.s32 $0x0;
	s2 =	simm.s32 $0x0  }
.LBB2_70:
0x384: {  	_ =	sfence.sel $0x180000  }
0x385: {  	[bflag:$0x0] =	sbarrier.arrive $0xFFFF  }
0x386: {  	_ =	strace $0x90000047  }
0x387: {  	s0 =	stileid.u32;
	[bflag:$0x2] =	sbarrier.arrive $0xFFFF  }
0x388: {  	p0 =	sne.s32 s0, $0x0;
	s0 =	rddreg [dreg:$0x6]  }
0x389: {  	s0 =	sadd.s32 @!p0 $0x100000, s0  }
0x38a: {  	[sflag:s0] =	ssyncadd.tile.s32 @!p0 $0x1;
	_ =	shalt  }
.Lfunc_end2:
_tile_overlayer_lowered:
.L_overlay_start_2:
0x38b: {  	(tag) =	ssettag $0x2  }
0x38c: {  	s0 =	rddreg [dreg:$0x0];
	s2 =	stileid.u32  }
0x38d: {  	s1 =	rddreg [dreg:$0x1];
	p0 =	sne.s32 s2, $0x0  }
0x38e: {  	s3 =	rddreg [dreg:$0x2];
	[bflag:$0x3] =	sbarrier.arrive $0xFFFF;
	s2 =	simm.s32 @!p0 $0x1C03  }
0x38f: {  	[timem:s3], [sflag:s2] =	dma.local @!p0 [hbm:s0], s1  }
0x390: {  	s0 =	simm.s32 @!p0 $0x3  }
0x391: {  	_ =	swait.ge @!p0 [sflag:s0], s1  }
0x392: {  	s1 =	ssub.s32 @!p0 $0x0, s1;
	[sflag:s0] =	ssyncset.done @!p0 $0x0  }
0x393: {  	[sflag:s0] =	ssyncadd.s32 @!p0 s1  }
0x394: {  	[bflag:$0x3] =	sbarrier.arrive $0xFFFF  }
0x395: {  	_ =	shalt  }

// kernel: kernel.7.cloned.1.call-start
scs
__scs_entry_jumppad:
0x0: {  	(pc) =	sbr.rel $0x88, $3  }
0x1: {  	(tag) =	ssettag $0x0;
	lr =	simm.s32 $0x1  }
0x2: {  	[smem:$0x3F9D] =	sst lr;
	_ =	strace $0xD0000000  }
0x3: {  	_ = 	snop  }
0x4: {  	_ = 	snop  }
0x5: {  	_ = 	snop  }
0x6: {  	_ = 	snop  }
0x7: {  	_ = 	snop  }
__scs_overlays_trampoline_lowered:
0x8: {  	[smem:$0x3FAC] =	sst s0  }
0x9: {  	[smem:$0x3FAD] =	sst s1  }
0xa: {  	[smem:$0x3FAE] =	sst s2  }
0xb: {  	[smem:$0x3FAF] =	sst s3  }
0xc: {  	[smem:$0x3FB0] =	sst s4  }
0xd: {  	[smem:$0x3FB1] =	sst s5  }
0xe: {  	[smem:$0x3FB2] =	sst s6  }
0xf: {  	[smem:$0x3FB3] =	sst s7  }
0x10: {  	[smem:$0x3FB4] =	sst s8  }
0x11: {  	[smem:$0x3FB5] =	sst s9;
	s0 =	simm.s32 @!p0 $0x0  }
0x12: {  	s1 =	sld [smem:$0x3F9B];
	s0 =	simm.s32 @p0 $0x1  }
0x13: {  	[smem:$0x3FB6] =	sst s0;
	s0 =	simm.s32 @!p1 $0x0  }
0x14: {  	s2 =	sld [smem:$0x3F9A];
	s0 =	simm.s32 @p1 $0x1  }
0x15: {  	[smem:$0x3FB7] =	sst s0;
	s0 =	simm.s32 @!p2 $0x0  }
0x16: {  	s3 =	sld [smem:$0x3FDB];
	s0 =	simm.s32 @p2 $0x1  }
0x17: {  	s4 =	simm.s32 $0x1BF5;
	[smem:$0x3FB9] =	sst s0  }
0x18: {  	s0 =	sld [smem:$0x3F9C];
	_ =	swait.ge [sflag:s4], $0x0  }
0x19: {  	s7 =	sld [smem:$0x3F9D]  }
0x1a: {  	s8 =	sadd.s32 $0xFFFFE003, lr  }
0x1b: {  	s9 =	sadd.s32 $0xFFFFFEF7, lr;
	s5 =	simm.s32 $0xFFFFFFFF;
	p2 =	slt.u32 s8, $0xFFFFF086  }
0x1c: {  	p1 =	slt.u32 s9, $0xF7A;
	s5 =	simm.s32 @!p2 $0x0  }
0x1d: {  	s5 =	simm.s32 @p1 $0x1;
	p0 =	seq.s32 s7, s2  }
0x1e: {  	s7 =	smul.u32 @!p0 $0xF7A, s2;
	p2 =	seq.s32 @!p0 s5, $0x0  }
0x1f: {  	s9 =	smul.u32 $0xF7A, s1;
	s8 =	simm.s32 @!p0 $0x1BF5;
	p2 =	por !p2, p0  }
0x20: {  	[sflag:s8] =	ssyncset.s32 @!p0 $0xFFFFF086;
	s6 =	sadd.s32 @!p0 s3, s7;
	s7 =	simm.s32 @!p0 $0x108  }
0x21: {  	s3 =	sadd.s32 s3, s9;
	s6 =	sadd.s32 @!p0 $0x88, s6;
	s7 =	simm.s32 @p2 $0x1082  }
0x22: {  	[simem:s7], [sflag:s8] =	dma.local @!p0 [hbm:s6], $0xF7A  }
0x23: {  	s9 =	sor.u32 $0xD0000000, s2;
	s6 =	simm.s32 $0x108;
	_ =	swait.ge @!p0 [sflag:s8], $0x0  }
0x24: {  	s3 =	sadd.s32 $0x88, s3;
	s6 =	simm.s32 @!p1 $0x1082;
	[sflag:s4] =	ssyncset.s32 $0xFFFFF086  }
0x25: {  	[simem:s6], [sflag:s4] =	dma.local [hbm:s3], $0xF7A  }
0x26: {  	[smem:$0x3F9D] =	sst s1;
	(tag) =	ssettag s2;
	_ =	strace s9  }
0x27: {  	s1 =	sld [smem:$0x3FAD]  }
0x28: {  	s2 =	sld [smem:$0x3FAE]  }
0x29: {  	s4 =	sld [smem:$0x3FB0]  }
0x2a: {  	p0 =	seq.s32 s5, $0x0;
	s5 =	sld [smem:$0x3FB1]  }
0x2b: {  	s6 =	sld [smem:$0x3FB2]  }
0x2c: {  	s7 =	sld [smem:$0x3FB3]  }
0x2d: {  	s3 =	simm.s32 $0x108;
	s8 =	sld [smem:$0x3FB4]  }
0x2e: {  	s3 =	simm.s32 @!p0 $0x1082;
	s9 =	sld [smem:$0x3FB5]  }
0x2f: {  	lr =	sadd.s32 s0, s3;
	s0 =	sld [smem:$0x3FAC]  }
0x30: {  	s3 =	sld [smem:$0x3FAF]  }
0x31: {  	[smem:$0x3FB8] =	sst s10  }
0x32: {  	s10 =	sld [smem:$0x3FB6];
	_ =	sdelay $0x3  }
0x33: {  	p0 =	seq.s32 s10, $0x1;
	s10 =	sld [smem:$0x3FB8];
	_ =	sdelay $0x3  }
0x34: {  	[smem:$0x3FB8] =	sst s10  }
0x35: {  	s10 =	sld [smem:$0x3FB7];
	_ =	sdelay $0x3  }
0x36: {  	p1 =	seq.s32 s10, $0x1;
	s10 =	sld [smem:$0x3FB8];
	_ =	sdelay $0x3  }
0x37: {  	[smem:$0x3FB8] =	sst s10  }
0x38: {  	s10 =	sld [smem:$0x3FB9]  }
0x39: {  	_ = 	snop;
	(pc) =	sbr.ind lr, $3  }
0x3a: {  	_ = 	snop  }
0x3b: {  	_ = 	snop  }
0x3c: {  	p2 =	seq.s32 s10, $0x1;
	s10 =	sld [smem:$0x3FB8]  }
0x3d: {  	_ =	shalt  }
0x3e: {  	_ =	shalt  }
0x3f: {  	_ =	shalt  }
0x40: {  	_ =	shalt  }
0x41: {  	_ =	shalt  }
0x42: {  	_ =	shalt  }
0x43: {  	_ =	shalt  }
0x44: {  	_ =	shalt  }
0x45: {  	_ =	shalt  }
0x46: {  	_ =	shalt  }
0x47: {  	_ =	shalt  }
0x48: {  	_ =	shalt  }
0x49: {  	_ =	shalt  }
0x4a: {  	_ =	shalt  }
0x4b: {  	_ =	shalt  }
0x4c: {  	_ =	shalt  }
0x4d: {  	_ =	shalt  }
0x4e: {  	_ =	shalt  }
0x4f: {  	_ =	shalt  }
0x50: {  	_ =	shalt  }
0x51: {  	_ =	shalt  }
0x52: {  	_ =	shalt  }
0x53: {  	_ =	shalt  }
0x54: {  	_ =	shalt  }
0x55: {  	_ =	shalt  }
0x56: {  	_ =	shalt  }
0x57: {  	_ =	shalt  }
0x58: {  	_ =	shalt  }
0x59: {  	_ =	shalt  }
0x5a: {  	_ =	shalt  }
0x5b: {  	_ =	shalt  }
0x5c: {  	_ =	shalt  }
0x5d: {  	_ =	shalt  }
0x5e: {  	_ =	shalt  }
0x5f: {  	_ =	shalt  }
0x60: {  	_ =	shalt  }
0x61: {  	_ =	shalt  }
0x62: {  	_ =	shalt  }
0x63: {  	_ =	shalt  }
0x64: {  	_ =	shalt  }
0x65: {  	_ =	shalt  }
0x66: {  	_ =	shalt  }
0x67: {  	_ =	shalt  }
0x68: {  	_ =	shalt  }
0x69: {  	_ =	shalt  }
0x6a: {  	_ =	shalt  }
0x6b: {  	_ =	shalt  }
0x6c: {  	_ =	shalt  }
0x6d: {  	_ =	shalt  }
0x6e: {  	_ =	shalt  }
0x6f: {  	_ =	shalt  }
0x70: {  	_ =	shalt  }
0x71: {  	_ =	shalt  }
0x72: {  	_ =	shalt  }
0x73: {  	_ =	shalt  }
0x74: {  	_ =	shalt  }
0x75: {  	_ =	shalt  }
0x76: {  	_ =	shalt  }
0x77: {  	_ =	shalt  }
0x78: {  	_ =	shalt  }
0x79: {  	_ =	shalt  }
0x7a: {  	_ =	shalt  }
0x7b: {  	_ =	shalt  }
0x7c: {  	_ =	shalt  }
0x7d: {  	_ =	shalt  }
0x7e: {  	_ =	shalt  }
0x7f: {  	_ =	shalt  }
0x80: {  	_ =	shalt  }
0x81: {  	_ =	shalt  }
0x82: {  	_ =	shalt  }
0x83: {  	_ =	shalt  }
0x84: {  	_ =	shalt  }
0x85: {  	_ =	shalt  }
0x86: {  	_ =	shalt  }
0x87: {  	_ =	shalt  }
.Lfunc_end0:
.L_simem_size_0:
called_computation.1_lowered:
.L_overlay_start_0:
0x88: {  	s2 =	sld [smem:$0x3FD9]  }
0x89: {  	s3 =	sld [smem:$0x3FFE];
	_ =	sdelay $0x1  }
0x8a: {  	s1 =	srdreg.scid  }
0x8b: {  	s0 =	sand.u32 $0x1, s1  }
0x8c: {  	s17 =	sshll.u32 s0, $0xA;
	s2 =	sadd.s32 s3, s2  }
0x8d: {  	s2 =	sadd.s32 s2, s17  }
0x8e: {  	[smem:$0x3FC4] =	sst s2  }
0x8f: {  	_ = 	snop  }
0x90: {  	s2 =	sld [smem:$0x3FD0];
	(tm) =	ssettm $0x1  }
0x91: {  	s18 =	sld [smem:$0x3FFB];
	_ =	sdelay $0x3  }
0x92: {  	_ =	strace s18  }
0x93: {  	s3 =	sld [smem:$0x3FFC];
	_ =	sdelay $0x3  }
0x94: {  	_ =	strace s3  }
0x95: {  	s3 =	sld [smem:$0x3FFD];
	_ =	sdelay $0x3  }
0x96: {  	_ =	strace s3  }
0x97: {  	_ =	strace $0x8FFFFFFF  }
0x98: {  	s19 =	sld [smem:$0x3FDB];
	_ =	sdelay $0x1  }
0x99: {  	s4 =	simm.s32 $_scs_section_size  }
0x9a: {  	s5 =	simm.s32 $_size__tile_overlayer_lowered;
	s6 =	simm.s32 $_tile_overlayer_lowered  }
0x9b: {  	s22 =	simm.s32 $0x1BFF;
	s21 =	sshll.u32 s6, $0x1;
	s3 =	sadd.s32 s4, s19  }
0x9c: {  	s7 =	simm.s32 $0x0;
	s20 =	sshll.u32 s5, $0x1;
	s5 =	sadd.s32 s21, s3  }
0x9d: {  	[timem:s7], [sflag:s22] =	dma.local [hbm:s5], s20  }
0x9e: {  	_ =	swait.ge [sflag:s22], s20  }
0x9f: {  	s4 =	ssub.s32 $0x0, s20;
	[sflag:s22] =	ssyncset.done $0x0  }
0xa0: {  	[sflag:s22] =	ssyncadd.s32 s4;
	_ =	sdelay $0x1  }
0xa1: {  	s23 =	simm.s32 $0x1B8B  }
0xa2: {  	_ =	swait.ge [sflag:s23], $0x1  }
0xa3: {  	[sflag:s23] =	ssyncset.done $0x0  }
0xa4: {  	s25 =	simm.s32 $0x1B8E;
	s24 =	sld [smem:$0x3FFE];
	[sflag:s23] =	ssyncadd.s32 $0xFFFFFFFF  }
0xa5: {  	s26 =	simm.s32 $execute0_lowered;
	[smem:$0x3FD2] =	sst s25  }
0xa6: {  	s5 =	sshll.u32 s26, $0x1;
	_ =	strace $0x80000049;
	[dreg:$0x1] =	wrdreg $0xFFFFFFFF  }
0xa7: {  	s28 =	simm.s32 $_size_execute0_lowered;
	s3 =	sadd.s32 s3, s5;
	[dreg:$0x0] =	wrdreg $0x0  }
0xa8: {  	s5 =	sshll.u32 s28, $0x1;
	[dreg:$0x2] =	wrdreg s3  }
0xa9: {  	[dreg:$0x3] =	wrdreg s5  }
0xaa: {  	[dreg:$0x4] =	wrdreg $0xC0  }
0xab: {  	_ =	task [dreg:s7], $0x5FFFF  }
0xac: {  	[dreg:$0x1] =	wrdreg $0xFFFFFFFF  }
0xad: {  	[dreg:$0x0] =	wrdreg $0x60  }
0xae: {  	[dreg:$0x2] =	wrdreg s24  }
0xaf: {  	[dreg:$0x3] =	wrdreg s2  }
0xb0: {  	[dreg:$0x4] =	wrdreg $0x9  }
0xb1: {  	_ =	task.clear_ibuf [dreg:s7], $0x5FFFF;
	_ =	strace $0x90000049  }
0xb2: {  	s29 =	simm.s32 $0x9;
	_ =	strace $0x8000004B  }
0xb3: {  	_ =	swait.ge [sflag:s29], $0x1  }
0xb4: {  	[sflag:s29] =	ssyncadd.s32 $0xFFFFFFFF  }
0xb5: {  	_ =	strace $0x9000004B  }
0xb6: {  	_ =	sfence  }
0xb7: {  	s30 =	sld [smem:$0x0];
	_ =	sdelay $0x2  }
0xb8: {  	s31 =	sshll.u32 s1, $0xD;
	s1 =	sshrl.u32 s1, $0x2  }
0xb9: {  	s3 =	sand.u32 $0x4000, s31;
	s1 =	sadd.s32 s1, s30  }
0xba: {  	s0 =	sor.u32 s3, s0;
	s1 =	sshll.u32 s1, $0x11  }
0xbb: {  	s0 =	sor.u32 s1, s0  }
0xbc: {  	s0 =	sadd.s32 $0x8F2B, s0  }
0xbd: {  	[sflag:s0] =	ssyncadd.remote.s32 $0x1  }
0xbe: {  	_ =	sfence.sel $0xFFFF  }
0xbf: {  	[dreg:$0x0] =	wrdreg $0xFFFFFFFF;
	(pc) =	sbr.abs _section_cstart, $3  }
0xc0: {  	[dreg:$0x1] =	wrdreg $0xFFFFFFFF  }
0xc1: {  	_ =	task.clear_ibuf [dreg:s7], $0x2FFFF;
	_ =	strace $0x9FFFFFFF  }
0xc2: {  	(tm) =	ssettm $0x7FFFFFFF  }
0xc3: {  	_ =	shalt  }
tec
execute0_lowered:
.L_overlay_start_1:
0x0: {  	(tag) =	ssettag $0x1  }
0x1: {  	v0 =	vlaneseq.u32;
	v11 =	vimm.s32 $0x74533211;
	v13 =	vimm.s32 $0xF8D7B695  }
0x2: {  	vm8 =	vcmask $0xF00;
	vm7 =	vcmask $0x1F10;
	vm6 =	vcmask $0x2320  }
0x3: {  	vm4 =	vcmask $0x2724;
	vm3 =	vcmask $0x2B28;
	v17 =	vimm.s32 $0x75543312  }
0x4: {  	vm1 =	vcmask $0x2F2C;
	v19 =	vimm.s32 $0xF9D8B796;
	vm0 =	vcmask $0x3330  }
0x5: {  	v20 =	vimm.s32 $0x76553413;
	v21 =	vimm.s32 $0xFAD9B897;
	vm2 =	vcmask $0x3734  }
0x6: {  	vm5 =	vcmask $0x3B38;
	v22 =	vimm.s32 $0x78573615;
	v23 =	vimm.s32 $0x79583716  }
0x7: {  	v24 =	vimm.s32 $0xFDDCBB9A;
	v25 =	vimm.s32 $0x7B5A3918;
	v26 =	vimm.s32 $0xE0DFBE9D  }
0x8: {  	v27 =	vimm.s32 $0xE1C0BF9E;
	v28 =	vimm.s32 $0x7E5D3C1B;
	v29 =	vimm.s32 $0xE2C1A09F  }
0x9: {  	v30 =	vimm.s32 $0xE3C2A180;
	v31 =	vimm.s32 $0xE4C3A281;
	v32 =	vimm.s32 $0xE6C5A483  }
0xa: {  	v0 =	vmul.u32 $0x21, v0;
	v14 =	vunpack.c.0.s8.s32 v11;
	v15 =	vunpack.c.0.s8.s32 v13  }
0xb: {  	v17 =	vunpack.c.0.s8.s32 v17;
	v19 =	vunpack.c.0.s8.s32 v19;
	v20 =	vunpack.c.0.s8.s32 v20  }
0xc: {  	v23 =	vunpack.c.0.s8.s32 v23;
	v26 =	vunpack.c.0.s8.s32 v26;
	v27 =	vunpack.c.0.s8.s32 v27  }
0xd: {  	v28 =	vunpack.c.0.s8.s32 v28;
	v29 =	vunpack.c.0.s8.s32 v29;
	v31 =	vunpack.c.0.s8.s32 v31  }
0xe: {  	v32 =	vunpack.c.0.s8.s32 v32;
	v1 =	vadd.s32 $0x1, v0;
	v2 =	vadd.s32 $0x2, v0  }
0xf: {  	v3 =	vadd.s32 $0x3, v0;
	v4 =	vadd.s32 $0x4, v0;
	v5 =	vadd.s32 $0x5, v0  }
0x10: {  	v6 =	vadd.s32 $0x6, v0;
	v7 =	vadd.s32 $0x7, v0;
	v8 =	vadd.s32 $0x8, v0  }
0x11: {  	v9 =	vadd.s32 $0x9, v0;
	v10 =	vadd.s32 $0xA, v0;
	v11 =	vadd.s32 $0xB, v0  }
0x12: {  	v12 =	vadd.s32 $0xC, v0;
	v13 =	vadd.s32 $0xD, v0;
	v14 =	vand.u32 $0xFF, v14  }
0x13: {  	v15 =	vand.u32 $0xFF, v15;
	v17 =	vand.u32 $0xFF, v17;
	v19 =	vand.u32 $0xFF, v19  }
0x14: {  	v20 =	vand.u32 $0xFF, v20;
	v23 =	vand.u32 $0xFF, v23;
	v26 =	vand.u32 $0xFF, v26  }
0x15: {  	v27 =	vand.u32 $0xFF, v27;
	v28 =	vand.u32 $0xFF, v28;
	v29 =	vand.u32 $0xFF, v29  }
0x16: {  	v32 =	vand.u32 $0xFF, v32;
	v16 =	vnsel vm8, $0x1E0, v14;
	v14 =	vadd.s32 $0xE, v0  }
0x17: {  	v17 =	vnsel vm8, $0x1E1, v17;
	v20 =	vnsel vm8, $0x1E2, v20;
	v16 =	vsel vm7, v15, v16  }
0x18: {  	v17 =	vsel vm7, v19, v17;
	v19 =	vunpack.c.0.s8.s32 v21;
	v16 =	vsel vm6, $0x119, v16  }
0x19: {  	v23 =	vnsel vm8, $0x1E5, v23;
	v17 =	vsel vm6, $0x11A, v17;
	v16 =	vsel vm4, $0x13A, v16  }
0x1a: {  	v17 =	vsel vm4, $0x13B, v17;
	v19 =	vand.u32 $0xFF, v19;
	v18 =	vsel vm3, $0x15B, v16  }
0x1b: {  	v21 =	vsel vm3, $0x15C, v17;
	v19 =	vsel vm7, v19, v20;
	v18 =	vsel vm1, $0x17C, v18  }
0x1c: {  	v20 =	vimm.s32 $0x77563514;
	v19 =	vsel vm6, $0x11B, v19;
	v18 =	vsel vm0, $0x19D, v18  }
0x1d: {  	v20 =	vunpack.c.0.s8.s32 v20;
	v19 =	vsel vm4, $0x13C, v19;
	v18 =	vsel vm2, $0x1BE, v18  }
0x1e: {  	v17 =	vsel vm5, $0x1DF, v18;
	v18 =	vsel vm1, $0x17D, v21;
	v21 =	vimm.s32 $0xFBDAB998  }
0x1f: {  	v15 =	vadd.s32 $0xF, v0;
	v19 =	vsel vm3, $0x15D, v19;
	v21 =	vunpack.c.0.s8.s32 v21  }
0x20: {  	v16 =	vadd.s32 $0x10, v0;
	v20 =	vand.u32 $0xFF, v20;
	v19 =	vsel vm1, $0x17E, v19  }
0x21: {  	v20 =	vnsel vm8, $0x1E3, v20;
	v18 =	vsel vm0, $0x19E, v18;
	v21 =	vand.u32 $0xFF, v21  }
0x22: {  	v20 =	vsel vm7, v21, v20;
	v21 =	vunpack.c.0.s8.s32 v22;
	v22 =	vimm.s32 $0xFCDBBA99  }
0x23: {  	v19 =	vsel vm0, $0x19F, v19;
	v18 =	vsel vm2, $0x1BF, v18;
	v22 =	vunpack.c.0.s8.s32 v22  }
0x24: {  	v19 =	vsel vm2, $0x1A0, v19;
	v20 =	vsel vm6, $0x11C, v20;
	v21 =	vand.u32 $0xFF, v21  }
0x25: {  	v20 =	vsel vm4, $0x13D, v20;
	v21 =	vnsel vm8, $0x1E4, v21;
	v22 =	vand.u32 $0xFF, v22  }
0x26: {  	v20 =	vsel vm3, $0x15E, v20;
	v21 =	vsel vm7, v22, v21;
	v22 =	vunpack.c.0.s8.s32 v24  }
0x27: {  	v18 =	vsel vm5, $0x1C0, v18;
	v20 =	vsel vm1, $0x17F, v20;
	v24 =	vimm.s32 $0xFEDDBC9B  }
0x28: {  	v20 =	vsel vm0, $0x180, v20;
	v21 =	vsel vm6, $0x11D, v21;
	v22 =	vand.u32 $0xFF, v22  }
0x29: {  	v24 =	vunpack.c.0.s8.s32 v24;
	v22 =	vsel vm7, v22, v23;
	v23 =	vimm.s32 $0x7A593817  }
0x2a: {  	v21 =	vsel vm4, $0x13E, v21;
	v20 =	vsel vm2, $0x1A1, v20;
	v23 =	vunpack.c.0.s8.s32 v23  }
0x2b: {  	v19 =	vsel vm5, $0x1C1, v19;
	v21 =	vsel vm3, $0x15F, v21;
	v20 =	vsel vm5, $0x1C2, v20  }
0x2c: {  	v24 =	vand.u32 $0xFF, v24;
	v22 =	vsel vm6, $0x11E, v22;
	v23 =	vand.u32 $0xFF, v23  }
0x2d: {  	v21 =	vsel vm1, $0x160, v21;
	v22 =	vsel vm4, $0x13F, v22;
	v23 =	vnsel vm8, $0x1E6, v23  }
0x2e: {  	v23 =	vsel vm7, v24, v23;
	v24 =	vunpack.c.0.s8.s32 v25;
	v25 =	vimm.s32 $0xFFDEBD9C  }
0x2f: {  	v21 =	vsel vm0, $0x181, v21;
	v22 =	vsel vm3, $0x140, v22;
	v25 =	vunpack.c.0.s8.s32 v25  }
0x30: {  	v21 =	vsel vm2, $0x1A2, v21;
	v22 =	vsel vm1, $0x161, v22;
	v24 =	vand.u32 $0xFF, v24  }
0x31: {  	v22 =	vsel vm0, $0x182, v22;
	v24 =	vnsel vm8, $0x1E7, v24;
	v25 =	vand.u32 $0xFF, v25  }
0x32: {  	v23 =	vsel vm6, $0x11F, v23;
	v24 =	vsel vm7, v25, v24;
	v25 =	vimm.s32 $0x7C5B3A19  }
0x33: {  	v22 =	vsel vm2, $0x1A3, v22;
	v23 =	vsel vm4, $0x120, v23;
	v25 =	vunpack.c.0.s8.s32 v25  }
0x34: {  	v21 =	vsel vm5, $0x1C3, v21;
	v22 =	vsel vm5, $0x1C4, v22;
	v23 =	vsel vm3, $0x141, v23  }
0x35: {  	v23 =	vsel vm1, $0x162, v23;
	v24 =	vsel vm6, $0x100, v24;
	v25 =	vand.u32 $0xFF, v25  }
0x36: {  	v23 =	vsel vm0, $0x183, v23;
	v24 =	vsel vm4, $0x121, v24;
	v25 =	vnsel vm8, $0x1E8, v25  }
0x37: {  	v23 =	vsel vm2, $0x1A4, v23;
	v25 =	vsel vm7, v26, v25;
	v26 =	vimm.s32 $0x7D5C3B1A  }
0x38: {  	v24 =	vsel vm3, $0x142, v24;
	v25 =	vsel vm6, $0x101, v25;
	v26 =	vunpack.c.0.s8.s32 v26  }
0x39: {  	v23 =	vsel vm5, $0x1C5, v23;
	v24 =	vsel vm1, $0x163, v24;
	v25 =	vsel vm4, $0x122, v25  }
0x3a: {  	v24 =	vsel vm0, $0x184, v24;
	v25 =	vsel vm3, $0x143, v25;
	v26 =	vand.u32 $0xFF, v26  }
0x3b: {  	v24 =	vsel vm2, $0x1A5, v24;
	v25 =	vsel vm1, $0x164, v25;
	v26 =	vnsel vm8, $0x1E9, v26  }
0x3c: {  	v26 =	vsel vm7, v27, v26;
	v27 =	vnsel vm8, $0x1EA, v28;
	v28 =	vimm.s32 $0x7F5E3D1C  }
0x3d: {  	v24 =	vsel vm5, $0x1C6, v24;
	v25 =	vsel vm0, $0x185, v25;
	v28 =	vunpack.c.0.s8.s32 v28  }
0x3e: {  	v27 =	vsel vm7, v29, v27;
	v29 =	vunpack.c.0.s8.s32 v30;
	v30 =	vimm.s32 $0x605F3E1D  }
0x3f: {  	v25 =	vsel vm2, $0x1A6, v25;
	v26 =	vsel vm6, $0x102, v26;
	v30 =	vunpack.c.0.s8.s32 v30  }
0x40: {  	v25 =	vsel vm5, $0x1C7, v25;
	v26 =	vsel vm4, $0x123, v26;
	v28 =	vand.u32 $0xFF, v28  }
0x41: {  	v27 =	vsel vm6, $0x103, v27;
	v29 =	vand.u32 $0xFF, v29;
	v28 =	vnsel vm8, $0x1EB, v28  }
0x42: {  	v26 =	vsel vm3, $0x144, v26;
	v28 =	vsel vm7, v29, v28;
	v29 =	vand.u32 $0xFF, v30  }
0x43: {  	v30 =	vand.u32 $0xFF, v31;
	v31 =	vimm.s32 $0x61403F1E;
	v29 =	vnsel vm8, $0x1EC, v29  }
0x44: {  	v29 =	vsel vm7, v30, v29;
	v30 =	vunpack.c.0.s8.s32 v31;
	v31 =	vimm.s32 $0xE5C4A382  }
0x45: {  	v27 =	vsel vm4, $0x124, v27;
	v26 =	vsel vm1, $0x165, v26;
	v31 =	vunpack.c.0.s8.s32 v31  }
0x46: {  	v27 =	vsel vm3, $0x145, v27;
	v26 =	vsel vm0, $0x186, v26;
	v30 =	vand.u32 $0xFF, v30  }
0x47: {  	v27 =	vsel vm1, $0x166, v27;
	v30 =	vnsel vm8, $0x1ED, v30;
	v31 =	vand.u32 $0xFF, v31  }
0x48: {  	v26 =	vsel vm2, $0x1A7, v26;
	v30 =	vsel vm7, v31, v30;
	v31 =	vimm.s32 $0x6241201F  }
0x49: {  	v28 =	vsel vm6, $0x104, v28;
	v27 =	vsel vm0, $0x187, v27;
	v31 =	vunpack.c.0.s8.s32 v31  }
0x4a: {  	v28 =	vsel vm4, $0x125, v28;
	v26 =	vsel vm5, $0x1C8, v26;
	v27 =	vsel vm2, $0x1A8, v27  }
0x4b: {  	s3 =	rddreg [dreg:$0x0];
	v28 =	vsel vm3, $0x146, v28;
	v27 =	vsel vm5, $0x1C9, v27;
	v31 =	vand.u32 $0xFF, v31  }
0x4c: {  	s5 =	rddreg [dreg:$0x1];
	v29 =	vsel vm6, $0x105, v29;
	v28 =	vsel vm1, $0x167, v28;
	v31 =	vnsel vm8, $0x1EE, v31  }
0x4d: {  	s2 =	srdreg.scid;
	s0 =	stileid.u32;
	v29 =	vsel vm4, $0x126, v29;
	v28 =	vsel vm0, $0x188, v28;
	v31 =	vsel vm7, v32, v31  }
0x4e: {  	s1 =	rddreg [dreg:$0x2];
	s9 =	simm.s32 $0x8000;
	s10 =	simm.s32 $0x0;
	v29 =	vsel vm3, $0x147, v29;
	v30 =	vsel vm6, $0x106, v30;
	v31 =	vsel vm6, $0x107, v31  }
0x4f: {  	s4 =	sand.u32 $0x1, s2;
	s6 =	sshll.u32 s0, $0x1;
	s2 =	simm.s32 $0x0;
	v28 =	vsel vm2, $0x1A9, v28;
	v30 =	vsel vm4, $0x127, v30;
	v31 =	vsel vm4, $0x128, v31  }
0x50: {  	s6 =	sor.u32 s4, s6;
	s4 =	ssub.s32 $0x2, s4;
	[smem:$0x7FF] =	sst s2;
	v29 =	vsel vm1, $0x168, v29;
	v30 =	vsel vm3, $0x148, v30;
	v31 =	vsel vm3, $0x149, v31  }
0x51: {  	s7 =	sshll.u32 s6, $0xB;
	s8 =	sshrl.u32 s4, $0x1;
	_ =	strace $0x8000004A;
	v28 =	vsel vm5, $0x1CA, v28;
	v30 =	vsel vm1, $0x169, v30;
	v31 =	vsel vm1, $0x16A, v31  }
0x52: {  	s6 =	sshll.u32 s6, $0x6;
	s7 =	sadd.s32 s7, s3;
	s8 =	ssub.s32 s4, s8;
	v29 =	vsel vm0, $0x189, v29;
	v30 =	vsel vm0, $0x18A, v30;
	v31 =	vsel vm0, $0x18B, v31  }
0x53: {  	s5 =	sadd.s32 s5, s6;
	s3 =	sadd.s32 $0x1000, s7;
	s4 =	sadd.s32 $0x11000, s7;
	v29 =	vsel vm2, $0x1AA, v29;
	v30 =	vsel vm2, $0x1AB, v30;
	v31 =	vsel vm2, $0x1AC, v31  }
0x54: {  	s6 =	smax.u32 s8, $0x1;
	s7 =	simm.s32 $0x1;
	s8 =	simm.s32 $0x4000;
	v29 =	vsel vm5, $0x1CB, v29;
	v30 =	vsel vm5, $0x1CC, v30;
	v31 =	vsel vm5, $0x1CD, v31  }
.LBB2_1:
0x55: {  	[tilespmem:s2], [sflag:$0x1] =	stream.linear.gather [hbm4b:s3+s2], $0x4000, $0x38;
	[tilespmem:$0x8200] =	vst v63  }
0x56: {  	_ =	swait.ge [sflag:s7], $0x4000  }
0x57: {  	[sflag:s7] =	ssyncset.done $0x0  }
0x58: {  	v32 =	vor.u32 s2, v0;
	[sflag:s7] =	ssyncadd.s32 $0xFFFFC000  }
0x59: {  	[tilespmem:s8], [sflag:$0x1] =	stream.linear.gather [hbm4b:s4+s2], $0x4000, $0x38;
	[tilespmem:$0x8200] =	vst v63  }
0x5a: {  	v33 =	vor.u32 s2, v1;
	_ =	swait.ge [sflag:s7], $0x4000  }
0x5b: {  	[sflag:s7] =	ssyncset.done $0x0  }
0x5c: {  	v34 =	vor.u32 s2, v2;
	[sflag:s7] =	ssyncadd.s32 $0xFFFFC000  }
0x5d: {  	v35 =	vld.idx.msk [tilespmem:v32+s8+$0x0], $0xffff  }
0x5e: {  	v36 =	vor.u32 s2, v3;
	v32 =	vld.idx.msk [tilespmem:v32+s2+$0x0], $0xffff  }
0x5f: {  	v37 =	vld.idx.msk [tilespmem:v33+s8+$0x0], $0xffff  }
0x60: {  	v38 =	vor.u32 s2, v4;
	v33 =	vld.idx.msk [tilespmem:v33+s2+$0x0], $0xffff  }
0x61: {  	v39 =	vld.idx.msk [tilespmem:v34+s8+$0x0], $0xffff  }
0x62: {  	v40 =	vor.u32 s2, v5;
	v34 =	vld.idx.msk [tilespmem:v34+s2+$0x0], $0xffff  }
0x63: {  	v41 =	vld.idx.msk [tilespmem:v36+s8+$0x0], $0xffff;
	v32 =	vmul.f32 v35, v32  }
0x64: {  	v54 =	vor.u32 s2, v6;
	v53 =	vld.idx.msk [tilespmem:v36+s2+$0x0], $0xffff  }
0x65: {  	v42 =	vld.idx.msk [tilespmem:v38+s8+$0x0], $0xffff;
	v33 =	vmul.f32 v37, v33;
	v32 =	vadd.f32 $0.0e+00, v32  }
0x66: {  	v56 =	vor.u32 s2, v7;
	v55 =	vld.idx.msk [tilespmem:v38+s2+$0x0], $0xffff  }
0x67: {  	v43 =	vld.idx.msk [tilespmem:v40+s8+$0x0], $0xffff;
	v57 =	vmul.f32 v39, v34;
	v32 =	vadd.f32 v33, v32  }
0x68: {  	v59 =	vor.u32 s2, v8;
	v58 =	vld.idx.msk [tilespmem:v40+s2+$0x0], $0xffff  }
0x69: {  	v60 =	vld.idx.msk [tilespmem:v54+s8+$0x0], $0xffff;
	v61 =	vmul.f32 v41, v53;
	v32 =	vadd.f32 v57, v32  }
0x6a: {  	v63 =	vor.u32 s2, v9;
	v62 =	vld.idx.msk [tilespmem:v54+s2+$0x0], $0xffff  }
0x6b: {  	v45 =	vld.idx.msk [tilespmem:v56+s8+$0x0], $0xffff;
	v46 =	vmul.f32 v42, v55;
	v32 =	vadd.f32 v61, v32  }
0x6c: {  	v48 =	vor.u32 s2, v10;
	v47 =	vld.idx.msk [tilespmem:v56+s2+$0x0], $0xffff  }
0x6d: {  	v49 =	vld.idx.msk [tilespmem:v59+s8+$0x0], $0xffff;
	v50 =	vmul.f32 v43, v58;
	v32 =	vadd.f32 v46, v32  }
0x6e: {  	v52 =	vor.u32 s2, v11;
	v51 =	vld.idx.msk [tilespmem:v59+s2+$0x0], $0xffff  }
0x6f: {  	v53 =	vld.idx.msk [tilespmem:v63+s8+$0x0], $0xffff;
	v54 =	vmul.f32 v60, v62;
	v32 =	vadd.f32 v50, v32  }
0x70: {  	v56 =	vor.u32 s2, v12;
	v55 =	vld.idx.msk [tilespmem:v63+s2+$0x0], $0xffff  }
0x71: {  	v59 =	vld.idx.msk [tilespmem:v48+s2+$0x0], $0xffff;
	v58 =	vmul.f32 v45, v47;
	v32 =	vadd.f32 v54, v32  }
0x72: {  	v60 =	vor.u32 s2, v13;
	v57 =	vld.idx.msk [tilespmem:v48+s8+$0x0], $0xffff  }
0x73: {  	v62 =	vmul.f32 v49, v51;
	v63 =	vld.idx.msk [tilespmem:v52+s2+$0x0], $0xffff;
	v32 =	vadd.f32 v58, v32  }
0x74: {  	v45 =	vor.u32 s2, v14;
	v61 =	vld.idx.msk [tilespmem:v52+s8+$0x0], $0xffff  }
0x75: {  	v47 =	vmul.f32 v53, v55;
	v48 =	vld.idx.msk [tilespmem:v56+s2+$0x0], $0xffff;
	v32 =	vadd.f32 v62, v32  }
0x76: {  	v49 =	vor.u32 s2, v15;
	v46 =	vld.idx.msk [tilespmem:v56+s8+$0x0], $0xffff  }
0x77: {  	v52 =	vld.idx.msk [tilespmem:v60+s2+$0x0], $0xffff;
	v51 =	vmul.f32 v57, v59;
	v32 =	vadd.f32 v47, v32  }
0x78: {  	v53 =	vor.u32 s2, v16;
	v50 =	vld.idx.msk [tilespmem:v60+s8+$0x0], $0xffff  }
0x79: {  	v56 =	vld.idx.msk [tilespmem:v45+s2+$0x0], $0xffff;
	v55 =	vmul.f32 v61, v63;
	v32 =	vadd.f32 v51, v32  }
0x7a: {  	v57 =	vor.u32 s2, v17;
	v54 =	vld.idx.msk [tilespmem:v45+s8+$0x0], $0xffff  }
0x7b: {  	v60 =	vld.idx.msk [tilespmem:v49+s2+$0x0], $0xffff;
	v59 =	vmul.f32 v46, v48;
	v32 =	vadd.f32 v55, v32  }
0x7c: {  	v61 =	vor.u32 s2, v18;
	v58 =	vld.idx.msk [tilespmem:v49+s8+$0x0], $0xffff  }
0x7d: {  	v45 =	vld.idx.msk [tilespmem:v53+s2+$0x0], $0xffff;
	v63 =	vmul.f32 v50, v52;
	v32 =	vadd.f32 v59, v32  }
0x7e: {  	v46 =	vor.u32 s2, v19;
	v62 =	vld.idx.msk [tilespmem:v53+s8+$0x0], $0xffff  }
0x7f: {  	v49 =	vld.idx.msk [tilespmem:v57+s2+$0x0], $0xffff;
	v48 =	vmul.f32 v54, v56;
	v32 =	vadd.f32 v63, v32  }
0x80: {  	v50 =	vor.u32 s2, v20;
	v47 =	vld.idx.msk [tilespmem:v57+s8+$0x0], $0xffff  }
0x81: {  	v53 =	vld.idx.msk [tilespmem:v61+s2+$0x0], $0xffff;
	v52 =	vmul.f32 v58, v60;
	v32 =	vadd.f32 v48, v32  }
0x82: {  	v54 =	vor.u32 s2, v21;
	v51 =	vld.idx.msk [tilespmem:v61+s8+$0x0], $0xffff  }
0x83: {  	v57 =	vld.idx.msk [tilespmem:v46+s2+$0x0], $0xffff;
	v56 =	vmul.f32 v62, v45;
	v32 =	vadd.f32 v52, v32  }
0x84: {  	v58 =	vor.u32 s2, v22;
	v55 =	vld.idx.msk [tilespmem:v46+s8+$0x0], $0xffff  }
0x85: {  	v61 =	vld.idx.msk [tilespmem:v50+s2+$0x0], $0xffff;
	v60 =	vmul.f32 v47, v49;
	v32 =	vadd.f32 v56, v32  }
0x86: {  	v62 =	vor.u32 s2, v23;
	v59 =	vld.idx.msk [tilespmem:v50+s8+$0x0], $0xffff  }
0x87: {  	v45 =	vld.idx.msk [tilespmem:v54+s2+$0x0], $0xffff;
	v44 =	vmul.f32 v51, v53;
	v32 =	vadd.f32 v60, v32  }
0x88: {  	v46 =	vor.u32 s2, v24;
	v63 =	vld.idx.msk [tilespmem:v54+s8+$0x0], $0xffff  }
0x89: {  	v47 =	vld.idx.msk [tilespmem:v58+s8+$0x0], $0xffff;
	v48 =	vmul.f32 v55, v57;
	v32 =	vadd.f32 v44, v32  }
0x8a: {  	v49 =	vld.idx.msk [tilespmem:v58+s2+$0x0], $0xffff;
	v50 =	vor.u32 s2, v25  }
0x8b: {  	v51 =	vld.idx.msk [tilespmem:v62+s8+$0x0], $0xffff;
	v52 =	vmul.f32 v59, v61;
	v32 =	vadd.f32 v48, v32  }
0x8c: {  	v53 =	vld.idx.msk [tilespmem:v62+s2+$0x0], $0xffff;
	v54 =	vor.u32 s2, v26  }
0x8d: {  	v55 =	vld.idx.msk [tilespmem:v46+s8+$0x0], $0xffff;
	v56 =	vmul.f32 v63, v45;
	v32 =	vadd.f32 v52, v32  }
0x8e: {  	v58 =	vor.u32 s2, v27;
	v57 =	vld.idx.msk [tilespmem:v46+s2+$0x0], $0xffff  }
0x8f: {  	v59 =	vld.idx.msk [tilespmem:v50+s8+$0x0], $0xffff;
	v60 =	vmul.f32 v47, v49;
	v32 =	vadd.f32 v56, v32  }
0x90: {  	v62 =	vor.u32 s2, v28;
	v61 =	vld.idx.msk [tilespmem:v50+s2+$0x0], $0xffff  }
0x91: {  	v63 =	vld.idx.msk [tilespmem:v54+s8+$0x0], $0xffff;
	v44 =	vmul.f32 v51, v53;
	v32 =	vadd.f32 v60, v32  }
0x92: {  	v46 =	vor.u32 s2, v29;
	v45 =	vld.idx.msk [tilespmem:v54+s2+$0x0], $0xffff  }
0x93: {  	v47 =	vld.idx.msk [tilespmem:v58+s8+$0x0], $0xffff;
	v48 =	vmul.f32 v55, v57;
	v32 =	vadd.f32 v44, v32  }
0x94: {  	v50 =	vor.u32 s2, v30;
	v49 =	vld.idx.msk [tilespmem:v58+s2+$0x0], $0xffff  }
0x95: {  	v51 =	vld.idx.msk [tilespmem:v62+s8+$0x0], $0xffff;
	v52 =	vmul.f32 v59, v61;
	v32 =	vadd.f32 v48, v32  }
0x96: {  	v54 =	vor.u32 s2, v31;
	v53 =	vld.idx.msk [tilespmem:v62+s2+$0x0], $0xffff  }
0x97: {  	v55 =	vld.idx.msk [tilespmem:v46+s8+$0x0], $0xffff;
	v56 =	vmul.f32 v63, v45;
	v32 =	vadd.f32 v52, v32  }
0x98: {  	v57 =	vld.idx.msk [tilespmem:v46+s2+$0x0], $0xffff  }
0x99: {  	v58 =	vld.idx.msk [tilespmem:v50+s8+$0x0], $0xffff;
	v59 =	vmul.f32 v47, v49;
	v32 =	vadd.f32 v56, v32  }
0x9a: {  	v60 =	vld.idx.msk [tilespmem:v50+s2+$0x0], $0xffff  }
0x9b: {  	v61 =	vld.idx.msk [tilespmem:v54+s8+$0x0], $0xffff;
	v62 =	vmul.f32 v51, v53;
	v32 =	vadd.f32 v59, v32  }
0x9c: {  	v63 =	vld.idx.msk [tilespmem:v54+s2+$0x0], $0xffff  }
0x9d: {  	v38 =	vmul.f32 v55, v57;
	v32 =	vadd.f32 v62, v32;
	_ =	sdelay $0x1  }
0x9e: {  	v39 =	vmul.f32 v58, v60;
	v32 =	vadd.f32 v38, v32;
	_ =	sdelay $0x1  }
0x9f: {  	v40 =	vmul.f32 v61, v63;
	v32 =	vadd.f32 v39, v32;
	_ =	sdelay $0x1  }
0xa0: {  	v32 =	vadd.f32 v40, v32;
	_ =	sdelay $0x1  }
0xa1: {  	v32 =	vsub.f32 $0.0e+00, v32;
	_ =	sdelay $0x1  }
0xa2: {  	v32 =	vmul.f32 $1.442695020e+00, v32;
	_ =	sdelay $0x1  }
0xa3: {  	(erf) = vpow2.f32 v32;
	_ =	sdelay $0x8  }
0xa4: {  	v32 =	vpop (erf)  }
0xa5: {  	v32 =	vadd.f32 $1.000000000e+00, v32;
	_ =	sdelay $0x1  }
0xa6: {  	(erf) = vrcp.f32 v32;
	_ =	sdelay $0x8  }
0xa7: {  	v32 =	vpop (erf)  }
0xa8: {  	v32 =	vadd.f32 $9.999999680e-21, v32;
	_ =	sdelay $0x1  }
0xa9: {  	v32 =	vadd.s32 $0x4AFB0D, v32  }
0xaa: {  	v41 =	vand.u32 $0x7FFFFF, v32  }
0xab: {  	v33 =	vadd.s32 $0x3F3504F3, v41  }
0xac: {  	v33 =	vadd.f32 $-1.000000000e+00, v33;
	_ =	sdelay $0x1  }
0xad: {  	v42 =	vadd.f32 $2.000000000e+00, v33;
	_ =	sdelay $0x1  }
0xae: {  	(erf) = vrcp.f32 v42;
	_ =	sdelay $0x8  }
0xaf: {  	v34 =	vpop (erf)  }
0xb0: {  	v34 =	vmul.f32 v34, v33;
	_ =	sdelay $0x1  }
0xb1: {  	v43 =	vmul.f32 v34, v34;
	_ =	sdelay $0x1  }
0xb2: {  	v44 =	vmul.f32 v43, v43;
	_ =	sdelay $0x1  }
0xb3: {  	v45 =	vmul.f32 $2.427907880e-01, v44;
	v46 =	vmul.f32 $2.849878670e-01, v44;
	_ =	sdelay $0x1  }
0xb4: {  	v37 =	vadd.f32 $4.000097220e-01, v45;
	v38 =	vadd.f32 $6.666666270e-01, v46  }
0xb5: {  	v47 =	vmul.f32 $5.000000000e-01, v33  }
0xb6: {  	v36 =	vmul.f32 v37, v44;
	v35 =	vmul.f32 v38, v43;
	_ =	sdelay $0x1  }
0xb7: {  	v48 =	vmul.f32 v47, v33;
	v35 =	vadd.f32 v36, v35;
	_ =	sdelay $0x1  }
0xb8: {  	v35 =	vadd.f32 v35, v48;
	_ =	sdelay $0x1  }
0xb9: {  	v32 =	vshra.s32 v32, $0x17;
	v34 =	vmul.f32 v35, v34  }
0xba: {  	v32 =	vadd.s32 $0xFFFFFF81, v32  }
0xbb: {  	v32 =	vcvt.s32.f32 v32;
	v34 =	vsub.f32 v34, v48  }
0xbc: {  	s11 =	simm.s32 $0x200  }
0xbd: {  	v49 =	vor.u32 s11, v0;
	v32 =	vmul.f32 $6.931471820e-01, v32;
	v33 =	vadd.f32 v34, v33;
	_ =	sdelay $0x1  }
0xbe: {  	v50 =	vor.u32 s11, v1;
	v32 =	vadd.f32 v33, v32;
	_ =	sdelay $0x1  }
0xbf: {  	v51 =	vor.u32 s11, v2;
	[tilespmem:s9+$0x0] =	vst v32  }
0xc0: {  	v32 =	vld.idx.msk [tilespmem:v49+s8+$0x0], $0xffff  }
0xc1: {  	v52 =	vor.u32 s11, v3;
	v35 =	vld.idx.msk [tilespmem:v49+s2+$0x0], $0xffff  }
0xc2: {  	v53 =	vld.idx.msk [tilespmem:v50+s8+$0x0], $0xffff  }
0xc3: {  	v54 =	vor.u32 s11, v4;
	v34 =	vld.idx.msk [tilespmem:v50+s2+$0x0], $0xffff  }
0xc4: {  	v55 =	vld.idx.msk [tilespmem:v51+s8+$0x0], $0xffff  }
0xc5: {  	v56 =	vor.u32 s11, v5;
	v33 =	vld.idx.msk [tilespmem:v51+s2+$0x0], $0xffff  }
0xc6: {  	v57 =	vld.idx.msk [tilespmem:v52+s8+$0x0], $0xffff;
	v32 =	vmul.f32 v32, v35  }
0xc7: {  	v59 =	vor.u32 s11, v6;
	v58 =	vld.idx.msk [tilespmem:v52+s2+$0x0], $0xffff  }
0xc8: {  	v60 =	vld.idx.msk [tilespmem:v54+s8+$0x0], $0xffff;
	v34 =	vmul.f32 v53, v34;
	v32 =	vadd.f32 $0.0e+00, v32  }
0xc9: {  	v62 =	vor.u32 s11, v7;
	v61 =	vld.idx.msk [tilespmem:v54+s2+$0x0], $0xffff  }
0xca: {  	v63 =	vld.idx.msk [tilespmem:v56+s8+$0x0], $0xffff;
	v33 =	vmul.f32 v55, v33;
	v32 =	vadd.f32 v34, v32  }
0xcb: {  	v46 =	vor.u32 s11, v8;
	v45 =	vld.idx.msk [tilespmem:v56+s2+$0x0], $0xffff  }
0xcc: {  	v47 =	vld.idx.msk [tilespmem:v59+s8+$0x0], $0xffff;
	v48 =	vmul.f32 v57, v58;
	v32 =	vadd.f32 v33, v32  }
0xcd: {  	v49 =	vld.idx.msk [tilespmem:v59+s2+$0x0], $0xffff;
	v50 =	vor.u32 s11, v9  }
0xce: {  	v51 =	vld.idx.msk [tilespmem:v62+s8+$0x0], $0xffff;
	v52 =	vmul.f32 v60, v61;
	v32 =	vadd.f32 v48, v32  }
0xcf: {  	v54 =	vor.u32 s11, v10;
	v53 =	vld.idx.msk [tilespmem:v62+s2+$0x0], $0xffff  }
0xd0: {  	v55 =	vld.idx.msk [tilespmem:v46+s8+$0x0], $0xffff;
	v56 =	vmul.f32 v63, v45;
	v32 =	vadd.f32 v52, v32  }
0xd1: {  	v57 =	vld.idx.msk [tilespmem:v46+s2+$0x0], $0xffff;
	v58 =	vor.u32 s11, v11  }
0xd2: {  	v59 =	vld.idx.msk [tilespmem:v50+s8+$0x0], $0xffff;
	v60 =	vmul.f32 v47, v49;
	v32 =	vadd.f32 v56, v32  }
0xd3: {  	v61 =	vld.idx.msk [tilespmem:v50+s2+$0x0], $0xffff;
	v62 =	vor.u32 s11, v12  }
0xd4: {  	v63 =	vld.idx.msk [tilespmem:v54+s8+$0x0], $0xffff;
	v45 =	vmul.f32 v51, v53;
	v32 =	vadd.f32 v60, v32  }
0xd5: {  	v46 =	vld.idx.msk [tilespmem:v54+s2+$0x0], $0xffff;
	v47 =	vor.u32 s11, v13  }
0xd6: {  	v49 =	vmul.f32 v55, v57;
	v50 =	vld.idx.msk [tilespmem:v58+s2+$0x0], $0xffff;
	v32 =	vadd.f32 v45, v32  }
0xd7: {  	v51 =	vor.u32 s11, v14;
	v48 =	vld.idx.msk [tilespmem:v58+s8+$0x0], $0xffff  }
0xd8: {  	v53 =	vmul.f32 v59, v61;
	v54 =	vld.idx.msk [tilespmem:v62+s2+$0x0], $0xffff;
	v32 =	vadd.f32 v49, v32  }
0xd9: {  	v55 =	vor.u32 s11, v15;
	v52 =	vld.idx.msk [tilespmem:v62+s8+$0x0], $0xffff  }
0xda: {  	v57 =	vmul.f32 v63, v46;
	v58 =	vld.idx.msk [tilespmem:v47+s2+$0x0], $0xffff;
	v32 =	vadd.f32 v53, v32  }
0xdb: {  	v59 =	vor.u32 s11, v16;
	v56 =	vld.idx.msk [tilespmem:v47+s8+$0x0], $0xffff  }
0xdc: {  	v62 =	vld.idx.msk [tilespmem:v51+s2+$0x0], $0xffff;
	v61 =	vmul.f32 v48, v50;
	v32 =	vadd.f32 v57, v32  }
0xdd: {  	v63 =	vor.u32 s11, v17;
	v60 =	vld.idx.msk [tilespmem:v51+s8+$0x0], $0xffff  }
0xde: {  	v47 =	vld.idx.msk [tilespmem:v55+s2+$0x0], $0xffff;
	v46 =	vmul.f32 v52, v54;
	v32 =	vadd.f32 v61, v32  }
0xdf: {  	v48 =	vor.u32 s11, v18;
	v45 =	vld.idx.msk [tilespmem:v55+s8+$0x0], $0xffff  }
0xe0: {  	v51 =	vld.idx.msk [tilespmem:v59+s2+$0x0], $0xffff;
	v50 =	vmul.f32 v56, v58;
	v32 =	vadd.f32 v46, v32  }
0xe1: {  	v52 =	vor.u32 s11, v19;
	v49 =	vld.idx.msk [tilespmem:v59+s8+$0x0], $0xffff  }
0xe2: {  	v55 =	vld.idx.msk [tilespmem:v63+s2+$0x0], $0xffff;
	v54 =	vmul.f32 v60, v62;
	v32 =	vadd.f32 v50, v32  }
0xe3: {  	v56 =	vor.u32 s11, v20;
	v53 =	vld.idx.msk [tilespmem:v63+s8+$0x0], $0xffff  }
0xe4: {  	v59 =	vld.idx.msk [tilespmem:v48+s2+$0x0], $0xffff;
	v58 =	vmul.f32 v45, v47;
	v32 =	vadd.f32 v54, v32  }
0xe5: {  	v60 =	vor.u32 s11, v21;
	v57 =	vld.idx.msk [tilespmem:v48+s8+$0x0], $0xffff  }
0xe6: {  	v63 =	vld.idx.msk [tilespmem:v52+s2+$0x0], $0xffff;
	v62 =	vmul.f32 v49, v51;
	v32 =	vadd.f32 v58, v32  }
0xe7: {  	v45 =	vor.u32 s11, v22;
	v61 =	vld.idx.msk [tilespmem:v52+s8+$0x0], $0xffff  }
0xe8: {  	v48 =	vld.idx.msk [tilespmem:v56+s2+$0x0], $0xffff;
	v47 =	vmul.f32 v53, v55;
	v32 =	vadd.f32 v62, v32  }
0xe9: {  	v49 =	vor.u32 s11, v23;
	v46 =	vld.idx.msk [tilespmem:v56+s8+$0x0], $0xffff  }
0xea: {  	v52 =	vld.idx.msk [tilespmem:v60+s2+$0x0], $0xffff;
	v51 =	vmul.f32 v57, v59;
	v32 =	vadd.f32 v47, v32  }
0xeb: {  	v53 =	vor.u32 s11, v24;
	v50 =	vld.idx.msk [tilespmem:v60+s8+$0x0], $0xffff  }
0xec: {  	v56 =	vld.idx.msk [tilespmem:v45+s2+$0x0], $0xffff;
	v55 =	vmul.f32 v61, v63;
	v32 =	vadd.f32 v51, v32  }
0xed: {  	v57 =	vor.u32 s11, v25;
	v54 =	vld.idx.msk [tilespmem:v45+s8+$0x0], $0xffff  }
0xee: {  	v60 =	vld.idx.msk [tilespmem:v49+s2+$0x0], $0xffff;
	v59 =	vmul.f32 v46, v48;
	v32 =	vadd.f32 v55, v32  }
0xef: {  	v61 =	vor.u32 s11, v26;
	v58 =	vld.idx.msk [tilespmem:v49+s8+$0x0], $0xffff  }
0xf0: {  	v45 =	vld.idx.msk [tilespmem:v53+s2+$0x0], $0xffff;
	v63 =	vmul.f32 v50, v52;
	v32 =	vadd.f32 v59, v32  }
0xf1: {  	v46 =	vor.u32 s11, v27;
	v62 =	vld.idx.msk [tilespmem:v53+s8+$0x0], $0xffff  }
0xf2: {  	v49 =	vld.idx.msk [tilespmem:v57+s2+$0x0], $0xffff;
	v48 =	vmul.f32 v54, v56;
	v32 =	vadd.f32 v63, v32  }
0xf3: {  	v50 =	vor.u32 s11, v28;
	v47 =	vld.idx.msk [tilespmem:v57+s8+$0x0], $0xffff  }
0xf4: {  	v53 =	vld.idx.msk [tilespmem:v61+s2+$0x0], $0xffff;
	v52 =	vmul.f32 v58, v60;
	v32 =	vadd.f32 v48, v32  }
0xf5: {  	v54 =	vor.u32 s11, v29;
	v51 =	vld.idx.msk [tilespmem:v61+s8+$0x0], $0xffff  }
0xf6: {  	v57 =	vld.idx.msk [tilespmem:v46+s2+$0x0], $0xffff;
	v56 =	vmul.f32 v62, v45;
	v32 =	vadd.f32 v52, v32  }
0xf7: {  	v58 =	vor.u32 s11, v30;
	v55 =	vld.idx.msk [tilespmem:v46+s8+$0x0], $0xffff  }
0xf8: {  	v61 =	vld.idx.msk [tilespmem:v50+s2+$0x0], $0xffff;
	v60 =	vmul.f32 v47, v49;
	v32 =	vadd.f32 v56, v32  }
0xf9: {  	v62 =	vor.u32 s11, v31;
	v59 =	vld.idx.msk [tilespmem:v50+s8+$0x0], $0xffff  }
0xfa: {  	v45 =	vld.idx.msk [tilespmem:v54+s2+$0x0], $0xffff;
	v44 =	vmul.f32 v51, v53;
	v32 =	vadd.f32 v60, v32  }
0xfb: {  	v63 =	vld.idx.msk [tilespmem:v54+s8+$0x0], $0xffff  }
0xfc: {  	v46 =	vld.idx.msk [tilespmem:v58+s8+$0x0], $0xffff;
	v47 =	vmul.f32 v55, v57;
	v32 =	vadd.f32 v44, v32  }
0xfd: {  	v48 =	vld.idx.msk [tilespmem:v58+s2+$0x0], $0xffff  }
0xfe: {  	v49 =	vld.idx.msk [tilespmem:v62+s8+$0x0], $0xffff;
	v50 =	vmul.f32 v59, v61;
	v32 =	vadd.f32 v47, v32  }
0xff: {  	v51 =	vld.idx.msk [tilespmem:v62+s2+$0x0], $0xffff  }
0x100: {  	v52 =	vmul.f32 v63, v45;
	v32 =	vadd.f32 v50, v32;
	_ =	sdelay $0x1  }
0x101: {  	v53 =	vmul.f32 v46, v48;
	v32 =	vadd.f32 v52, v32;
	_ =	sdelay $0x1  }
0x102: {  	v54 =	vmul.f32 v49, v51;
	v32 =	vadd.f32 v53, v32;
	_ =	sdelay $0x1  }
0x103: {  	v32 =	vadd.f32 v54, v32;
	_ =	sdelay $0x1  }
0x104: {  	v32 =	vsub.f32 $0.0e+00, v32;
	_ =	sdelay $0x1  }
0x105: {  	v32 =	vmul.f32 $1.442695020e+00, v32;
	_ =	sdelay $0x1  }
0x106: {  	(erf) = vpow2.f32 v32;
	_ =	sdelay $0x8  }
0x107: {  	v32 =	vpop (erf)  }
0x108: {  	v32 =	vadd.f32 $1.000000000e+00, v32;
	_ =	sdelay $0x1  }
0x109: {  	(erf) = vrcp.f32 v32;
	_ =	sdelay $0x8  }
0x10a: {  	v32 =	vpop (erf)  }
0x10b: {  	v32 =	vadd.f32 $9.999999680e-21, v32;
	_ =	sdelay $0x1  }
0x10c: {  	v32 =	vadd.s32 $0x4AFB0D, v32  }
0x10d: {  	v55 =	vand.u32 $0x7FFFFF, v32  }
0x10e: {  	v33 =	vadd.s32 $0x3F3504F3, v55  }
0x10f: {  	v56 =	vadd.f32 $-1.000000000e+00, v33;
	_ =	sdelay $0x1  }
0x110: {  	v33 =	vadd.f32 $2.000000000e+00, v56;
	_ =	sdelay $0x1  }
0x111: {  	(erf) = vrcp.f32 v33;
	_ =	sdelay $0x8  }
0x112: {  	v33 =	vpop (erf)  }
0x113: {  	v33 =	vmul.f32 v33, v56;
	_ =	sdelay $0x1  }
0x114: {  	v57 =	vmul.f32 v33, v33;
	_ =	sdelay $0x1  }
0x115: {  	v58 =	vmul.f32 v57, v57;
	_ =	sdelay $0x1  }
0x116: {  	v59 =	vmul.f32 $2.427907880e-01, v58;
	v60 =	vmul.f32 $2.849878670e-01, v58;
	_ =	sdelay $0x1  }
0x117: {  	v37 =	vadd.f32 $4.000097220e-01, v59;
	v38 =	vadd.f32 $6.666666270e-01, v60  }
0x118: {  	v61 =	vmul.f32 $5.000000000e-01, v56  }
0x119: {  	v36 =	vmul.f32 v37, v58;
	v35 =	vmul.f32 v38, v57;
	_ =	sdelay $0x1  }
0x11a: {  	v62 =	vmul.f32 v61, v56;
	v35 =	vadd.f32 v36, v35;
	_ =	sdelay $0x1  }
0x11b: {  	v35 =	vadd.f32 v35, v62;
	_ =	sdelay $0x1  }
0x11c: {  	v32 =	vshra.s32 v32, $0x17;
	v33 =	vmul.f32 v35, v33  }
0x11d: {  	v32 =	vadd.s32 $0xFFFFFF81, v32  }
0x11e: {  	v63 =	vcvt.s32.f32 v32;
	v36 =	vsub.f32 v33, v62  }
0x11f: {  	s11 =	simm.s32 $0x400  }
0x120: {  	v32 =	vor.u32 s11, v0;
	v33 =	vmul.f32 $6.931471820e-01, v63;
	v34 =	vadd.f32 v36, v56  }
0x121: {  	s13 =	simm.s32 $0x600;
	s12 =	simm.s32 $0x8000  }
.LBB2_2:
0x122: {  	p0 =	sne.s32 s13, $0x3E00;
	v35 =	vor.u32 s11, v1;
	v33 =	vadd.f32 v34, v33  }
0x123: {  	s12 =	sadd.s32 $0x10, s12  }
0x124: {  	v34 =	vor.u32 s11, v2;
	[tilespmem:s12+$0x0] =	vst v33  }
0x125: {  	v33 =	vld.idx.msk [tilespmem:v32+s8+$0x0], $0xffff  }
0x126: {  	v36 =	vor.u32 s11, v3;
	v32 =	vld.idx.msk [tilespmem:v32+s2+$0x0], $0xffff  }
0x127: {  	v37 =	vld.idx.msk [tilespmem:v35+s8+$0x0], $0xffff  }
0x128: {  	v38 =	vor.u32 s11, v4;
	v35 =	vld.idx.msk [tilespmem:v35+s2+$0x0], $0xffff  }
0x129: {  	v39 =	vld.idx.msk [tilespmem:v34+s8+$0x0], $0xffff  }
0x12a: {  	v40 =	vor.u32 s11, v5;
	v34 =	vld.idx.msk [tilespmem:v34+s2+$0x0], $0xffff  }
0x12b: {  	v41 =	vld.idx.msk [tilespmem:v36+s8+$0x0], $0xffff  }
0x12c: {  	v32 =	vmul.f32 v33, v32;
	v33 =	vld.idx.msk [tilespmem:v36+s2+$0x0], $0xffff;
	v36 =	vor.u32 s11, v6  }
0x12d: {  	v42 =	vld.idx.msk [tilespmem:v38+s8+$0x0], $0xffff  }
0x12e: {  	v32 =	vadd.f32 $0.0e+00, v32;
	v35 =	vmul.f32 v37, v35;
	v37 =	vld.idx.msk [tilespmem:v38+s2+$0x0], $0xffff;
	v38 =	vor.u32 s11, v7  }
0x12f: {  	v43 =	vld.idx.msk [tilespmem:v40+s8+$0x0], $0xffff  }
0x130: {  	v32 =	vadd.f32 v35, v32;
	v34 =	vmul.f32 v39, v34;
	v39 =	vor.u32 s11, v8;
	v35 =	vld.idx.msk [tilespmem:v40+s2+$0x0], $0xffff  }
0x131: {  	v40 =	vld.idx.msk [tilespmem:v36+s8+$0x0], $0xffff  }
0x132: {  	v32 =	vadd.f32 v34, v32;
	v33 =	vmul.f32 v41, v33;
	v34 =	vld.idx.msk [tilespmem:v36+s2+$0x0], $0xffff;
	v36 =	vor.u32 s11, v9  }
0x133: {  	v41 =	vld.idx.msk [tilespmem:v38+s8+$0x0], $0xffff  }
0x134: {  	v32 =	vadd.f32 v33, v32;
	v33 =	vmul.f32 v42, v37;
	v37 =	vld.idx.msk [tilespmem:v38+s2+$0x0], $0xffff;
	v38 =	vor.u32 s11, v10  }
0x135: {  	v42 =	vld.idx.msk [tilespmem:v39+s8+$0x0], $0xffff  }
0x136: {  	v32 =	vadd.f32 v33, v32;
	v33 =	vmul.f32 v43, v35;
	v35 =	vld.idx.msk [tilespmem:v39+s2+$0x0], $0xffff;
	v39 =	vor.u32 s11, v11  }
0x137: {  	v43 =	vld.idx.msk [tilespmem:v36+s8+$0x0], $0xffff  }
0x138: {  	v32 =	vadd.f32 v33, v32;
	v33 =	vmul.f32 v40, v34;
	v34 =	vld.idx.msk [tilespmem:v36+s2+$0x0], $0xffff;
	v36 =	vor.u32 s11, v12  }
0x139: {  	v40 =	vld.idx.msk [tilespmem:v38+s8+$0x0], $0xffff  }
0x13a: {  	v32 =	vadd.f32 v33, v32;
	v33 =	vmul.f32 v41, v37;
	v37 =	vld.idx.msk [tilespmem:v38+s2+$0x0], $0xffff;
	v38 =	vor.u32 s11, v13  }
0x13b: {  	v41 =	vld.idx.msk [tilespmem:v39+s8+$0x0], $0xffff  }
0x13c: {  	v32 =	vadd.f32 v33, v32;
	v33 =	vmul.f32 v42, v35;
	v35 =	vld.idx.msk [tilespmem:v39+s2+$0x0], $0xffff;
	v39 =	vor.u32 s11, v14  }
0x13d: {  	v42 =	vld.idx.msk [tilespmem:v36+s8+$0x0], $0xffff  }
0x13e: {  	v32 =	vadd.f32 v33, v32;
	v33 =	vmul.f32 v43, v34;
	v34 =	vld.idx.msk [tilespmem:v36+s2+$0x0], $0xffff;
	v36 =	vor.u32 s11, v15  }
0x13f: {  	v43 =	vld.idx.msk [tilespmem:v38+s8+$0x0], $0xffff  }
0x140: {  	v32 =	vadd.f32 v33, v32;
	v33 =	vmul.f32 v40, v37;
	v37 =	vld.idx.msk [tilespmem:v38+s2+$0x0], $0xffff;
	v38 =	vor.u32 s11, v16  }
0x141: {  	v40 =	vld.idx.msk [tilespmem:v39+s8+$0x0], $0xffff  }
0x142: {  	v32 =	vadd.f32 v33, v32;
	v33 =	vmul.f32 v41, v35;
	v35 =	vld.idx.msk [tilespmem:v39+s2+$0x0], $0xffff;
	v39 =	vor.u32 s11, v17  }
0x143: {  	v41 =	vld.idx.msk [tilespmem:v36+s8+$0x0], $0xffff  }
0x144: {  	v32 =	vadd.f32 v33, v32;
	v33 =	vmul.f32 v42, v34;
	v34 =	vld.idx.msk [tilespmem:v36+s2+$0x0], $0xffff;
	v36 =	vor.u32 s11, v18  }
0x145: {  	v42 =	vld.idx.msk [tilespmem:v38+s8+$0x0], $0xffff  }
0x146: {  	v32 =	vadd.f32 v33, v32;
	v33 =	vmul.f32 v43, v37;
	v37 =	vld.idx.msk [tilespmem:v38+s2+$0x0], $0xffff;
	v38 =	vor.u32 s11, v19  }
0x147: {  	v43 =	vld.idx.msk [tilespmem:v39+s8+$0x0], $0xffff  }
0x148: {  	v32 =	vadd.f32 v33, v32;
	v33 =	vmul.f32 v40, v35;
	v35 =	vld.idx.msk [tilespmem:v39+s2+$0x0], $0xffff;
	v39 =	vor.u32 s11, v20  }
0x149: {  	v40 =	vld.idx.msk [tilespmem:v36+s8+$0x0], $0xffff  }
0x14a: {  	v32 =	vadd.f32 v33, v32;
	v33 =	vmul.f32 v41, v34;
	v34 =	vld.idx.msk [tilespmem:v36+s2+$0x0], $0xffff;
	v36 =	vor.u32 s11, v21  }
0x14b: {  	v41 =	vld.idx.msk [tilespmem:v38+s8+$0x0], $0xffff  }
0x14c: {  	v32 =	vadd.f32 v33, v32;
	v33 =	vmul.f32 v42, v37;
	v37 =	vld.idx.msk [tilespmem:v38+s2+$0x0], $0xffff;
	v38 =	vor.u32 s11, v22  }
0x14d: {  	v42 =	vld.idx.msk [tilespmem:v39+s8+$0x0], $0xffff  }
0x14e: {  	v32 =	vadd.f32 v33, v32;
	v33 =	vmul.f32 v43, v35;
	v35 =	vld.idx.msk [tilespmem:v39+s2+$0x0], $0xffff;
	v39 =	vor.u32 s11, v23  }
0x14f: {  	v43 =	vld.idx.msk [tilespmem:v36+s8+$0x0], $0xffff  }
0x150: {  	v32 =	vadd.f32 v33, v32;
	v33 =	vmul.f32 v40, v34;
	v34 =	vld.idx.msk [tilespmem:v36+s2+$0x0], $0xffff;
	v36 =	vor.u32 s11, v24  }
0x151: {  	v40 =	vld.idx.msk [tilespmem:v38+s8+$0x0], $0xffff  }
0x152: {  	v32 =	vadd.f32 v33, v32;
	v33 =	vmul.f32 v41, v37;
	v37 =	vld.idx.msk [tilespmem:v38+s2+$0x0], $0xffff;
	v38 =	vor.u32 s11, v25  }
0x153: {  	v41 =	vld.idx.msk [tilespmem:v39+s8+$0x0], $0xffff  }
0x154: {  	v32 =	vadd.f32 v33, v32;
	v33 =	vmul.f32 v42, v35;
	v35 =	vld.idx.msk [tilespmem:v39+s2+$0x0], $0xffff;
	v39 =	vor.u32 s11, v26  }
0x155: {  	v42 =	vld.idx.msk [tilespmem:v36+s8+$0x0], $0xffff  }
0x156: {  	v32 =	vadd.f32 v33, v32;
	v33 =	vmul.f32 v43, v34;
	v34 =	vld.idx.msk [tilespmem:v36+s2+$0x0], $0xffff;
	v36 =	vor.u32 s11, v27  }
0x157: {  	v43 =	vld.idx.msk [tilespmem:v38+s8+$0x0], $0xffff  }
0x158: {  	v32 =	vadd.f32 v33, v32;
	v33 =	vmul.f32 v40, v37;
	v37 =	vld.idx.msk [tilespmem:v38+s2+$0x0], $0xffff;
	v38 =	vor.u32 s11, v28  }
0x159: {  	v40 =	vld.idx.msk [tilespmem:v39+s8+$0x0], $0xffff  }
0x15a: {  	v32 =	vadd.f32 v33, v32;
	v33 =	vmul.f32 v41, v35;
	v35 =	vld.idx.msk [tilespmem:v39+s2+$0x0], $0xffff;
	v39 =	vor.u32 s11, v29  }
0x15b: {  	v41 =	vld.idx.msk [tilespmem:v36+s8+$0x0], $0xffff  }
0x15c: {  	v32 =	vadd.f32 v33, v32;
	v33 =	vmul.f32 v42, v34;
	v34 =	vld.idx.msk [tilespmem:v36+s2+$0x0], $0xffff;
	v36 =	vor.u32 s11, v30  }
0x15d: {  	v42 =	vld.idx.msk [tilespmem:v38+s8+$0x0], $0xffff  }
0x15e: {  	v32 =	vadd.f32 v33, v32;
	v33 =	vmul.f32 v43, v37;
	v37 =	vld.idx.msk [tilespmem:v38+s2+$0x0], $0xffff;
	v38 =	vor.u32 s11, v31;
	s11 =	smov.u32 s13  }
0x15f: {  	v43 =	vld.idx.msk [tilespmem:v39+s8+$0x0], $0xffff  }
0x160: {  	v32 =	vadd.f32 v33, v32;
	v33 =	vmul.f32 v40, v35;
	v35 =	vld.idx.msk [tilespmem:v39+s2+$0x0], $0xffff  }
0x161: {  	v39 =	vld.idx.msk [tilespmem:v36+s8+$0x0], $0xffff  }
0x162: {  	v32 =	vadd.f32 v33, v32;
	v33 =	vmul.f32 v41, v34;
	v34 =	vld.idx.msk [tilespmem:v36+s2+$0x0], $0xffff  }
0x163: {  	v36 =	vld.idx.msk [tilespmem:v38+s8+$0x0], $0xffff  }
0x164: {  	v32 =	vadd.f32 v33, v32;
	v33 =	vmul.f32 v42, v37;
	v37 =	vld.idx.msk [tilespmem:v38+s2+$0x0], $0xffff;
	_ =	sdelay $0x1  }
0x165: {  	v32 =	vadd.f32 v33, v32;
	v33 =	vmul.f32 v43, v35;
	_ =	sdelay $0x1  }
0x166: {  	v32 =	vadd.f32 v33, v32;
	v33 =	vmul.f32 v39, v34;
	_ =	sdelay $0x1  }
0x167: {  	v32 =	vadd.f32 v33, v32;
	v33 =	vmul.f32 v36, v37;
	_ =	sdelay $0x1  }
0x168: {  	v32 =	vadd.f32 v33, v32;
	_ =	sdelay $0x1  }
0x169: {  	v32 =	vsub.f32 $0.0e+00, v32;
	_ =	sdelay $0x1  }
0x16a: {  	v32 =	vmul.f32 $1.442695020e+00, v32;
	_ =	sdelay $0x1  }
0x16b: {  	(erf) = vpow2.f32 v32;
	_ =	sdelay $0x8  }
0x16c: {  	v32 =	vpop (erf)  }
0x16d: {  	v32 =	vadd.f32 $1.000000000e+00, v32;
	_ =	sdelay $0x1  }
0x16e: {  	(erf) = vrcp.f32 v32;
	_ =	sdelay $0x8  }
0x16f: {  	v32 =	vpop (erf)  }
0x170: {  	v32 =	vadd.f32 $9.999999680e-21, v32;
	_ =	sdelay $0x1  }
0x171: {  	v32 =	vadd.s32 $0x4AFB0D, v32  }
0x172: {  	v33 =	vand.u32 $0x7FFFFF, v32  }
0x173: {  	v33 =	vadd.s32 $0x3F3504F3, v33  }
0x174: {  	v34 =	vadd.f32 $-1.000000000e+00, v33;
	_ =	sdelay $0x1  }
0x175: {  	v33 =	vadd.f32 $2.000000000e+00, v34;
	_ =	sdelay $0x1  }
0x176: {  	(erf) = vrcp.f32 v33;
	_ =	sdelay $0x8  }
0x177: {  	v33 =	vpop (erf)  }
0x178: {  	v33 =	vmul.f32 v33, v34;
	_ =	sdelay $0x1  }
0x179: {  	v35 =	vmul.f32 v33, v33;
	_ =	sdelay $0x1  }
0x17a: {  	v36 =	vmul.f32 v35, v35;
	_ =	sdelay $0x1  }
0x17b: {  	v37 =	vmul.f32 $2.427907880e-01, v36;
	v38 =	vmul.f32 $2.849878670e-01, v36;
	_ =	sdelay $0x1  }
0x17c: {  	v37 =	vadd.f32 $4.000097220e-01, v37;
	v38 =	vadd.f32 $6.666666270e-01, v38  }
0x17d: {  	v39 =	vmul.f32 $5.000000000e-01, v34  }
0x17e: {  	v36 =	vmul.f32 v37, v36;
	v35 =	vmul.f32 v38, v35;
	_ =	sdelay $0x1  }
0x17f: {  	v35 =	vadd.f32 v36, v35;
	v36 =	vmul.f32 v39, v34;
	_ =	sdelay $0x1  }
0x180: {  	v35 =	vadd.f32 v35, v36;
	_ =	sdelay $0x1  }
0x181: {  	v32 =	vshra.s32 v32, $0x17;
	v33 =	vmul.f32 v35, v33  }
.Ltmp0:
0x182: {  	v32 =	vadd.s32 $0xFFFFFF81, v32;
	(pc) =	sbr.rel @p0 .LBB2_2-.Ltmp0, $3  }
0x183: {  	v35 =	vcvt.s32.f32 v32;
	v36 =	vsub.f32 v33, v36;
	_ =	sdelay $0x1  }
0x184: {  	v32 =	vor.u32 s13, v0;
	v33 =	vmul.f32 $6.931471820e-01, v35;
	v34 =	vadd.f32 v36, v34  }
0x185: {  	s13 =	sadd.s32 $0x200, s13  }
0x186: {  	_ = 	snop  }
0x187: {  	v35 =	vor.u32 s11, v1;
	v33 =	vadd.f32 v34, v33  }
0x188: {  	s12 =	sadd.s32 $0x10, s12  }
0x189: {  	v59 =	vor.u32 s11, v2;
	[tilespmem:s12+$0x0] =	vst v33  }
0x18a: {  	v33 =	vld.idx.msk [tilespmem:v32+s8+$0x0], $0xffff  }
0x18b: {  	v36 =	vor.u32 s11, v3;
	v60 =	vld.idx.msk [tilespmem:v32+s2+$0x0], $0xffff  }
0x18c: {  	v37 =	vld.idx.msk [tilespmem:v35+s8+$0x0], $0xffff  }
0x18d: {  	v38 =	vor.u32 s11, v4;
	v35 =	vld.idx.msk [tilespmem:v35+s2+$0x0], $0xffff  }
0x18e: {  	v39 =	vld.idx.msk [tilespmem:v59+s8+$0x0], $0xffff  }
0x18f: {  	v40 =	vor.u32 s11, v5;
	v34 =	vld.idx.msk [tilespmem:v59+s2+$0x0], $0xffff  }
0x190: {  	v41 =	vld.idx.msk [tilespmem:v36+s8+$0x0], $0xffff;
	v32 =	vmul.f32 v33, v60  }
0x191: {  	v62 =	vor.u32 s11, v6;
	v61 =	vld.idx.msk [tilespmem:v36+s2+$0x0], $0xffff  }
0x192: {  	v42 =	vld.idx.msk [tilespmem:v38+s8+$0x0], $0xffff;
	v32 =	vadd.f32 $0.0e+00, v32;
	v35 =	vmul.f32 v37, v35  }
0x193: {  	v45 =	vor.u32 s11, v7;
	v63 =	vld.idx.msk [tilespmem:v38+s2+$0x0], $0xffff  }
0x194: {  	v43 =	vld.idx.msk [tilespmem:v40+s8+$0x0], $0xffff;
	v34 =	vmul.f32 v39, v34;
	v32 =	vadd.f32 v35, v32  }
0x195: {  	v47 =	vor.u32 s11, v8;
	v46 =	vld.idx.msk [tilespmem:v40+s2+$0x0], $0xffff  }
0x196: {  	v48 =	vld.idx.msk [tilespmem:v62+s8+$0x0], $0xffff;
	v33 =	vmul.f32 v41, v61;
	v32 =	vadd.f32 v34, v32  }
0x197: {  	v50 =	vor.u32 s11, v9;
	v49 =	vld.idx.msk [tilespmem:v62+s2+$0x0], $0xffff  }
0x198: {  	v51 =	vld.idx.msk [tilespmem:v45+s8+$0x0], $0xffff;
	v52 =	vmul.f32 v42, v63;
	v32 =	vadd.f32 v33, v32  }
0x199: {  	v54 =	vor.u32 s11, v10;
	v53 =	vld.idx.msk [tilespmem:v45+s2+$0x0], $0xffff  }
0x19a: {  	v55 =	vld.idx.msk [tilespmem:v47+s8+$0x0], $0xffff;
	v56 =	vmul.f32 v43, v46;
	v32 =	vadd.f32 v52, v32  }
0x19b: {  	v58 =	vor.u32 s11, v11;
	v57 =	vld.idx.msk [tilespmem:v47+s2+$0x0], $0xffff  }
0x19c: {  	v59 =	vld.idx.msk [tilespmem:v50+s8+$0x0], $0xffff;
	v60 =	vmul.f32 v48, v49;
	v32 =	vadd.f32 v56, v32  }
0x19d: {  	v62 =	vor.u32 s11, v12;
	v61 =	vld.idx.msk [tilespmem:v50+s2+$0x0], $0xffff  }
0x19e: {  	v63 =	vld.idx.msk [tilespmem:v54+s8+$0x0], $0xffff;
	v45 =	vmul.f32 v51, v53;
	v32 =	vadd.f32 v60, v32  }
0x19f: {  	v47 =	vor.u32 s11, v13;
	v46 =	vld.idx.msk [tilespmem:v54+s2+$0x0], $0xffff  }
0x1a0: {  	v48 =	vld.idx.msk [tilespmem:v58+s8+$0x0], $0xffff;
	v49 =	vmul.f32 v55, v57;
	v32 =	vadd.f32 v45, v32  }
0x1a1: {  	v50 =	vld.idx.msk [tilespmem:v58+s2+$0x0], $0xffff;
	v51 =	vor.u32 s11, v14  }
0x1a2: {  	v54 =	vld.idx.msk [tilespmem:v62+s2+$0x0], $0xffff;
	v53 =	vmul.f32 v59, v61;
	v32 =	vadd.f32 v49, v32  }
0x1a3: {  	v55 =	vor.u32 s11, v15;
	v52 =	vld.idx.msk [tilespmem:v62+s8+$0x0], $0xffff  }
0x1a4: {  	v58 =	vld.idx.msk [tilespmem:v47+s2+$0x0], $0xffff;
	v57 =	vmul.f32 v63, v46;
	v32 =	vadd.f32 v53, v32  }
0x1a5: {  	v59 =	vor.u32 s11, v16;
	v56 =	vld.idx.msk [tilespmem:v47+s8+$0x0], $0xffff  }
0x1a6: {  	v61 =	vmul.f32 v48, v50;
	v62 =	vld.idx.msk [tilespmem:v51+s2+$0x0], $0xffff;
	v32 =	vadd.f32 v57, v32  }
0x1a7: {  	v63 =	vor.u32 s11, v17;
	v60 =	vld.idx.msk [tilespmem:v51+s8+$0x0], $0xffff  }
0x1a8: {  	v47 =	vld.idx.msk [tilespmem:v55+s2+$0x0], $0xffff;
	v46 =	vmul.f32 v52, v54;
	v32 =	vadd.f32 v61, v32  }
0x1a9: {  	v48 =	vor.u32 s11, v18;
	v45 =	vld.idx.msk [tilespmem:v55+s8+$0x0], $0xffff  }
0x1aa: {  	v51 =	vld.idx.msk [tilespmem:v59+s2+$0x0], $0xffff;
	v50 =	vmul.f32 v56, v58;
	v32 =	vadd.f32 v46, v32  }
0x1ab: {  	v52 =	vor.u32 s11, v19;
	v49 =	vld.idx.msk [tilespmem:v59+s8+$0x0], $0xffff  }
0x1ac: {  	v55 =	vld.idx.msk [tilespmem:v63+s2+$0x0], $0xffff;
	v54 =	vmul.f32 v60, v62;
	v32 =	vadd.f32 v50, v32  }
0x1ad: {  	v56 =	vor.u32 s11, v20;
	v53 =	vld.idx.msk [tilespmem:v63+s8+$0x0], $0xffff  }
0x1ae: {  	v59 =	vld.idx.msk [tilespmem:v48+s2+$0x0], $0xffff;
	v58 =	vmul.f32 v45, v47;
	v32 =	vadd.f32 v54, v32  }
0x1af: {  	v60 =	vor.u32 s11, v21;
	v57 =	vld.idx.msk [tilespmem:v48+s8+$0x0], $0xffff  }
0x1b0: {  	v63 =	vld.idx.msk [tilespmem:v52+s2+$0x0], $0xffff;
	v62 =	vmul.f32 v49, v51;
	v32 =	vadd.f32 v58, v32  }
0x1b1: {  	v45 =	vor.u32 s11, v22;
	v61 =	vld.idx.msk [tilespmem:v52+s8+$0x0], $0xffff  }
0x1b2: {  	v48 =	vld.idx.msk [tilespmem:v56+s2+$0x0], $0xffff;
	v47 =	vmul.f32 v53, v55;
	v32 =	vadd.f32 v62, v32  }
0x1b3: {  	v49 =	vor.u32 s11, v23;
	v46 =	vld.idx.msk [tilespmem:v56+s8+$0x0], $0xffff  }
0x1b4: {  	v52 =	vld.idx.msk [tilespmem:v60+s2+$0x0], $0xffff;
	v51 =	vmul.f32 v57, v59;
	v32 =	vadd.f32 v47, v32  }
0x1b5: {  	v53 =	vor.u32 s11, v24;
	v50 =	vld.idx.msk [tilespmem:v60+s8+$0x0], $0xffff  }
0x1b6: {  	v56 =	vld.idx.msk [tilespmem:v45+s2+$0x0], $0xffff;
	v55 =	vmul.f32 v61, v63;
	v32 =	vadd.f32 v51, v32  }
0x1b7: {  	v57 =	vor.u32 s11, v25;
	v54 =	vld.idx.msk [tilespmem:v45+s8+$0x0], $0xffff  }
0x1b8: {  	v60 =	vld.idx.msk [tilespmem:v49+s2+$0x0], $0xffff;
	v59 =	vmul.f32 v46, v48;
	v32 =	vadd.f32 v55, v32  }
0x1b9: {  	v61 =	vor.u32 s11, v26;
	v58 =	vld.idx.msk [tilespmem:v49+s8+$0x0], $0xffff  }
0x1ba: {  	v45 =	vld.idx.msk [tilespmem:v53+s2+$0x0], $0xffff;
	v63 =	vmul.f32 v50, v52;
	v32 =	vadd.f32 v59, v32  }
0x1bb: {  	v46 =	vor.u32 s11, v27;
	v62 =	vld.idx.msk [tilespmem:v53+s8+$0x0], $0xffff  }
0x1bc: {  	v49 =	vld.idx.msk [tilespmem:v57+s2+$0x0], $0xffff;
	v48 =	vmul.f32 v54, v56;
	v32 =	vadd.f32 v63, v32  }
0x1bd: {  	v50 =	vor.u32 s11, v28;
	v47 =	vld.idx.msk [tilespmem:v57+s8+$0x0], $0xffff  }
0x1be: {  	v53 =	vld.idx.msk [tilespmem:v61+s2+$0x0], $0xffff;
	v52 =	vmul.f32 v58, v60;
	v32 =	vadd.f32 v48, v32  }
0x1bf: {  	v54 =	vor.u32 s11, v29;
	v51 =	vld.idx.msk [tilespmem:v61+s8+$0x0], $0xffff  }
0x1c0: {  	v57 =	vld.idx.msk [tilespmem:v46+s2+$0x0], $0xffff;
	v56 =	vmul.f32 v62, v45;
	v32 =	vadd.f32 v52, v32  }
0x1c1: {  	v58 =	vor.u32 s11, v30;
	v55 =	vld.idx.msk [tilespmem:v46+s8+$0x0], $0xffff  }
0x1c2: {  	v61 =	vld.idx.msk [tilespmem:v50+s2+$0x0], $0xffff;
	v60 =	vmul.f32 v47, v49;
	v32 =	vadd.f32 v56, v32  }
0x1c3: {  	v62 =	vor.u32 s11, v31;
	v59 =	vld.idx.msk [tilespmem:v50+s8+$0x0], $0xffff  }
0x1c4: {  	v46 =	vld.idx.msk [tilespmem:v54+s2+$0x0], $0xffff;
	v45 =	vmul.f32 v51, v53;
	v32 =	vadd.f32 v60, v32  }
0x1c5: {  	v63 =	vld.idx.msk [tilespmem:v54+s8+$0x0], $0xffff  }
0x1c6: {  	v47 =	vld.idx.msk [tilespmem:v58+s8+$0x0], $0xffff;
	v48 =	vmul.f32 v55, v57;
	v32 =	vadd.f32 v45, v32  }
0x1c7: {  	v49 =	vld.idx.msk [tilespmem:v58+s2+$0x0], $0xffff  }
0x1c8: {  	v50 =	vld.idx.msk [tilespmem:v62+s8+$0x0], $0xffff;
	v51 =	vmul.f32 v59, v61;
	v32 =	vadd.f32 v48, v32  }
0x1c9: {  	v52 =	vld.idx.msk [tilespmem:v62+s2+$0x0], $0xffff  }
0x1ca: {  	v53 =	vmul.f32 v63, v46;
	v32 =	vadd.f32 v51, v32;
	_ =	sdelay $0x1  }
0x1cb: {  	v54 =	vmul.f32 v47, v49;
	v32 =	vadd.f32 v53, v32;
	_ =	sdelay $0x1  }
0x1cc: {  	v55 =	vmul.f32 v50, v52;
	v32 =	vadd.f32 v54, v32;
	_ =	sdelay $0x1  }
0x1cd: {  	v32 =	vadd.f32 v55, v32;
	_ =	sdelay $0x1  }
0x1ce: {  	v32 =	vsub.f32 $0.0e+00, v32;
	_ =	sdelay $0x1  }
0x1cf: {  	v32 =	vmul.f32 $1.442695020e+00, v32;
	_ =	sdelay $0x1  }
0x1d0: {  	(erf) = vpow2.f32 v32;
	_ =	sdelay $0x8  }
0x1d1: {  	v32 =	vpop (erf)  }
0x1d2: {  	v32 =	vadd.f32 $1.000000000e+00, v32;
	_ =	sdelay $0x1  }
0x1d3: {  	(erf) = vrcp.f32 v32;
	_ =	sdelay $0x8  }
0x1d4: {  	v32 =	vpop (erf)  }
0x1d5: {  	v32 =	vadd.f32 $9.999999680e-21, v32;
	_ =	sdelay $0x1  }
0x1d6: {  	v32 =	vadd.s32 $0x4AFB0D, v32  }
0x1d7: {  	v56 =	vand.u32 $0x7FFFFF, v32  }
0x1d8: {  	v33 =	vadd.s32 $0x3F3504F3, v56  }
0x1d9: {  	v33 =	vadd.f32 $-1.000000000e+00, v33;
	_ =	sdelay $0x1  }
0x1da: {  	v57 =	vadd.f32 $2.000000000e+00, v33;
	_ =	sdelay $0x1  }
0x1db: {  	(erf) = vrcp.f32 v57;
	_ =	sdelay $0x8  }
0x1dc: {  	v34 =	vpop (erf)  }
0x1dd: {  	v34 =	vmul.f32 v34, v33;
	_ =	sdelay $0x1  }
0x1de: {  	v58 =	vmul.f32 v34, v34;
	_ =	sdelay $0x1  }
0x1df: {  	v59 =	vmul.f32 v58, v58;
	_ =	sdelay $0x1  }
0x1e0: {  	v60 =	vmul.f32 $2.427907880e-01, v59;
	v61 =	vmul.f32 $2.849878670e-01, v59;
	_ =	sdelay $0x1  }
0x1e1: {  	v37 =	vadd.f32 $4.000097220e-01, v60;
	v38 =	vadd.f32 $6.666666270e-01, v61  }
0x1e2: {  	v62 =	vmul.f32 $5.000000000e-01, v33  }
0x1e3: {  	v36 =	vmul.f32 v37, v59;
	v35 =	vmul.f32 v38, v58;
	_ =	sdelay $0x1  }
0x1e4: {  	v63 =	vmul.f32 v62, v33;
	v35 =	vadd.f32 v36, v35;
	_ =	sdelay $0x1  }
0x1e5: {  	v35 =	vadd.f32 v35, v63;
	_ =	sdelay $0x1  }
0x1e6: {  	v32 =	vshra.s32 v32, $0x17;
	v34 =	vmul.f32 v35, v34  }
0x1e7: {  	v32 =	vadd.s32 $0xFFFFFF81, v32  }
0x1e8: {  	v32 =	vcvt.s32.f32 v32;
	v34 =	vsub.f32 v34, v63;
	_ =	sdelay $0x1  }
0x1e9: {  	v32 =	vmul.f32 $6.931471820e-01, v32;
	v33 =	vadd.f32 v34, v33;
	_ =	sdelay $0x1  }
0x1ea: {  	s10 =	sadd.s32 $0x1, s10;
	v32 =	vadd.f32 v33, v32  }
0x1eb: {  	s31 =	sadd.s32 $0x10, s12;
	p0 =	sne.s32 s10, s6  }
.Ltmp1:
0x1ec: {  	[tilespmem:s31+$0x0] =	vst v32;
	(pc) =	sbr.rel @p0 .LBB2_1-.Ltmp1, $4  }
0x1ed: {  	[hbm4b:s5+s2] =	stream.linear.scatter [tilespmem:s9], [sflag:$0x1], $0x200, $0x38;
	[tilespmem:$0x8200] =	vst v63  }
0x1ee: {  	_ =	swait.ge [sflag:s7], $0x200  }
0x1ef: {  	[sflag:s7] =	ssyncset.done $0x0  }
0x1f0: {  	[sflag:s7] =	ssyncadd.s32 $0xFFFFFE00  }
0x1f1: {  	_ =	sfence.sel $0x180000  }
0x1f2: {  	[bflag:$0x0] =	sbarrier.arrive $0xFFFF  }
0x1f3: {  	p0 =	sne.s32 s0, $0x0;
	_ =	strace $0x9000004A  }
0x1f4: {  	s0 =	sadd.s32 @!p0 $0x100000, s1;
	[bflag:$0x2] =	sbarrier.arrive $0xFFFF  }
0x1f5: {  	[sflag:s0] =	ssyncadd.tile.s32 @!p0 $0x1;
	_ =	shalt  }
.Lfunc_end2:
_tile_overlayer_lowered:
.L_overlay_start_2:
0x1f6: {  	(tag) =	ssettag $0x2  }
0x1f7: {  	s0 =	rddreg [dreg:$0x0];
	s2 =	stileid.u32  }
0x1f8: {  	s1 =	rddreg [dreg:$0x1];
	p0 =	sne.s32 s2, $0x0  }
0x1f9: {  	s3 =	rddreg [dreg:$0x2];
	[bflag:$0x3] =	sbarrier.arrive $0xFFFF;
	s2 =	simm.s32 @!p0 $0x1C01  }
0x1fa: {  	[timem:s3], [sflag:s2] =	dma.local @!p0 [hbm:s0], s1  }
0x1fb: {  	s0 =	simm.s32 @!p0 $0x1  }
0x1fc: {  	_ =	swait.ge @!p0 [sflag:s0], s1  }
0x1fd: {  	s1 =	ssub.s32 @!p0 $0x0, s1;
	[sflag:s0] =	ssyncset.done @!p0 $0x0  }
0x1fe: {  	[sflag:s0] =	ssyncadd.s32 @!p0 s1  }
0x1ff: {  	[bflag:$0x3] =	sbarrier.arrive $0xFFFF  }
0x200: {  	_ =	shalt  }

</sc_bundles>
